<compile_context>
chip_gen: v7x
topology: tpu7x:2x2x1
jax: 0.10.2.dev20260603
libtpu: 0.0.44.dev20260713+nightly
codegen_flags: <defaults>
</compile_context>

<pallas_src>
import functools

import jax
import jax.numpy as jnp
from jax import lax
from jax.experimental import pallas as pl
from jax.experimental.pallas import tpu as pltpu
from jax.experimental.pallas import tpu_sc as plsc

N = 10000
E = 320000
EL = E + N
IN_DIM = 128
HID = 64
OUT_DIM = 32

NC = 2
NS = 16
NW = NC * NS
CH = 128
NCHT = 162
EPAD = NS * NCHT * CH
NCHD = EPAD // (NW * CH)
NP = 10240
RPT = NP // NS
DUMP = N
K = 9
NG = NCHT // K

RB = 2048


def _sc_mesh():
    return plsc.VectorSubcoreMesh(
        core_axis_name="c", subcore_axis_name="s",
        num_cores=NC, num_subcores=NS)


@functools.lru_cache(maxsize=None)
def _make_agg(dh):

    @functools.partial(
        pl.kernel,
        out_type=pltpu.HBM((NC, NP, dh), jnp.float32),
        mesh=_sc_mesh(),
        compiler_params=pltpu.CompilerParams(use_tc_tiling_on_sc=False),
        scratch_types=(
            [pltpu.VMEM((NCHT, CH), jnp.int32)] * 2
            + [pltpu.VMEM((CH, dh), jnp.float32)] * (K + 1)
            + [pltpu.SemaphoreType.DMA] * (2 * K)
            + [pltpu.VMEM_SHARED((NP, dh), jnp.float32)] * 2
        ),
    )
    def agg_kernel(y_hbm, src_hbm, dst_hbm, out_hbm, src_idx, dst_idx, *rest):
        bufs = rest[:K]
        zb = rest[K]
        gsem = rest[K + 1:2 * K + 1]
        ssem = rest[2 * K + 1:3 * K + 1]
        acc = rest[3 * K + 1]
        y_sh = rest[3 * K + 2]
        c = lax.axis_index("c")
        s = lax.axis_index("s")
        pltpu.sync_copy(src_hbm.at[pl.ds(s * NCHT, NCHT)], src_idx)
        pltpu.sync_copy(dst_hbm.at[pl.ds(s * NCHT, NCHT)], dst_idx)
        nq = RPT // CH
        for q in range(2):
            pltpu.async_copy(y_hbm.at[c, pl.ds(s * RPT + q * CH, CH)],
                             bufs[q], gsem[q])
        for q in range(nq):
            pltpu.make_async_copy(y_hbm.at[c, pl.ds(s * RPT + q * CH, CH)],
                                  bufs[q % 2], gsem[q % 2]).wait()
            pltpu.sync_copy(bufs[q % 2], y_sh.at[pl.ds(s * RPT + q * CH, CH)])
            if q + 2 < nq:
                pltpu.async_copy(
                    y_hbm.at[c, pl.ds(s * RPT + (q + 2) * CH, CH)],
                    bufs[q % 2], gsem[q % 2])
        zeros16 = jnp.zeros((16,), jnp.float32)

        @pl.loop(0, CH)
        def zrow(i):
            for k in range(dh // 16):
                zb[i, pl.ds(k * 16, 16)] = zeros16

        for q in range(nq):
            pltpu.sync_copy(zb, acc.at[pl.ds(s * RPT + q * CH, CH)])
        plsc.subcore_barrier()
        for b in range(K):
            pltpu.async_copy(y_sh.at[src_idx.at[b]], bufs[b], gsem[b])

        @pl.loop(0, NG - 1)
        def group(g):
            base = g * K
            for b in range(K):
                pltpu.make_async_copy(
                    y_sh.at[src_idx.at[base + b]], bufs[b], gsem[b]).wait()
                pltpu.async_copy(bufs[b], acc.at[dst_idx.at[base + b]],
                                 ssem[b], add=True)
            for b in range(K):
                pltpu.make_async_copy(
                    bufs[b], acc.at[dst_idx.at[base + b]], ssem[b]).wait()
                pltpu.async_copy(
                    y_sh.at[src_idx.at[base + K + b]], bufs[b], gsem[b])

        base = (NG - 1) * K
        for b in range(K):
            pltpu.make_async_copy(
                y_sh.at[src_idx.at[base + b]], bufs[b], gsem[b]).wait()
            pltpu.async_copy(bufs[b], acc.at[dst_idx.at[base + b]],
                             ssem[b], add=True)
        for b in range(K):
            pltpu.make_async_copy(
                bufs[b], acc.at[dst_idx.at[base + b]], ssem[b]).wait()
        plsc.subcore_barrier()
        pltpu.sync_copy(acc.at[pl.ds(s * RPT, RPT)],
                        out_hbm.at[c, pl.ds(s * RPT, RPT)])

    return agg_kernel


@functools.lru_cache(maxsize=None)
def _make_deg():

    @functools.partial(
        pl.kernel,
        out_type=pltpu.HBM((NC, NP), jnp.float32),
        mesh=_sc_mesh(),
        compiler_params=pltpu.CompilerParams(use_tc_tiling_on_sc=False),
        scratch_types=(
            pltpu.VMEM((NCHD, CH), jnp.int32),
            pltpu.VMEM((CH,), jnp.float32),
            pltpu.VMEM_SHARED((NP,), jnp.float32),
        ),
    )
    def deg_kernel(dst_hbm, ones_hbm, zrow_hbm, out_hbm, dst_idx, ones_v, acc):
        c = lax.axis_index("c")
        s = lax.axis_index("s")
        wid = s * NC + c
        pltpu.sync_copy(zrow_hbm, acc.at[pl.ds(s * RPT, RPT)])
        pltpu.sync_copy(ones_hbm, ones_v)
        pltpu.sync_copy(dst_hbm.at[pl.ds(wid * NCHD, NCHD)], dst_idx)
        plsc.subcore_barrier()

        @pl.loop(0, NCHD)
        def chunk(j):
            pltpu.sync_copy(ones_v, acc.at[dst_idx.at[j]], add=True)

        plsc.subcore_barrier()
        pltpu.sync_copy(acc.at[pl.ds(s * RPT, RPT)],
                        out_hbm.at[c, pl.ds(s * RPT, RPT)])

    return deg_kernel


def _tc_layer1(xp, degp, W1):
    H2 = HID // 2

    def body(x_ref, deg_ref, w_ref, y_ref, dinv_ref):
        deg = deg_ref[0, :] + deg_ref[1, :]
        s = lax.rsqrt(deg)
        y = jnp.dot(x_ref[...], w_ref[...],
                    preferred_element_type=jnp.float32) * s[:, None]
        y_ref[0, :, :] = y[:, :H2]
        y_ref[1, :, :] = y[:, H2:]
        dinv_ref[0, 0, :] = s

    return pl.pallas_call(
        body,
        grid=(NP // RB,),
        in_specs=[
            pl.BlockSpec((RB, IN_DIM), lambda i: (i, 0)),
            pl.BlockSpec((NC, RB), lambda i: (0, i)),
            pl.BlockSpec((IN_DIM, HID), lambda i: (0, 0)),
        ],
        out_specs=[
            pl.BlockSpec((NC, RB, H2), lambda i: (0, i, 0)),
            pl.BlockSpec((1, 1, RB), lambda i: (i, 0, 0)),
        ],
        out_shape=[
            jax.ShapeDtypeStruct((NC, NP, H2), jnp.float32),
            jax.ShapeDtypeStruct((NP // RB, 1, RB), jnp.float32),
        ],
    )(xp, degp, W1)


def _tc_mid(agg1, dinv, b1, W2):
    H2 = HID // 2
    O2 = OUT_DIM // 2

    def body(a_ref, dinv_ref, b_ref, w_ref, y2_ref):
        s = dinv_ref[0, 0, :]
        b = b_ref[...]
        w = w_ref[...]
        hl = jnp.maximum(a_ref[0] * s[:, None] + b[:H2], 0.0)
        hr = jnp.maximum(a_ref[1] * s[:, None] + b[H2:], 0.0)
        y2 = (jnp.dot(hl, w[:H2, :], preferred_element_type=jnp.float32)
              + jnp.dot(hr, w[H2:, :], preferred_element_type=jnp.float32))
        y2 = y2 * s[:, None]
        y2_ref[0, :, :] = y2[:, :O2]
        y2_ref[1, :, :] = y2[:, O2:]

    return pl.pallas_call(
        body,
        grid=(NP // RB,),
        in_specs=[
            pl.BlockSpec((NC, RB, H2), lambda i: (0, i, 0)),
            pl.BlockSpec((1, 1, RB), lambda i: (i, 0, 0)),
            pl.BlockSpec((HID,), lambda i: (0,)),
            pl.BlockSpec((HID, OUT_DIM), lambda i: (0, 0)),
        ],
        out_specs=pl.BlockSpec((NC, RB, O2), lambda i: (0, i, 0)),
        out_shape=jax.ShapeDtypeStruct((NC, NP, O2), jnp.float32),
    )(agg1, dinv, b1, W2)


def _tc_out(agg2, dinv, b2):
    O2 = OUT_DIM // 2

    def body(a_ref, dinv_ref, b_ref, o_ref):
        s = dinv_ref[0, 0, :]
        o = jnp.concatenate([a_ref[0], a_ref[1]], axis=1) * s[:, None] + b_ref[...]
        o_ref[...] = jnp.maximum(o, 0.0)

    return pl.pallas_call(
        body,
        grid=(NP // RB,),
        in_specs=[
            pl.BlockSpec((NC, RB, O2), lambda i: (0, i, 0)),
            pl.BlockSpec((1, 1, RB), lambda i: (i, 0, 0)),
            pl.BlockSpec((OUT_DIM,), lambda i: (0,)),
        ],
        out_specs=pl.BlockSpec((RB, OUT_DIM), lambda i: (i, 0)),
        out_shape=jax.ShapeDtypeStruct((NP, OUT_DIM), jnp.float32),
    )(agg2, dinv, b2)


def kernel(x, edge_index, W1, b1, W2, b2):
    ei = edge_index.astype(jnp.int32)
    loop = jnp.arange(N, dtype=jnp.int32)
    pad = jnp.full((EPAD - EL,), DUMP, jnp.int32)
    srcp = jnp.concatenate([ei[0], loop, pad]).reshape(NS * NCHT, CH)
    dstp = jnp.concatenate([ei[1], loop, pad]).reshape(NS * NCHT, CH)
    xp = jnp.zeros((NP, IN_DIM), jnp.float32).at[:N, :].set(x)
    zrow1 = jnp.zeros((RPT,), jnp.float32)
    ones_c = jnp.ones((CH,), jnp.float32)

    degp = _make_deg()(dstp, ones_c, zrow1)
    y1, dinv = _tc_layer1(xp, degp, W1)
    agg1 = _make_agg(HID // 2)(y1, srcp, dstp)
    y2 = _tc_mid(agg1, dinv, b1, W2)
    agg2 = _make_agg(OUT_DIM // 2)(y2, srcp, dstp)
    outp = _tc_out(agg2, dinv, b2)
    return outp[:N]

# --- scband reference (transcript-rebuilt; emitter-appended) ---
"""Pipeline reference for scband-data-aware-gcn-17901423690367 (READ-ONLY COPY).

The authoritative reference and input builder live on the scoring server;
editing this copy changes nothing except your own understanding.
"""

import jax, jax.numpy as jnp
import numpy as np

NUM_NODES = 10000
NUM_EDGES = 320000
IN_DIM = 128
HIDDEN = 64
OUT = 32

def setup_inputs(seed: int = 0) -> dict:
    key = jax.random.key(seed)
    k1, k2, k3, k4, k5, k6 = jax.random.split(key, 6)
    x = jax.random.normal(k1, (NUM_NODES, IN_DIM), dtype=jnp.float32)
    edge_index = jax.random.randint(k2, (2, NUM_EDGES), 0, NUM_NODES, dtype=jnp.int64)
    # glorot-style init for GCN weights
    W1 = jax.random.normal(k3, (IN_DIM, HIDDEN), dtype=jnp.float32) * (2.0 / (IN_DIM + HIDDEN)) ** 0.5
    b1 = jnp.zeros((HIDDEN,), dtype=jnp.float32)
    W2 = jax.random.normal(k4, (HIDDEN, OUT), dtype=jnp.float32) * (2.0 / (HIDDEN + OUT)) ** 0.5
    b2 = jnp.zeros((OUT,), dtype=jnp.float32)
    return {"x": x, "edge_index": edge_index, "W1": W1, "b1": b1, "W2": W2, "b2": b2}

def _gcn_conv(x, edge_index, W, b):
    # Faithful PyG GCNConv: add self-loops, symmetric normalization, scatter-add aggregate
    n = x.shape[0]
    loop = jnp.arange(n, dtype=edge_index.dtype)
    src = jnp.concatenate([edge_index[0], loop])
    dst = jnp.concatenate([edge_index[1], loop])
    deg = jnp.zeros((n,), dtype=x.dtype).at[dst].add(1.0)
    dinv = jnp.where(deg > 0, deg ** -0.5, 0.0)
    norm = dinv[src] * dinv[dst]
    xw = x @ W
    msg = xw[src] * norm[:, None]
    out = jnp.zeros((n, W.shape[1]), dtype=x.dtype).at[dst].add(msg)
    return out + b

def reference(x, edge_index, W1, b1, W2, b2):
    h = jax.nn.relu(_gcn_conv(x, edge_index, W1, b1))
    h = jax.nn.relu(_gcn_conv(h, edge_index, W2, b2))
    return h

if __name__ == "__main__":
    import jax
    _d = setup_inputs()
    print(jax.jit(kernel)(*tuple(_d.values())))

</pallas_src>

<mosaic_0001>
#map = affine_map<(d0, d1) -> (0, 0, 0)>
#map1 = affine_map<(d0, d1) -> (0, 0)>
module attributes {stable_mosaic.version = 14 : i64} {
  func.func @agg_kernel(%arg0: i32, %arg1: i32, %arg2: memref<2x10240x32xf32, #tpu.memory_space<hbm>>, %arg3: memref<2592x128xi32, #tpu.memory_space<hbm>>, %arg4: memref<2592x128xi32, #tpu.memory_space<hbm>>, %arg5: memref<2x10240x32xf32, #tpu.memory_space<hbm>>, %arg6: memref<162x128xi32, #tpu.memory_space<vmem>>, %arg7: memref<162x128xi32, #tpu.memory_space<vmem>>, %arg8: memref<128x32xf32, #tpu.memory_space<vmem>>, %arg9: memref<128x32xf32, #tpu.memory_space<vmem>>, %arg10: memref<128x32xf32, #tpu.memory_space<vmem>>, %arg11: memref<128x32xf32, #tpu.memory_space<vmem>>, %arg12: memref<128x32xf32, #tpu.memory_space<vmem>>, %arg13: memref<128x32xf32, #tpu.memory_space<vmem>>, %arg14: memref<128x32xf32, #tpu.memory_space<vmem>>, %arg15: memref<128x32xf32, #tpu.memory_space<vmem>>, %arg16: memref<128x32xf32, #tpu.memory_space<vmem>>, %arg17: memref<128x32xf32, #tpu.memory_space<vmem>>, %arg18: memref<!tpu.dma_semaphore, #tpu.memory_space<semaphore_mem>>, %arg19: memref<!tpu.dma_semaphore, #tpu.memory_space<semaphore_mem>>, %arg20: memref<!tpu.dma_semaphore, #tpu.memory_space<semaphore_mem>>, %arg21: memref<!tpu.dma_semaphore, #tpu.memory_space<semaphore_mem>>, %arg22: memref<!tpu.dma_semaphore, #tpu.memory_space<semaphore_mem>>, %arg23: memref<!tpu.dma_semaphore, #tpu.memory_space<semaphore_mem>>, %arg24: memref<!tpu.dma_semaphore, #tpu.memory_space<semaphore_mem>>, %arg25: memref<!tpu.dma_semaphore, #tpu.memory_space<semaphore_mem>>, %arg26: memref<!tpu.dma_semaphore, #tpu.memory_space<semaphore_mem>>, %arg27: memref<!tpu.dma_semaphore, #tpu.memory_space<semaphore_mem>>, %arg28: memref<!tpu.dma_semaphore, #tpu.memory_space<semaphore_mem>>, %arg29: memref<!tpu.dma_semaphore, #tpu.memory_space<semaphore_mem>>, %arg30: memref<!tpu.dma_semaphore, #tpu.memory_space<semaphore_mem>>, %arg31: memref<!tpu.dma_semaphore, #tpu.memory_space<semaphore_mem>>, %arg32: memref<!tpu.dma_semaphore, #tpu.memory_space<semaphore_mem>>, %arg33: memref<!tpu.dma_semaphore, #tpu.memory_space<semaphore_mem>>, %arg34: memref<!tpu.dma_semaphore, #tpu.memory_space<semaphore_mem>>, %arg35: memref<!tpu.dma_semaphore, #tpu.memory_space<semaphore_mem>>, %arg36: memref<10240x32xf32, #tpu.memory_space<vmem_shared>>, %arg37: memref<10240x32xf32, #tpu.memory_space<vmem_shared>>) attributes {dimension_semantics = [#tpu.dimension_semantics<core_parallel>, #tpu.dimension_semantics<subcore_parallel>], iteration_bounds = array<i64: 2, 16>, scalar_prefetch = 0 : i64, scratch_operands = 32 : i64, tpu.core_type = #tpu.core_type<sc_vector_subcore>, window_params = [{transform_indices = #map}, {transform_indices = #map1}, {transform_indices = #map1}, {transform_indices = #map}]} {
    %mul3A = arith.constant 162 : i32
    %mul3A_0 = arith.muli %arg1, %mul3A : i32
    "tpu.region"() ({
      %run_scoped3A = tpu.sem_alloc : memref<!tpu.dma_semaphore, #tpu.memory_space<semaphore_mem>>
      %dma_start3A_407 = arith.constant 0 : i32
      %dma_start3A_408 = tpu.memref_slice %arg3[%mul3A_0, %dma_start3A_407] : memref<2592x128xi32, #tpu.memory_space<hbm>> -> memref<162x128xi32, #tpu.memory_space<hbm>>
      %dma_start3A_409 = arith.constant 0 : i32
      %dma_start3A_410 = tpu.memref_slice %arg3[%mul3A_0, %dma_start3A_409] : memref<2592x128xi32, #tpu.memory_space<hbm>> -> memref<162x128xi32, #tpu.memory_space<hbm>>
      tpu.enqueue_dma source(%dma_start3A_410 : memref<162x128xi32, #tpu.memory_space<hbm>>) target(%arg6 : memref<162x128xi32, #tpu.memory_space<vmem>>) target_semaphore(%run_scoped3A : memref<!tpu.dma_semaphore, #tpu.memory_space<semaphore_mem>>)
      %dma_wait3A_411 = arith.constant 0 : i32
      %dma_wait3A_412 = tpu.memref_slice %arg3[%mul3A_0, %dma_wait3A_411] : memref<2592x128xi32, #tpu.memory_space<hbm>> -> memref<162x128xi32, #tpu.memory_space<hbm>>
      %dma_wait3A_413 = arith.constant 0 : i32
      %dma_wait3A_414 = tpu.memref_slice %arg3[%mul3A_0, %dma_wait3A_413] : memref<2592x128xi32, #tpu.memory_space<hbm>> -> memref<162x128xi32, #tpu.memory_space<hbm>>
      tpu.wait_dma2 semaphore(%run_scoped3A : memref<!tpu.dma_semaphore, #tpu.memory_space<semaphore_mem>>) src(%dma_wait3A_414 : memref<162x128xi32, #tpu.memory_space<hbm>>) dst(%arg6 : memref<162x128xi32, #tpu.memory_space<vmem>>)
      tpu.yield
    }) : () -> ()
    %mul3A_1 = arith.constant 162 : i32
    %mul3A_2 = arith.muli %arg1, %mul3A_1 : i32
    "tpu.region"() ({
      %run_scoped3A = tpu.sem_alloc : memref<!tpu.dma_semaphore, #tpu.memory_space<semaphore_mem>>
      %dma_start3A_407 = arith.constant 0 : i32
      %dma_start3A_408 = tpu.memref_slice %arg4[%mul3A_2, %dma_start3A_407] : memref<2592x128xi32, #tpu.memory_space<hbm>> -> memref<162x128xi32, #tpu.memory_space<hbm>>
      %dma_start3A_409 = arith.constant 0 : i32
      %dma_start3A_410 = tpu.memref_slice %arg4[%mul3A_2, %dma_start3A_409] : memref<2592x128xi32, #tpu.memory_space<hbm>> -> memref<162x128xi32, #tpu.memory_space<hbm>>
      tpu.enqueue_dma source(%dma_start3A_410 : memref<162x128xi32, #tpu.memory_space<hbm>>) target(%arg7 : memref<162x128xi32, #tpu.memory_space<vmem>>) target_semaphore(%run_scoped3A : memref<!tpu.dma_semaphore, #tpu.memory_space<semaphore_mem>>)
      %dma_wait3A_411 = arith.constant 0 : i32
      %dma_wait3A_412 = tpu.memref_slice %arg4[%mul3A_2, %dma_wait3A_411] : memref<2592x128xi32, #tpu.memory_space<hbm>> -> memref<162x128xi32, #tpu.memory_space<hbm>>
      %dma_wait3A_413 = arith.constant 0 : i32
      %dma_wait3A_414 = tpu.memref_slice %arg4[%mul3A_2, %dma_wait3A_413] : memref<2592x128xi32, #tpu.memory_space<hbm>> -> memref<162x128xi32, #tpu.memory_space<hbm>>
      tpu.wait_dma2 semaphore(%run_scoped3A : memref<!tpu.dma_semaphore, #tpu.memory_space<semaphore_mem>>) src(%dma_wait3A_414 : memref<162x128xi32, #tpu.memory_space<hbm>>) dst(%arg7 : memref<162x128xi32, #tpu.memory_space<vmem>>)
      tpu.yield
    }) : () -> ()
    %mul3A_3 = arith.constant 640 : i32
    %mul3A_4 = arith.muli %arg1, %mul3A_3 : i32
    %add3A = arith.constant 0 : i32
    %add3A_5 = arith.addi %mul3A_4, %add3A : i32
    %dma_start3A = arith.constant 0 : i32
    %dma_start3A_6 = tpu.memref_slice %arg2[%arg0, %add3A_5, %dma_start3A] : memref<2x10240x32xf32, #tpu.memory_space<hbm>> -> memref<1x128x32xf32, #tpu.memory_space<hbm>>
    %dma_start3A_7 = tpu.memref_squeeze %dma_start3A_6 : memref<1x128x32xf32, #tpu.memory_space<hbm>> -> memref<128x32xf32, #tpu.memory_space<hbm>>
    %dma_start3A_8 = arith.constant 0 : i32
    %dma_start3A_9 = tpu.memref_slice %arg2[%arg0, %add3A_5, %dma_start3A_8] : memref<2x10240x32xf32, #tpu.memory_space<hbm>> -> memref<1x128x32xf32, #tpu.memory_space<hbm>>
    %dma_start3A_10 = tpu.memref_squeeze %dma_start3A_9 : memref<1x128x32xf32, #tpu.memory_space<hbm>> -> memref<128x32xf32, #tpu.memory_space<hbm>>
    tpu.enqueue_dma source(%dma_start3A_10 : memref<128x32xf32, #tpu.memory_space<hbm>>) target(%arg8 : memref<128x32xf32, #tpu.memory_space<vmem>>) target_semaphore(%arg18 : memref<!tpu.dma_semaphore, #tpu.memory_space<semaphore_mem>>)
    %mul3A_11 = arith.constant 640 : i32
    %mul3A_12 = arith.muli %arg1, %mul3A_11 : i32
    %add3A_13 = arith.constant 128 : i32
    %add3A_14 = arith.addi %mul3A_12, %add3A_13 : i32
    %dma_start3A_15 = arith.constant 0 : i32
    %dma_start3A_16 = tpu.memref_slice %arg2[%arg0, %add3A_14, %dma_start3A_15] : memref<2x10240x32xf32, #tpu.memory_space<hbm>> -> memref<1x128x32xf32, #tpu.memory_space<hbm>>
    %dma_start3A_17 = tpu.memref_squeeze %dma_start3A_16 : memref<1x128x32xf32, #tpu.memory_space<hbm>> -> memref<128x32xf32, #tpu.memory_space<hbm>>
    %dma_start3A_18 = arith.constant 0 : i32
    %dma_start3A_19 = tpu.memref_slice %arg2[%arg0, %add3A_14, %dma_start3A_18] : memref<2x10240x32xf32, #tpu.memory_space<hbm>> -> memref<1x128x32xf32, #tpu.memory_space<hbm>>
    %dma_start3A_20 = tpu.memref_squeeze %dma_start3A_19 : memref<1x128x32xf32, #tpu.memory_space<hbm>> -> memref<128x32xf32, #tpu.memory_space<hbm>>
    tpu.enqueue_dma source(%dma_start3A_20 : memref<128x32xf32, #tpu.memory_space<hbm>>) target(%arg9 : memref<128x32xf32, #tpu.memory_space<vmem>>) target_semaphore(%arg19 : memref<!tpu.dma_semaphore, #tpu.memory_space<semaphore_mem>>)
    %mul3A_21 = arith.constant 640 : i32
    %mul3A_22 = arith.muli %arg1, %mul3A_21 : i32
    %add3A_23 = arith.constant 0 : i32
    %add3A_24 = arith.addi %mul3A_22, %add3A_23 : i32
    %dma_wait3A = arith.constant 0 : i32
    %dma_wait3A_25 = tpu.memref_slice %arg2[%arg0, %add3A_24, %dma_wait3A] : memref<2x10240x32xf32, #tpu.memory_space<hbm>> -> memref<1x128x32xf32, #tpu.memory_space<hbm>>
    %dma_wait3A_26 = tpu.memref_squeeze %dma_wait3A_25 : memref<1x128x32xf32, #tpu.memory_space<hbm>> -> memref<128x32xf32, #tpu.memory_space<hbm>>
    %dma_wait3A_27 = arith.constant 0 : i32
    %dma_wait3A_28 = tpu.memref_slice %arg2[%arg0, %add3A_24, %dma_wait3A_27] : memref<2x10240x32xf32, #tpu.memory_space<hbm>> -> memref<1x128x32xf32, #tpu.memory_space<hbm>>
    %dma_wait3A_29 = tpu.memref_squeeze %dma_wait3A_28 : memref<1x128x32xf32, #tpu.memory_space<hbm>> -> memref<128x32xf32, #tpu.memory_space<hbm>>
    tpu.wait_dma2 semaphore(%arg18 : memref<!tpu.dma_semaphore, #tpu.memory_space<semaphore_mem>>) src(%dma_wait3A_29 : memref<128x32xf32, #tpu.memory_space<hbm>>) dst(%arg8 : memref<128x32xf32, #tpu.memory_space<vmem>>)
    %mul3A_30 = arith.constant 640 : i32
    %mul3A_31 = arith.muli %arg1, %mul3A_30 : i32
    %add3A_32 = arith.constant 0 : i32
    %add3A_33 = arith.addi %mul3A_31, %add3A_32 : i32
    "tpu.region"() ({
      %run_scoped3A = tpu.sem_alloc : memref<!tpu.dma_semaphore, #tpu.memory_space<semaphore_mem>>
      %dma_start3A_407 = arith.constant 0 : i32
      %dma_start3A_408 = tpu.memref_slice %arg37[%add3A_33, %dma_start3A_407] : memref<10240x32xf32, #tpu.memory_space<vmem_shared>> -> memref<128x32xf32, #tpu.memory_space<vmem_shared>>
      %dma_start3A_409 = arith.constant 0 : i32
      %dma_start3A_410 = tpu.memref_slice %arg37[%add3A_33, %dma_start3A_409] : memref<10240x32xf32, #tpu.memory_space<vmem_shared>> -> memref<128x32xf32, #tpu.memory_space<vmem_shared>>
      tpu.enqueue_dma source(%arg8 : memref<128x32xf32, #tpu.memory_space<vmem>>) target(%dma_start3A_410 : memref<128x32xf32, #tpu.memory_space<vmem_shared>>) target_semaphore(%run_scoped3A : memref<!tpu.dma_semaphore, #tpu.memory_space<semaphore_mem>>)
      %dma_wait3A_411 = arith.constant 0 : i32
      %dma_wait3A_412 = tpu.memref_slice %arg37[%add3A_33, %dma_wait3A_411] : memref<10240x32xf32, #tpu.memory_space<vmem_shared>> -> memref<128x32xf32, #tpu.memory_space<vmem_shared>>
      %dma_wait3A_413 = arith.constant 0 : i32
      %dma_wait3A_414 = tpu.memref_slice %arg37[%add3A_33, %dma_wait3A_413] : memref<10240x32xf32, #tpu.memory_space<vmem_shared>> -> memref<128x32xf32, #tpu.memory_space<vmem_shared>>
      tpu.wait_dma2 semaphore(%run_scoped3A : memref<!tpu.dma_semaphore, #tpu.memory_space<semaphore_mem>>) src(%arg8 : memref<128x32xf32, #tpu.memory_space<vmem>>) dst(%dma_wait3A_414 : memref<128x32xf32, #tpu.memory_space<vmem_shared>>)
      tpu.yield
    }) : () -> ()
    %mul3A_34 = arith.constant 640 : i32
    %mul3A_35 = arith.muli %arg1, %mul3A_34 : i32
    %add3A_36 = arith.constant 256 : i32
    %add3A_37 = arith.addi %mul3A_35, %add3A_36 : i32
    %dma_start3A_38 = arith.constant 0 : i32
    %dma_start3A_39 = tpu.memref_slice %arg2[%arg0, %add3A_37, %dma_start3A_38] : memref<2x10240x32xf32, #tpu.memory_space<hbm>> -> memref<1x128x32xf32, #tpu.memory_space<hbm>>
    %dma_start3A_40 = tpu.memref_squeeze %dma_start3A_39 : memref<1x128x32xf32, #tpu.memory_space<hbm>> -> memref<128x32xf32, #tpu.memory_space<hbm>>
    %dma_start3A_41 = arith.constant 0 : i32
    %dma_start3A_42 = tpu.memref_slice %arg2[%arg0, %add3A_37, %dma_start3A_41] : memref<2x10240x32xf32, #tpu.memory_space<hbm>> -> memref<1x128x32xf32, #tpu.memory_space<hbm>>
    %dma_start3A_43 = tpu.memref_squeeze %dma_start3A_42 : memref<1x128x32xf32, #tpu.memory_space<hbm>> -> memref<128x32xf32, #tpu.memory_space<hbm>>
    tpu.enqueue_dma source(%dma_start3A_43 : memref<128x32xf32, #tpu.memory_space<hbm>>) target(%arg8 : memref<128x32xf32, #tpu.memory_space<vmem>>) target_semaphore(%arg18 : memref<!tpu.dma_semaphore, #tpu.memory_space<semaphore_mem>>)
    %mul3A_44 = arith.constant 640 : i32
    %mul3A_45 = arith.muli %arg1, %mul3A_44 : i32
    %add3A_46 = arith.constant 128 : i32
    %add3A_47 = arith.addi %mul3A_45, %add3A_46 : i32
    %dma_wait3A_48 = arith.constant 0 : i32
    %dma_wait3A_49 = tpu.memref_slice %arg2[%arg0, %add3A_47, %dma_wait3A_48] : memref<2x10240x32xf32, #tpu.memory_space<hbm>> -> memref<1x128x32xf32, #tpu.memory_space<hbm>>
    %dma_wait3A_50 = tpu.memref_squeeze %dma_wait3A_49 : memref<1x128x32xf32, #tpu.memory_space<hbm>> -> memref<128x32xf32, #tpu.memory_space<hbm>>
    %dma_wait3A_51 = arith.constant 0 : i32
    %dma_wait3A_52 = tpu.memref_slice %arg2[%arg0, %add3A_47, %dma_wait3A_51] : memref<2x10240x32xf32, #tpu.memory_space<hbm>> -> memref<1x128x32xf32, #tpu.memory_space<hbm>>
    %dma_wait3A_53 = tpu.memref_squeeze %dma_wait3A_52 : memref<1x128x32xf32, #tpu.memory_space<hbm>> -> memref<128x32xf32, #tpu.memory_space<hbm>>
    tpu.wait_dma2 semaphore(%arg19 : memref<!tpu.dma_semaphore, #tpu.memory_space<semaphore_mem>>) src(%dma_wait3A_53 : memref<128x32xf32, #tpu.memory_space<hbm>>) dst(%arg9 : memref<128x32xf32, #tpu.memory_space<vmem>>)
    %mul3A_54 = arith.constant 640 : i32
    %mul3A_55 = arith.muli %arg1, %mul3A_54 : i32
    %add3A_56 = arith.constant 128 : i32
    %add3A_57 = arith.addi %mul3A_55, %add3A_56 : i32
    "tpu.region"() ({
      %run_scoped3A = tpu.sem_alloc : memref<!tpu.dma_semaphore, #tpu.memory_space<semaphore_mem>>
      %dma_start3A_407 = arith.constant 0 : i32
      %dma_start3A_408 = tpu.memref_slice %arg37[%add3A_57, %dma_start3A_407] : memref<10240x32xf32, #tpu.memory_space<vmem_shared>> -> memref<128x32xf32, #tpu.memory_space<vmem_shared>>
      %dma_start3A_409 = arith.constant 0 : i32
      %dma_start3A_410 = tpu.memref_slice %arg37[%add3A_57, %dma_start3A_409] : memref<10240x32xf32, #tpu.memory_space<vmem_shared>> -> memref<128x32xf32, #tpu.memory_space<vmem_shared>>
      tpu.enqueue_dma source(%arg9 : memref<128x32xf32, #tpu.memory_space<vmem>>) target(%dma_start3A_410 : memref<128x32xf32, #tpu.memory_space<vmem_shared>>) target_semaphore(%run_scoped3A : memref<!tpu.dma_semaphore, #tpu.memory_space<semaphore_mem>>)
      %dma_wait3A_411 = arith.constant 0 : i32
      %dma_wait3A_412 = tpu.memref_slice %arg37[%add3A_57, %dma_wait3A_411] : memref<10240x32xf32, #tpu.memory_space<vmem_shared>> -> memref<128x32xf32, #tpu.memory_space<vmem_shared>>
      %dma_wait3A_413 = arith.constant 0 : i32
      %dma_wait3A_414 = tpu.memref_slice %arg37[%add3A_57, %dma_wait3A_413] : memref<10240x32xf32, #tpu.memory_space<vmem_shared>> -> memref<128x32xf32, #tpu.memory_space<vmem_shared>>
      tpu.wait_dma2 semaphore(%run_scoped3A : memref<!tpu.dma_semaphore, #tpu.memory_space<semaphore_mem>>) src(%arg9 : memref<128x32xf32, #tpu.memory_space<vmem>>) dst(%dma_wait3A_414 : memref<128x32xf32, #tpu.memory_space<vmem_shared>>)
      tpu.yield
    }) : () -> ()
    %mul3A_58 = arith.constant 640 : i32
    %mul3A_59 = arith.muli %arg1, %mul3A_58 : i32
    %add3A_60 = arith.constant 384 : i32
    %add3A_61 = arith.addi %mul3A_59, %add3A_60 : i32
    %dma_start3A_62 = arith.constant 0 : i32
    %dma_start3A_63 = tpu.memref_slice %arg2[%arg0, %add3A_61, %dma_start3A_62] : memref<2x10240x32xf32, #tpu.memory_space<hbm>> -> memref<1x128x32xf32, #tpu.memory_space<hbm>>
    %dma_start3A_64 = tpu.memref_squeeze %dma_start3A_63 : memref<1x128x32xf32, #tpu.memory_space<hbm>> -> memref<128x32xf32, #tpu.memory_space<hbm>>
    %dma_start3A_65 = arith.constant 0 : i32
    %dma_start3A_66 = tpu.memref_slice %arg2[%arg0, %add3A_61, %dma_start3A_65] : memref<2x10240x32xf32, #tpu.memory_space<hbm>> -> memref<1x128x32xf32, #tpu.memory_space<hbm>>
    %dma_start3A_67 = tpu.memref_squeeze %dma_start3A_66 : memref<1x128x32xf32, #tpu.memory_space<hbm>> -> memref<128x32xf32, #tpu.memory_space<hbm>>
    tpu.enqueue_dma source(%dma_start3A_67 : memref<128x32xf32, #tpu.memory_space<hbm>>) target(%arg9 : memref<128x32xf32, #tpu.memory_space<vmem>>) target_semaphore(%arg19 : memref<!tpu.dma_semaphore, #tpu.memory_space<semaphore_mem>>)
    %mul3A_68 = arith.constant 640 : i32
    %mul3A_69 = arith.muli %arg1, %mul3A_68 : i32
    %add3A_70 = arith.constant 256 : i32
    %add3A_71 = arith.addi %mul3A_69, %add3A_70 : i32
    %dma_wait3A_72 = arith.constant 0 : i32
    %dma_wait3A_73 = tpu.memref_slice %arg2[%arg0, %add3A_71, %dma_wait3A_72] : memref<2x10240x32xf32, #tpu.memory_space<hbm>> -> memref<1x128x32xf32, #tpu.memory_space<hbm>>
    %dma_wait3A_74 = tpu.memref_squeeze %dma_wait3A_73 : memref<1x128x32xf32, #tpu.memory_space<hbm>> -> memref<128x32xf32, #tpu.memory_space<hbm>>
    %dma_wait3A_75 = arith.constant 0 : i32
    %dma_wait3A_76 = tpu.memref_slice %arg2[%arg0, %add3A_71, %dma_wait3A_75] : memref<2x10240x32xf32, #tpu.memory_space<hbm>> -> memref<1x128x32xf32, #tpu.memory_space<hbm>>
    %dma_wait3A_77 = tpu.memref_squeeze %dma_wait3A_76 : memref<1x128x32xf32, #tpu.memory_space<hbm>> -> memref<128x32xf32, #tpu.memory_space<hbm>>
    tpu.wait_dma2 semaphore(%arg18 : memref<!tpu.dma_semaphore, #tpu.memory_space<semaphore_mem>>) src(%dma_wait3A_77 : memref<128x32xf32, #tpu.memory_space<hbm>>) dst(%arg8 : memref<128x32xf32, #tpu.memory_space<vmem>>)
    %mul3A_78 = arith.constant 640 : i32
    %mul3A_79 = arith.muli %arg1, %mul3A_78 : i32
    %add3A_80 = arith.constant 256 : i32
    %add3A_81 = arith.addi %mul3A_79, %add3A_80 : i32
    "tpu.region"() ({
      %run_scoped3A = tpu.sem_alloc : memref<!tpu.dma_semaphore, #tpu.memory_space<semaphore_mem>>
      %dma_start3A_407 = arith.constant 0 : i32
      %dma_start3A_408 = tpu.memref_slice %arg37[%add3A_81, %dma_start3A_407] : memref<10240x32xf32, #tpu.memory_space<vmem_shared>> -> memref<128x32xf32, #tpu.memory_space<vmem_shared>>
      %dma_start3A_409 = arith.constant 0 : i32
      %dma_start3A_410 = tpu.memref_slice %arg37[%add3A_81, %dma_start3A_409] : memref<10240x32xf32, #tpu.memory_space<vmem_shared>> -> memref<128x32xf32, #tpu.memory_space<vmem_shared>>
      tpu.enqueue_dma source(%arg8 : memref<128x32xf32, #tpu.memory_space<vmem>>) target(%dma_start3A_410 : memref<128x32xf32, #tpu.memory_space<vmem_shared>>) target_semaphore(%run_scoped3A : memref<!tpu.dma_semaphore, #tpu.memory_space<semaphore_mem>>)
      %dma_wait3A_411 = arith.constant 0 : i32
      %dma_wait3A_412 = tpu.memref_slice %arg37[%add3A_81, %dma_wait3A_411] : memref<10240x32xf32, #tpu.memory_space<vmem_shared>> -> memref<128x32xf32, #tpu.memory_space<vmem_shared>>
      %dma_wait3A_413 = arith.constant 0 : i32
      %dma_wait3A_414 = tpu.memref_slice %arg37[%add3A_81, %dma_wait3A_413] : memref<10240x32xf32, #tpu.memory_space<vmem_shared>> -> memref<128x32xf32, #tpu.memory_space<vmem_shared>>
      tpu.wait_dma2 semaphore(%run_scoped3A : memref<!tpu.dma_semaphore, #tpu.memory_space<semaphore_mem>>) src(%arg8 : memref<128x32xf32, #tpu.memory_space<vmem>>) dst(%dma_wait3A_414 : memref<128x32xf32, #tpu.memory_space<vmem_shared>>)
      tpu.yield
    }) : () -> ()
    %mul3A_82 = arith.constant 640 : i32
    %mul3A_83 = arith.muli %arg1, %mul3A_82 : i32
    %add3A_84 = arith.constant 512 : i32
    %add3A_85 = arith.addi %mul3A_83, %add3A_84 : i32
    %dma_start3A_86 = arith.constant 0 : i32
    %dma_start3A_87 = tpu.memref_slice %arg2[%arg0, %add3A_85, %dma_start3A_86] : memref<2x10240x32xf32, #tpu.memory_space<hbm>> -> memref<1x128x32xf32, #tpu.memory_space<hbm>>
    %dma_start3A_88 = tpu.memref_squeeze %dma_start3A_87 : memref<1x128x32xf32, #tpu.memory_space<hbm>> -> memref<128x32xf32, #tpu.memory_space<hbm>>
    %dma_start3A_89 = arith.constant 0 : i32
    %dma_start3A_90 = tpu.memref_slice %arg2[%arg0, %add3A_85, %dma_start3A_89] : memref<2x10240x32xf32, #tpu.memory_space<hbm>> -> memref<1x128x32xf32, #tpu.memory_space<hbm>>
    %dma_start3A_91 = tpu.memref_squeeze %dma_start3A_90 : memref<1x128x32xf32, #tpu.memory_space<hbm>> -> memref<128x32xf32, #tpu.memory_space<hbm>>
    tpu.enqueue_dma source(%dma_start3A_91 : memref<128x32xf32, #tpu.memory_space<hbm>>) target(%arg8 : memref<128x32xf32, #tpu.memory_space<vmem>>) target_semaphore(%arg18 : memref<!tpu.dma_semaphore, #tpu.memory_space<semaphore_mem>>)
    %mul3A_92 = arith.constant 640 : i32
    %mul3A_93 = arith.muli %arg1, %mul3A_92 : i32
    %add3A_94 = arith.constant 384 : i32
    %add3A_95 = arith.addi %mul3A_93, %add3A_94 : i32
    %dma_wait3A_96 = arith.constant 0 : i32
    %dma_wait3A_97 = tpu.memref_slice %arg2[%arg0, %add3A_95, %dma_wait3A_96] : memref<2x10240x32xf32, #tpu.memory_space<hbm>> -> memref<1x128x32xf32, #tpu.memory_space<hbm>>
    %dma_wait3A_98 = tpu.memref_squeeze %dma_wait3A_97 : memref<1x128x32xf32, #tpu.memory_space<hbm>> -> memref<128x32xf32, #tpu.memory_space<hbm>>
    %dma_wait3A_99 = arith.constant 0 : i32
    %dma_wait3A_100 = tpu.memref_slice %arg2[%arg0, %add3A_95, %dma_wait3A_99] : memref<2x10240x32xf32, #tpu.memory_space<hbm>> -> memref<1x128x32xf32, #tpu.memory_space<hbm>>
    %dma_wait3A_101 = tpu.memref_squeeze %dma_wait3A_100 : memref<1x128x32xf32, #tpu.memory_space<hbm>> -> memref<128x32xf32, #tpu.memory_space<hbm>>
    tpu.wait_dma2 semaphore(%arg19 : memref<!tpu.dma_semaphore, #tpu.memory_space<semaphore_mem>>) src(%dma_wait3A_101 : memref<128x32xf32, #tpu.memory_space<hbm>>) dst(%arg9 : memref<128x32xf32, #tpu.memory_space<vmem>>)
    %mul3A_102 = arith.constant 640 : i32
    %mul3A_103 = arith.muli %arg1, %mul3A_102 : i32
    %add3A_104 = arith.constant 384 : i32
    %add3A_105 = arith.addi %mul3A_103, %add3A_104 : i32
    "tpu.region"() ({
      %run_scoped3A = tpu.sem_alloc : memref<!tpu.dma_semaphore, #tpu.memory_space<semaphore_mem>>
      %dma_start3A_407 = arith.constant 0 : i32
      %dma_start3A_408 = tpu.memref_slice %arg37[%add3A_105, %dma_start3A_407] : memref<10240x32xf32, #tpu.memory_space<vmem_shared>> -> memref<128x32xf32, #tpu.memory_space<vmem_shared>>
      %dma_start3A_409 = arith.constant 0 : i32
      %dma_start3A_410 = tpu.memref_slice %arg37[%add3A_105, %dma_start3A_409] : memref<10240x32xf32, #tpu.memory_space<vmem_shared>> -> memref<128x32xf32, #tpu.memory_space<vmem_shared>>
      tpu.enqueue_dma source(%arg9 : memref<128x32xf32, #tpu.memory_space<vmem>>) target(%dma_start3A_410 : memref<128x32xf32, #tpu.memory_space<vmem_shared>>) target_semaphore(%run_scoped3A : memref<!tpu.dma_semaphore, #tpu.memory_space<semaphore_mem>>)
      %dma_wait3A_411 = arith.constant 0 : i32
      %dma_wait3A_412 = tpu.memref_slice %arg37[%add3A_105, %dma_wait3A_411] : memref<10240x32xf32, #tpu.memory_space<vmem_shared>> -> memref<128x32xf32, #tpu.memory_space<vmem_shared>>
      %dma_wait3A_413 = arith.constant 0 : i32
      %dma_wait3A_414 = tpu.memref_slice %arg37[%add3A_105, %dma_wait3A_413] : memref<10240x32xf32, #tpu.memory_space<vmem_shared>> -> memref<128x32xf32, #tpu.memory_space<vmem_shared>>
      tpu.wait_dma2 semaphore(%run_scoped3A : memref<!tpu.dma_semaphore, #tpu.memory_space<semaphore_mem>>) src(%arg9 : memref<128x32xf32, #tpu.memory_space<vmem>>) dst(%dma_wait3A_414 : memref<128x32xf32, #tpu.memory_space<vmem_shared>>)
      tpu.yield
    }) : () -> ()
    %mul3A_106 = arith.constant 640 : i32
    %mul3A_107 = arith.muli %arg1, %mul3A_106 : i32
    %add3A_108 = arith.constant 512 : i32
    %add3A_109 = arith.addi %mul3A_107, %add3A_108 : i32
    %dma_wait3A_110 = arith.constant 0 : i32
    %dma_wait3A_111 = tpu.memref_slice %arg2[%arg0, %add3A_109, %dma_wait3A_110] : memref<2x10240x32xf32, #tpu.memory_space<hbm>> -> memref<1x128x32xf32, #tpu.memory_space<hbm>>
    %dma_wait3A_112 = tpu.memref_squeeze %dma_wait3A_111 : memref<1x128x32xf32, #tpu.memory_space<hbm>> -> memref<128x32xf32, #tpu.memory_space<hbm>>
    %dma_wait3A_113 = arith.constant 0 : i32
    %dma_wait3A_114 = tpu.memref_slice %arg2[%arg0, %add3A_109, %dma_wait3A_113] : memref<2x10240x32xf32, #tpu.memory_space<hbm>> -> memref<1x128x32xf32, #tpu.memory_space<hbm>>
    %dma_wait3A_115 = tpu.memref_squeeze %dma_wait3A_114 : memref<1x128x32xf32, #tpu.memory_space<hbm>> -> memref<128x32xf32, #tpu.memory_space<hbm>>
    tpu.wait_dma2 semaphore(%arg18 : memref<!tpu.dma_semaphore, #tpu.memory_space<semaphore_mem>>) src(%dma_wait3A_115 : memref<128x32xf32, #tpu.memory_space<hbm>>) dst(%arg8 : memref<128x32xf32, #tpu.memory_space<vmem>>)
    %mul3A_116 = arith.constant 640 : i32
    %mul3A_117 = arith.muli %arg1, %mul3A_116 : i32
    %add3A_118 = arith.constant 512 : i32
    %add3A_119 = arith.addi %mul3A_117, %add3A_118 : i32
    "tpu.region"() ({
      %run_scoped3A = tpu.sem_alloc : memref<!tpu.dma_semaphore, #tpu.memory_space<semaphore_mem>>
      %dma_start3A_407 = arith.constant 0 : i32
      %dma_start3A_408 = tpu.memref_slice %arg37[%add3A_119, %dma_start3A_407] : memref<10240x32xf32, #tpu.memory_space<vmem_shared>> -> memref<128x32xf32, #tpu.memory_space<vmem_shared>>
      %dma_start3A_409 = arith.constant 0 : i32
      %dma_start3A_410 = tpu.memref_slice %arg37[%add3A_119, %dma_start3A_409] : memref<10240x32xf32, #tpu.memory_space<vmem_shared>> -> memref<128x32xf32, #tpu.memory_space<vmem_shared>>
      tpu.enqueue_dma source(%arg8 : memref<128x32xf32, #tpu.memory_space<vmem>>) target(%dma_start3A_410 : memref<128x32xf32, #tpu.memory_space<vmem_shared>>) target_semaphore(%run_scoped3A : memref<!tpu.dma_semaphore, #tpu.memory_space<semaphore_mem>>)
      %dma_wait3A_411 = arith.constant 0 : i32
      %dma_wait3A_412 = tpu.memref_slice %arg37[%add3A_119, %dma_wait3A_411] : memref<10240x32xf32, #tpu.memory_space<vmem_shared>> -> memref<128x32xf32, #tpu.memory_space<vmem_shared>>
      %dma_wait3A_413 = arith.constant 0 : i32
      %dma_wait3A_414 = tpu.memref_slice %arg37[%add3A_119, %dma_wait3A_413] : memref<10240x32xf32, #tpu.memory_space<vmem_shared>> -> memref<128x32xf32, #tpu.memory_space<vmem_shared>>
      tpu.wait_dma2 semaphore(%run_scoped3A : memref<!tpu.dma_semaphore, #tpu.memory_space<semaphore_mem>>) src(%arg8 : memref<128x32xf32, #tpu.memory_space<vmem>>) dst(%dma_wait3A_414 : memref<128x32xf32, #tpu.memory_space<vmem_shared>>)
      tpu.yield
    }) : () -> ()
    %broadcast_in_dim3A = arith.constant 0.000000e+00 : f32
    %broadcast_in_dim3A_120 = vector.broadcast %broadcast_in_dim3A : f32 to vector<16xf32>
    %scan3A = arith.constant 0 : i32
    %scan3A_121 = arith.constant 128 : i32
    %scan3A_122 = arith.addi %scan3A, %scan3A_121 : i32
    %scan3A_123 = arith.constant 1 : i32
    scf.for %scan3A_407 = %scan3A to %scan3A_122 step %scan3A_123  : i32 {
      %mul3A_408 = arith.constant 1 : i32
      %mul3A_409 = arith.muli %scan3A_407, %mul3A_408 : i32
      %add3A_410 = arith.constant 0 : i32
      %add3A_411 = arith.addi %add3A_410, %mul3A_409 : i32
      %swap3A = arith.index_cast %add3A_411 : i32 to index
      %swap3A_412 = arith.constant 0 : index
      %swap3A_413 = tpu.vector_load %arg17[%swap3A, %swap3A_412] {strides = array<i32>} : memref<128x32xf32, #tpu.memory_space<vmem>>, vector<1x16xf32>,
      %swap3A_414 = vector.shape_cast %swap3A_413 : vector<1x16xf32> to vector<16xf32>
      %swap3A_415 = vector.shape_cast %broadcast_in_dim3A_120 : vector<16xf32> to vector<1x16xf32>
      tpu.vector_store %arg17[%swap3A, %swap3A_412], %swap3A_415 {strides = array<i32>} : memref<128x32xf32, #tpu.memory_space<vmem>>, vector<1x16xf32>,
      %swap3A_416 = arith.index_cast %add3A_411 : i32 to index
      %swap3A_417 = arith.constant 16 : index
      %swap3A_418 = tpu.vector_load %arg17[%swap3A_416, %swap3A_417] {strides = array<i32>} : memref<128x32xf32, #tpu.memory_space<vmem>>, vector<1x16xf32>,
      %swap3A_419 = vector.shape_cast %swap3A_418 : vector<1x16xf32> to vector<16xf32>
      %swap3A_420 = vector.shape_cast %broadcast_in_dim3A_120 : vector<16xf32> to vector<1x16xf32>
      tpu.vector_store %arg17[%swap3A_416, %swap3A_417], %swap3A_420 {strides = array<i32>} : memref<128x32xf32, #tpu.memory_space<vmem>>, vector<1x16xf32>,
    }
    %scan3A_124 = arith.constant 128 : i32
    %mul3A_125 = arith.constant 640 : i32
    %mul3A_126 = arith.muli %arg1, %mul3A_125 : i32
    %add3A_127 = arith.constant 0 : i32
    %add3A_128 = arith.addi %mul3A_126, %add3A_127 : i32
    "tpu.region"() ({
      %run_scoped3A = tpu.sem_alloc : memref<!tpu.dma_semaphore, #tpu.memory_space<semaphore_mem>>
      %dma_start3A_407 = arith.constant 0 : i32
      %dma_start3A_408 = tpu.memref_slice %arg36[%add3A_128, %dma_start3A_407] : memref<10240x32xf32, #tpu.memory_space<vmem_shared>> -> memref<128x32xf32, #tpu.memory_space<vmem_shared>>
      %dma_start3A_409 = arith.constant 0 : i32
      %dma_start3A_410 = tpu.memref_slice %arg36[%add3A_128, %dma_start3A_409] : memref<10240x32xf32, #tpu.memory_space<vmem_shared>> -> memref<128x32xf32, #tpu.memory_space<vmem_shared>>
      tpu.enqueue_dma source(%arg17 : memref<128x32xf32, #tpu.memory_space<vmem>>) target(%dma_start3A_410 : memref<128x32xf32, #tpu.memory_space<vmem_shared>>) target_semaphore(%run_scoped3A : memref<!tpu.dma_semaphore, #tpu.memory_space<semaphore_mem>>)
      %dma_wait3A_411 = arith.constant 0 : i32
      %dma_wait3A_412 = tpu.memref_slice %arg36[%add3A_128, %dma_wait3A_411] : memref<10240x32xf32, #tpu.memory_space<vmem_shared>> -> memref<128x32xf32, #tpu.memory_space<vmem_shared>>
      %dma_wait3A_413 = arith.constant 0 : i32
      %dma_wait3A_414 = tpu.memref_slice %arg36[%add3A_128, %dma_wait3A_413] : memref<10240x32xf32, #tpu.memory_space<vmem_shared>> -> memref<128x32xf32, #tpu.memory_space<vmem_shared>>
      tpu.wait_dma2 semaphore(%run_scoped3A : memref<!tpu.dma_semaphore, #tpu.memory_space<semaphore_mem>>) src(%arg17 : memref<128x32xf32, #tpu.memory_space<vmem>>) dst(%dma_wait3A_414 : memref<128x32xf32, #tpu.memory_space<vmem_shared>>)
      tpu.yield
    }) : () -> ()
    %mul3A_129 = arith.constant 640 : i32
    %mul3A_130 = arith.muli %arg1, %mul3A_129 : i32
    %add3A_131 = arith.constant 128 : i32
    %add3A_132 = arith.addi %mul3A_130, %add3A_131 : i32
    "tpu.region"() ({
      %run_scoped3A = tpu.sem_alloc : memref<!tpu.dma_semaphore, #tpu.memory_space<semaphore_mem>>
      %dma_start3A_407 = arith.constant 0 : i32
      %dma_start3A_408 = tpu.memref_slice %arg36[%add3A_132, %dma_start3A_407] : memref<10240x32xf32, #tpu.memory_space<vmem_shared>> -> memref<128x32xf32, #tpu.memory_space<vmem_shared>>
      %dma_start3A_409 = arith.constant 0 : i32
      %dma_start3A_410 = tpu.memref_slice %arg36[%add3A_132, %dma_start3A_409] : memref<10240x32xf32, #tpu.memory_space<vmem_shared>> -> memref<128x32xf32, #tpu.memory_space<vmem_shared>>
      tpu.enqueue_dma source(%arg17 : memref<128x32xf32, #tpu.memory_space<vmem>>) target(%dma_start3A_410 : memref<128x32xf32, #tpu.memory_space<vmem_shared>>) target_semaphore(%run_scoped3A : memref<!tpu.dma_semaphore, #tpu.memory_space<semaphore_mem>>)
      %dma_wait3A_411 = arith.constant 0 : i32
      %dma_wait3A_412 = tpu.memref_slice %arg36[%add3A_132, %dma_wait3A_411] : memref<10240x32xf32, #tpu.memory_space<vmem_shared>> -> memref<128x32xf32, #tpu.memory_space<vmem_shared>>
      %dma_wait3A_413 = arith.constant 0 : i32
      %dma_wait3A_414 = tpu.memref_slice %arg36[%add3A_132, %dma_wait3A_413] : memref<10240x32xf32, #tpu.memory_space<vmem_shared>> -> memref<128x32xf32, #tpu.memory_space<vmem_shared>>
      tpu.wait_dma2 semaphore(%run_scoped3A : memref<!tpu.dma_semaphore, #tpu.memory_space<semaphore_mem>>) src(%arg17 : memref<128x32xf32, #tpu.memory_space<vmem>>) dst(%dma_wait3A_414 : memref<128x32xf32, #tpu.memory_space<vmem_shared>>)
      tpu.yield
    }) : () -> ()
    %mul3A_133 = arith.constant 640 : i32
    %mul3A_134 = arith.muli %arg1, %mul3A_133 : i32
    %add3A_135 = arith.constant 256 : i32
    %add3A_136 = arith.addi %mul3A_134, %add3A_135 : i32
    "tpu.region"() ({
      %run_scoped3A = tpu.sem_alloc : memref<!tpu.dma_semaphore, #tpu.memory_space<semaphore_mem>>
      %dma_start3A_407 = arith.constant 0 : i32
      %dma_start3A_408 = tpu.memref_slice %arg36[%add3A_136, %dma_start3A_407] : memref<10240x32xf32, #tpu.memory_space<vmem_shared>> -> memref<128x32xf32, #tpu.memory_space<vmem_shared>>
      %dma_start3A_409 = arith.constant 0 : i32
      %dma_start3A_410 = tpu.memref_slice %arg36[%add3A_136, %dma_start3A_409] : memref<10240x32xf32, #tpu.memory_space<vmem_shared>> -> memref<128x32xf32, #tpu.memory_space<vmem_shared>>
      tpu.enqueue_dma source(%arg17 : memref<128x32xf32, #tpu.memory_space<vmem>>) target(%dma_start3A_410 : memref<128x32xf32, #tpu.memory_space<vmem_shared>>) target_semaphore(%run_scoped3A : memref<!tpu.dma_semaphore, #tpu.memory_space<semaphore_mem>>)
      %dma_wait3A_411 = arith.constant 0 : i32
      %dma_wait3A_412 = tpu.memref_slice %arg36[%add3A_136, %dma_wait3A_411] : memref<10240x32xf32, #tpu.memory_space<vmem_shared>> -> memref<128x32xf32, #tpu.memory_space<vmem_shared>>
      %dma_wait3A_413 = arith.constant 0 : i32
      %dma_wait3A_414 = tpu.memref_slice %arg36[%add3A_136, %dma_wait3A_413] : memref<10240x32xf32, #tpu.memory_space<vmem_shared>> -> memref<128x32xf32, #tpu.memory_space<vmem_shared>>
      tpu.wait_dma2 semaphore(%run_scoped3A : memref<!tpu.dma_semaphore, #tpu.memory_space<semaphore_mem>>) src(%arg17 : memref<128x32xf32, #tpu.memory_space<vmem>>) dst(%dma_wait3A_414 : memref<128x32xf32, #tpu.memory_space<vmem_shared>>)
      tpu.yield
    }) : () -> ()
    %mul3A_137 = arith.constant 640 : i32
    %mul3A_138 = arith.muli %arg1, %mul3A_137 : i32
    %add3A_139 = arith.constant 384 : i32
    %add3A_140 = arith.addi %mul3A_138, %add3A_139 : i32
    "tpu.region"() ({
      %run_scoped3A = tpu.sem_alloc : memref<!tpu.dma_semaphore, #tpu.memory_space<semaphore_mem>>
      %dma_start3A_407 = arith.constant 0 : i32
      %dma_start3A_408 = tpu.memref_slice %arg36[%add3A_140, %dma_start3A_407] : memref<10240x32xf32, #tpu.memory_space<vmem_shared>> -> memref<128x32xf32, #tpu.memory_space<vmem_shared>>
      %dma_start3A_409 = arith.constant 0 : i32
      %dma_start3A_410 = tpu.memref_slice %arg36[%add3A_140, %dma_start3A_409] : memref<10240x32xf32, #tpu.memory_space<vmem_shared>> -> memref<128x32xf32, #tpu.memory_space<vmem_shared>>
      tpu.enqueue_dma source(%arg17 : memref<128x32xf32, #tpu.memory_space<vmem>>) target(%dma_start3A_410 : memref<128x32xf32, #tpu.memory_space<vmem_shared>>) target_semaphore(%run_scoped3A : memref<!tpu.dma_semaphore, #tpu.memory_space<semaphore_mem>>)
      %dma_wait3A_411 = arith.constant 0 : i32
      %dma_wait3A_412 = tpu.memref_slice %arg36[%add3A_140, %dma_wait3A_411] : memref<10240x32xf32, #tpu.memory_space<vmem_shared>> -> memref<128x32xf32, #tpu.memory_space<vmem_shared>>
      %dma_wait3A_413 = arith.constant 0 : i32
      %dma_wait3A_414 = tpu.memref_slice %arg36[%add3A_140, %dma_wait3A_413] : memref<10240x32xf32, #tpu.memory_space<vmem_shared>> -> memref<128x32xf32, #tpu.memory_space<vmem_shared>>
      tpu.wait_dma2 semaphore(%run_scoped3A : memref<!tpu.dma_semaphore, #tpu.memory_space<semaphore_mem>>) src(%arg17 : memref<128x32xf32, #tpu.memory_space<vmem>>) dst(%dma_wait3A_414 : memref<128x32xf32, #tpu.memory_space<vmem_shared>>)
      tpu.yield
    }) : () -> ()
    %mul3A_141 = arith.constant 640 : i32
    %mul3A_142 = arith.muli %arg1, %mul3A_141 : i32
    %add3A_143 = arith.constant 512 : i32
    %add3A_144 = arith.addi %mul3A_142, %add3A_143 : i32
    "tpu.region"() ({
      %run_scoped3A = tpu.sem_alloc : memref<!tpu.dma_semaphore, #tpu.memory_space<semaphore_mem>>
      %dma_start3A_407 = arith.constant 0 : i32
      %dma_start3A_408 = tpu.memref_slice %arg36[%add3A_144, %dma_start3A_407] : memref<10240x32xf32, #tpu.memory_space<vmem_shared>> -> memref<128x32xf32, #tpu.memory_space<vmem_shared>>
      %dma_start3A_409 = arith.constant 0 : i32
      %dma_start3A_410 = tpu.memref_slice %arg36[%add3A_144, %dma_start3A_409] : memref<10240x32xf32, #tpu.memory_space<vmem_shared>> -> memref<128x32xf32, #tpu.memory_space<vmem_shared>>
      tpu.enqueue_dma source(%arg17 : memref<128x32xf32, #tpu.memory_space<vmem>>) target(%dma_start3A_410 : memref<128x32xf32, #tpu.memory_space<vmem_shared>>) target_semaphore(%run_scoped3A : memref<!tpu.dma_semaphore, #tpu.memory_space<semaphore_mem>>)
      %dma_wait3A_411 = arith.constant 0 : i32
      %dma_wait3A_412 = tpu.memref_slice %arg36[%add3A_144, %dma_wait3A_411] : memref<10240x32xf32, #tpu.memory_space<vmem_shared>> -> memref<128x32xf32, #tpu.memory_space<vmem_shared>>
      %dma_wait3A_413 = arith.constant 0 : i32
      %dma_wait3A_414 = tpu.memref_slice %arg36[%add3A_144, %dma_wait3A_413] : memref<10240x32xf32, #tpu.memory_space<vmem_shared>> -> memref<128x32xf32, #tpu.memory_space<vmem_shared>>
      tpu.wait_dma2 semaphore(%run_scoped3A : memref<!tpu.dma_semaphore, #tpu.memory_space<semaphore_mem>>) src(%arg17 : memref<128x32xf32, #tpu.memory_space<vmem>>) dst(%dma_wait3A_414 : memref<128x32xf32, #tpu.memory_space<vmem_shared>>)
      tpu.yield
    }) : () -> ()
    %barrier3A = arith.constant 0 : index
    tpu.barrier barrier_id(%barrier3A)
    %dma_start3A_145 = arith.constant 0 : i32
    %dma_start3A_146 = arith.constant 0 : i32
    %dma_start3A_147 = tpu.memref_slice %arg6[%dma_start3A_145, %dma_start3A_146] : memref<162x128xi32, #tpu.memory_space<vmem>> -> memref<1x128xi32, #tpu.memory_space<vmem>>
    %dma_start3A_148 = tpu.memref_squeeze %dma_start3A_147 : memref<1x128xi32, #tpu.memory_space<vmem>> -> memref<128xi32, #tpu.memory_space<vmem>>
    %dma_start3A_149 = arith.constant 0 : i32
    %dma_start3A_150 = arith.constant 0 : i32
    %dma_start3A_151 = tpu.memref_slice %arg37[%dma_start3A_149, %dma_start3A_150] : memref<10240x32xf32, #tpu.memory_space<vmem_shared>> -> memref<10240x32xf32, #tpu.memory_space<vmem_shared>>
    tpu.enqueue_indirect_dma source(%dma_start3A_151 : memref<10240x32xf32, #tpu.memory_space<vmem_shared>>) target(%arg8 : memref<128x32xf32, #tpu.memory_space<vmem>>) offsets(%dma_start3A_148 : memref<128xi32, #tpu.memory_space<vmem>>) semaphore(%arg18 : memref<!tpu.dma_semaphore, #tpu.memory_space<semaphore_mem>>)
    %dma_start3A_152 = arith.constant 1 : i32
    %dma_start3A_153 = arith.constant 0 : i32
    %dma_start3A_154 = tpu.memref_slice %arg6[%dma_start3A_152, %dma_start3A_153] : memref<162x128xi32, #tpu.memory_space<vmem>> -> memref<1x128xi32, #tpu.memory_space<vmem>>
    %dma_start3A_155 = tpu.memref_squeeze %dma_start3A_154 : memref<1x128xi32, #tpu.memory_space<vmem>> -> memref<128xi32, #tpu.memory_space<vmem>>
    %dma_start3A_156 = arith.constant 0 : i32
    %dma_start3A_157 = arith.constant 0 : i32
    %dma_start3A_158 = tpu.memref_slice %arg37[%dma_start3A_156, %dma_start3A_157] : memref<10240x32xf32, #tpu.memory_space<vmem_shared>> -> memref<10240x32xf32, #tpu.memory_space<vmem_shared>>
    tpu.enqueue_indirect_dma source(%dma_start3A_158 : memref<10240x32xf32, #tpu.memory_space<vmem_shared>>) target(%arg9 : memref<128x32xf32, #tpu.memory_space<vmem>>) offsets(%dma_start3A_155 : memref<128xi32, #tpu.memory_space<vmem>>) semaphore(%arg19 : memref<!tpu.dma_semaphore, #tpu.memory_space<semaphore_mem>>)
    %dma_start3A_159 = arith.constant 2 : i32
    %dma_start3A_160 = arith.constant 0 : i32
    %dma_start3A_161 = tpu.memref_slice %arg6[%dma_start3A_159, %dma_start3A_160] : memref<162x128xi32, #tpu.memory_space<vmem>> -> memref<1x128xi32, #tpu.memory_space<vmem>>
    %dma_start3A_162 = tpu.memref_squeeze %dma_start3A_161 : memref<1x128xi32, #tpu.memory_space<vmem>> -> memref<128xi32, #tpu.memory_space<vmem>>
    %dma_start3A_163 = arith.constant 0 : i32
    %dma_start3A_164 = arith.constant 0 : i32
    %dma_start3A_165 = tpu.memref_slice %arg37[%dma_start3A_163, %dma_start3A_164] : memref<10240x32xf32, #tpu.memory_space<vmem_shared>> -> memref<10240x32xf32, #tpu.memory_space<vmem_shared>>
    tpu.enqueue_indirect_dma source(%dma_start3A_165 : memref<10240x32xf32, #tpu.memory_space<vmem_shared>>) target(%arg10 : memref<128x32xf32, #tpu.memory_space<vmem>>) offsets(%dma_start3A_162 : memref<128xi32, #tpu.memory_space<vmem>>) semaphore(%arg20 : memref<!tpu.dma_semaphore, #tpu.memory_space<semaphore_mem>>)
    %dma_start3A_166 = arith.constant 3 : i32
    %dma_start3A_167 = arith.constant 0 : i32
    %dma_start3A_168 = tpu.memref_slice %arg6[%dma_start3A_166, %dma_start3A_167] : memref<162x128xi32, #tpu.memory_space<vmem>> -> memref<1x128xi32, #tpu.memory_space<vmem>>
    %dma_start3A_169 = tpu.memref_squeeze %dma_start3A_168 : memref<1x128xi32, #tpu.memory_space<vmem>> -> memref<128xi32, #tpu.memory_space<vmem>>
    %dma_start3A_170 = arith.constant 0 : i32
    %dma_start3A_171 = arith.constant 0 : i32
    %dma_start3A_172 = tpu.memref_slice %arg37[%dma_start3A_170, %dma_start3A_171] : memref<10240x32xf32, #tpu.memory_space<vmem_shared>> -> memref<10240x32xf32, #tpu.memory_space<vmem_shared>>
    tpu.enqueue_indirect_dma source(%dma_start3A_172 : memref<10240x32xf32, #tpu.memory_space<vmem_shared>>) target(%arg11 : memref<128x32xf32, #tpu.memory_space<vmem>>) offsets(%dma_start3A_169 : memref<128xi32, #tpu.memory_space<vmem>>) semaphore(%arg21 : memref<!tpu.dma_semaphore, #tpu.memory_space<semaphore_mem>>)
    %dma_start3A_173 = arith.constant 4 : i32
    %dma_start3A_174 = arith.constant 0 : i32
    %dma_start3A_175 = tpu.memref_slice %arg6[%dma_start3A_173, %dma_start3A_174] : memref<162x128xi32, #tpu.memory_space<vmem>> -> memref<1x128xi32, #tpu.memory_space<vmem>>
    %dma_start3A_176 = tpu.memref_squeeze %dma_start3A_175 : memref<1x128xi32, #tpu.memory_space<vmem>> -> memref<128xi32, #tpu.memory_space<vmem>>
    %dma_start3A_177 = arith.constant 0 : i32
    %dma_start3A_178 = arith.constant 0 : i32
    %dma_start3A_179 = tpu.memref_slice %arg37[%dma_start3A_177, %dma_start3A_178] : memref<10240x32xf32, #tpu.memory_space<vmem_shared>> -> memref<10240x32xf32, #tpu.memory_space<vmem_shared>>
    tpu.enqueue_indirect_dma source(%dma_start3A_179 : memref<10240x32xf32, #tpu.memory_space<vmem_shared>>) target(%arg12 : memref<128x32xf32, #tpu.memory_space<vmem>>) offsets(%dma_start3A_176 : memref<128xi32, #tpu.memory_space<vmem>>) semaphore(%arg22 : memref<!tpu.dma_semaphore, #tpu.memory_space<semaphore_mem>>)
    %dma_start3A_180 = arith.constant 5 : i32
    %dma_start3A_181 = arith.constant 0 : i32
    %dma_start3A_182 = tpu.memref_slice %arg6[%dma_start3A_180, %dma_start3A_181] : memref<162x128xi32, #tpu.memory_space<vmem>> -> memref<1x128xi32, #tpu.memory_space<vmem>>
    %dma_start3A_183 = tpu.memref_squeeze %dma_start3A_182 : memref<1x128xi32, #tpu.memory_space<vmem>> -> memref<128xi32, #tpu.memory_space<vmem>>
    %dma_start3A_184 = arith.constant 0 : i32
    %dma_start3A_185 = arith.constant 0 : i32
    %dma_start3A_186 = tpu.memref_slice %arg37[%dma_start3A_184, %dma_start3A_185] : memref<10240x32xf32, #tpu.memory_space<vmem_shared>> -> memref<10240x32xf32, #tpu.memory_space<vmem_shared>>
    tpu.enqueue_indirect_dma source(%dma_start3A_186 : memref<10240x32xf32, #tpu.memory_space<vmem_shared>>) target(%arg13 : memref<128x32xf32, #tpu.memory_space<vmem>>) offsets(%dma_start3A_183 : memref<128xi32, #tpu.memory_space<vmem>>) semaphore(%arg23 : memref<!tpu.dma_semaphore, #tpu.memory_space<semaphore_mem>>)
    %dma_start3A_187 = arith.constant 6 : i32
    %dma_start3A_188 = arith.constant 0 : i32
    %dma_start3A_189 = tpu.memref_slice %arg6[%dma_start3A_187, %dma_start3A_188] : memref<162x128xi32, #tpu.memory_space<vmem>> -> memref<1x128xi32, #tpu.memory_space<vmem>>
    %dma_start3A_190 = tpu.memref_squeeze %dma_start3A_189 : memref<1x128xi32, #tpu.memory_space<vmem>> -> memref<128xi32, #tpu.memory_space<vmem>>
    %dma_start3A_191 = arith.constant 0 : i32
    %dma_start3A_192 = arith.constant 0 : i32
    %dma_start3A_193 = tpu.memref_slice %arg37[%dma_start3A_191, %dma_start3A_192] : memref<10240x32xf32, #tpu.memory_space<vmem_shared>> -> memref<10240x32xf32, #tpu.memory_space<vmem_shared>>
    tpu.enqueue_indirect_dma source(%dma_start3A_193 : memref<10240x32xf32, #tpu.memory_space<vmem_shared>>) target(%arg14 : memref<128x32xf32, #tpu.memory_space<vmem>>) offsets(%dma_start3A_190 : memref<128xi32, #tpu.memory_space<vmem>>) semaphore(%arg24 : memref<!tpu.dma_semaphore, #tpu.memory_space<semaphore_mem>>)
    %dma_start3A_194 = arith.constant 7 : i32
    %dma_start3A_195 = arith.constant 0 : i32
    %dma_start3A_196 = tpu.memref_slice %arg6[%dma_start3A_194, %dma_start3A_195] : memref<162x128xi32, #tpu.memory_space<vmem>> -> memref<1x128xi32, #tpu.memory_space<vmem>>
    %dma_start3A_197 = tpu.memref_squeeze %dma_start3A_196 : memref<1x128xi32, #tpu.memory_space<vmem>> -> memref<128xi32, #tpu.memory_space<vmem>>
    %dma_start3A_198 = arith.constant 0 : i32
    %dma_start3A_199 = arith.constant 0 : i32
    %dma_start3A_200 = tpu.memref_slice %arg37[%dma_start3A_198, %dma_start3A_199] : memref<10240x32xf32, #tpu.memory_space<vmem_shared>> -> memref<10240x32xf32, #tpu.memory_space<vmem_shared>>
    tpu.enqueue_indirect_dma source(%dma_start3A_200 : memref<10240x32xf32, #tpu.memory_space<vmem_shared>>) target(%arg15 : memref<128x32xf32, #tpu.memory_space<vmem>>) offsets(%dma_start3A_197 : memref<128xi32, #tpu.memory_space<vmem>>) semaphore(%arg25 : memref<!tpu.dma_semaphore, #tpu.memory_space<semaphore_mem>>)
    %dma_start3A_201 = arith.constant 8 : i32
    %dma_start3A_202 = arith.constant 0 : i32
    %dma_start3A_203 = tpu.memref_slice %arg6[%dma_start3A_201, %dma_start3A_202] : memref<162x128xi32, #tpu.memory_space<vmem>> -> memref<1x128xi32, #tpu.memory_space<vmem>>
    %dma_start3A_204 = tpu.memref_squeeze %dma_start3A_203 : memref<1x128xi32, #tpu.memory_space<vmem>> -> memref<128xi32, #tpu.memory_space<vmem>>
    %dma_start3A_205 = arith.constant 0 : i32
    %dma_start3A_206 = arith.constant 0 : i32
    %dma_start3A_207 = tpu.memref_slice %arg37[%dma_start3A_205, %dma_start3A_206] : memref<10240x32xf32, #tpu.memory_space<vmem_shared>> -> memref<10240x32xf32, #tpu.memory_space<vmem_shared>>
    tpu.enqueue_indirect_dma source(%dma_start3A_207 : memref<10240x32xf32, #tpu.memory_space<vmem_shared>>) target(%arg16 : memref<128x32xf32, #tpu.memory_space<vmem>>) offsets(%dma_start3A_204 : memref<128xi32, #tpu.memory_space<vmem>>) semaphore(%arg26 : memref<!tpu.dma_semaphore, #tpu.memory_space<semaphore_mem>>)
    %scan3A_208 = arith.constant 0 : i32
    %scan3A_209 = arith.constant 17 : i32
    %scan3A_210 = arith.addi %scan3A_208, %scan3A_209 : i32
    %scan3A_211 = arith.constant 1 : i32
    scf.for %scan3A_407 = %scan3A_208 to %scan3A_210 step %scan3A_211  : i32 {
      %mul3A_408 = arith.constant 1 : i32
      %mul3A_409 = arith.muli %scan3A_407, %mul3A_408 : i32
      %add3A_410 = arith.constant 0 : i32
      %add3A_411 = arith.addi %add3A_410, %mul3A_409 : i32
      %mul3A_412 = arith.constant 9 : i32
      %mul3A_413 = arith.muli %add3A_411, %mul3A_412 : i32
      %add3A_414 = arith.constant 0 : i32
      %add3A_415 = arith.addi %mul3A_413, %add3A_414 : i32
      %dma_wait3A_416 = arith.constant 0 : i32
      %dma_wait3A_417 = tpu.memref_slice %arg6[%add3A_415, %dma_wait3A_416] : memref<162x128xi32, #tpu.memory_space<vmem>> -> memref<1x128xi32, #tpu.memory_space<vmem>>
      %dma_wait3A_418 = tpu.memref_squeeze %dma_wait3A_417 : memref<1x128xi32, #tpu.memory_space<vmem>> -> memref<128xi32, #tpu.memory_space<vmem>>
      %dma_wait3A_419 = arith.constant 0 : i32
      %dma_wait3A_420 = arith.constant 0 : i32
      %dma_wait3A_421 = tpu.memref_slice %arg37[%dma_wait3A_419, %dma_wait3A_420] : memref<10240x32xf32, #tpu.memory_space<vmem_shared>> -> memref<10240x32xf32, #tpu.memory_space<vmem_shared>>
      tpu.wait_indirect_dma semaphore(%arg18 : memref<!tpu.dma_semaphore, #tpu.memory_space<semaphore_mem>>) src(%dma_wait3A_421 : memref<10240x32xf32, #tpu.memory_space<vmem_shared>>) dst(%arg8 : memref<128x32xf32, #tpu.memory_space<vmem>>)
      %add3A_422 = arith.constant 0 : i32
      %add3A_423 = arith.addi %mul3A_413, %add3A_422 : i32
      %dma_start3A_424 = arith.constant 0 : i32
      %dma_start3A_425 = tpu.memref_slice %arg7[%add3A_423, %dma_start3A_424] : memref<162x128xi32, #tpu.memory_space<vmem>> -> memref<1x128xi32, #tpu.memory_space<vmem>>
      %dma_start3A_426 = tpu.memref_squeeze %dma_start3A_425 : memref<1x128xi32, #tpu.memory_space<vmem>> -> memref<128xi32, #tpu.memory_space<vmem>>
      %dma_start3A_427 = arith.constant 0 : i32
      %dma_start3A_428 = arith.constant 0 : i32
      %dma_start3A_429 = tpu.memref_slice %arg36[%dma_start3A_427, %dma_start3A_428] : memref<10240x32xf32, #tpu.memory_space<vmem_shared>> -> memref<10240x32xf32, #tpu.memory_space<vmem_shared>>
      tpu.enqueue_indirect_dma source(%arg8 : memref<128x32xf32, #tpu.memory_space<vmem>>) target(%dma_start3A_429 : memref<10240x32xf32, #tpu.memory_space<vmem_shared>>) offsets(%dma_start3A_426 : memref<128xi32, #tpu.memory_space<vmem>>) semaphore(%arg27 : memref<!tpu.dma_semaphore, #tpu.memory_space<semaphore_mem>>) {add = true}
      %add3A_430 = arith.constant 1 : i32
      %add3A_431 = arith.addi %mul3A_413, %add3A_430 : i32
      %dma_wait3A_432 = arith.constant 0 : i32
      %dma_wait3A_433 = tpu.memref_slice %arg6[%add3A_431, %dma_wait3A_432] : memref<162x128xi32, #tpu.memory_space<vmem>> -> memref<1x128xi32, #tpu.memory_space<vmem>>
      %dma_wait3A_434 = tpu.memref_squeeze %dma_wait3A_433 : memref<1x128xi32, #tpu.memory_space<vmem>> -> memref<128xi32, #tpu.memory_space<vmem>>
      %dma_wait3A_435 = arith.constant 0 : i32
      %dma_wait3A_436 = arith.constant 0 : i32
      %dma_wait3A_437 = tpu.memref_slice %arg37[%dma_wait3A_435, %dma_wait3A_436] : memref<10240x32xf32, #tpu.memory_space<vmem_shared>> -> memref<10240x32xf32, #tpu.memory_space<vmem_shared>>
      tpu.wait_indirect_dma semaphore(%arg19 : memref<!tpu.dma_semaphore, #tpu.memory_space<semaphore_mem>>) src(%dma_wait3A_437 : memref<10240x32xf32, #tpu.memory_space<vmem_shared>>) dst(%arg9 : memref<128x32xf32, #tpu.memory_space<vmem>>)
      %add3A_438 = arith.constant 1 : i32
      %add3A_439 = arith.addi %mul3A_413, %add3A_438 : i32
      %dma_start3A_440 = arith.constant 0 : i32
      %dma_start3A_441 = tpu.memref_slice %arg7[%add3A_439, %dma_start3A_440] : memref<162x128xi32, #tpu.memory_space<vmem>> -> memref<1x128xi32, #tpu.memory_space<vmem>>
      %dma_start3A_442 = tpu.memref_squeeze %dma_start3A_441 : memref<1x128xi32, #tpu.memory_space<vmem>> -> memref<128xi32, #tpu.memory_space<vmem>>
      %dma_start3A_443 = arith.constant 0 : i32
      %dma_start3A_444 = arith.constant 0 : i32
      %dma_start3A_445 = tpu.memref_slice %arg36[%dma_start3A_443, %dma_start3A_444] : memref<10240x32xf32, #tpu.memory_space<vmem_shared>> -> memref<10240x32xf32, #tpu.memory_space<vmem_shared>>
      tpu.enqueue_indirect_dma source(%arg9 : memref<128x32xf32, #tpu.memory_space<vmem>>) target(%dma_start3A_445 : memref<10240x32xf32, #tpu.memory_space<vmem_shared>>) offsets(%dma_start3A_442 : memref<128xi32, #tpu.memory_space<vmem>>) semaphore(%arg28 : memref<!tpu.dma_semaphore, #tpu.memory_space<semaphore_mem>>) {add = true}
      %add3A_446 = arith.constant 2 : i32
      %add3A_447 = arith.addi %mul3A_413, %add3A_446 : i32
      %dma_wait3A_448 = arith.constant 0 : i32
      %dma_wait3A_449 = tpu.memref_slice %arg6[%add3A_447, %dma_wait3A_448] : memref<162x128xi32, #tpu.memory_space<vmem>> -> memref<1x128xi32, #tpu.memory_space<vmem>>
      %dma_wait3A_450 = tpu.memref_squeeze %dma_wait3A_449 : memref<1x128xi32, #tpu.memory_space<vmem>> -> memref<128xi32, #tpu.memory_space<vmem>>
      %dma_wait3A_451 = arith.constant 0 : i32
      %dma_wait3A_452 = arith.constant 0 : i32
      %dma_wait3A_453 = tpu.memref_slice %arg37[%dma_wait3A_451, %dma_wait3A_452] : memref<10240x32xf32, #tpu.memory_space<vmem_shared>> -> memref<10240x32xf32, #tpu.memory_space<vmem_shared>>
      tpu.wait_indirect_dma semaphore(%arg20 : memref<!tpu.dma_semaphore, #tpu.memory_space<semaphore_mem>>) src(%dma_wait3A_453 : memref<10240x32xf32, #tpu.memory_space<vmem_shared>>) dst(%arg10 : memref<128x32xf32, #tpu.memory_space<vmem>>)
      %add3A_454 = arith.constant 2 : i32
      %add3A_455 = arith.addi %mul3A_413, %add3A_454 : i32
      %dma_start3A_456 = arith.constant 0 : i32
      %dma_start3A_457 = tpu.memref_slice %arg7[%add3A_455, %dma_start3A_456] : memref<162x128xi32, #tpu.memory_space<vmem>> -> memref<1x128xi32, #tpu.memory_space<vmem>>
      %dma_start3A_458 = tpu.memref_squeeze %dma_start3A_457 : memref<1x128xi32, #tpu.memory_space<vmem>> -> memref<128xi32, #tpu.memory_space<vmem>>
      %dma_start3A_459 = arith.constant 0 : i32
      %dma_start3A_460 = arith.constant 0 : i32
      %dma_start3A_461 = tpu.memref_slice %arg36[%dma_start3A_459, %dma_start3A_460] : memref<10240x32xf32, #tpu.memory_space<vmem_shared>> -> memref<10240x32xf32, #tpu.memory_space<vmem_shared>>
      tpu.enqueue_indirect_dma source(%arg10 : memref<128x32xf32, #tpu.memory_space<vmem>>) target(%dma_start3A_461 : memref<10240x32xf32, #tpu.memory_space<vmem_shared>>) offsets(%dma_start3A_458 : memref<128xi32, #tpu.memory_space<vmem>>) semaphore(%arg29 : memref<!tpu.dma_semaphore, #tpu.memory_space<semaphore_mem>>) {add = true}
      %add3A_462 = arith.constant 3 : i32
      %add3A_463 = arith.addi %mul3A_413, %add3A_462 : i32
      %dma_wait3A_464 = arith.constant 0 : i32
      %dma_wait3A_465 = tpu.memref_slice %arg6[%add3A_463, %dma_wait3A_464] : memref<162x128xi32, #tpu.memory_space<vmem>> -> memref<1x128xi32, #tpu.memory_space<vmem>>
      %dma_wait3A_466 = tpu.memref_squeeze %dma_wait3A_465 : memref<1x128xi32, #tpu.memory_space<vmem>> -> memref<128xi32, #tpu.memory_space<vmem>>
      %dma_wait3A_467 = arith.constant 0 : i32
      %dma_wait3A_468 = arith.constant 0 : i32
      %dma_wait3A_469 = tpu.memref_slice %arg37[%dma_wait3A_467, %dma_wait3A_468] : memref<10240x32xf32, #tpu.memory_space<vmem_shared>> -> memref<10240x32xf32, #tpu.memory_space<vmem_shared>>
      tpu.wait_indirect_dma semaphore(%arg21 : memref<!tpu.dma_semaphore, #tpu.memory_space<semaphore_mem>>) src(%dma_wait3A_469 : memref<10240x32xf32, #tpu.memory_space<vmem_shared>>) dst(%arg11 : memref<128x32xf32, #tpu.memory_space<vmem>>)
      %add3A_470 = arith.constant 3 : i32
      %add3A_471 = arith.addi %mul3A_413, %add3A_470 : i32
      %dma_start3A_472 = arith.constant 0 : i32
      %dma_start3A_473 = tpu.memref_slice %arg7[%add3A_471, %dma_start3A_472] : memref<162x128xi32, #tpu.memory_space<vmem>> -> memref<1x128xi32, #tpu.memory_space<vmem>>
      %dma_start3A_474 = tpu.memref_squeeze %dma_start3A_473 : memref<1x128xi32, #tpu.memory_space<vmem>> -> memref<128xi32, #tpu.memory_space<vmem>>
      %dma_start3A_475 = arith.constant 0 : i32
      %dma_start3A_476 = arith.constant 0 : i32
      %dma_start3A_477 = tpu.memref_slice %arg36[%dma_start3A_475, %dma_start3A_476] : memref<10240x32xf32, #tpu.memory_space<vmem_shared>> -> memref<10240x32xf32, #tpu.memory_space<vmem_shared>>
      tpu.enqueue_indirect_dma source(%arg11 : memref<128x32xf32, #tpu.memory_space<vmem>>) target(%dma_start3A_477 : memref<10240x32xf32, #tpu.memory_space<vmem_shared>>) offsets(%dma_start3A_474 : memref<128xi32, #tpu.memory_space<vmem>>) semaphore(%arg30 : memref<!tpu.dma_semaphore, #tpu.memory_space<semaphore_mem>>) {add = true}
      %add3A_478 = arith.constant 4 : i32
      %add3A_479 = arith.addi %mul3A_413, %add3A_478 : i32
      %dma_wait3A_480 = arith.constant 0 : i32
      %dma_wait3A_481 = tpu.memref_slice %arg6[%add3A_479, %dma_wait3A_480] : memref<162x128xi32, #tpu.memory_space<vmem>> -> memref<1x128xi32, #tpu.memory_space<vmem>>
      %dma_wait3A_482 = tpu.memref_squeeze %dma_wait3A_481 : memref<1x128xi32, #tpu.memory_space<vmem>> -> memref<128xi32, #tpu.memory_space<vmem>>
      %dma_wait3A_483 = arith.constant 0 : i32
      %dma_wait3A_484 = arith.constant 0 : i32
      %dma_wait3A_485 = tpu.memref_slice %arg37[%dma_wait3A_483, %dma_wait3A_484] : memref<10240x32xf32, #tpu.memory_space<vmem_shared>> -> memref<10240x32xf32, #tpu.memory_space<vmem_shared>>
      tpu.wait_indirect_dma semaphore(%arg22 : memref<!tpu.dma_semaphore, #tpu.memory_space<semaphore_mem>>) src(%dma_wait3A_485 : memref<10240x32xf32, #tpu.memory_space<vmem_shared>>) dst(%arg12 : memref<128x32xf32, #tpu.memory_space<vmem>>)
      %add3A_486 = arith.constant 4 : i32
      %add3A_487 = arith.addi %mul3A_413, %add3A_486 : i32
      %dma_start3A_488 = arith.constant 0 : i32
      %dma_start3A_489 = tpu.memref_slice %arg7[%add3A_487, %dma_start3A_488] : memref<162x128xi32, #tpu.memory_space<vmem>> -> memref<1x128xi32, #tpu.memory_space<vmem>>
      %dma_start3A_490 = tpu.memref_squeeze %dma_start3A_489 : memref<1x128xi32, #tpu.memory_space<vmem>> -> memref<128xi32, #tpu.memory_space<vmem>>
      %dma_start3A_491 = arith.constant 0 : i32
      %dma_start3A_492 = arith.constant 0 : i32
      %dma_start3A_493 = tpu.memref_slice %arg36[%dma_start3A_491, %dma_start3A_492] : memref<10240x32xf32, #tpu.memory_space<vmem_shared>> -> memref<10240x32xf32, #tpu.memory_space<vmem_shared>>
      tpu.enqueue_indirect_dma source(%arg12 : memref<128x32xf32, #tpu.memory_space<vmem>>) target(%dma_start3A_493 : memref<10240x32xf32, #tpu.memory_space<vmem_shared>>) offsets(%dma_start3A_490 : memref<128xi32, #tpu.memory_space<vmem>>) semaphore(%arg31 : memref<!tpu.dma_semaphore, #tpu.memory_space<semaphore_mem>>) {add = true}
      %add3A_494 = arith.constant 5 : i32
      %add3A_495 = arith.addi %mul3A_413, %add3A_494 : i32
      %dma_wait3A_496 = arith.constant 0 : i32
      %dma_wait3A_497 = tpu.memref_slice %arg6[%add3A_495, %dma_wait3A_496] : memref<162x128xi32, #tpu.memory_space<vmem>> -> memref<1x128xi32, #tpu.memory_space<vmem>>
      %dma_wait3A_498 = tpu.memref_squeeze %dma_wait3A_497 : memref<1x128xi32, #tpu.memory_space<vmem>> -> memref<128xi32, #tpu.memory_space<vmem>>
      %dma_wait3A_499 = arith.constant 0 : i32
      %dma_wait3A_500 = arith.constant 0 : i32
      %dma_wait3A_501 = tpu.memref_slice %arg37[%dma_wait3A_499, %dma_wait3A_500] : memref<10240x32xf32, #tpu.memory_space<vmem_shared>> -> memref<10240x32xf32, #tpu.memory_space<vmem_shared>>
      tpu.wait_indirect_dma semaphore(%arg23 : memref<!tpu.dma_semaphore, #tpu.memory_space<semaphore_mem>>) src(%dma_wait3A_501 : memref<10240x32xf32, #tpu.memory_space<vmem_shared>>) dst(%arg13 : memref<128x32xf32, #tpu.memory_space<vmem>>)
      %add3A_502 = arith.constant 5 : i32
      %add3A_503 = arith.addi %mul3A_413, %add3A_502 : i32
      %dma_start3A_504 = arith.constant 0 : i32
      %dma_start3A_505 = tpu.memref_slice %arg7[%add3A_503, %dma_start3A_504] : memref<162x128xi32, #tpu.memory_space<vmem>> -> memref<1x128xi32, #tpu.memory_space<vmem>>
      %dma_start3A_506 = tpu.memref_squeeze %dma_start3A_505 : memref<1x128xi32, #tpu.memory_space<vmem>> -> memref<128xi32, #tpu.memory_space<vmem>>
      %dma_start3A_507 = arith.constant 0 : i32
      %dma_start3A_508 = arith.constant 0 : i32
      %dma_start3A_509 = tpu.memref_slice %arg36[%dma_start3A_507, %dma_start3A_508] : memref<10240x32xf32, #tpu.memory_space<vmem_shared>> -> memref<10240x32xf32, #tpu.memory_space<vmem_shared>>
      tpu.enqueue_indirect_dma source(%arg13 : memref<128x32xf32, #tpu.memory_space<vmem>>) target(%dma_start3A_509 : memref<10240x32xf32, #tpu.memory_space<vmem_shared>>) offsets(%dma_start3A_506 : memref<128xi32, #tpu.memory_space<vmem>>) semaphore(%arg32 : memref<!tpu.dma_semaphore, #tpu.memory_space<semaphore_mem>>) {add = true}
      %add3A_510 = arith.constant 6 : i32
      %add3A_511 = arith.addi %mul3A_413, %add3A_510 : i32
      %dma_wait3A_512 = arith.constant 0 : i32
      %dma_wait3A_513 = tpu.memref_slice %arg6[%add3A_511, %dma_wait3A_512] : memref<162x128xi32, #tpu.memory_space<vmem>> -> memref<1x128xi32, #tpu.memory_space<vmem>>
      %dma_wait3A_514 = tpu.memref_squeeze %dma_wait3A_513 : memref<1x128xi32, #tpu.memory_space<vmem>> -> memref<128xi32, #tpu.memory_space<vmem>>
      %dma_wait3A_515 = arith.constant 0 : i32
      %dma_wait3A_516 = arith.constant 0 : i32
      %dma_wait3A_517 = tpu.memref_slice %arg37[%dma_wait3A_515, %dma_wait3A_516] : memref<10240x32xf32, #tpu.memory_space<vmem_shared>> -> memref<10240x32xf32, #tpu.memory_space<vmem_shared>>
      tpu.wait_indirect_dma semaphore(%arg24 : memref<!tpu.dma_semaphore, #tpu.memory_space<semaphore_mem>>) src(%dma_wait3A_517 : memref<10240x32xf32, #tpu.memory_space<vmem_shared>>) dst(%arg14 : memref<128x32xf32, #tpu.memory_space<vmem>>)
      %add3A_518 = arith.constant 6 : i32
      %add3A_519 = arith.addi %mul3A_413, %add3A_518 : i32
      %dma_start3A_520 = arith.constant 0 : i32
      %dma_start3A_521 = tpu.memref_slice %arg7[%add3A_519, %dma_start3A_520] : memref<162x128xi32, #tpu.memory_space<vmem>> -> memref<1x128xi32, #tpu.memory_space<vmem>>
      %dma_start3A_522 = tpu.memref_squeeze %dma_start3A_521 : memref<1x128xi32, #tpu.memory_space<vmem>> -> memref<128xi32, #tpu.memory_space<vmem>>
      %dma_start3A_523 = arith.constant 0 : i32
      %dma_start3A_524 = arith.constant 0 : i32
      %dma_start3A_525 = tpu.memref_slice %arg36[%dma_start3A_523, %dma_start3A_524] : memref<10240x32xf32, #tpu.memory_space<vmem_shared>> -> memref<10240x32xf32, #tpu.memory_space<vmem_shared>>
      tpu.enqueue_indirect_dma source(%arg14 : memref<128x32xf32, #tpu.memory_space<vmem>>) target(%dma_start3A_525 : memref<10240x32xf32, #tpu.memory_space<vmem_shared>>) offsets(%dma_start3A_522 : memref<128xi32, #tpu.memory_space<vmem>>) semaphore(%arg33 : memref<!tpu.dma_semaphore, #tpu.memory_space<semaphore_mem>>) {add = true}
      %add3A_526 = arith.constant 7 : i32
      %add3A_527 = arith.addi %mul3A_413, %add3A_526 : i32
      %dma_wait3A_528 = arith.constant 0 : i32
      %dma_wait3A_529 = tpu.memref_slice %arg6[%add3A_527, %dma_wait3A_528] : memref<162x128xi32, #tpu.memory_space<vmem>> -> memref<1x128xi32, #tpu.memory_space<vmem>>
      %dma_wait3A_530 = tpu.memref_squeeze %dma_wait3A_529 : memref<1x128xi32, #tpu.memory_space<vmem>> -> memref<128xi32, #tpu.memory_space<vmem>>
      %dma_wait3A_531 = arith.constant 0 : i32
      %dma_wait3A_532 = arith.constant 0 : i32
      %dma_wait3A_533 = tpu.memref_slice %arg37[%dma_wait3A_531, %dma_wait3A_532] : memref<10240x32xf32, #tpu.memory_space<vmem_shared>> -> memref<10240x32xf32, #tpu.memory_space<vmem_shared>>
      tpu.wait_indirect_dma semaphore(%arg25 : memref<!tpu.dma_semaphore, #tpu.memory_space<semaphore_mem>>) src(%dma_wait3A_533 : memref<10240x32xf32, #tpu.memory_space<vmem_shared>>) dst(%arg15 : memref<128x32xf32, #tpu.memory_space<vmem>>)
      %add3A_534 = arith.constant 7 : i32
      %add3A_535 = arith.addi %mul3A_413, %add3A_534 : i32
      %dma_start3A_536 = arith.constant 0 : i32
      %dma_start3A_537 = tpu.memref_slice %arg7[%add3A_535, %dma_start3A_536] : memref<162x128xi32, #tpu.memory_space<vmem>> -> memref<1x128xi32, #tpu.memory_space<vmem>>
      %dma_start3A_538 = tpu.memref_squeeze %dma_start3A_537 : memref<1x128xi32, #tpu.memory_space<vmem>> -> memref<128xi32, #tpu.memory_space<vmem>>
      %dma_start3A_539 = arith.constant 0 : i32
      %dma_start3A_540 = arith.constant 0 : i32
      %dma_start3A_541 = tpu.memref_slice %arg36[%dma_start3A_539, %dma_start3A_540] : memref<10240x32xf32, #tpu.memory_space<vmem_shared>> -> memref<10240x32xf32, #tpu.memory_space<vmem_shared>>
      tpu.enqueue_indirect_dma source(%arg15 : memref<128x32xf32, #tpu.memory_space<vmem>>) target(%dma_start3A_541 : memref<10240x32xf32, #tpu.memory_space<vmem_shared>>) offsets(%dma_start3A_538 : memref<128xi32, #tpu.memory_space<vmem>>) semaphore(%arg34 : memref<!tpu.dma_semaphore, #tpu.memory_space<semaphore_mem>>) {add = true}
      %add3A_542 = arith.constant 8 : i32
      %add3A_543 = arith.addi %mul3A_413, %add3A_542 : i32
      %dma_wait3A_544 = arith.constant 0 : i32
      %dma_wait3A_545 = tpu.memref_slice %arg6[%add3A_543, %dma_wait3A_544] : memref<162x128xi32, #tpu.memory_space<vmem>> -> memref<1x128xi32, #tpu.memory_space<vmem>>
      %dma_wait3A_546 = tpu.memref_squeeze %dma_wait3A_545 : memref<1x128xi32, #tpu.memory_space<vmem>> -> memref<128xi32, #tpu.memory_space<vmem>>
      %dma_wait3A_547 = arith.constant 0 : i32
      %dma_wait3A_548 = arith.constant 0 : i32
      %dma_wait3A_549 = tpu.memref_slice %arg37[%dma_wait3A_547, %dma_wait3A_548] : memref<10240x32xf32, #tpu.memory_space<vmem_shared>> -> memref<10240x32xf32, #tpu.memory_space<vmem_shared>>
      tpu.wait_indirect_dma semaphore(%arg26 : memref<!tpu.dma_semaphore, #tpu.memory_space<semaphore_mem>>) src(%dma_wait3A_549 : memref<10240x32xf32, #tpu.memory_space<vmem_shared>>) dst(%arg16 : memref<128x32xf32, #tpu.memory_space<vmem>>)
      %add3A_550 = arith.constant 8 : i32
      %add3A_551 = arith.addi %mul3A_413, %add3A_550 : i32
      %dma_start3A_552 = arith.constant 0 : i32
      %dma_start3A_553 = tpu.memref_slice %arg7[%add3A_551, %dma_start3A_552] : memref<162x128xi32, #tpu.memory_space<vmem>> -> memref<1x128xi32, #tpu.memory_space<vmem>>
      %dma_start3A_554 = tpu.memref_squeeze %dma_start3A_553 : memref<1x128xi32, #tpu.memory_space<vmem>> -> memref<128xi32, #tpu.memory_space<vmem>>
      %dma_start3A_555 = arith.constant 0 : i32
      %dma_start3A_556 = arith.constant 0 : i32
      %dma_start3A_557 = tpu.memref_slice %arg36[%dma_start3A_555, %dma_start3A_556] : memref<10240x32xf32, #tpu.memory_space<vmem_shared>> -> memref<10240x32xf32, #tpu.memory_space<vmem_shared>>
      tpu.enqueue_indirect_dma source(%arg16 : memref<128x32xf32, #tpu.memory_space<vmem>>) target(%dma_start3A_557 : memref<10240x32xf32, #tpu.memory_space<vmem_shared>>) offsets(%dma_start3A_554 : memref<128xi32, #tpu.memory_space<vmem>>) semaphore(%arg35 : memref<!tpu.dma_semaphore, #tpu.memory_space<semaphore_mem>>) {add = true}
      %add3A_558 = arith.constant 0 : i32
      %add3A_559 = arith.addi %mul3A_413, %add3A_558 : i32
      %dma_wait3A_560 = arith.constant 0 : i32
      %dma_wait3A_561 = tpu.memref_slice %arg7[%add3A_559, %dma_wait3A_560] : memref<162x128xi32, #tpu.memory_space<vmem>> -> memref<1x128xi32, #tpu.memory_space<vmem>>
      %dma_wait3A_562 = tpu.memref_squeeze %dma_wait3A_561 : memref<1x128xi32, #tpu.memory_space<vmem>> -> memref<128xi32, #tpu.memory_space<vmem>>
      %dma_wait3A_563 = arith.constant 0 : i32
      %dma_wait3A_564 = arith.constant 0 : i32
      %dma_wait3A_565 = tpu.memref_slice %arg36[%dma_wait3A_563, %dma_wait3A_564] : memref<10240x32xf32, #tpu.memory_space<vmem_shared>> -> memref<10240x32xf32, #tpu.memory_space<vmem_shared>>
      tpu.wait_indirect_dma semaphore(%arg27 : memref<!tpu.dma_semaphore, #tpu.memory_space<semaphore_mem>>) src(%arg8 : memref<128x32xf32, #tpu.memory_space<vmem>>) dst(%dma_wait3A_565 : memref<10240x32xf32, #tpu.memory_space<vmem_shared>>)
      %add3A_566 = arith.constant 9 : i32
      %add3A_567 = arith.addi %mul3A_413, %add3A_566 : i32
      %add3A_568 = arith.constant 0 : i32
      %add3A_569 = arith.addi %add3A_567, %add3A_568 : i32
      %dma_start3A_570 = arith.constant 0 : i32
      %dma_start3A_571 = tpu.memref_slice %arg6[%add3A_569, %dma_start3A_570] : memref<162x128xi32, #tpu.memory_space<vmem>> -> memref<1x128xi32, #tpu.memory_space<vmem>>
      %dma_start3A_572 = tpu.memref_squeeze %dma_start3A_571 : memref<1x128xi32, #tpu.memory_space<vmem>> -> memref<128xi32, #tpu.memory_space<vmem>>
      %dma_start3A_573 = arith.constant 0 : i32
      %dma_start3A_574 = arith.constant 0 : i32
      %dma_start3A_575 = tpu.memref_slice %arg37[%dma_start3A_573, %dma_start3A_574] : memref<10240x32xf32, #tpu.memory_space<vmem_shared>> -> memref<10240x32xf32, #tpu.memory_space<vmem_shared>>
      tpu.enqueue_indirect_dma source(%dma_start3A_575 : memref<10240x32xf32, #tpu.memory_space<vmem_shared>>) target(%arg8 : memref<128x32xf32, #tpu.memory_space<vmem>>) offsets(%dma_start3A_572 : memref<128xi32, #tpu.memory_space<vmem>>) semaphore(%arg18 : memref<!tpu.dma_semaphore, #tpu.memory_space<semaphore_mem>>)
      %add3A_576 = arith.constant 1 : i32
      %add3A_577 = arith.addi %mul3A_413, %add3A_576 : i32
      %dma_wait3A_578 = arith.constant 0 : i32
      %dma_wait3A_579 = tpu.memref_slice %arg7[%add3A_577, %dma_wait3A_578] : memref<162x128xi32, #tpu.memory_space<vmem>> -> memref<1x128xi32, #tpu.memory_space<vmem>>
      %dma_wait3A_580 = tpu.memref_squeeze %dma_wait3A_579 : memref<1x128xi32, #tpu.memory_space<vmem>> -> memref<128xi32, #tpu.memory_space<vmem>>
      %dma_wait3A_581 = arith.constant 0 : i32
      %dma_wait3A_582 = arith.constant 0 : i32
      %dma_wait3A_583 = tpu.memref_slice %arg36[%dma_wait3A_581, %dma_wait3A_582] : memref<10240x32xf32, #tpu.memory_space<vmem_shared>> -> memref<10240x32xf32, #tpu.memory_space<vmem_shared>>
      tpu.wait_indirect_dma semaphore(%arg28 : memref<!tpu.dma_semaphore, #tpu.memory_space<semaphore_mem>>) src(%arg9 : memref<128x32xf32, #tpu.memory_space<vmem>>) dst(%dma_wait3A_583 : memref<10240x32xf32, #tpu.memory_space<vmem_shared>>)
      %add3A_584 = arith.constant 9 : i32
      %add3A_585 = arith.addi %mul3A_413, %add3A_584 : i32
      %add3A_586 = arith.constant 1 : i32
      %add3A_587 = arith.addi %add3A_585, %add3A_586 : i32
      %dma_start3A_588 = arith.constant 0 : i32
      %dma_start3A_589 = tpu.memref_slice %arg6[%add3A_587, %dma_start3A_588] : memref<162x128xi32, #tpu.memory_space<vmem>> -> memref<1x128xi32, #tpu.memory_space<vmem>>
      %dma_start3A_590 = tpu.memref_squeeze %dma_start3A_589 : memref<1x128xi32, #tpu.memory_space<vmem>> -> memref<128xi32, #tpu.memory_space<vmem>>
      %dma_start3A_591 = arith.constant 0 : i32
      %dma_start3A_592 = arith.constant 0 : i32
      %dma_start3A_593 = tpu.memref_slice %arg37[%dma_start3A_591, %dma_start3A_592] : memref<10240x32xf32, #tpu.memory_space<vmem_shared>> -> memref<10240x32xf32, #tpu.memory_space<vmem_shared>>
      tpu.enqueue_indirect_dma source(%dma_start3A_593 : memref<10240x32xf32, #tpu.memory_space<vmem_shared>>) target(%arg9 : memref<128x32xf32, #tpu.memory_space<vmem>>) offsets(%dma_start3A_590 : memref<128xi32, #tpu.memory_space<vmem>>) semaphore(%arg19 : memref<!tpu.dma_semaphore, #tpu.memory_space<semaphore_mem>>)
      %add3A_594 = arith.constant 2 : i32
      %add3A_595 = arith.addi %mul3A_413, %add3A_594 : i32
      %dma_wait3A_596 = arith.constant 0 : i32
      %dma_wait3A_597 = tpu.memref_slice %arg7[%add3A_595, %dma_wait3A_596] : memref<162x128xi32, #tpu.memory_space<vmem>> -> memref<1x128xi32, #tpu.memory_space<vmem>>
      %dma_wait3A_598 = tpu.memref_squeeze %dma_wait3A_597 : memref<1x128xi32, #tpu.memory_space<vmem>> -> memref<128xi32, #tpu.memory_space<vmem>>
      %dma_wait3A_599 = arith.constant 0 : i32
      %dma_wait3A_600 = arith.constant 0 : i32
      %dma_wait3A_601 = tpu.memref_slice %arg36[%dma_wait3A_599, %dma_wait3A_600] : memref<10240x32xf32, #tpu.memory_space<vmem_shared>> -> memref<10240x32xf32, #tpu.memory_space<vmem_shared>>
      tpu.wait_indirect_dma semaphore(%arg29 : memref<!tpu.dma_semaphore, #tpu.memory_space<semaphore_mem>>) src(%arg10 : memref<128x32xf32, #tpu.memory_space<vmem>>) dst(%dma_wait3A_601 : memref<10240x32xf32, #tpu.memory_space<vmem_shared>>)
      %add3A_602 = arith.constant 9 : i32
      %add3A_603 = arith.addi %mul3A_413, %add3A_602 : i32
      %add3A_604 = arith.constant 2 : i32
      %add3A_605 = arith.addi %add3A_603, %add3A_604 : i32
      %dma_start3A_606 = arith.constant 0 : i32
      %dma_start3A_607 = tpu.memref_slice %arg6[%add3A_605, %dma_start3A_606] : memref<162x128xi32, #tpu.memory_space<vmem>> -> memref<1x128xi32, #tpu.memory_space<vmem>>
      %dma_start3A_608 = tpu.memref_squeeze %dma_start3A_607 : memref<1x128xi32, #tpu.memory_space<vmem>> -> memref<128xi32, #tpu.memory_space<vmem>>
      %dma_start3A_609 = arith.constant 0 : i32
      %dma_start3A_610 = arith.constant 0 : i32
      %dma_start3A_611 = tpu.memref_slice %arg37[%dma_start3A_609, %dma_start3A_610] : memref<10240x32xf32, #tpu.memory_space<vmem_shared>> -> memref<10240x32xf32, #tpu.memory_space<vmem_shared>>
      tpu.enqueue_indirect_dma source(%dma_start3A_611 : memref<10240x32xf32, #tpu.memory_space<vmem_shared>>) target(%arg10 : memref<128x32xf32, #tpu.memory_space<vmem>>) offsets(%dma_start3A_608 : memref<128xi32, #tpu.memory_space<vmem>>) semaphore(%arg20 : memref<!tpu.dma_semaphore, #tpu.memory_space<semaphore_mem>>)
      %add3A_612 = arith.constant 3 : i32
      %add3A_613 = arith.addi %mul3A_413, %add3A_612 : i32
      %dma_wait3A_614 = arith.constant 0 : i32
      %dma_wait3A_615 = tpu.memref_slice %arg7[%add3A_613, %dma_wait3A_614] : memref<162x128xi32, #tpu.memory_space<vmem>> -> memref<1x128xi32, #tpu.memory_space<vmem>>
      %dma_wait3A_616 = tpu.memref_squeeze %dma_wait3A_615 : memref<1x128xi32, #tpu.memory_space<vmem>> -> memref<128xi32, #tpu.memory_space<vmem>>
      %dma_wait3A_617 = arith.constant 0 : i32
      %dma_wait3A_618 = arith.constant 0 : i32
      %dma_wait3A_619 = tpu.memref_slice %arg36[%dma_wait3A_617, %dma_wait3A_618] : memref<10240x32xf32, #tpu.memory_space<vmem_shared>> -> memref<10240x32xf32, #tpu.memory_space<vmem_shared>>
      tpu.wait_indirect_dma semaphore(%arg30 : memref<!tpu.dma_semaphore, #tpu.memory_space<semaphore_mem>>) src(%arg11 : memref<128x32xf32, #tpu.memory_space<vmem>>) dst(%dma_wait3A_619 : memref<10240x32xf32, #tpu.memory_space<vmem_shared>>)
      %add3A_620 = arith.constant 9 : i32
      %add3A_621 = arith.addi %mul3A_413, %add3A_620 : i32
      %add3A_622 = arith.constant 3 : i32
      %add3A_623 = arith.addi %add3A_621, %add3A_622 : i32
      %dma_start3A_624 = arith.constant 0 : i32
      %dma_start3A_625 = tpu.memref_slice %arg6[%add3A_623, %dma_start3A_624] : memref<162x128xi32, #tpu.memory_space<vmem>> -> memref<1x128xi32, #tpu.memory_space<vmem>>
      %dma_start3A_626 = tpu.memref_squeeze %dma_start3A_625 : memref<1x128xi32, #tpu.memory_space<vmem>> -> memref<128xi32, #tpu.memory_space<vmem>>
      %dma_start3A_627 = arith.constant 0 : i32
      %dma_start3A_628 = arith.constant 0 : i32
      %dma_start3A_629 = tpu.memref_slice %arg37[%dma_start3A_627, %dma_start3A_628] : memref<10240x32xf32, #tpu.memory_space<vmem_shared>> -> memref<10240x32xf32, #tpu.memory_space<vmem_shared>>
      tpu.enqueue_indirect_dma source(%dma_start3A_629 : memref<10240x32xf32, #tpu.memory_space<vmem_shared>>) target(%arg11 : memref<128x32xf32, #tpu.memory_space<vmem>>) offsets(%dma_start3A_626 : memref<128xi32, #tpu.memory_space<vmem>>) semaphore(%arg21 : memref<!tpu.dma_semaphore, #tpu.memory_space<semaphore_mem>>)
      %add3A_630 = arith.constant 4 : i32
      %add3A_631 = arith.addi %mul3A_413, %add3A_630 : i32
      %dma_wait3A_632 = arith.constant 0 : i32
      %dma_wait3A_633 = tpu.memref_slice %arg7[%add3A_631, %dma_wait3A_632] : memref<162x128xi32, #tpu.memory_space<vmem>> -> memref<1x128xi32, #tpu.memory_space<vmem>>
      %dma_wait3A_634 = tpu.memref_squeeze %dma_wait3A_633 : memref<1x128xi32, #tpu.memory_space<vmem>> -> memref<128xi32, #tpu.memory_space<vmem>>
      %dma_wait3A_635 = arith.constant 0 : i32
      %dma_wait3A_636 = arith.constant 0 : i32
      %dma_wait3A_637 = tpu.memref_slice %arg36[%dma_wait3A_635, %dma_wait3A_636] : memref<10240x32xf32, #tpu.memory_space<vmem_shared>> -> memref<10240x32xf32, #tpu.memory_space<vmem_shared>>
      tpu.wait_indirect_dma semaphore(%arg31 : memref<!tpu.dma_semaphore, #tpu.memory_space<semaphore_mem>>) src(%arg12 : memref<128x32xf32, #tpu.memory_space<vmem>>) dst(%dma_wait3A_637 : memref<10240x32xf32, #tpu.memory_space<vmem_shared>>)
      %add3A_638 = arith.constant 9 : i32
      %add3A_639 = arith.addi %mul3A_413, %add3A_638 : i32
      %add3A_640 = arith.constant 4 : i32
      %add3A_641 = arith.addi %add3A_639, %add3A_640 : i32
      %dma_start3A_642 = arith.constant 0 : i32
      %dma_start3A_643 = tpu.memref_slice %arg6[%add3A_641, %dma_start3A_642] : memref<162x128xi32, #tpu.memory_space<vmem>> -> memref<1x128xi32, #tpu.memory_space<vmem>>
      %dma_start3A_644 = tpu.memref_squeeze %dma_start3A_643 : memref<1x128xi32, #tpu.memory_space<vmem>> -> memref<128xi32, #tpu.memory_space<vmem>>
      %dma_start3A_645 = arith.constant 0 : i32
      %dma_start3A_646 = arith.constant 0 : i32
      %dma_start3A_647 = tpu.memref_slice %arg37[%dma_start3A_645, %dma_start3A_646] : memref<10240x32xf32, #tpu.memory_space<vmem_shared>> -> memref<10240x32xf32, #tpu.memory_space<vmem_shared>>
      tpu.enqueue_indirect_dma source(%dma_start3A_647 : memref<10240x32xf32, #tpu.memory_space<vmem_shared>>) target(%arg12 : memref<128x32xf32, #tpu.memory_space<vmem>>) offsets(%dma_start3A_644 : memref<128xi32, #tpu.memory_space<vmem>>) semaphore(%arg22 : memref<!tpu.dma_semaphore, #tpu.memory_space<semaphore_mem>>)
      %add3A_648 = arith.constant 5 : i32
      %add3A_649 = arith.addi %mul3A_413, %add3A_648 : i32
      %dma_wait3A_650 = arith.constant 0 : i32
      %dma_wait3A_651 = tpu.memref_slice %arg7[%add3A_649, %dma_wait3A_650] : memref<162x128xi32, #tpu.memory_space<vmem>> -> memref<1x128xi32, #tpu.memory_space<vmem>>
      %dma_wait3A_652 = tpu.memref_squeeze %dma_wait3A_651 : memref<1x128xi32, #tpu.memory_space<vmem>> -> memref<128xi32, #tpu.memory_space<vmem>>
      %dma_wait3A_653 = arith.constant 0 : i32
      %dma_wait3A_654 = arith.constant 0 : i32
      %dma_wait3A_655 = tpu.memref_slice %arg36[%dma_wait3A_653, %dma_wait3A_654] : memref<10240x32xf32, #tpu.memory_space<vmem_shared>> -> memref<10240x32xf32, #tpu.memory_space<vmem_shared>>
      tpu.wait_indirect_dma semaphore(%arg32 : memref<!tpu.dma_semaphore, #tpu.memory_space<semaphore_mem>>) src(%arg13 : memref<128x32xf32, #tpu.memory_space<vmem>>) dst(%dma_wait3A_655 : memref<10240x32xf32, #tpu.memory_space<vmem_shared>>)
      %add3A_656 = arith.constant 9 : i32
      %add3A_657 = arith.addi %mul3A_413, %add3A_656 : i32
      %add3A_658 = arith.constant 5 : i32
      %add3A_659 = arith.addi %add3A_657, %add3A_658 : i32
      %dma_start3A_660 = arith.constant 0 : i32
      %dma_start3A_661 = tpu.memref_slice %arg6[%add3A_659, %dma_start3A_660] : memref<162x128xi32, #tpu.memory_space<vmem>> -> memref<1x128xi32, #tpu.memory_space<vmem>>
      %dma_start3A_662 = tpu.memref_squeeze %dma_start3A_661 : memref<1x128xi32, #tpu.memory_space<vmem>> -> memref<128xi32, #tpu.memory_space<vmem>>
      %dma_start3A_663 = arith.constant 0 : i32
      %dma_start3A_664 = arith.constant 0 : i32
      %dma_start3A_665 = tpu.memref_slice %arg37[%dma_start3A_663, %dma_start3A_664] : memref<10240x32xf32, #tpu.memory_space<vmem_shared>> -> memref<10240x32xf32, #tpu.memory_space<vmem_shared>>
      tpu.enqueue_indirect_dma source(%dma_start3A_665 : memref<10240x32xf32, #tpu.memory_space<vmem_shared>>) target(%arg13 : memref<128x32xf32, #tpu.memory_space<vmem>>) offsets(%dma_start3A_662 : memref<128xi32, #tpu.memory_space<vmem>>) semaphore(%arg23 : memref<!tpu.dma_semaphore, #tpu.memory_space<semaphore_mem>>)
      %add3A_666 = arith.constant 6 : i32
      %add3A_667 = arith.addi %mul3A_413, %add3A_666 : i32
      %dma_wait3A_668 = arith.constant 0 : i32
      %dma_wait3A_669 = tpu.memref_slice %arg7[%add3A_667, %dma_wait3A_668] : memref<162x128xi32, #tpu.memory_space<vmem>> -> memref<1x128xi32, #tpu.memory_space<vmem>>
      %dma_wait3A_670 = tpu.memref_squeeze %dma_wait3A_669 : memref<1x128xi32, #tpu.memory_space<vmem>> -> memref<128xi32, #tpu.memory_space<vmem>>
      %dma_wait3A_671 = arith.constant 0 : i32
      %dma_wait3A_672 = arith.constant 0 : i32
      %dma_wait3A_673 = tpu.memref_slice %arg36[%dma_wait3A_671, %dma_wait3A_672] : memref<10240x32xf32, #tpu.memory_space<vmem_shared>> -> memref<10240x32xf32, #tpu.memory_space<vmem_shared>>
      tpu.wait_indirect_dma semaphore(%arg33 : memref<!tpu.dma_semaphore, #tpu.memory_space<semaphore_mem>>) src(%arg14 : memref<128x32xf32, #tpu.memory_space<vmem>>) dst(%dma_wait3A_673 : memref<10240x32xf32, #tpu.memory_space<vmem_shared>>)
      %add3A_674 = arith.constant 9 : i32
      %add3A_675 = arith.addi %mul3A_413, %add3A_674 : i32
      %add3A_676 = arith.constant 6 : i32
      %add3A_677 = arith.addi %add3A_675, %add3A_676 : i32
      %dma_start3A_678 = arith.constant 0 : i32
      %dma_start3A_679 = tpu.memref_slice %arg6[%add3A_677, %dma_start3A_678] : memref<162x128xi32, #tpu.memory_space<vmem>> -> memref<1x128xi32, #tpu.memory_space<vmem>>
      %dma_start3A_680 = tpu.memref_squeeze %dma_start3A_679 : memref<1x128xi32, #tpu.memory_space<vmem>> -> memref<128xi32, #tpu.memory_space<vmem>>
      %dma_start3A_681 = arith.constant 0 : i32
      %dma_start3A_682 = arith.constant 0 : i32
      %dma_start3A_683 = tpu.memref_slice %arg37[%dma_start3A_681, %dma_start3A_682] : memref<10240x32xf32, #tpu.memory_space<vmem_shared>> -> memref<10240x32xf32, #tpu.memory_space<vmem_shared>>
      tpu.enqueue_indirect_dma source(%dma_start3A_683 : memref<10240x32xf32, #tpu.memory_space<vmem_shared>>) target(%arg14 : memref<128x32xf32, #tpu.memory_space<vmem>>) offsets(%dma_start3A_680 : memref<128xi32, #tpu.memory_space<vmem>>) semaphore(%arg24 : memref<!tpu.dma_semaphore, #tpu.memory_space<semaphore_mem>>)
      %add3A_684 = arith.constant 7 : i32
      %add3A_685 = arith.addi %mul3A_413, %add3A_684 : i32
      %dma_wait3A_686 = arith.constant 0 : i32
      %dma_wait3A_687 = tpu.memref_slice %arg7[%add3A_685, %dma_wait3A_686] : memref<162x128xi32, #tpu.memory_space<vmem>> -> memref<1x128xi32, #tpu.memory_space<vmem>>
      %dma_wait3A_688 = tpu.memref_squeeze %dma_wait3A_687 : memref<1x128xi32, #tpu.memory_space<vmem>> -> memref<128xi32, #tpu.memory_space<vmem>>
      %dma_wait3A_689 = arith.constant 0 : i32
      %dma_wait3A_690 = arith.constant 0 : i32
      %dma_wait3A_691 = tpu.memref_slice %arg36[%dma_wait3A_689, %dma_wait3A_690] : memref<10240x32xf32, #tpu.memory_space<vmem_shared>> -> memref<10240x32xf32, #tpu.memory_space<vmem_shared>>
      tpu.wait_indirect_dma semaphore(%arg34 : memref<!tpu.dma_semaphore, #tpu.memory_space<semaphore_mem>>) src(%arg15 : memref<128x32xf32, #tpu.memory_space<vmem>>) dst(%dma_wait3A_691 : memref<10240x32xf32, #tpu.memory_space<vmem_shared>>)
      %add3A_692 = arith.constant 9 : i32
      %add3A_693 = arith.addi %mul3A_413, %add3A_692 : i32
      %add3A_694 = arith.constant 7 : i32
      %add3A_695 = arith.addi %add3A_693, %add3A_694 : i32
      %dma_start3A_696 = arith.constant 0 : i32
      %dma_start3A_697 = tpu.memref_slice %arg6[%add3A_695, %dma_start3A_696] : memref<162x128xi32, #tpu.memory_space<vmem>> -> memref<1x128xi32, #tpu.memory_space<vmem>>
      %dma_start3A_698 = tpu.memref_squeeze %dma_start3A_697 : memref<1x128xi32, #tpu.memory_space<vmem>> -> memref<128xi32, #tpu.memory_space<vmem>>
      %dma_start3A_699 = arith.constant 0 : i32
      %dma_start3A_700 = arith.constant 0 : i32
      %dma_start3A_701 = tpu.memref_slice %arg37[%dma_start3A_699, %dma_start3A_700] : memref<10240x32xf32, #tpu.memory_space<vmem_shared>> -> memref<10240x32xf32, #tpu.memory_space<vmem_shared>>
      tpu.enqueue_indirect_dma source(%dma_start3A_701 : memref<10240x32xf32, #tpu.memory_space<vmem_shared>>) target(%arg15 : memref<128x32xf32, #tpu.memory_space<vmem>>) offsets(%dma_start3A_698 : memref<128xi32, #tpu.memory_space<vmem>>) semaphore(%arg25 : memref<!tpu.dma_semaphore, #tpu.memory_space<semaphore_mem>>)
      %add3A_702 = arith.constant 8 : i32
      %add3A_703 = arith.addi %mul3A_413, %add3A_702 : i32
      %dma_wait3A_704 = arith.constant 0 : i32
      %dma_wait3A_705 = tpu.memref_slice %arg7[%add3A_703, %dma_wait3A_704] : memref<162x128xi32, #tpu.memory_space<vmem>> -> memref<1x128xi32, #tpu.memory_space<vmem>>
      %dma_wait3A_706 = tpu.memref_squeeze %dma_wait3A_705 : memref<1x128xi32, #tpu.memory_space<vmem>> -> memref<128xi32, #tpu.memory_space<vmem>>
      %dma_wait3A_707 = arith.constant 0 : i32
      %dma_wait3A_708 = arith.constant 0 : i32
      %dma_wait3A_709 = tpu.memref_slice %arg36[%dma_wait3A_707, %dma_wait3A_708] : memref<10240x32xf32, #tpu.memory_space<vmem_shared>> -> memref<10240x32xf32, #tpu.memory_space<vmem_shared>>
      tpu.wait_indirect_dma semaphore(%arg35 : memref<!tpu.dma_semaphore, #tpu.memory_space<semaphore_mem>>) src(%arg16 : memref<128x32xf32, #tpu.memory_space<vmem>>) dst(%dma_wait3A_709 : memref<10240x32xf32, #tpu.memory_space<vmem_shared>>)
      %add3A_710 = arith.constant 9 : i32
      %add3A_711 = arith.addi %mul3A_413, %add3A_710 : i32
      %add3A_712 = arith.constant 8 : i32
      %add3A_713 = arith.addi %add3A_711, %add3A_712 : i32
      %dma_start3A_714 = arith.constant 0 : i32
      %dma_start3A_715 = tpu.memref_slice %arg6[%add3A_713, %dma_start3A_714] : memref<162x128xi32, #tpu.memory_space<vmem>> -> memref<1x128xi32, #tpu.memory_space<vmem>>
      %dma_start3A_716 = tpu.memref_squeeze %dma_start3A_715 : memref<1x128xi32, #tpu.memory_space<vmem>> -> memref<128xi32, #tpu.memory_space<vmem>>
      %dma_start3A_717 = arith.constant 0 : i32
      %dma_start3A_718 = arith.constant 0 : i32
      %dma_start3A_719 = tpu.memref_slice %arg37[%dma_start3A_717, %dma_start3A_718] : memref<10240x32xf32, #tpu.memory_space<vmem_shared>> -> memref<10240x32xf32, #tpu.memory_space<vmem_shared>>
      tpu.enqueue_indirect_dma source(%dma_start3A_719 : memref<10240x32xf32, #tpu.memory_space<vmem_shared>>) target(%arg16 : memref<128x32xf32, #tpu.memory_space<vmem>>) offsets(%dma_start3A_716 : memref<128xi32, #tpu.memory_space<vmem>>) semaphore(%arg26 : memref<!tpu.dma_semaphore, #tpu.memory_space<semaphore_mem>>)
    }
    %scan3A_212 = arith.constant 17 : i32
    %dma_wait3A_213 = arith.constant 153 : i32
    %dma_wait3A_214 = arith.constant 0 : i32
    %dma_wait3A_215 = tpu.memref_slice %arg6[%dma_wait3A_213, %dma_wait3A_214] : memref<162x128xi32, #tpu.memory_space<vmem>> -> memref<1x128xi32, #tpu.memory_space<vmem>>
    %dma_wait3A_216 = tpu.memref_squeeze %dma_wait3A_215 : memref<1x128xi32, #tpu.memory_space<vmem>> -> memref<128xi32, #tpu.memory_space<vmem>>
    %dma_wait3A_217 = arith.constant 0 : i32
    %dma_wait3A_218 = arith.constant 0 : i32
    %dma_wait3A_219 = tpu.memref_slice %arg37[%dma_wait3A_217, %dma_wait3A_218] : memref<10240x32xf32, #tpu.memory_space<vmem_shared>> -> memref<10240x32xf32, #tpu.memory_space<vmem_shared>>
    tpu.wait_indirect_dma semaphore(%arg18 : memref<!tpu.dma_semaphore, #tpu.memory_space<semaphore_mem>>) src(%dma_wait3A_219 : memref<10240x32xf32, #tpu.memory_space<vmem_shared>>) dst(%arg8 : memref<128x32xf32, #tpu.memory_space<vmem>>)
    %dma_start3A_220 = arith.constant 153 : i32
    %dma_start3A_221 = arith.constant 0 : i32
    %dma_start3A_222 = tpu.memref_slice %arg7[%dma_start3A_220, %dma_start3A_221] : memref<162x128xi32, #tpu.memory_space<vmem>> -> memref<1x128xi32, #tpu.memory_space<vmem>>
    %dma_start3A_223 = tpu.memref_squeeze %dma_start3A_222 : memref<1x128xi32, #tpu.memory_space<vmem>> -> memref<128xi32, #tpu.memory_space<vmem>>
    %dma_start3A_224 = arith.constant 0 : i32
    %dma_start3A_225 = arith.constant 0 : i32
    %dma_start3A_226 = tpu.memref_slice %arg36[%dma_start3A_224, %dma_start3A_225] : memref<10240x32xf32, #tpu.memory_space<vmem_shared>> -> memref<10240x32xf32, #tpu.memory_space<vmem_shared>>
    tpu.enqueue_indirect_dma source(%arg8 : memref<128x32xf32, #tpu.memory_space<vmem>>) target(%dma_start3A_226 : memref<10240x32xf32, #tpu.memory_space<vmem_shared>>) offsets(%dma_start3A_223 : memref<128xi32, #tpu.memory_space<vmem>>) semaphore(%arg27 : memref<!tpu.dma_semaphore, #tpu.memory_space<semaphore_mem>>) {add = true}
    %dma_wait3A_227 = arith.constant 154 : i32
    %dma_wait3A_228 = arith.constant 0 : i32
    %dma_wait3A_229 = tpu.memref_slice %arg6[%dma_wait3A_227, %dma_wait3A_228] : memref<162x128xi32, #tpu.memory_space<vmem>> -> memref<1x128xi32, #tpu.memory_space<vmem>>
    %dma_wait3A_230 = tpu.memref_squeeze %dma_wait3A_229 : memref<1x128xi32, #tpu.memory_space<vmem>> -> memref<128xi32, #tpu.memory_space<vmem>>
    %dma_wait3A_231 = arith.constant 0 : i32
    %dma_wait3A_232 = arith.constant 0 : i32
    %dma_wait3A_233 = tpu.memref_slice %arg37[%dma_wait3A_231, %dma_wait3A_232] : memref<10240x32xf32, #tpu.memory_space<vmem_shared>> -> memref<10240x32xf32, #tpu.memory_space<vmem_shared>>
    tpu.wait_indirect_dma semaphore(%arg19 : memref<!tpu.dma_semaphore, #tpu.memory_space<semaphore_mem>>) src(%dma_wait3A_233 : memref<10240x32xf32, #tpu.memory_space<vmem_shared>>) dst(%arg9 : memref<128x32xf32, #tpu.memory_space<vmem>>)
    %dma_start3A_234 = arith.constant 154 : i32
    %dma_start3A_235 = arith.constant 0 : i32
    %dma_start3A_236 = tpu.memref_slice %arg7[%dma_start3A_234, %dma_start3A_235] : memref<162x128xi32, #tpu.memory_space<vmem>> -> memref<1x128xi32, #tpu.memory_space<vmem>>
    %dma_start3A_237 = tpu.memref_squeeze %dma_start3A_236 : memref<1x128xi32, #tpu.memory_space<vmem>> -> memref<128xi32, #tpu.memory_space<vmem>>
    %dma_start3A_238 = arith.constant 0 : i32
    %dma_start3A_239 = arith.constant 0 : i32
    %dma_start3A_240 = tpu.memref_slice %arg36[%dma_start3A_238, %dma_start3A_239] : memref<10240x32xf32, #tpu.memory_space<vmem_shared>> -> memref<10240x32xf32, #tpu.memory_space<vmem_shared>>
    tpu.enqueue_indirect_dma source(%arg9 : memref<128x32xf32, #tpu.memory_space<vmem>>) target(%dma_start3A_240 : memref<10240x32xf32, #tpu.memory_space<vmem_shared>>) offsets(%dma_start3A_237 : memref<128xi32, #tpu.memory_space<vmem>>) semaphore(%arg28 : memref<!tpu.dma_semaphore, #tpu.memory_space<semaphore_mem>>) {add = true}
    %dma_wait3A_241 = arith.constant 155 : i32
    %dma_wait3A_242 = arith.constant 0 : i32
    %dma_wait3A_243 = tpu.memref_slice %arg6[%dma_wait3A_241, %dma_wait3A_242] : memref<162x128xi32, #tpu.memory_space<vmem>> -> memref<1x128xi32, #tpu.memory_space<vmem>>
    %dma_wait3A_244 = tpu.memref_squeeze %dma_wait3A_243 : memref<1x128xi32, #tpu.memory_space<vmem>> -> memref<128xi32, #tpu.memory_space<vmem>>
    %dma_wait3A_245 = arith.constant 0 : i32
    %dma_wait3A_246 = arith.constant 0 : i32
    %dma_wait3A_247 = tpu.memref_slice %arg37[%dma_wait3A_245, %dma_wait3A_246] : memref<10240x32xf32, #tpu.memory_space<vmem_shared>> -> memref<10240x32xf32, #tpu.memory_space<vmem_shared>>
    tpu.wait_indirect_dma semaphore(%arg20 : memref<!tpu.dma_semaphore, #tpu.memory_space<semaphore_mem>>) src(%dma_wait3A_247 : memref<10240x32xf32, #tpu.memory_space<vmem_shared>>) dst(%arg10 : memref<128x32xf32, #tpu.memory_space<vmem>>)
    %dma_start3A_248 = arith.constant 155 : i32
    %dma_start3A_249 = arith.constant 0 : i32
    %dma_start3A_250 = tpu.memref_slice %arg7[%dma_start3A_248, %dma_start3A_249] : memref<162x128xi32, #tpu.memory_space<vmem>> -> memref<1x128xi32, #tpu.memory_space<vmem>>
    %dma_start3A_251 = tpu.memref_squeeze %dma_start3A_250 : memref<1x128xi32, #tpu.memory_space<vmem>> -> memref<128xi32, #tpu.memory_space<vmem>>
    %dma_start3A_252 = arith.constant 0 : i32
    %dma_start3A_253 = arith.constant 0 : i32
    %dma_start3A_254 = tpu.memref_slice %arg36[%dma_start3A_252, %dma_start3A_253] : memref<10240x32xf32, #tpu.memory_space<vmem_shared>> -> memref<10240x32xf32, #tpu.memory_space<vmem_shared>>
    tpu.enqueue_indirect_dma source(%arg10 : memref<128x32xf32, #tpu.memory_space<vmem>>) target(%dma_start3A_254 : memref<10240x32xf32, #tpu.memory_space<vmem_shared>>) offsets(%dma_start3A_251 : memref<128xi32, #tpu.memory_space<vmem>>) semaphore(%arg29 : memref<!tpu.dma_semaphore, #tpu.memory_space<semaphore_mem>>) {add = true}
    %dma_wait3A_255 = arith.constant 156 : i32
    %dma_wait3A_256 = arith.constant 0 : i32
    %dma_wait3A_257 = tpu.memref_slice %arg6[%dma_wait3A_255, %dma_wait3A_256] : memref<162x128xi32, #tpu.memory_space<vmem>> -> memref<1x128xi32, #tpu.memory_space<vmem>>
    %dma_wait3A_258 = tpu.memref_squeeze %dma_wait3A_257 : memref<1x128xi32, #tpu.memory_space<vmem>> -> memref<128xi32, #tpu.memory_space<vmem>>
    %dma_wait3A_259 = arith.constant 0 : i32
    %dma_wait3A_260 = arith.constant 0 : i32
    %dma_wait3A_261 = tpu.memref_slice %arg37[%dma_wait3A_259, %dma_wait3A_260] : memref<10240x32xf32, #tpu.memory_space<vmem_shared>> -> memref<10240x32xf32, #tpu.memory_space<vmem_shared>>
    tpu.wait_indirect_dma semaphore(%arg21 : memref<!tpu.dma_semaphore, #tpu.memory_space<semaphore_mem>>) src(%dma_wait3A_261 : memref<10240x32xf32, #tpu.memory_space<vmem_shared>>) dst(%arg11 : memref<128x32xf32, #tpu.memory_space<vmem>>)
    %dma_start3A_262 = arith.constant 156 : i32
    %dma_start3A_263 = arith.constant 0 : i32
    %dma_start3A_264 = tpu.memref_slice %arg7[%dma_start3A_262, %dma_start3A_263] : memref<162x128xi32, #tpu.memory_space<vmem>> -> memref<1x128xi32, #tpu.memory_space<vmem>>
    %dma_start3A_265 = tpu.memref_squeeze %dma_start3A_264 : memref<1x128xi32, #tpu.memory_space<vmem>> -> memref<128xi32, #tpu.memory_space<vmem>>
    %dma_start3A_266 = arith.constant 0 : i32
    %dma_start3A_267 = arith.constant 0 : i32
    %dma_start3A_268 = tpu.memref_slice %arg36[%dma_start3A_266, %dma_start3A_267] : memref<10240x32xf32, #tpu.memory_space<vmem_shared>> -> memref<10240x32xf32, #tpu.memory_space<vmem_shared>>
    tpu.enqueue_indirect_dma source(%arg11 : memref<128x32xf32, #tpu.memory_space<vmem>>) target(%dma_start3A_268 : memref<10240x32xf32, #tpu.memory_space<vmem_shared>>) offsets(%dma_start3A_265 : memref<128xi32, #tpu.memory_space<vmem>>) semaphore(%arg30 : memref<!tpu.dma_semaphore, #tpu.memory_space<semaphore_mem>>) {add = true}
    %dma_wait3A_269 = arith.constant 157 : i32
    %dma_wait3A_270 = arith.constant 0 : i32
    %dma_wait3A_271 = tpu.memref_slice %arg6[%dma_wait3A_269, %dma_wait3A_270] : memref<162x128xi32, #tpu.memory_space<vmem>> -> memref<1x128xi32, #tpu.memory_space<vmem>>
    %dma_wait3A_272 = tpu.memref_squeeze %dma_wait3A_271 : memref<1x128xi32, #tpu.memory_space<vmem>> -> memref<128xi32, #tpu.memory_space<vmem>>
    %dma_wait3A_273 = arith.constant 0 : i32
    %dma_wait3A_274 = arith.constant 0 : i32
    %dma_wait3A_275 = tpu.memref_slice %arg37[%dma_wait3A_273, %dma_wait3A_274] : memref<10240x32xf32, #tpu.memory_space<vmem_shared>> -> memref<10240x32xf32, #tpu.memory_space<vmem_shared>>
    tpu.wait_indirect_dma semaphore(%arg22 : memref<!tpu.dma_semaphore, #tpu.memory_space<semaphore_mem>>) src(%dma_wait3A_275 : memref<10240x32xf32, #tpu.memory_space<vmem_shared>>) dst(%arg12 : memref<128x32xf32, #tpu.memory_space<vmem>>)
    %dma_start3A_276 = arith.constant 157 : i32
    %dma_start3A_277 = arith.constant 0 : i32
    %dma_start3A_278 = tpu.memref_slice %arg7[%dma_start3A_276, %dma_start3A_277] : memref<162x128xi32, #tpu.memory_space<vmem>> -> memref<1x128xi32, #tpu.memory_space<vmem>>
    %dma_start3A_279 = tpu.memref_squeeze %dma_start3A_278 : memref<1x128xi32, #tpu.memory_space<vmem>> -> memref<128xi32, #tpu.memory_space<vmem>>
    %dma_start3A_280 = arith.constant 0 : i32
    %dma_start3A_281 = arith.constant 0 : i32
    %dma_start3A_282 = tpu.memref_slice %arg36[%dma_start3A_280, %dma_start3A_281] : memref<10240x32xf32, #tpu.memory_space<vmem_shared>> -> memref<10240x32xf32, #tpu.memory_space<vmem_shared>>
    tpu.enqueue_indirect_dma source(%arg12 : memref<128x32xf32, #tpu.memory_space<vmem>>) target(%dma_start3A_282 : memref<10240x32xf32, #tpu.memory_space<vmem_shared>>) offsets(%dma_start3A_279 : memref<128xi32, #tpu.memory_space<vmem>>) semaphore(%arg31 : memref<!tpu.dma_semaphore, #tpu.memory_space<semaphore_mem>>) {add = true}
    %dma_wait3A_283 = arith.constant 158 : i32
    %dma_wait3A_284 = arith.constant 0 : i32
    %dma_wait3A_285 = tpu.memref_slice %arg6[%dma_wait3A_283, %dma_wait3A_284] : memref<162x128xi32, #tpu.memory_space<vmem>> -> memref<1x128xi32, #tpu.memory_space<vmem>>
    %dma_wait3A_286 = tpu.memref_squeeze %dma_wait3A_285 : memref<1x128xi32, #tpu.memory_space<vmem>> -> memref<128xi32, #tpu.memory_space<vmem>>
    %dma_wait3A_287 = arith.constant 0 : i32
    %dma_wait3A_288 = arith.constant 0 : i32
    %dma_wait3A_289 = tpu.memref_slice %arg37[%dma_wait3A_287, %dma_wait3A_288] : memref<10240x32xf32, #tpu.memory_space<vmem_shared>> -> memref<10240x32xf32, #tpu.memory_space<vmem_shared>>
    tpu.wait_indirect_dma semaphore(%arg23 : memref<!tpu.dma_semaphore, #tpu.memory_space<semaphore_mem>>) src(%dma_wait3A_289 : memref<10240x32xf32, #tpu.memory_space<vmem_shared>>) dst(%arg13 : memref<128x32xf32, #tpu.memory_space<vmem>>)
    %dma_start3A_290 = arith.constant 158 : i32
    %dma_start3A_291 = arith.constant 0 : i32
    %dma_start3A_292 = tpu.memref_slice %arg7[%dma_start3A_290, %dma_start3A_291] : memref<162x128xi32, #tpu.memory_space<vmem>> -> memref<1x128xi32, #tpu.memory_space<vmem>>
    %dma_start3A_293 = tpu.memref_squeeze %dma_start3A_292 : memref<1x128xi32, #tpu.memory_space<vmem>> -> memref<128xi32, #tpu.memory_space<vmem>>
    %dma_start3A_294 = arith.constant 0 : i32
    %dma_start3A_295 = arith.constant 0 : i32
    %dma_start3A_296 = tpu.memref_slice %arg36[%dma_start3A_294, %dma_start3A_295] : memref<10240x32xf32, #tpu.memory_space<vmem_shared>> -> memref<10240x32xf32, #tpu.memory_space<vmem_shared>>
    tpu.enqueue_indirect_dma source(%arg13 : memref<128x32xf32, #tpu.memory_space<vmem>>) target(%dma_start3A_296 : memref<10240x32xf32, #tpu.memory_space<vmem_shared>>) offsets(%dma_start3A_293 : memref<128xi32, #tpu.memory_space<vmem>>) semaphore(%arg32 : memref<!tpu.dma_semaphore, #tpu.memory_space<semaphore_mem>>) {add = true}
    %dma_wait3A_297 = arith.constant 159 : i32
    %dma_wait3A_298 = arith.constant 0 : i32
    %dma_wait3A_299 = tpu.memref_slice %arg6[%dma_wait3A_297, %dma_wait3A_298] : memref<162x128xi32, #tpu.memory_space<vmem>> -> memref<1x128xi32, #tpu.memory_space<vmem>>
    %dma_wait3A_300 = tpu.memref_squeeze %dma_wait3A_299 : memref<1x128xi32, #tpu.memory_space<vmem>> -> memref<128xi32, #tpu.memory_space<vmem>>
    %dma_wait3A_301 = arith.constant 0 : i32
    %dma_wait3A_302 = arith.constant 0 : i32
    %dma_wait3A_303 = tpu.memref_slice %arg37[%dma_wait3A_301, %dma_wait3A_302] : memref<10240x32xf32, #tpu.memory_space<vmem_shared>> -> memref<10240x32xf32, #tpu.memory_space<vmem_shared>>
    tpu.wait_indirect_dma semaphore(%arg24 : memref<!tpu.dma_semaphore, #tpu.memory_space<semaphore_mem>>) src(%dma_wait3A_303 : memref<10240x32xf32, #tpu.memory_space<vmem_shared>>) dst(%arg14 : memref<128x32xf32, #tpu.memory_space<vmem>>)
    %dma_start3A_304 = arith.constant 159 : i32
    %dma_start3A_305 = arith.constant 0 : i32
    %dma_start3A_306 = tpu.memref_slice %arg7[%dma_start3A_304, %dma_start3A_305] : memref<162x128xi32, #tpu.memory_space<vmem>> -> memref<1x128xi32, #tpu.memory_space<vmem>>
    %dma_start3A_307 = tpu.memref_squeeze %dma_start3A_306 : memref<1x128xi32, #tpu.memory_space<vmem>> -> memref<128xi32, #tpu.memory_space<vmem>>
    %dma_start3A_308 = arith.constant 0 : i32
    %dma_start3A_309 = arith.constant 0 : i32
    %dma_start3A_310 = tpu.memref_slice %arg36[%dma_start3A_308, %dma_start3A_309] : memref<10240x32xf32, #tpu.memory_space<vmem_shared>> -> memref<10240x32xf32, #tpu.memory_space<vmem_shared>>
    tpu.enqueue_indirect_dma source(%arg14 : memref<128x32xf32, #tpu.memory_space<vmem>>) target(%dma_start3A_310 : memref<10240x32xf32, #tpu.memory_space<vmem_shared>>) offsets(%dma_start3A_307 : memref<128xi32, #tpu.memory_space<vmem>>) semaphore(%arg33 : memref<!tpu.dma_semaphore, #tpu.memory_space<semaphore_mem>>) {add = true}
    %dma_wait3A_311 = arith.constant 160 : i32
    %dma_wait3A_312 = arith.constant 0 : i32
    %dma_wait3A_313 = tpu.memref_slice %arg6[%dma_wait3A_311, %dma_wait3A_312] : memref<162x128xi32, #tpu.memory_space<vmem>> -> memref<1x128xi32, #tpu.memory_space<vmem>>
    %dma_wait3A_314 = tpu.memref_squeeze %dma_wait3A_313 : memref<1x128xi32, #tpu.memory_space<vmem>> -> memref<128xi32, #tpu.memory_space<vmem>>
    %dma_wait3A_315 = arith.constant 0 : i32
    %dma_wait3A_316 = arith.constant 0 : i32
    %dma_wait3A_317 = tpu.memref_slice %arg37[%dma_wait3A_315, %dma_wait3A_316] : memref<10240x32xf32, #tpu.memory_space<vmem_shared>> -> memref<10240x32xf32, #tpu.memory_space<vmem_shared>>
    tpu.wait_indirect_dma semaphore(%arg25 : memref<!tpu.dma_semaphore, #tpu.memory_space<semaphore_mem>>) src(%dma_wait3A_317 : memref<10240x32xf32, #tpu.memory_space<vmem_shared>>) dst(%arg15 : memref<128x32xf32, #tpu.memory_space<vmem>>)
    %dma_start3A_318 = arith.constant 160 : i32
    %dma_start3A_319 = arith.constant 0 : i32
    %dma_start3A_320 = tpu.memref_slice %arg7[%dma_start3A_318, %dma_start3A_319] : memref<162x128xi32, #tpu.memory_space<vmem>> -> memref<1x128xi32, #tpu.memory_space<vmem>>
    %dma_start3A_321 = tpu.memref_squeeze %dma_start3A_320 : memref<1x128xi32, #tpu.memory_space<vmem>> -> memref<128xi32, #tpu.memory_space<vmem>>
    %dma_start3A_322 = arith.constant 0 : i32
    %dma_start3A_323 = arith.constant 0 : i32
    %dma_start3A_324 = tpu.memref_slice %arg36[%dma_start3A_322, %dma_start3A_323] : memref<10240x32xf32, #tpu.memory_space<vmem_shared>> -> memref<10240x32xf32, #tpu.memory_space<vmem_shared>>
    tpu.enqueue_indirect_dma source(%arg15 : memref<128x32xf32, #tpu.memory_space<vmem>>) target(%dma_start3A_324 : memref<10240x32xf32, #tpu.memory_space<vmem_shared>>) offsets(%dma_start3A_321 : memref<128xi32, #tpu.memory_space<vmem>>) semaphore(%arg34 : memref<!tpu.dma_semaphore, #tpu.memory_space<semaphore_mem>>) {add = true}
    %dma_wait3A_325 = arith.constant 161 : i32
    %dma_wait3A_326 = arith.constant 0 : i32
    %dma_wait3A_327 = tpu.memref_slice %arg6[%dma_wait3A_325, %dma_wait3A_326] : memref<162x128xi32, #tpu.memory_space<vmem>> -> memref<1x128xi32, #tpu.memory_space<vmem>>
    %dma_wait3A_328 = tpu.memref_squeeze %dma_wait3A_327 : memref<1x128xi32, #tpu.memory_space<vmem>> -> memref<128xi32, #tpu.memory_space<vmem>>
    %dma_wait3A_329 = arith.constant 0 : i32
    %dma_wait3A_330 = arith.constant 0 : i32
    %dma_wait3A_331 = tpu.memref_slice %arg37[%dma_wait3A_329, %dma_wait3A_330] : memref<10240x32xf32, #tpu.memory_space<vmem_shared>> -> memref<10240x32xf32, #tpu.memory_space<vmem_shared>>
    tpu.wait_indirect_dma semaphore(%arg26 : memref<!tpu.dma_semaphore, #tpu.memory_space<semaphore_mem>>) src(%dma_wait3A_331 : memref<10240x32xf32, #tpu.memory_space<vmem_shared>>) dst(%arg16 : memref<128x32xf32, #tpu.memory_space<vmem>>)
    %dma_start3A_332 = arith.constant 161 : i32
    %dma_start3A_333 = arith.constant 0 : i32
    %dma_start3A_334 = tpu.memref_slice %arg7[%dma_start3A_332, %dma_start3A_333] : memref<162x128xi32, #tpu.memory_space<vmem>> -> memref<1x128xi32, #tpu.memory_space<vmem>>
    %dma_start3A_335 = tpu.memref_squeeze %dma_start3A_334 : memref<1x128xi32, #tpu.memory_space<vmem>> -> memref<128xi32, #tpu.memory_space<vmem>>
    %dma_start3A_336 = arith.constant 0 : i32
    %dma_start3A_337 = arith.constant 0 : i32
    %dma_start3A_338 = tpu.memref_slice %arg36[%dma_start3A_336, %dma_start3A_337] : memref<10240x32xf32, #tpu.memory_space<vmem_shared>> -> memref<10240x32xf32, #tpu.memory_space<vmem_shared>>
    tpu.enqueue_indirect_dma source(%arg16 : memref<128x32xf32, #tpu.memory_space<vmem>>) target(%dma_start3A_338 : memref<10240x32xf32, #tpu.memory_space<vmem_shared>>) offsets(%dma_start3A_335 : memref<128xi32, #tpu.memory_space<vmem>>) semaphore(%arg35 : memref<!tpu.dma_semaphore, #tpu.memory_space<semaphore_mem>>) {add = true}
    %dma_wait3A_339 = arith.constant 153 : i32
    %dma_wait3A_340 = arith.constant 0 : i32
    %dma_wait3A_341 = tpu.memref_slice %arg7[%dma_wait3A_339, %dma_wait3A_340] : memref<162x128xi32, #tpu.memory_space<vmem>> -> memref<1x128xi32, #tpu.memory_space<vmem>>
    %dma_wait3A_342 = tpu.memref_squeeze %dma_wait3A_341 : memref<1x128xi32, #tpu.memory_space<vmem>> -> memref<128xi32, #tpu.memory_space<vmem>>
    %dma_wait3A_343 = arith.constant 0 : i32
    %dma_wait3A_344 = arith.constant 0 : i32
    %dma_wait3A_345 = tpu.memref_slice %arg36[%dma_wait3A_343, %dma_wait3A_344] : memref<10240x32xf32, #tpu.memory_space<vmem_shared>> -> memref<10240x32xf32, #tpu.memory_space<vmem_shared>>
    tpu.wait_indirect_dma semaphore(%arg27 : memref<!tpu.dma_semaphore, #tpu.memory_space<semaphore_mem>>) src(%arg8 : memref<128x32xf32, #tpu.memory_space<vmem>>) dst(%dma_wait3A_345 : memref<10240x32xf32, #tpu.memory_space<vmem_shared>>)
    %dma_wait3A_346 = arith.constant 154 : i32
    %dma_wait3A_347 = arith.constant 0 : i32
    %dma_wait3A_348 = tpu.memref_slice %arg7[%dma_wait3A_346, %dma_wait3A_347] : memref<162x128xi32, #tpu.memory_space<vmem>> -> memref<1x128xi32, #tpu.memory_space<vmem>>
    %dma_wait3A_349 = tpu.memref_squeeze %dma_wait3A_348 : memref<1x128xi32, #tpu.memory_space<vmem>> -> memref<128xi32, #tpu.memory_space<vmem>>
    %dma_wait3A_350 = arith.constant 0 : i32
    %dma_wait3A_351 = arith.constant 0 : i32
    %dma_wait3A_352 = tpu.memref_slice %arg36[%dma_wait3A_350, %dma_wait3A_351] : memref<10240x32xf32, #tpu.memory_space<vmem_shared>> -> memref<10240x32xf32, #tpu.memory_space<vmem_shared>>
    tpu.wait_indirect_dma semaphore(%arg28 : memref<!tpu.dma_semaphore, #tpu.memory_space<semaphore_mem>>) src(%arg9 : memref<128x32xf32, #tpu.memory_space<vmem>>) dst(%dma_wait3A_352 : memref<10240x32xf32, #tpu.memory_space<vmem_shared>>)
    %dma_wait3A_353 = arith.constant 155 : i32
    %dma_wait3A_354 = arith.constant 0 : i32
    %dma_wait3A_355 = tpu.memref_slice %arg7[%dma_wait3A_353, %dma_wait3A_354] : memref<162x128xi32, #tpu.memory_space<vmem>> -> memref<1x128xi32, #tpu.memory_space<vmem>>
    %dma_wait3A_356 = tpu.memref_squeeze %dma_wait3A_355 : memref<1x128xi32, #tpu.memory_space<vmem>> -> memref<128xi32, #tpu.memory_space<vmem>>
    %dma_wait3A_357 = arith.constant 0 : i32
    %dma_wait3A_358 = arith.constant 0 : i32
    %dma_wait3A_359 = tpu.memref_slice %arg36[%dma_wait3A_357, %dma_wait3A_358] : memref<10240x32xf32, #tpu.memory_space<vmem_shared>> -> memref<10240x32xf32, #tpu.memory_space<vmem_shared>>
    tpu.wait_indirect_dma semaphore(%arg29 : memref<!tpu.dma_semaphore, #tpu.memory_space<semaphore_mem>>) src(%arg10 : memref<128x32xf32, #tpu.memory_space<vmem>>) dst(%dma_wait3A_359 : memref<10240x32xf32, #tpu.memory_space<vmem_shared>>)
    %dma_wait3A_360 = arith.constant 156 : i32
    %dma_wait3A_361 = arith.constant 0 : i32
    %dma_wait3A_362 = tpu.memref_slice %arg7[%dma_wait3A_360, %dma_wait3A_361] : memref<162x128xi32, #tpu.memory_space<vmem>> -> memref<1x128xi32, #tpu.memory_space<vmem>>
    %dma_wait3A_363 = tpu.memref_squeeze %dma_wait3A_362 : memref<1x128xi32, #tpu.memory_space<vmem>> -> memref<128xi32, #tpu.memory_space<vmem>>
    %dma_wait3A_364 = arith.constant 0 : i32
    %dma_wait3A_365 = arith.constant 0 : i32
    %dma_wait3A_366 = tpu.memref_slice %arg36[%dma_wait3A_364, %dma_wait3A_365] : memref<10240x32xf32, #tpu.memory_space<vmem_shared>> -> memref<10240x32xf32, #tpu.memory_space<vmem_shared>>
    tpu.wait_indirect_dma semaphore(%arg30 : memref<!tpu.dma_semaphore, #tpu.memory_space<semaphore_mem>>) src(%arg11 : memref<128x32xf32, #tpu.memory_space<vmem>>) dst(%dma_wait3A_366 : memref<10240x32xf32, #tpu.memory_space<vmem_shared>>)
    %dma_wait3A_367 = arith.constant 157 : i32
    %dma_wait3A_368 = arith.constant 0 : i32
    %dma_wait3A_369 = tpu.memref_slice %arg7[%dma_wait3A_367, %dma_wait3A_368] : memref<162x128xi32, #tpu.memory_space<vmem>> -> memref<1x128xi32, #tpu.memory_space<vmem>>
    %dma_wait3A_370 = tpu.memref_squeeze %dma_wait3A_369 : memref<1x128xi32, #tpu.memory_space<vmem>> -> memref<128xi32, #tpu.memory_space<vmem>>
    %dma_wait3A_371 = arith.constant 0 : i32
    %dma_wait3A_372 = arith.constant 0 : i32
    %dma_wait3A_373 = tpu.memref_slice %arg36[%dma_wait3A_371, %dma_wait3A_372] : memref<10240x32xf32, #tpu.memory_space<vmem_shared>> -> memref<10240x32xf32, #tpu.memory_space<vmem_shared>>
    tpu.wait_indirect_dma semaphore(%arg31 : memref<!tpu.dma_semaphore, #tpu.memory_space<semaphore_mem>>) src(%arg12 : memref<128x32xf32, #tpu.memory_space<vmem>>) dst(%dma_wait3A_373 : memref<10240x32xf32, #tpu.memory_space<vmem_shared>>)
    %dma_wait3A_374 = arith.constant 158 : i32
    %dma_wait3A_375 = arith.constant 0 : i32
    %dma_wait3A_376 = tpu.memref_slice %arg7[%dma_wait3A_374, %dma_wait3A_375] : memref<162x128xi32, #tpu.memory_space<vmem>> -> memref<1x128xi32, #tpu.memory_space<vmem>>
    %dma_wait3A_377 = tpu.memref_squeeze %dma_wait3A_376 : memref<1x128xi32, #tpu.memory_space<vmem>> -> memref<128xi32, #tpu.memory_space<vmem>>
    %dma_wait3A_378 = arith.constant 0 : i32
    %dma_wait3A_379 = arith.constant 0 : i32
    %dma_wait3A_380 = tpu.memref_slice %arg36[%dma_wait3A_378, %dma_wait3A_379] : memref<10240x32xf32, #tpu.memory_space<vmem_shared>> -> memref<10240x32xf32, #tpu.memory_space<vmem_shared>>
    tpu.wait_indirect_dma semaphore(%arg32 : memref<!tpu.dma_semaphore, #tpu.memory_space<semaphore_mem>>) src(%arg13 : memref<128x32xf32, #tpu.memory_space<vmem>>) dst(%dma_wait3A_380 : memref<10240x32xf32, #tpu.memory_space<vmem_shared>>)
    %dma_wait3A_381 = arith.constant 159 : i32
    %dma_wait3A_382 = arith.constant 0 : i32
    %dma_wait3A_383 = tpu.memref_slice %arg7[%dma_wait3A_381, %dma_wait3A_382] : memref<162x128xi32, #tpu.memory_space<vmem>> -> memref<1x128xi32, #tpu.memory_space<vmem>>
    %dma_wait3A_384 = tpu.memref_squeeze %dma_wait3A_383 : memref<1x128xi32, #tpu.memory_space<vmem>> -> memref<128xi32, #tpu.memory_space<vmem>>
    %dma_wait3A_385 = arith.constant 0 : i32
    %dma_wait3A_386 = arith.constant 0 : i32
    %dma_wait3A_387 = tpu.memref_slice %arg36[%dma_wait3A_385, %dma_wait3A_386] : memref<10240x32xf32, #tpu.memory_space<vmem_shared>> -> memref<10240x32xf32, #tpu.memory_space<vmem_shared>>
    tpu.wait_indirect_dma semaphore(%arg33 : memref<!tpu.dma_semaphore, #tpu.memory_space<semaphore_mem>>) src(%arg14 : memref<128x32xf32, #tpu.memory_space<vmem>>) dst(%dma_wait3A_387 : memref<10240x32xf32, #tpu.memory_space<vmem_shared>>)
    %dma_wait3A_388 = arith.constant 160 : i32
    %dma_wait3A_389 = arith.constant 0 : i32
    %dma_wait3A_390 = tpu.memref_slice %arg7[%dma_wait3A_388, %dma_wait3A_389] : memref<162x128xi32, #tpu.memory_space<vmem>> -> memref<1x128xi32, #tpu.memory_space<vmem>>
    %dma_wait3A_391 = tpu.memref_squeeze %dma_wait3A_390 : memref<1x128xi32, #tpu.memory_space<vmem>> -> memref<128xi32, #tpu.memory_space<vmem>>
    %dma_wait3A_392 = arith.constant 0 : i32
    %dma_wait3A_393 = arith.constant 0 : i32
    %dma_wait3A_394 = tpu.memref_slice %arg36[%dma_wait3A_392, %dma_wait3A_393] : memref<10240x32xf32, #tpu.memory_space<vmem_shared>> -> memref<10240x32xf32, #tpu.memory_space<vmem_shared>>
    tpu.wait_indirect_dma semaphore(%arg34 : memref<!tpu.dma_semaphore, #tpu.memory_space<semaphore_mem>>) src(%arg15 : memref<128x32xf32, #tpu.memory_space<vmem>>) dst(%dma_wait3A_394 : memref<10240x32xf32, #tpu.memory_space<vmem_shared>>)
    %dma_wait3A_395 = arith.constant 161 : i32
    %dma_wait3A_396 = arith.constant 0 : i32
    %dma_wait3A_397 = tpu.memref_slice %arg7[%dma_wait3A_395, %dma_wait3A_396] : memref<162x128xi32, #tpu.memory_space<vmem>> -> memref<1x128xi32, #tpu.memory_space<vmem>>
    %dma_wait3A_398 = tpu.memref_squeeze %dma_wait3A_397 : memref<1x128xi32, #tpu.memory_space<vmem>> -> memref<128xi32, #tpu.memory_space<vmem>>
    %dma_wait3A_399 = arith.constant 0 : i32
    %dma_wait3A_400 = arith.constant 0 : i32
    %dma_wait3A_401 = tpu.memref_slice %arg36[%dma_wait3A_399, %dma_wait3A_400] : memref<10240x32xf32, #tpu.memory_space<vmem_shared>> -> memref<10240x32xf32, #tpu.memory_space<vmem_shared>>
    tpu.wait_indirect_dma semaphore(%arg35 : memref<!tpu.dma_semaphore, #tpu.memory_space<semaphore_mem>>) src(%arg16 : memref<128x32xf32, #tpu.memory_space<vmem>>) dst(%dma_wait3A_401 : memref<10240x32xf32, #tpu.memory_space<vmem_shared>>)
    %barrier3A_402 = arith.constant 0 : index
    tpu.barrier barrier_id(%barrier3A_402)
    %mul3A_403 = arith.constant 640 : i32
    %mul3A_404 = arith.muli %arg1, %mul3A_403 : i32
    %mul3A_405 = arith.constant 640 : i32
    %mul3A_406 = arith.muli %arg1, %mul3A_405 : i32
    "tpu.region"() ({
      %run_scoped3A = tpu.sem_alloc : memref<!tpu.dma_semaphore, #tpu.memory_space<semaphore_mem>>
      %dma_start3A_407 = arith.constant 0 : i32
      %dma_start3A_408 = tpu.memref_slice %arg5[%arg0, %mul3A_406, %dma_start3A_407] : memref<2x10240x32xf32, #tpu.memory_space<hbm>> -> memref<1x640x32xf32, #tpu.memory_space<hbm>>
      %dma_start3A_409 = tpu.memref_squeeze %dma_start3A_408 : memref<1x640x32xf32, #tpu.memory_space<hbm>> -> memref<640x32xf32, #tpu.memory_space<hbm>>
      %dma_start3A_410 = arith.constant 0 : i32
      %dma_start3A_411 = tpu.memref_slice %arg36[%mul3A_404, %dma_start3A_410] : memref<10240x32xf32, #tpu.memory_space<vmem_shared>> -> memref<640x32xf32, #tpu.memory_space<vmem_shared>>
      tpu.enqueue_dma source(%dma_start3A_411 : memref<640x32xf32, #tpu.memory_space<vmem_shared>>) target(%dma_start3A_409 : memref<640x32xf32, #tpu.memory_space<hbm>>) target_semaphore(%run_scoped3A : memref<!tpu.dma_semaphore, #tpu.memory_space<semaphore_mem>>)
      %dma_wait3A_412 = arith.constant 0 : i32
      %dma_wait3A_413 = tpu.memref_slice %arg5[%arg0, %mul3A_406, %dma_wait3A_412] : memref<2x10240x32xf32, #tpu.memory_space<hbm>> -> memref<1x640x32xf32, #tpu.memory_space<hbm>>
      %dma_wait3A_414 = tpu.memref_squeeze %dma_wait3A_413 : memref<1x640x32xf32, #tpu.memory_space<hbm>> -> memref<640x32xf32, #tpu.memory_space<hbm>>
      %dma_wait3A_415 = arith.constant 0 : i32
      %dma_wait3A_416 = tpu.memref_slice %arg36[%mul3A_404, %dma_wait3A_415] : memref<10240x32xf32, #tpu.memory_space<vmem_shared>> -> memref<640x32xf32, #tpu.memory_space<vmem_shared>>
      tpu.wait_dma2 semaphore(%run_scoped3A : memref<!tpu.dma_semaphore, #tpu.memory_space<semaphore_mem>>) src(%dma_wait3A_416 : memref<640x32xf32, #tpu.memory_space<vmem_shared>>) dst(%dma_wait3A_414 : memref<640x32xf32, #tpu.memory_space<hbm>>)
      tpu.yield
    }) : () -> ()
    return
  }
}

#map = affine_map<(d0, d1) -> (0, 0)>
#map1 = affine_map<(d0, d1) -> (0)>
module attributes {stable_mosaic.version = 14 : i64} {
  func.func @deg_kernel(%arg0: i32, %arg1: i32, %arg2: memref<2592x128xi32, #tpu.memory_space<hbm>>, %arg3: memref<128xf32, #tpu.memory_space<hbm>>, %arg4: memref<640xf32, #tpu.memory_space<hbm>>, %arg5: memref<2x10240xf32, #tpu.memory_space<hbm>>, %arg6: memref<81x128xi32, #tpu.memory_space<vmem>>, %arg7: memref<128xf32, #tpu.memory_space<vmem>>, %arg8: memref<10240xf32, #tpu.memory_space<vmem_shared>>) attributes {dimension_semantics = [#tpu.dimension_semantics<core_parallel>, #tpu.dimension_semantics<subcore_parallel>], iteration_bounds = array<i64: 2, 16>, scalar_prefetch = 0 : i64, scratch_operands = 3 : i64, tpu.core_type = #tpu.core_type<sc_vector_subcore>, window_params = [{transform_indices = #map}, {transform_indices = #map1}, {transform_indices = #map1}, {transform_indices = #map}]} {
    %mul3A = arith.constant 2 : i32
    %mul3A_0 = arith.muli %arg1, %mul3A : i32
    %add3A = arith.addi %mul3A_0, %arg0 : i32
    %mul3A_1 = arith.constant 640 : i32
    %mul3A_2 = arith.muli %arg1, %mul3A_1 : i32
    "tpu.region"() ({
      %run_scoped3A = tpu.sem_alloc : memref<!tpu.dma_semaphore, #tpu.memory_space<semaphore_mem>>
      %dma_start3A = tpu.memref_slice %arg8[%mul3A_2] : memref<10240xf32, #tpu.memory_space<vmem_shared>> -> memref<640xf32, #tpu.memory_space<vmem_shared>>
      tpu.enqueue_dma source(%arg4 : memref<640xf32, #tpu.memory_space<hbm>>) target(%dma_start3A : memref<640xf32, #tpu.memory_space<vmem_shared>>) target_semaphore(%run_scoped3A : memref<!tpu.dma_semaphore, #tpu.memory_space<semaphore_mem>>)
      %dma_wait3A = tpu.memref_slice %arg8[%mul3A_2] : memref<10240xf32, #tpu.memory_space<vmem_shared>> -> memref<640xf32, #tpu.memory_space<vmem_shared>>
      tpu.wait_dma2 semaphore(%run_scoped3A : memref<!tpu.dma_semaphore, #tpu.memory_space<semaphore_mem>>) src(%arg4 : memref<640xf32, #tpu.memory_space<hbm>>) dst(%dma_wait3A : memref<640xf32, #tpu.memory_space<vmem_shared>>)
      tpu.yield
    }) : () -> ()
    "tpu.region"() ({
      %run_scoped3A = tpu.sem_alloc : memref<!tpu.dma_semaphore, #tpu.memory_space<semaphore_mem>>
      tpu.enqueue_dma source(%arg3 : memref<128xf32, #tpu.memory_space<hbm>>) target(%arg7 : memref<128xf32, #tpu.memory_space<vmem>>) target_semaphore(%run_scoped3A : memref<!tpu.dma_semaphore, #tpu.memory_space<semaphore_mem>>)
      tpu.wait_dma2 semaphore(%run_scoped3A : memref<!tpu.dma_semaphore, #tpu.memory_space<semaphore_mem>>) src(%arg3 : memref<128xf32, #tpu.memory_space<hbm>>) dst(%arg7 : memref<128xf32, #tpu.memory_space<vmem>>)
      tpu.yield
    }) : () -> ()
    %mul3A_3 = arith.constant 81 : i32
    %mul3A_4 = arith.muli %add3A, %mul3A_3 : i32
    "tpu.region"() ({
      %run_scoped3A = tpu.sem_alloc : memref<!tpu.dma_semaphore, #tpu.memory_space<semaphore_mem>>
      %dma_start3A = arith.constant 0 : i32
      %dma_start3A_14 = tpu.memref_slice %arg2[%mul3A_4, %dma_start3A] : memref<2592x128xi32, #tpu.memory_space<hbm>> -> memref<81x128xi32, #tpu.memory_space<hbm>>
      %dma_start3A_15 = arith.constant 0 : i32
      %dma_start3A_16 = tpu.memref_slice %arg2[%mul3A_4, %dma_start3A_15] : memref<2592x128xi32, #tpu.memory_space<hbm>> -> memref<81x128xi32, #tpu.memory_space<hbm>>
      tpu.enqueue_dma source(%dma_start3A_16 : memref<81x128xi32, #tpu.memory_space<hbm>>) target(%arg6 : memref<81x128xi32, #tpu.memory_space<vmem>>) target_semaphore(%run_scoped3A : memref<!tpu.dma_semaphore, #tpu.memory_space<semaphore_mem>>)
      %dma_wait3A = arith.constant 0 : i32
      %dma_wait3A_17 = tpu.memref_slice %arg2[%mul3A_4, %dma_wait3A] : memref<2592x128xi32, #tpu.memory_space<hbm>> -> memref<81x128xi32, #tpu.memory_space<hbm>>
      %dma_wait3A_18 = arith.constant 0 : i32
      %dma_wait3A_19 = tpu.memref_slice %arg2[%mul3A_4, %dma_wait3A_18] : memref<2592x128xi32, #tpu.memory_space<hbm>> -> memref<81x128xi32, #tpu.memory_space<hbm>>
      tpu.wait_dma2 semaphore(%run_scoped3A : memref<!tpu.dma_semaphore, #tpu.memory_space<semaphore_mem>>) src(%dma_wait3A_19 : memref<81x128xi32, #tpu.memory_space<hbm>>) dst(%arg6 : memref<81x128xi32, #tpu.memory_space<vmem>>)
      tpu.yield
    }) : () -> ()
    %barrier3A = arith.constant 0 : index
    tpu.barrier barrier_id(%barrier3A)
    %scan3A = arith.constant 0 : i32
    %scan3A_5 = arith.constant 81 : i32
    %scan3A_6 = arith.addi %scan3A, %scan3A_5 : i32
    %scan3A_7 = arith.constant 1 : i32
    scf.for %scan3A_14 = %scan3A to %scan3A_6 step %scan3A_7  : i32 {
      %mul3A_15 = arith.constant 1 : i32
      %mul3A_16 = arith.muli %scan3A_14, %mul3A_15 : i32
      %add3A_17 = arith.constant 0 : i32
      %add3A_18 = arith.addi %add3A_17, %mul3A_16 : i32
      "tpu.region"() ({
        %run_scoped3A = tpu.sem_alloc : memref<!tpu.dma_semaphore, #tpu.memory_space<semaphore_mem>>
        %dma_start3A = arith.constant 0 : i32
        %dma_start3A_19 = tpu.memref_slice %arg6[%add3A_18, %dma_start3A] : memref<81x128xi32, #tpu.memory_space<vmem>> -> memref<1x128xi32, #tpu.memory_space<vmem>>
        %dma_start3A_20 = tpu.memref_squeeze %dma_start3A_19 : memref<1x128xi32, #tpu.memory_space<vmem>> -> memref<128xi32, #tpu.memory_space<vmem>>
        %dma_start3A_21 = arith.constant 0 : i32
        %dma_start3A_22 = tpu.memref_slice %arg8[%dma_start3A_21] : memref<10240xf32, #tpu.memory_space<vmem_shared>> -> memref<10240xf32, #tpu.memory_space<vmem_shared>>
        tpu.enqueue_indirect_dma source(%arg7 : memref<128xf32, #tpu.memory_space<vmem>>) target(%dma_start3A_22 : memref<10240xf32, #tpu.memory_space<vmem_shared>>) offsets(%dma_start3A_20 : memref<128xi32, #tpu.memory_space<vmem>>) semaphore(%run_scoped3A : memref<!tpu.dma_semaphore, #tpu.memory_space<semaphore_mem>>) {add = true}
        %dma_wait3A = arith.constant 0 : i32
        %dma_wait3A_23 = tpu.memref_slice %arg6[%add3A_18, %dma_wait3A] : memref<81x128xi32, #tpu.memory_space<vmem>> -> memref<1x128xi32, #tpu.memory_space<vmem>>
        %dma_wait3A_24 = tpu.memref_squeeze %dma_wait3A_23 : memref<1x128xi32, #tpu.memory_space<vmem>> -> memref<128xi32, #tpu.memory_space<vmem>>
        %dma_wait3A_25 = arith.constant 0 : i32
        %dma_wait3A_26 = tpu.memref_slice %arg8[%dma_wait3A_25] : memref<10240xf32, #tpu.memory_space<vmem_shared>> -> memref<10240xf32, #tpu.memory_space<vmem_shared>>
        tpu.wait_indirect_dma semaphore(%run_scoped3A : memref<!tpu.dma_semaphore, #tpu.memory_space<semaphore_mem>>) src(%arg7 : memref<128xf32, #tpu.memory_space<vmem>>) dst(%dma_wait3A_26 : memref<10240xf32, #tpu.memory_space<vmem_shared>>)
        tpu.yield
      }) : () -> ()
    }
    %scan3A_8 = arith.constant 81 : i32
    %barrier3A_9 = arith.constant 0 : index
    tpu.barrier barrier_id(%barrier3A_9)
    %mul3A_10 = arith.constant 640 : i32
    %mul3A_11 = arith.muli %arg1, %mul3A_10 : i32
    %mul3A_12 = arith.constant 640 : i32
    %mul3A_13 = arith.muli %arg1, %mul3A_12 : i32
    "tpu.region"() ({
      %run_scoped3A = tpu.sem_alloc : memref<!tpu.dma_semaphore, #tpu.memory_space<semaphore_mem>>
      %dma_start3A = tpu.memref_slice %arg5[%arg0, %mul3A_13] : memref<2x10240xf32, #tpu.memory_space<hbm>> -> memref<1x640xf32, #tpu.memory_space<hbm>>
      %dma_start3A_14 = tpu.memref_squeeze %dma_start3A : memref<1x640xf32, #tpu.memory_space<hbm>> -> memref<640xf32, #tpu.memory_space<hbm>>
      %dma_start3A_15 = tpu.memref_slice %arg8[%mul3A_11] : memref<10240xf32, #tpu.memory_space<vmem_shared>> -> memref<640xf32, #tpu.memory_space<vmem_shared>>
      tpu.enqueue_dma source(%dma_start3A_15 : memref<640xf32, #tpu.memory_space<vmem_shared>>) target(%dma_start3A_14 : memref<640xf32, #tpu.memory_space<hbm>>) target_semaphore(%run_scoped3A : memref<!tpu.dma_semaphore, #tpu.memory_space<semaphore_mem>>)
      %dma_wait3A = tpu.memref_slice %arg5[%arg0, %mul3A_13] : memref<2x10240xf32, #tpu.memory_space<hbm>> -> memref<1x640xf32, #tpu.memory_space<hbm>>
      %dma_wait3A_16 = tpu.memref_squeeze %dma_wait3A : memref<1x640xf32, #tpu.memory_space<hbm>> -> memref<640xf32, #tpu.memory_space<hbm>>
      %dma_wait3A_17 = tpu.memref_slice %arg8[%mul3A_11] : memref<10240xf32, #tpu.memory_space<vmem_shared>> -> memref<640xf32, #tpu.memory_space<vmem_shared>>
      tpu.wait_dma2 semaphore(%run_scoped3A : memref<!tpu.dma_semaphore, #tpu.memory_space<semaphore_mem>>) src(%dma_wait3A_17 : memref<640xf32, #tpu.memory_space<vmem_shared>>) dst(%dma_wait3A_16 : memref<640xf32, #tpu.memory_space<hbm>>)
      tpu.yield
    }) : () -> ()
    return
  }
}

#map = affine_map<(d0, d1) -> (0, 0, 0)>
#map1 = affine_map<(d0, d1) -> (0, 0)>
module attributes {stable_mosaic.version = 14 : i64} {
  func.func @agg_kernel(%arg0: i32, %arg1: i32, %arg2: memref<2x10240x16xf32, #tpu.memory_space<hbm>>, %arg3: memref<2592x128xi32, #tpu.memory_space<hbm>>, %arg4: memref<2592x128xi32, #tpu.memory_space<hbm>>, %arg5: memref<2x10240x16xf32, #tpu.memory_space<hbm>>, %arg6: memref<162x128xi32, #tpu.memory_space<vmem>>, %arg7: memref<162x128xi32, #tpu.memory_space<vmem>>, %arg8: memref<128x16xf32, #tpu.memory_space<vmem>>, %arg9: memref<128x16xf32, #tpu.memory_space<vmem>>, %arg10: memref<128x16xf32, #tpu.memory_space<vmem>>, %arg11: memref<128x16xf32, #tpu.memory_space<vmem>>, %arg12: memref<128x16xf32, #tpu.memory_space<vmem>>, %arg13: memref<128x16xf32, #tpu.memory_space<vmem>>, %arg14: memref<128x16xf32, #tpu.memory_space<vmem>>, %arg15: memref<128x16xf32, #tpu.memory_space<vmem>>, %arg16: memref<128x16xf32, #tpu.memory_space<vmem>>, %arg17: memref<128x16xf32, #tpu.memory_space<vmem>>, %arg18: memref<!tpu.dma_semaphore, #tpu.memory_space<semaphore_mem>>, %arg19: memref<!tpu.dma_semaphore, #tpu.memory_space<semaphore_mem>>, %arg20: memref<!tpu.dma_semaphore, #tpu.memory_space<semaphore_mem>>, %arg21: memref<!tpu.dma_semaphore, #tpu.memory_space<semaphore_mem>>, %arg22: memref<!tpu.dma_semaphore, #tpu.memory_space<semaphore_mem>>, %arg23: memref<!tpu.dma_semaphore, #tpu.memory_space<semaphore_mem>>, %arg24: memref<!tpu.dma_semaphore, #tpu.memory_space<semaphore_mem>>, %arg25: memref<!tpu.dma_semaphore, #tpu.memory_space<semaphore_mem>>, %arg26: memref<!tpu.dma_semaphore, #tpu.memory_space<semaphore_mem>>, %arg27: memref<!tpu.dma_semaphore, #tpu.memory_space<semaphore_mem>>, %arg28: memref<!tpu.dma_semaphore, #tpu.memory_space<semaphore_mem>>, %arg29: memref<!tpu.dma_semaphore, #tpu.memory_space<semaphore_mem>>, %arg30: memref<!tpu.dma_semaphore, #tpu.memory_space<semaphore_mem>>, %arg31: memref<!tpu.dma_semaphore, #tpu.memory_space<semaphore_mem>>, %arg32: memref<!tpu.dma_semaphore, #tpu.memory_space<semaphore_mem>>, %arg33: memref<!tpu.dma_semaphore, #tpu.memory_space<semaphore_mem>>, %arg34: memref<!tpu.dma_semaphore, #tpu.memory_space<semaphore_mem>>, %arg35: memref<!tpu.dma_semaphore, #tpu.memory_space<semaphore_mem>>, %arg36: memref<10240x16xf32, #tpu.memory_space<vmem_shared>>, %arg37: memref<10240x16xf32, #tpu.memory_space<vmem_shared>>) attributes {dimension_semantics = [#tpu.dimension_semantics<core_parallel>, #tpu.dimension_semantics<subcore_parallel>], iteration_bounds = array<i64: 2, 16>, scalar_prefetch = 0 : i64, scratch_operands = 32 : i64, tpu.core_type = #tpu.core_type<sc_vector_subcore>, window_params = [{transform_indices = #map}, {transform_indices = #map1}, {transform_indices = #map1}, {transform_indices = #map}]} {
    %mul3A = arith.constant 162 : i32
    %mul3A_0 = arith.muli %arg1, %mul3A : i32
    "tpu.region"() ({
      %run_scoped3A = tpu.sem_alloc : memref<!tpu.dma_semaphore, #tpu.memory_space<semaphore_mem>>
      %dma_start3A_407 = arith.constant 0 : i32
      %dma_start3A_408 = tpu.memref_slice %arg3[%mul3A_0, %dma_start3A_407] : memref<2592x128xi32, #tpu.memory_space<hbm>> -> memref<162x128xi32, #tpu.memory_space<hbm>>
      %dma_start3A_409 = arith.constant 0 : i32
      %dma_start3A_410 = tpu.memref_slice %arg3[%mul3A_0, %dma_start3A_409] : memref<2592x128xi32, #tpu.memory_space<hbm>> -> memref<162x128xi32, #tpu.memory_space<hbm>>
      tpu.enqueue_dma source(%dma_start3A_410 : memref<162x128xi32, #tpu.memory_space<hbm>>) target(%arg6 : memref<162x128xi32, #tpu.memory_space<vmem>>) target_semaphore(%run_scoped3A : memref<!tpu.dma_semaphore, #tpu.memory_space<semaphore_mem>>)
      %dma_wait3A_411 = arith.constant 0 : i32
      %dma_wait3A_412 = tpu.memref_slice %arg3[%mul3A_0, %dma_wait3A_411] : memref<2592x128xi32, #tpu.memory_space<hbm>> -> memref<162x128xi32, #tpu.memory_space<hbm>>
      %dma_wait3A_413 = arith.constant 0 : i32
      %dma_wait3A_414 = tpu.memref_slice %arg3[%mul3A_0, %dma_wait3A_413] : memref<2592x128xi32, #tpu.memory_space<hbm>> -> memref<162x128xi32, #tpu.memory_space<hbm>>
      tpu.wait_dma2 semaphore(%run_scoped3A : memref<!tpu.dma_semaphore, #tpu.memory_space<semaphore_mem>>) src(%dma_wait3A_414 : memref<162x128xi32, #tpu.memory_space<hbm>>) dst(%arg6 : memref<162x128xi32, #tpu.memory_space<vmem>>)
      tpu.yield
    }) : () -> ()
    %mul3A_1 = arith.constant 162 : i32
    %mul3A_2 = arith.muli %arg1, %mul3A_1 : i32
    "tpu.region"() ({
      %run_scoped3A = tpu.sem_alloc : memref<!tpu.dma_semaphore, #tpu.memory_space<semaphore_mem>>
      %dma_start3A_407 = arith.constant 0 : i32
      %dma_start3A_408 = tpu.memref_slice %arg4[%mul3A_2, %dma_start3A_407] : memref<2592x128xi32, #tpu.memory_space<hbm>> -> memref<162x128xi32, #tpu.memory_space<hbm>>
      %dma_start3A_409 = arith.constant 0 : i32
      %dma_start3A_410 = tpu.memref_slice %arg4[%mul3A_2, %dma_start3A_409] : memref<2592x128xi32, #tpu.memory_space<hbm>> -> memref<162x128xi32, #tpu.memory_space<hbm>>
      tpu.enqueue_dma source(%dma_start3A_410 : memref<162x128xi32, #tpu.memory_space<hbm>>) target(%arg7 : memref<162x128xi32, #tpu.memory_space<vmem>>) target_semaphore(%run_scoped3A : memref<!tpu.dma_semaphore, #tpu.memory_space<semaphore_mem>>)
      %dma_wait3A_411 = arith.constant 0 : i32
      %dma_wait3A_412 = tpu.memref_slice %arg4[%mul3A_2, %dma_wait3A_411] : memref<2592x128xi32, #tpu.memory_space<hbm>> -> memref<162x128xi32, #tpu.memory_space<hbm>>
      %dma_wait3A_413 = arith.constant 0 : i32
      %dma_wait3A_414 = tpu.memref_slice %arg4[%mul3A_2, %dma_wait3A_413] : memref<2592x128xi32, #tpu.memory_space<hbm>> -> memref<162x128xi32, #tpu.memory_space<hbm>>
      tpu.wait_dma2 semaphore(%run_scoped3A : memref<!tpu.dma_semaphore, #tpu.memory_space<semaphore_mem>>) src(%dma_wait3A_414 : memref<162x128xi32, #tpu.memory_space<hbm>>) dst(%arg7 : memref<162x128xi32, #tpu.memory_space<vmem>>)
      tpu.yield
    }) : () -> ()
    %mul3A_3 = arith.constant 640 : i32
    %mul3A_4 = arith.muli %arg1, %mul3A_3 : i32
    %add3A = arith.constant 0 : i32
    %add3A_5 = arith.addi %mul3A_4, %add3A : i32
    %dma_start3A = arith.constant 0 : i32
    %dma_start3A_6 = tpu.memref_slice %arg2[%arg0, %add3A_5, %dma_start3A] : memref<2x10240x16xf32, #tpu.memory_space<hbm>> -> memref<1x128x16xf32, #tpu.memory_space<hbm>>
    %dma_start3A_7 = tpu.memref_squeeze %dma_start3A_6 : memref<1x128x16xf32, #tpu.memory_space<hbm>> -> memref<128x16xf32, #tpu.memory_space<hbm>>
    %dma_start3A_8 = arith.constant 0 : i32
    %dma_start3A_9 = tpu.memref_slice %arg2[%arg0, %add3A_5, %dma_start3A_8] : memref<2x10240x16xf32, #tpu.memory_space<hbm>> -> memref<1x128x16xf32, #tpu.memory_space<hbm>>
    %dma_start3A_10 = tpu.memref_squeeze %dma_start3A_9 : memref<1x128x16xf32, #tpu.memory_space<hbm>> -> memref<128x16xf32, #tpu.memory_space<hbm>>
    tpu.enqueue_dma source(%dma_start3A_10 : memref<128x16xf32, #tpu.memory_space<hbm>>) target(%arg8 : memref<128x16xf32, #tpu.memory_space<vmem>>) target_semaphore(%arg18 : memref<!tpu.dma_semaphore, #tpu.memory_space<semaphore_mem>>)
    %mul3A_11 = arith.constant 640 : i32
    %mul3A_12 = arith.muli %arg1, %mul3A_11 : i32
    %add3A_13 = arith.constant 128 : i32
    %add3A_14 = arith.addi %mul3A_12, %add3A_13 : i32
    %dma_start3A_15 = arith.constant 0 : i32
    %dma_start3A_16 = tpu.memref_slice %arg2[%arg0, %add3A_14, %dma_start3A_15] : memref<2x10240x16xf32, #tpu.memory_space<hbm>> -> memref<1x128x16xf32, #tpu.memory_space<hbm>>
    %dma_start3A_17 = tpu.memref_squeeze %dma_start3A_16 : memref<1x128x16xf32, #tpu.memory_space<hbm>> -> memref<128x16xf32, #tpu.memory_space<hbm>>
    %dma_start3A_18 = arith.constant 0 : i32
    %dma_start3A_19 = tpu.memref_slice %arg2[%arg0, %add3A_14, %dma_start3A_18] : memref<2x10240x16xf32, #tpu.memory_space<hbm>> -> memref<1x128x16xf32, #tpu.memory_space<hbm>>
    %dma_start3A_20 = tpu.memref_squeeze %dma_start3A_19 : memref<1x128x16xf32, #tpu.memory_space<hbm>> -> memref<128x16xf32, #tpu.memory_space<hbm>>
    tpu.enqueue_dma source(%dma_start3A_20 : memref<128x16xf32, #tpu.memory_space<hbm>>) target(%arg9 : memref<128x16xf32, #tpu.memory_space<vmem>>) target_semaphore(%arg19 : memref<!tpu.dma_semaphore, #tpu.memory_space<semaphore_mem>>)
    %mul3A_21 = arith.constant 640 : i32
    %mul3A_22 = arith.muli %arg1, %mul3A_21 : i32
    %add3A_23 = arith.constant 0 : i32
    %add3A_24 = arith.addi %mul3A_22, %add3A_23 : i32
    %dma_wait3A = arith.constant 0 : i32
    %dma_wait3A_25 = tpu.memref_slice %arg2[%arg0, %add3A_24, %dma_wait3A] : memref<2x10240x16xf32, #tpu.memory_space<hbm>> -> memref<1x128x16xf32, #tpu.memory_space<hbm>>
    %dma_wait3A_26 = tpu.memref_squeeze %dma_wait3A_25 : memref<1x128x16xf32, #tpu.memory_space<hbm>> -> memref<128x16xf32, #tpu.memory_space<hbm>>
    %dma_wait3A_27 = arith.constant 0 : i32
    %dma_wait3A_28 = tpu.memref_slice %arg2[%arg0, %add3A_24, %dma_wait3A_27] : memref<2x10240x16xf32, #tpu.memory_space<hbm>> -> memref<1x128x16xf32, #tpu.memory_space<hbm>>
    %dma_wait3A_29 = tpu.memref_squeeze %dma_wait3A_28 : memref<1x128x16xf32, #tpu.memory_space<hbm>> -> memref<128x16xf32, #tpu.memory_space<hbm>>
    tpu.wait_dma2 semaphore(%arg18 : memref<!tpu.dma_semaphore, #tpu.memory_space<semaphore_mem>>) src(%dma_wait3A_29 : memref<128x16xf32, #tpu.memory_space<hbm>>) dst(%arg8 : memref<128x16xf32, #tpu.memory_space<vmem>>)
    %mul3A_30 = arith.constant 640 : i32
    %mul3A_31 = arith.muli %arg1, %mul3A_30 : i32
    %add3A_32 = arith.constant 0 : i32
    %add3A_33 = arith.addi %mul3A_31, %add3A_32 : i32
    "tpu.region"() ({
      %run_scoped3A = tpu.sem_alloc : memref<!tpu.dma_semaphore, #tpu.memory_space<semaphore_mem>>
      %dma_start3A_407 = arith.constant 0 : i32
      %dma_start3A_408 = tpu.memref_slice %arg37[%add3A_33, %dma_start3A_407] : memref<10240x16xf32, #tpu.memory_space<vmem_shared>> -> memref<128x16xf32, #tpu.memory_space<vmem_shared>>
      %dma_start3A_409 = arith.constant 0 : i32
      %dma_start3A_410 = tpu.memref_slice %arg37[%add3A_33, %dma_start3A_409] : memref<10240x16xf32, #tpu.memory_space<vmem_shared>> -> memref<128x16xf32, #tpu.memory_space<vmem_shared>>
      tpu.enqueue_dma source(%arg8 : memref<128x16xf32, #tpu.memory_space<vmem>>) target(%dma_start3A_410 : memref<128x16xf32, #tpu.memory_space<vmem_shared>>) target_semaphore(%run_scoped3A : memref<!tpu.dma_semaphore, #tpu.memory_space<semaphore_mem>>)
      %dma_wait3A_411 = arith.constant 0 : i32
      %dma_wait3A_412 = tpu.memref_slice %arg37[%add3A_33, %dma_wait3A_411] : memref<10240x16xf32, #tpu.memory_space<vmem_shared>> -> memref<128x16xf32, #tpu.memory_space<vmem_shared>>
      %dma_wait3A_413 = arith.constant 0 : i32
      %dma_wait3A_414 = tpu.memref_slice %arg37[%add3A_33, %dma_wait3A_413] : memref<10240x16xf32, #tpu.memory_space<vmem_shared>> -> memref<128x16xf32, #tpu.memory_space<vmem_shared>>
      tpu.wait_dma2 semaphore(%run_scoped3A : memref<!tpu.dma_semaphore, #tpu.memory_space<semaphore_mem>>) src(%arg8 : memref<128x16xf32, #tpu.memory_space<vmem>>) dst(%dma_wait3A_414 : memref<128x16xf32, #tpu.memory_space<vmem_shared>>)
      tpu.yield
    }) : () -> ()
    %mul3A_34 = arith.constant 640 : i32
    %mul3A_35 = arith.muli %arg1, %mul3A_34 : i32
    %add3A_36 = arith.constant 256 : i32
    %add3A_37 = arith.addi %mul3A_35, %add3A_36 : i32
    %dma_start3A_38 = arith.constant 0 : i32
    %dma_start3A_39 = tpu.memref_slice %arg2[%arg0, %add3A_37, %dma_start3A_38] : memref<2x10240x16xf32, #tpu.memory_space<hbm>> -> memref<1x128x16xf32, #tpu.memory_space<hbm>>
    %dma_start3A_40 = tpu.memref_squeeze %dma_start3A_39 : memref<1x128x16xf32, #tpu.memory_space<hbm>> -> memref<128x16xf32, #tpu.memory_space<hbm>>
    %dma_start3A_41 = arith.constant 0 : i32
    %dma_start3A_42 = tpu.memref_slice %arg2[%arg0, %add3A_37, %dma_start3A_41] : memref<2x10240x16xf32, #tpu.memory_space<hbm>> -> memref<1x128x16xf32, #tpu.memory_space<hbm>>
    %dma_start3A_43 = tpu.memref_squeeze %dma_start3A_42 : memref<1x128x16xf32, #tpu.memory_space<hbm>> -> memref<128x16xf32, #tpu.memory_space<hbm>>
    tpu.enqueue_dma source(%dma_start3A_43 : memref<128x16xf32, #tpu.memory_space<hbm>>) target(%arg8 : memref<128x16xf32, #tpu.memory_space<vmem>>) target_semaphore(%arg18 : memref<!tpu.dma_semaphore, #tpu.memory_space<semaphore_mem>>)
    %mul3A_44 = arith.constant 640 : i32
    %mul3A_45 = arith.muli %arg1, %mul3A_44 : i32
    %add3A_46 = arith.constant 128 : i32
    %add3A_47 = arith.addi %mul3A_45, %add3A_46 : i32
    %dma_wait3A_48 = arith.constant 0 : i32
    %dma_wait3A_49 = tpu.memref_slice %arg2[%arg0, %add3A_47, %dma_wait3A_48] : memref<2x10240x16xf32, #tpu.memory_space<hbm>> -> memref<1x128x16xf32, #tpu.memory_space<hbm>>
    %dma_wait3A_50 = tpu.memref_squeeze %dma_wait3A_49 : memref<1x128x16xf32, #tpu.memory_space<hbm>> -> memref<128x16xf32, #tpu.memory_space<hbm>>
    %dma_wait3A_51 = arith.constant 0 : i32
    %dma_wait3A_52 = tpu.memref_slice %arg2[%arg0, %add3A_47, %dma_wait3A_51] : memref<2x10240x16xf32, #tpu.memory_space<hbm>> -> memref<1x128x16xf32, #tpu.memory_space<hbm>>
    %dma_wait3A_53 = tpu.memref_squeeze %dma_wait3A_52 : memref<1x128x16xf32, #tpu.memory_space<hbm>> -> memref<128x16xf32, #tpu.memory_space<hbm>>
    tpu.wait_dma2 semaphore(%arg19 : memref<!tpu.dma_semaphore, #tpu.memory_space<semaphore_mem>>) src(%dma_wait3A_53 : memref<128x16xf32, #tpu.memory_space<hbm>>) dst(%arg9 : memref<128x16xf32, #tpu.memory_space<vmem>>)
    %mul3A_54 = arith.constant 640 : i32
    %mul3A_55 = arith.muli %arg1, %mul3A_54 : i32
    %add3A_56 = arith.constant 128 : i32
    %add3A_57 = arith.addi %mul3A_55, %add3A_56 : i32
    "tpu.region"() ({
      %run_scoped3A = tpu.sem_alloc : memref<!tpu.dma_semaphore, #tpu.memory_space<semaphore_mem>>
      %dma_start3A_407 = arith.constant 0 : i32
      %dma_start3A_408 = tpu.memref_slice %arg37[%add3A_57, %dma_start3A_407] : memref<10240x16xf32, #tpu.memory_space<vmem_shared>> -> memref<128x16xf32, #tpu.memory_space<vmem_shared>>
      %dma_start3A_409 = arith.constant 0 : i32
      %dma_start3A_410 = tpu.memref_slice %arg37[%add3A_57, %dma_start3A_409] : memref<10240x16xf32, #tpu.memory_space<vmem_shared>> -> memref<128x16xf32, #tpu.memory_space<vmem_shared>>
      tpu.enqueue_dma source(%arg9 : memref<128x16xf32, #tpu.memory_space<vmem>>) target(%dma_start3A_410 : memref<128x16xf32, #tpu.memory_space<vmem_shared>>) target_semaphore(%run_scoped3A : memref<!tpu.dma_semaphore, #tpu.memory_space<semaphore_mem>>)
      %dma_wait3A_411 = arith.constant 0 : i32
      %dma_wait3A_412 = tpu.memref_slice %arg37[%add3A_57, %dma_wait3A_411] : memref<10240x16xf32, #tpu.memory_space<vmem_shared>> -> memref<128x16xf32, #tpu.memory_space<vmem_shared>>
      %dma_wait3A_413 = arith.constant 0 : i32
      %dma_wait3A_414 = tpu.memref_slice %arg37[%add3A_57, %dma_wait3A_413] : memref<10240x16xf32, #tpu.memory_space<vmem_shared>> -> memref<128x16xf32, #tpu.memory_space<vmem_shared>>
      tpu.wait_dma2 semaphore(%run_scoped3A : memref<!tpu.dma_semaphore, #tpu.memory_space<semaphore_mem>>) src(%arg9 : memref<128x16xf32, #tpu.memory_space<vmem>>) dst(%dma_wait3A_414 : memref<128x16xf32, #tpu.memory_space<vmem_shared>>)
      tpu.yield
    }) : () -> ()
    %mul3A_58 = arith.constant 640 : i32
    %mul3A_59 = arith.muli %arg1, %mul3A_58 : i32
    %add3A_60 = arith.constant 384 : i32
    %add3A_61 = arith.addi %mul3A_59, %add3A_60 : i32
    %dma_start3A_62 = arith.constant 0 : i32
    %dma_start3A_63 = tpu.memref_slice %arg2[%arg0, %add3A_61, %dma_start3A_62] : memref<2x10240x16xf32, #tpu.memory_space<hbm>> -> memref<1x128x16xf32, #tpu.memory_space<hbm>>
    %dma_start3A_64 = tpu.memref_squeeze %dma_start3A_63 : memref<1x128x16xf32, #tpu.memory_space<hbm>> -> memref<128x16xf32, #tpu.memory_space<hbm>>
    %dma_start3A_65 = arith.constant 0 : i32
    %dma_start3A_66 = tpu.memref_slice %arg2[%arg0, %add3A_61, %dma_start3A_65] : memref<2x10240x16xf32, #tpu.memory_space<hbm>> -> memref<1x128x16xf32, #tpu.memory_space<hbm>>
    %dma_start3A_67 = tpu.memref_squeeze %dma_start3A_66 : memref<1x128x16xf32, #tpu.memory_space<hbm>> -> memref<128x16xf32, #tpu.memory_space<hbm>>
    tpu.enqueue_dma source(%dma_start3A_67 : memref<128x16xf32, #tpu.memory_space<hbm>>) target(%arg9 : memref<128x16xf32, #tpu.memory_space<vmem>>) target_semaphore(%arg19 : memref<!tpu.dma_semaphore, #tpu.memory_space<semaphore_mem>>)
    %mul3A_68 = arith.constant 640 : i32
    %mul3A_69 = arith.muli %arg1, %mul3A_68 : i32
    %add3A_70 = arith.constant 256 : i32
    %add3A_71 = arith.addi %mul3A_69, %add3A_70 : i32
    %dma_wait3A_72 = arith.constant 0 : i32
    %dma_wait3A_73 = tpu.memref_slice %arg2[%arg0, %add3A_71, %dma_wait3A_72] : memref<2x10240x16xf32, #tpu.memory_space<hbm>> -> memref<1x128x16xf32, #tpu.memory_space<hbm>>
    %dma_wait3A_74 = tpu.memref_squeeze %dma_wait3A_73 : memref<1x128x16xf32, #tpu.memory_space<hbm>> -> memref<128x16xf32, #tpu.memory_space<hbm>>
    %dma_wait3A_75 = arith.constant 0 : i32
    %dma_wait3A_76 = tpu.memref_slice %arg2[%arg0, %add3A_71, %dma_wait3A_75] : memref<2x10240x16xf32, #tpu.memory_space<hbm>> -> memref<1x128x16xf32, #tpu.memory_space<hbm>>
    %dma_wait3A_77 = tpu.memref_squeeze %dma_wait3A_76 : memref<1x128x16xf32, #tpu.memory_space<hbm>> -> memref<128x16xf32, #tpu.memory_space<hbm>>
    tpu.wait_dma2 semaphore(%arg18 : memref<!tpu.dma_semaphore, #tpu.memory_space<semaphore_mem>>) src(%dma_wait3A_77 : memref<128x16xf32, #tpu.memory_space<hbm>>) dst(%arg8 : memref<128x16xf32, #tpu.memory_space<vmem>>)
    %mul3A_78 = arith.constant 640 : i32
    %mul3A_79 = arith.muli %arg1, %mul3A_78 : i32
    %add3A_80 = arith.constant 256 : i32
    %add3A_81 = arith.addi %mul3A_79, %add3A_80 : i32
    "tpu.region"() ({
      %run_scoped3A = tpu.sem_alloc : memref<!tpu.dma_semaphore, #tpu.memory_space<semaphore_mem>>
      %dma_start3A_407 = arith.constant 0 : i32
      %dma_start3A_408 = tpu.memref_slice %arg37[%add3A_81, %dma_start3A_407] : memref<10240x16xf32, #tpu.memory_space<vmem_shared>> -> memref<128x16xf32, #tpu.memory_space<vmem_shared>>
      %dma_start3A_409 = arith.constant 0 : i32
      %dma_start3A_410 = tpu.memref_slice %arg37[%add3A_81, %dma_start3A_409] : memref<10240x16xf32, #tpu.memory_space<vmem_shared>> -> memref<128x16xf32, #tpu.memory_space<vmem_shared>>
      tpu.enqueue_dma source(%arg8 : memref<128x16xf32, #tpu.memory_space<vmem>>) target(%dma_start3A_410 : memref<128x16xf32, #tpu.memory_space<vmem_shared>>) target_semaphore(%run_scoped3A : memref<!tpu.dma_semaphore, #tpu.memory_space<semaphore_mem>>)
      %dma_wait3A_411 = arith.constant 0 : i32
      %dma_wait3A_412 = tpu.memref_slice %arg37[%add3A_81, %dma_wait3A_411] : memref<10240x16xf32, #tpu.memory_space<vmem_shared>> -> memref<128x16xf32, #tpu.memory_space<vmem_shared>>
      %dma_wait3A_413 = arith.constant 0 : i32
      %dma_wait3A_414 = tpu.memref_slice %arg37[%add3A_81, %dma_wait3A_413] : memref<10240x16xf32, #tpu.memory_space<vmem_shared>> -> memref<128x16xf32, #tpu.memory_space<vmem_shared>>
      tpu.wait_dma2 semaphore(%run_scoped3A : memref<!tpu.dma_semaphore, #tpu.memory_space<semaphore_mem>>) src(%arg8 : memref<128x16xf32, #tpu.memory_space<vmem>>) dst(%dma_wait3A_414 : memref<128x16xf32, #tpu.memory_space<vmem_shared>>)
      tpu.yield
    }) : () -> ()
    %mul3A_82 = arith.constant 640 : i32
    %mul3A_83 = arith.muli %arg1, %mul3A_82 : i32
    %add3A_84 = arith.constant 512 : i32
    %add3A_85 = arith.addi %mul3A_83, %add3A_84 : i32
    %dma_start3A_86 = arith.constant 0 : i32
    %dma_start3A_87 = tpu.memref_slice %arg2[%arg0, %add3A_85, %dma_start3A_86] : memref<2x10240x16xf32, #tpu.memory_space<hbm>> -> memref<1x128x16xf32, #tpu.memory_space<hbm>>
    %dma_start3A_88 = tpu.memref_squeeze %dma_start3A_87 : memref<1x128x16xf32, #tpu.memory_space<hbm>> -> memref<128x16xf32, #tpu.memory_space<hbm>>
    %dma_start3A_89 = arith.constant 0 : i32
    %dma_start3A_90 = tpu.memref_slice %arg2[%arg0, %add3A_85, %dma_start3A_89] : memref<2x10240x16xf32, #tpu.memory_space<hbm>> -> memref<1x128x16xf32, #tpu.memory_space<hbm>>
    %dma_start3A_91 = tpu.memref_squeeze %dma_start3A_90 : memref<1x128x16xf32, #tpu.memory_space<hbm>> -> memref<128x16xf32, #tpu.memory_space<hbm>>
    tpu.enqueue_dma source(%dma_start3A_91 : memref<128x16xf32, #tpu.memory_space<hbm>>) target(%arg8 : memref<128x16xf32, #tpu.memory_space<vmem>>) target_semaphore(%arg18 : memref<!tpu.dma_semaphore, #tpu.memory_space<semaphore_mem>>)
    %mul3A_92 = arith.constant 640 : i32
    %mul3A_93 = arith.muli %arg1, %mul3A_92 : i32
    %add3A_94 = arith.constant 384 : i32
    %add3A_95 = arith.addi %mul3A_93, %add3A_94 : i32
    %dma_wait3A_96 = arith.constant 0 : i32
    %dma_wait3A_97 = tpu.memref_slice %arg2[%arg0, %add3A_95, %dma_wait3A_96] : memref<2x10240x16xf32, #tpu.memory_space<hbm>> -> memref<1x128x16xf32, #tpu.memory_space<hbm>>
    %dma_wait3A_98 = tpu.memref_squeeze %dma_wait3A_97 : memref<1x128x16xf32, #tpu.memory_space<hbm>> -> memref<128x16xf32, #tpu.memory_space<hbm>>
    %dma_wait3A_99 = arith.constant 0 : i32
    %dma_wait3A_100 = tpu.memref_slice %arg2[%arg0, %add3A_95, %dma_wait3A_99] : memref<2x10240x16xf32, #tpu.memory_space<hbm>> -> memref<1x128x16xf32, #tpu.memory_space<hbm>>
    %dma_wait3A_101 = tpu.memref_squeeze %dma_wait3A_100 : memref<1x128x16xf32, #tpu.memory_space<hbm>> -> memref<128x16xf32, #tpu.memory_space<hbm>>
    tpu.wait_dma2 semaphore(%arg19 : memref<!tpu.dma_semaphore, #tpu.memory_space<semaphore_mem>>) src(%dma_wait3A_101 : memref<128x16xf32, #tpu.memory_space<hbm>>) dst(%arg9 : memref<128x16xf32, #tpu.memory_space<vmem>>)
    %mul3A_102 = arith.constant 640 : i32
    %mul3A_103 = arith.muli %arg1, %mul3A_102 : i32
    %add3A_104 = arith.constant 384 : i32
    %add3A_105 = arith.addi %mul3A_103, %add3A_104 : i32
    "tpu.region"() ({
      %run_scoped3A = tpu.sem_alloc : memref<!tpu.dma_semaphore, #tpu.memory_space<semaphore_mem>>
      %dma_start3A_407 = arith.constant 0 : i32
      %dma_start3A_408 = tpu.memref_slice %arg37[%add3A_105, %dma_start3A_407] : memref<10240x16xf32, #tpu.memory_space<vmem_shared>> -> memref<128x16xf32, #tpu.memory_space<vmem_shared>>
      %dma_start3A_409 = arith.constant 0 : i32
      %dma_start3A_410 = tpu.memref_slice %arg37[%add3A_105, %dma_start3A_409] : memref<10240x16xf32, #tpu.memory_space<vmem_shared>> -> memref<128x16xf32, #tpu.memory_space<vmem_shared>>
      tpu.enqueue_dma source(%arg9 : memref<128x16xf32, #tpu.memory_space<vmem>>) target(%dma_start3A_410 : memref<128x16xf32, #tpu.memory_space<vmem_shared>>) target_semaphore(%run_scoped3A : memref<!tpu.dma_semaphore, #tpu.memory_space<semaphore_mem>>)
      %dma_wait3A_411 = arith.constant 0 : i32
      %dma_wait3A_412 = tpu.memref_slice %arg37[%add3A_105, %dma_wait3A_411] : memref<10240x16xf32, #tpu.memory_space<vmem_shared>> -> memref<128x16xf32, #tpu.memory_space<vmem_shared>>
      %dma_wait3A_413 = arith.constant 0 : i32
      %dma_wait3A_414 = tpu.memref_slice %arg37[%add3A_105, %dma_wait3A_413] : memref<10240x16xf32, #tpu.memory_space<vmem_shared>> -> memref<128x16xf32, #tpu.memory_space<vmem_shared>>
      tpu.wait_dma2 semaphore(%run_scoped3A : memref<!tpu.dma_semaphore, #tpu.memory_space<semaphore_mem>>) src(%arg9 : memref<128x16xf32, #tpu.memory_space<vmem>>) dst(%dma_wait3A_414 : memref<128x16xf32, #tpu.memory_space<vmem_shared>>)
      tpu.yield
    }) : () -> ()
    %mul3A_106 = arith.constant 640 : i32
    %mul3A_107 = arith.muli %arg1, %mul3A_106 : i32
    %add3A_108 = arith.constant 512 : i32
    %add3A_109 = arith.addi %mul3A_107, %add3A_108 : i32
    %dma_wait3A_110 = arith.constant 0 : i32
    %dma_wait3A_111 = tpu.memref_slice %arg2[%arg0, %add3A_109, %dma_wait3A_110] : memref<2x10240x16xf32, #tpu.memory_space<hbm>> -> memref<1x128x16xf32, #tpu.memory_space<hbm>>
    %dma_wait3A_112 = tpu.memref_squeeze %dma_wait3A_111 : memref<1x128x16xf32, #tpu.memory_space<hbm>> -> memref<128x16xf32, #tpu.memory_space<hbm>>
    %dma_wait3A_113 = arith.constant 0 : i32
    %dma_wait3A_114 = tpu.memref_slice %arg2[%arg0, %add3A_109, %dma_wait3A_113] : memref<2x10240x16xf32, #tpu.memory_space<hbm>> -> memref<1x128x16xf32, #tpu.memory_space<hbm>>
    %dma_wait3A_115 = tpu.memref_squeeze %dma_wait3A_114 : memref<1x128x16xf32, #tpu.memory_space<hbm>> -> memref<128x16xf32, #tpu.memory_space<hbm>>
    tpu.wait_dma2 semaphore(%arg18 : memref<!tpu.dma_semaphore, #tpu.memory_space<semaphore_mem>>) src(%dma_wait3A_115 : memref<128x16xf32, #tpu.memory_space<hbm>>) dst(%arg8 : memref<128x16xf32, #tpu.memory_space<vmem>>)
    %mul3A_116 = arith.constant 640 : i32
    %mul3A_117 = arith.muli %arg1, %mul3A_116 : i32
    %add3A_118 = arith.constant 512 : i32
    %add3A_119 = arith.addi %mul3A_117, %add3A_118 : i32
    "tpu.region"() ({
      %run_scoped3A = tpu.sem_alloc : memref<!tpu.dma_semaphore, #tpu.memory_space<semaphore_mem>>
      %dma_start3A_407 = arith.constant 0 : i32
      %dma_start3A_408 = tpu.memref_slice %arg37[%add3A_119, %dma_start3A_407] : memref<10240x16xf32, #tpu.memory_space<vmem_shared>> -> memref<128x16xf32, #tpu.memory_space<vmem_shared>>
      %dma_start3A_409 = arith.constant 0 : i32
      %dma_start3A_410 = tpu.memref_slice %arg37[%add3A_119, %dma_start3A_409] : memref<10240x16xf32, #tpu.memory_space<vmem_shared>> -> memref<128x16xf32, #tpu.memory_space<vmem_shared>>
      tpu.enqueue_dma source(%arg8 : memref<128x16xf32, #tpu.memory_space<vmem>>) target(%dma_start3A_410 : memref<128x16xf32, #tpu.memory_space<vmem_shared>>) target_semaphore(%run_scoped3A : memref<!tpu.dma_semaphore, #tpu.memory_space<semaphore_mem>>)
      %dma_wait3A_411 = arith.constant 0 : i32
      %dma_wait3A_412 = tpu.memref_slice %arg37[%add3A_119, %dma_wait3A_411] : memref<10240x16xf32, #tpu.memory_space<vmem_shared>> -> memref<128x16xf32, #tpu.memory_space<vmem_shared>>
      %dma_wait3A_413 = arith.constant 0 : i32
      %dma_wait3A_414 = tpu.memref_slice %arg37[%add3A_119, %dma_wait3A_413] : memref<10240x16xf32, #tpu.memory_space<vmem_shared>> -> memref<128x16xf32, #tpu.memory_space<vmem_shared>>
      tpu.wait_dma2 semaphore(%run_scoped3A : memref<!tpu.dma_semaphore, #tpu.memory_space<semaphore_mem>>) src(%arg8 : memref<128x16xf32, #tpu.memory_space<vmem>>) dst(%dma_wait3A_414 : memref<128x16xf32, #tpu.memory_space<vmem_shared>>)
      tpu.yield
    }) : () -> ()
    %broadcast_in_dim3A = arith.constant 0.000000e+00 : f32
    %broadcast_in_dim3A_120 = vector.broadcast %broadcast_in_dim3A : f32 to vector<16xf32>
    %scan3A = arith.constant 0 : i32
    %scan3A_121 = arith.constant 128 : i32
    %scan3A_122 = arith.addi %scan3A, %scan3A_121 : i32
    %scan3A_123 = arith.constant 1 : i32
    scf.for %scan3A_407 = %scan3A to %scan3A_122 step %scan3A_123  : i32 {
      %mul3A_408 = arith.constant 1 : i32
      %mul3A_409 = arith.muli %scan3A_407, %mul3A_408 : i32
      %add3A_410 = arith.constant 0 : i32
      %add3A_411 = arith.addi %add3A_410, %mul3A_409 : i32
      %swap3A = arith.index_cast %add3A_411 : i32 to index
      %swap3A_412 = arith.constant 0 : index
      %swap3A_413 = tpu.vector_load %arg17[%swap3A, %swap3A_412] {strides = array<i32>} : memref<128x16xf32, #tpu.memory_space<vmem>>, vector<1x16xf32>,
      %swap3A_414 = vector.shape_cast %swap3A_413 : vector<1x16xf32> to vector<16xf32>
      %swap3A_415 = vector.shape_cast %broadcast_in_dim3A_120 : vector<16xf32> to vector<1x16xf32>
      tpu.vector_store %arg17[%swap3A, %swap3A_412], %swap3A_415 {strides = array<i32>} : memref<128x16xf32, #tpu.memory_space<vmem>>, vector<1x16xf32>,
    }
    %scan3A_124 = arith.constant 128 : i32
    %mul3A_125 = arith.constant 640 : i32
    %mul3A_126 = arith.muli %arg1, %mul3A_125 : i32
    %add3A_127 = arith.constant 0 : i32
    %add3A_128 = arith.addi %mul3A_126, %add3A_127 : i32
    "tpu.region"() ({
      %run_scoped3A = tpu.sem_alloc : memref<!tpu.dma_semaphore, #tpu.memory_space<semaphore_mem>>
      %dma_start3A_407 = arith.constant 0 : i32
      %dma_start3A_408 = tpu.memref_slice %arg36[%add3A_128, %dma_start3A_407] : memref<10240x16xf32, #tpu.memory_space<vmem_shared>> -> memref<128x16xf32, #tpu.memory_space<vmem_shared>>
      %dma_start3A_409 = arith.constant 0 : i32
      %dma_start3A_410 = tpu.memref_slice %arg36[%add3A_128, %dma_start3A_409] : memref<10240x16xf32, #tpu.memory_space<vmem_shared>> -> memref<128x16xf32, #tpu.memory_space<vmem_shared>>
      tpu.enqueue_dma source(%arg17 : memref<128x16xf32, #tpu.memory_space<vmem>>) target(%dma_start3A_410 : memref<128x16xf32, #tpu.memory_space<vmem_shared>>) target_semaphore(%run_scoped3A : memref<!tpu.dma_semaphore, #tpu.memory_space<semaphore_mem>>)
      %dma_wait3A_411 = arith.constant 0 : i32
      %dma_wait3A_412 = tpu.memref_slice %arg36[%add3A_128, %dma_wait3A_411] : memref<10240x16xf32, #tpu.memory_space<vmem_shared>> -> memref<128x16xf32, #tpu.memory_space<vmem_shared>>
      %dma_wait3A_413 = arith.constant 0 : i32
      %dma_wait3A_414 = tpu.memref_slice %arg36[%add3A_128, %dma_wait3A_413] : memref<10240x16xf32, #tpu.memory_space<vmem_shared>> -> memref<128x16xf32, #tpu.memory_space<vmem_shared>>
      tpu.wait_dma2 semaphore(%run_scoped3A : memref<!tpu.dma_semaphore, #tpu.memory_space<semaphore_mem>>) src(%arg17 : memref<128x16xf32, #tpu.memory_space<vmem>>) dst(%dma_wait3A_414 : memref<128x16xf32, #tpu.memory_space<vmem_shared>>)
      tpu.yield
    }) : () -> ()
    %mul3A_129 = arith.constant 640 : i32
    %mul3A_130 = arith.muli %arg1, %mul3A_129 : i32
    %add3A_131 = arith.constant 128 : i32
    %add3A_132 = arith.addi %mul3A_130, %add3A_131 : i32
    "tpu.region"() ({
      %run_scoped3A = tpu.sem_alloc : memref<!tpu.dma_semaphore, #tpu.memory_space<semaphore_mem>>
      %dma_start3A_407 = arith.constant 0 : i32
      %dma_start3A_408 = tpu.memref_slice %arg36[%add3A_132, %dma_start3A_407] : memref<10240x16xf32, #tpu.memory_space<vmem_shared>> -> memref<128x16xf32, #tpu.memory_space<vmem_shared>>
      %dma_start3A_409 = arith.constant 0 : i32
      %dma_start3A_410 = tpu.memref_slice %arg36[%add3A_132, %dma_start3A_409] : memref<10240x16xf32, #tpu.memory_space<vmem_shared>> -> memref<128x16xf32, #tpu.memory_space<vmem_shared>>
      tpu.enqueue_dma source(%arg17 : memref<128x16xf32, #tpu.memory_space<vmem>>) target(%dma_start3A_410 : memref<128x16xf32, #tpu.memory_space<vmem_shared>>) target_semaphore(%run_scoped3A : memref<!tpu.dma_semaphore, #tpu.memory_space<semaphore_mem>>)
      %dma_wait3A_411 = arith.constant 0 : i32
      %dma_wait3A_412 = tpu.memref_slice %arg36[%add3A_132, %dma_wait3A_411] : memref<10240x16xf32, #tpu.memory_space<vmem_shared>> -> memref<128x16xf32, #tpu.memory_space<vmem_shared>>
      %dma_wait3A_413 = arith.constant 0 : i32
      %dma_wait3A_414 = tpu.memref_slice %arg36[%add3A_132, %dma_wait3A_413] : memref<10240x16xf32, #tpu.memory_space<vmem_shared>> -> memref<128x16xf32, #tpu.memory_space<vmem_shared>>
      tpu.wait_dma2 semaphore(%run_scoped3A : memref<!tpu.dma_semaphore, #tpu.memory_space<semaphore_mem>>) src(%arg17 : memref<128x16xf32, #tpu.memory_space<vmem>>) dst(%dma_wait3A_414 : memref<128x16xf32, #tpu.memory_space<vmem_shared>>)
      tpu.yield
    }) : () -> ()
    %mul3A_133 = arith.constant 640 : i32
    %mul3A_134 = arith.muli %arg1, %mul3A_133 : i32
    %add3A_135 = arith.constant 256 : i32
    %add3A_136 = arith.addi %mul3A_134, %add3A_135 : i32
    "tpu.region"() ({
      %run_scoped3A = tpu.sem_alloc : memref<!tpu.dma_semaphore, #tpu.memory_space<semaphore_mem>>
      %dma_start3A_407 = arith.constant 0 : i32
      %dma_start3A_408 = tpu.memref_slice %arg36[%add3A_136, %dma_start3A_407] : memref<10240x16xf32, #tpu.memory_space<vmem_shared>> -> memref<128x16xf32, #tpu.memory_space<vmem_shared>>
      %dma_start3A_409 = arith.constant 0 : i32
      %dma_start3A_410 = tpu.memref_slice %arg36[%add3A_136, %dma_start3A_409] : memref<10240x16xf32, #tpu.memory_space<vmem_shared>> -> memref<128x16xf32, #tpu.memory_space<vmem_shared>>
      tpu.enqueue_dma source(%arg17 : memref<128x16xf32, #tpu.memory_space<vmem>>) target(%dma_start3A_410 : memref<128x16xf32, #tpu.memory_space<vmem_shared>>) target_semaphore(%run_scoped3A : memref<!tpu.dma_semaphore, #tpu.memory_space<semaphore_mem>>)
      %dma_wait3A_411 = arith.constant 0 : i32
      %dma_wait3A_412 = tpu.memref_slice %arg36[%add3A_136, %dma_wait3A_411] : memref<10240x16xf32, #tpu.memory_space<vmem_shared>> -> memref<128x16xf32, #tpu.memory_space<vmem_shared>>
      %dma_wait3A_413 = arith.constant 0 : i32
      %dma_wait3A_414 = tpu.memref_slice %arg36[%add3A_136, %dma_wait3A_413] : memref<10240x16xf32, #tpu.memory_space<vmem_shared>> -> memref<128x16xf32, #tpu.memory_space<vmem_shared>>
      tpu.wait_dma2 semaphore(%run_scoped3A : memref<!tpu.dma_semaphore, #tpu.memory_space<semaphore_mem>>) src(%arg17 : memref<128x16xf32, #tpu.memory_space<vmem>>) dst(%dma_wait3A_414 : memref<128x16xf32, #tpu.memory_space<vmem_shared>>)
      tpu.yield
    }) : () -> ()
    %mul3A_137 = arith.constant 640 : i32
    %mul3A_138 = arith.muli %arg1, %mul3A_137 : i32
    %add3A_139 = arith.constant 384 : i32
    %add3A_140 = arith.addi %mul3A_138, %add3A_139 : i32
    "tpu.region"() ({
      %run_scoped3A = tpu.sem_alloc : memref<!tpu.dma_semaphore, #tpu.memory_space<semaphore_mem>>
      %dma_start3A_407 = arith.constant 0 : i32
      %dma_start3A_408 = tpu.memref_slice %arg36[%add3A_140, %dma_start3A_407] : memref<10240x16xf32, #tpu.memory_space<vmem_shared>> -> memref<128x16xf32, #tpu.memory_space<vmem_shared>>
      %dma_start3A_409 = arith.constant 0 : i32
      %dma_start3A_410 = tpu.memref_slice %arg36[%add3A_140, %dma_start3A_409] : memref<10240x16xf32, #tpu.memory_space<vmem_shared>> -> memref<128x16xf32, #tpu.memory_space<vmem_shared>>
      tpu.enqueue_dma source(%arg17 : memref<128x16xf32, #tpu.memory_space<vmem>>) target(%dma_start3A_410 : memref<128x16xf32, #tpu.memory_space<vmem_shared>>) target_semaphore(%run_scoped3A : memref<!tpu.dma_semaphore, #tpu.memory_space<semaphore_mem>>)
      %dma_wait3A_411 = arith.constant 0 : i32
      %dma_wait3A_412 = tpu.memref_slice %arg36[%add3A_140, %dma_wait3A_411] : memref<10240x16xf32, #tpu.memory_space<vmem_shared>> -> memref<128x16xf32, #tpu.memory_space<vmem_shared>>
      %dma_wait3A_413 = arith.constant 0 : i32
      %dma_wait3A_414 = tpu.memref_slice %arg36[%add3A_140, %dma_wait3A_413] : memref<10240x16xf32, #tpu.memory_space<vmem_shared>> -> memref<128x16xf32, #tpu.memory_space<vmem_shared>>
      tpu.wait_dma2 semaphore(%run_scoped3A : memref<!tpu.dma_semaphore, #tpu.memory_space<semaphore_mem>>) src(%arg17 : memref<128x16xf32, #tpu.memory_space<vmem>>) dst(%dma_wait3A_414 : memref<128x16xf32, #tpu.memory_space<vmem_shared>>)
      tpu.yield
    }) : () -> ()
    %mul3A_141 = arith.constant 640 : i32
    %mul3A_142 = arith.muli %arg1, %mul3A_141 : i32
    %add3A_143 = arith.constant 512 : i32
    %add3A_144 = arith.addi %mul3A_142, %add3A_143 : i32
    "tpu.region"() ({
      %run_scoped3A = tpu.sem_alloc : memref<!tpu.dma_semaphore, #tpu.memory_space<semaphore_mem>>
      %dma_start3A_407 = arith.constant 0 : i32
      %dma_start3A_408 = tpu.memref_slice %arg36[%add3A_144, %dma_start3A_407] : memref<10240x16xf32, #tpu.memory_space<vmem_shared>> -> memref<128x16xf32, #tpu.memory_space<vmem_shared>>
      %dma_start3A_409 = arith.constant 0 : i32
      %dma_start3A_410 = tpu.memref_slice %arg36[%add3A_144, %dma_start3A_409] : memref<10240x16xf32, #tpu.memory_space<vmem_shared>> -> memref<128x16xf32, #tpu.memory_space<vmem_shared>>
      tpu.enqueue_dma source(%arg17 : memref<128x16xf32, #tpu.memory_space<vmem>>) target(%dma_start3A_410 : memref<128x16xf32, #tpu.memory_space<vmem_shared>>) target_semaphore(%run_scoped3A : memref<!tpu.dma_semaphore, #tpu.memory_space<semaphore_mem>>)
      %dma_wait3A_411 = arith.constant 0 : i32
      %dma_wait3A_412 = tpu.memref_slice %arg36[%add3A_144, %dma_wait3A_411] : memref<10240x16xf32, #tpu.memory_space<vmem_shared>> -> memref<128x16xf32, #tpu.memory_space<vmem_shared>>
      %dma_wait3A_413 = arith.constant 0 : i32
      %dma_wait3A_414 = tpu.memref_slice %arg36[%add3A_144, %dma_wait3A_413] : memref<10240x16xf32, #tpu.memory_space<vmem_shared>> -> memref<128x16xf32, #tpu.memory_space<vmem_shared>>
      tpu.wait_dma2 semaphore(%run_scoped3A : memref<!tpu.dma_semaphore, #tpu.memory_space<semaphore_mem>>) src(%arg17 : memref<128x16xf32, #tpu.memory_space<vmem>>) dst(%dma_wait3A_414 : memref<128x16xf32, #tpu.memory_space<vmem_shared>>)
      tpu.yield
    }) : () -> ()
    %barrier3A = arith.constant 0 : index
    tpu.barrier barrier_id(%barrier3A)
    %dma_start3A_145 = arith.constant 0 : i32
    %dma_start3A_146 = arith.constant 0 : i32
    %dma_start3A_147 = tpu.memref_slice %arg6[%dma_start3A_145, %dma_start3A_146] : memref<162x128xi32, #tpu.memory_space<vmem>> -> memref<1x128xi32, #tpu.memory_space<vmem>>
    %dma_start3A_148 = tpu.memref_squeeze %dma_start3A_147 : memref<1x128xi32, #tpu.memory_space<vmem>> -> memref<128xi32, #tpu.memory_space<vmem>>
    %dma_start3A_149 = arith.constant 0 : i32
    %dma_start3A_150 = arith.constant 0 : i32
    %dma_start3A_151 = tpu.memref_slice %arg37[%dma_start3A_149, %dma_start3A_150] : memref<10240x16xf32, #tpu.memory_space<vmem_shared>> -> memref<10240x16xf32, #tpu.memory_space<vmem_shared>>
    tpu.enqueue_indirect_dma source(%dma_start3A_151 : memref<10240x16xf32, #tpu.memory_space<vmem_shared>>) target(%arg8 : memref<128x16xf32, #tpu.memory_space<vmem>>) offsets(%dma_start3A_148 : memref<128xi32, #tpu.memory_space<vmem>>) semaphore(%arg18 : memref<!tpu.dma_semaphore, #tpu.memory_space<semaphore_mem>>)
    %dma_start3A_152 = arith.constant 1 : i32
    %dma_start3A_153 = arith.constant 0 : i32
    %dma_start3A_154 = tpu.memref_slice %arg6[%dma_start3A_152, %dma_start3A_153] : memref<162x128xi32, #tpu.memory_space<vmem>> -> memref<1x128xi32, #tpu.memory_space<vmem>>
    %dma_start3A_155 = tpu.memref_squeeze %dma_start3A_154 : memref<1x128xi32, #tpu.memory_space<vmem>> -> memref<128xi32, #tpu.memory_space<vmem>>
    %dma_start3A_156 = arith.constant 0 : i32
    %dma_start3A_157 = arith.constant 0 : i32
    %dma_start3A_158 = tpu.memref_slice %arg37[%dma_start3A_156, %dma_start3A_157] : memref<10240x16xf32, #tpu.memory_space<vmem_shared>> -> memref<10240x16xf32, #tpu.memory_space<vmem_shared>>
    tpu.enqueue_indirect_dma source(%dma_start3A_158 : memref<10240x16xf32, #tpu.memory_space<vmem_shared>>) target(%arg9 : memref<128x16xf32, #tpu.memory_space<vmem>>) offsets(%dma_start3A_155 : memref<128xi32, #tpu.memory_space<vmem>>) semaphore(%arg19 : memref<!tpu.dma_semaphore, #tpu.memory_space<semaphore_mem>>)
    %dma_start3A_159 = arith.constant 2 : i32
    %dma_start3A_160 = arith.constant 0 : i32
    %dma_start3A_161 = tpu.memref_slice %arg6[%dma_start3A_159, %dma_start3A_160] : memref<162x128xi32, #tpu.memory_space<vmem>> -> memref<1x128xi32, #tpu.memory_space<vmem>>
    %dma_start3A_162 = tpu.memref_squeeze %dma_start3A_161 : memref<1x128xi32, #tpu.memory_space<vmem>> -> memref<128xi32, #tpu.memory_space<vmem>>
    %dma_start3A_163 = arith.constant 0 : i32
    %dma_start3A_164 = arith.constant 0 : i32
    %dma_start3A_165 = tpu.memref_slice %arg37[%dma_start3A_163, %dma_start3A_164] : memref<10240x16xf32, #tpu.memory_space<vmem_shared>> -> memref<10240x16xf32, #tpu.memory_space<vmem_shared>>
    tpu.enqueue_indirect_dma source(%dma_start3A_165 : memref<10240x16xf32, #tpu.memory_space<vmem_shared>>) target(%arg10 : memref<128x16xf32, #tpu.memory_space<vmem>>) offsets(%dma_start3A_162 : memref<128xi32, #tpu.memory_space<vmem>>) semaphore(%arg20 : memref<!tpu.dma_semaphore, #tpu.memory_space<semaphore_mem>>)
    %dma_start3A_166 = arith.constant 3 : i32
    %dma_start3A_167 = arith.constant 0 : i32
    %dma_start3A_168 = tpu.memref_slice %arg6[%dma_start3A_166, %dma_start3A_167] : memref<162x128xi32, #tpu.memory_space<vmem>> -> memref<1x128xi32, #tpu.memory_space<vmem>>
    %dma_start3A_169 = tpu.memref_squeeze %dma_start3A_168 : memref<1x128xi32, #tpu.memory_space<vmem>> -> memref<128xi32, #tpu.memory_space<vmem>>
    %dma_start3A_170 = arith.constant 0 : i32
    %dma_start3A_171 = arith.constant 0 : i32
    %dma_start3A_172 = tpu.memref_slice %arg37[%dma_start3A_170, %dma_start3A_171] : memref<10240x16xf32, #tpu.memory_space<vmem_shared>> -> memref<10240x16xf32, #tpu.memory_space<vmem_shared>>
    tpu.enqueue_indirect_dma source(%dma_start3A_172 : memref<10240x16xf32, #tpu.memory_space<vmem_shared>>) target(%arg11 : memref<128x16xf32, #tpu.memory_space<vmem>>) offsets(%dma_start3A_169 : memref<128xi32, #tpu.memory_space<vmem>>) semaphore(%arg21 : memref<!tpu.dma_semaphore, #tpu.memory_space<semaphore_mem>>)
    %dma_start3A_173 = arith.constant 4 : i32
    %dma_start3A_174 = arith.constant 0 : i32
    %dma_start3A_175 = tpu.memref_slice %arg6[%dma_start3A_173, %dma_start3A_174] : memref<162x128xi32, #tpu.memory_space<vmem>> -> memref<1x128xi32, #tpu.memory_space<vmem>>
    %dma_start3A_176 = tpu.memref_squeeze %dma_start3A_175 : memref<1x128xi32, #tpu.memory_space<vmem>> -> memref<128xi32, #tpu.memory_space<vmem>>
    %dma_start3A_177 = arith.constant 0 : i32
    %dma_start3A_178 = arith.constant 0 : i32
    %dma_start3A_179 = tpu.memref_slice %arg37[%dma_start3A_177, %dma_start3A_178] : memref<10240x16xf32, #tpu.memory_space<vmem_shared>> -> memref<10240x16xf32, #tpu.memory_space<vmem_shared>>
    tpu.enqueue_indirect_dma source(%dma_start3A_179 : memref<10240x16xf32, #tpu.memory_space<vmem_shared>>) target(%arg12 : memref<128x16xf32, #tpu.memory_space<vmem>>) offsets(%dma_start3A_176 : memref<128xi32, #tpu.memory_space<vmem>>) semaphore(%arg22 : memref<!tpu.dma_semaphore, #tpu.memory_space<semaphore_mem>>)
    %dma_start3A_180 = arith.constant 5 : i32
    %dma_start3A_181 = arith.constant 0 : i32
    %dma_start3A_182 = tpu.memref_slice %arg6[%dma_start3A_180, %dma_start3A_181] : memref<162x128xi32, #tpu.memory_space<vmem>> -> memref<1x128xi32, #tpu.memory_space<vmem>>
    %dma_start3A_183 = tpu.memref_squeeze %dma_start3A_182 : memref<1x128xi32, #tpu.memory_space<vmem>> -> memref<128xi32, #tpu.memory_space<vmem>>
    %dma_start3A_184 = arith.constant 0 : i32
    %dma_start3A_185 = arith.constant 0 : i32
    %dma_start3A_186 = tpu.memref_slice %arg37[%dma_start3A_184, %dma_start3A_185] : memref<10240x16xf32, #tpu.memory_space<vmem_shared>> -> memref<10240x16xf32, #tpu.memory_space<vmem_shared>>
    tpu.enqueue_indirect_dma source(%dma_start3A_186 : memref<10240x16xf32, #tpu.memory_space<vmem_shared>>) target(%arg13 : memref<128x16xf32, #tpu.memory_space<vmem>>) offsets(%dma_start3A_183 : memref<128xi32, #tpu.memory_space<vmem>>) semaphore(%arg23 : memref<!tpu.dma_semaphore, #tpu.memory_space<semaphore_mem>>)
    %dma_start3A_187 = arith.constant 6 : i32
    %dma_start3A_188 = arith.constant 0 : i32
    %dma_start3A_189 = tpu.memref_slice %arg6[%dma_start3A_187, %dma_start3A_188] : memref<162x128xi32, #tpu.memory_space<vmem>> -> memref<1x128xi32, #tpu.memory_space<vmem>>
    %dma_start3A_190 = tpu.memref_squeeze %dma_start3A_189 : memref<1x128xi32, #tpu.memory_space<vmem>> -> memref<128xi32, #tpu.memory_space<vmem>>
    %dma_start3A_191 = arith.constant 0 : i32
    %dma_start3A_192 = arith.constant 0 : i32
    %dma_start3A_193 = tpu.memref_slice %arg37[%dma_start3A_191, %dma_start3A_192] : memref<10240x16xf32, #tpu.memory_space<vmem_shared>> -> memref<10240x16xf32, #tpu.memory_space<vmem_shared>>
    tpu.enqueue_indirect_dma source(%dma_start3A_193 : memref<10240x16xf32, #tpu.memory_space<vmem_shared>>) target(%arg14 : memref<128x16xf32, #tpu.memory_space<vmem>>) offsets(%dma_start3A_190 : memref<128xi32, #tpu.memory_space<vmem>>) semaphore(%arg24 : memref<!tpu.dma_semaphore, #tpu.memory_space<semaphore_mem>>)
    %dma_start3A_194 = arith.constant 7 : i32
    %dma_start3A_195 = arith.constant 0 : i32
    %dma_start3A_196 = tpu.memref_slice %arg6[%dma_start3A_194, %dma_start3A_195] : memref<162x128xi32, #tpu.memory_space<vmem>> -> memref<1x128xi32, #tpu.memory_space<vmem>>
    %dma_start3A_197 = tpu.memref_squeeze %dma_start3A_196 : memref<1x128xi32, #tpu.memory_space<vmem>> -> memref<128xi32, #tpu.memory_space<vmem>>
    %dma_start3A_198 = arith.constant 0 : i32
    %dma_start3A_199 = arith.constant 0 : i32
    %dma_start3A_200 = tpu.memref_slice %arg37[%dma_start3A_198, %dma_start3A_199] : memref<10240x16xf32, #tpu.memory_space<vmem_shared>> -> memref<10240x16xf32, #tpu.memory_space<vmem_shared>>
    tpu.enqueue_indirect_dma source(%dma_start3A_200 : memref<10240x16xf32, #tpu.memory_space<vmem_shared>>) target(%arg15 : memref<128x16xf32, #tpu.memory_space<vmem>>) offsets(%dma_start3A_197 : memref<128xi32, #tpu.memory_space<vmem>>) semaphore(%arg25 : memref<!tpu.dma_semaphore, #tpu.memory_space<semaphore_mem>>)
    %dma_start3A_201 = arith.constant 8 : i32
    %dma_start3A_202 = arith.constant 0 : i32
    %dma_start3A_203 = tpu.memref_slice %arg6[%dma_start3A_201, %dma_start3A_202] : memref<162x128xi32, #tpu.memory_space<vmem>> -> memref<1x128xi32, #tpu.memory_space<vmem>>
    %dma_start3A_204 = tpu.memref_squeeze %dma_start3A_203 : memref<1x128xi32, #tpu.memory_space<vmem>> -> memref<128xi32, #tpu.memory_space<vmem>>
    %dma_start3A_205 = arith.constant 0 : i32
    %dma_start3A_206 = arith.constant 0 : i32
    %dma_start3A_207 = tpu.memref_slice %arg37[%dma_start3A_205, %dma_start3A_206] : memref<10240x16xf32, #tpu.memory_space<vmem_shared>> -> memref<10240x16xf32, #tpu.memory_space<vmem_shared>>
    tpu.enqueue_indirect_dma source(%dma_start3A_207 : memref<10240x16xf32, #tpu.memory_space<vmem_shared>>) target(%arg16 : memref<128x16xf32, #tpu.memory_space<vmem>>) offsets(%dma_start3A_204 : memref<128xi32, #tpu.memory_space<vmem>>) semaphore(%arg26 : memref<!tpu.dma_semaphore, #tpu.memory_space<semaphore_mem>>)
    %scan3A_208 = arith.constant 0 : i32
    %scan3A_209 = arith.constant 17 : i32
    %scan3A_210 = arith.addi %scan3A_208, %scan3A_209 : i32
    %scan3A_211 = arith.constant 1 : i32
    scf.for %scan3A_407 = %scan3A_208 to %scan3A_210 step %scan3A_211  : i32 {
      %mul3A_408 = arith.constant 1 : i32
      %mul3A_409 = arith.muli %scan3A_407, %mul3A_408 : i32
      %add3A_410 = arith.constant 0 : i32
      %add3A_411 = arith.addi %add3A_410, %mul3A_409 : i32
      %mul3A_412 = arith.constant 9 : i32
      %mul3A_413 = arith.muli %add3A_411, %mul3A_412 : i32
      %add3A_414 = arith.constant 0 : i32
      %add3A_415 = arith.addi %mul3A_413, %add3A_414 : i32
      %dma_wait3A_416 = arith.constant 0 : i32
      %dma_wait3A_417 = tpu.memref_slice %arg6[%add3A_415, %dma_wait3A_416] : memref<162x128xi32, #tpu.memory_space<vmem>> -> memref<1x128xi32, #tpu.memory_space<vmem>>
      %dma_wait3A_418 = tpu.memref_squeeze %dma_wait3A_417 : memref<1x128xi32, #tpu.memory_space<vmem>> -> memref<128xi32, #tpu.memory_space<vmem>>
      %dma_wait3A_419 = arith.constant 0 : i32
      %dma_wait3A_420 = arith.constant 0 : i32
      %dma_wait3A_421 = tpu.memref_slice %arg37[%dma_wait3A_419, %dma_wait3A_420] : memref<10240x16xf32, #tpu.memory_space<vmem_shared>> -> memref<10240x16xf32, #tpu.memory_space<vmem_shared>>
      tpu.wait_indirect_dma semaphore(%arg18 : memref<!tpu.dma_semaphore, #tpu.memory_space<semaphore_mem>>) src(%dma_wait3A_421 : memref<10240x16xf32, #tpu.memory_space<vmem_shared>>) dst(%arg8 : memref<128x16xf32, #tpu.memory_space<vmem>>)
      %add3A_422 = arith.constant 0 : i32
      %add3A_423 = arith.addi %mul3A_413, %add3A_422 : i32
      %dma_start3A_424 = arith.constant 0 : i32
      %dma_start3A_425 = tpu.memref_slice %arg7[%add3A_423, %dma_start3A_424] : memref<162x128xi32, #tpu.memory_space<vmem>> -> memref<1x128xi32, #tpu.memory_space<vmem>>
      %dma_start3A_426 = tpu.memref_squeeze %dma_start3A_425 : memref<1x128xi32, #tpu.memory_space<vmem>> -> memref<128xi32, #tpu.memory_space<vmem>>
      %dma_start3A_427 = arith.constant 0 : i32
      %dma_start3A_428 = arith.constant 0 : i32
      %dma_start3A_429 = tpu.memref_slice %arg36[%dma_start3A_427, %dma_start3A_428] : memref<10240x16xf32, #tpu.memory_space<vmem_shared>> -> memref<10240x16xf32, #tpu.memory_space<vmem_shared>>
      tpu.enqueue_indirect_dma source(%arg8 : memref<128x16xf32, #tpu.memory_space<vmem>>) target(%dma_start3A_429 : memref<10240x16xf32, #tpu.memory_space<vmem_shared>>) offsets(%dma_start3A_426 : memref<128xi32, #tpu.memory_space<vmem>>) semaphore(%arg27 : memref<!tpu.dma_semaphore, #tpu.memory_space<semaphore_mem>>) {add = true}
      %add3A_430 = arith.constant 1 : i32
      %add3A_431 = arith.addi %mul3A_413, %add3A_430 : i32
      %dma_wait3A_432 = arith.constant 0 : i32
      %dma_wait3A_433 = tpu.memref_slice %arg6[%add3A_431, %dma_wait3A_432] : memref<162x128xi32, #tpu.memory_space<vmem>> -> memref<1x128xi32, #tpu.memory_space<vmem>>
      %dma_wait3A_434 = tpu.memref_squeeze %dma_wait3A_433 : memref<1x128xi32, #tpu.memory_space<vmem>> -> memref<128xi32, #tpu.memory_space<vmem>>
      %dma_wait3A_435 = arith.constant 0 : i32
      %dma_wait3A_436 = arith.constant 0 : i32
      %dma_wait3A_437 = tpu.memref_slice %arg37[%dma_wait3A_435, %dma_wait3A_436] : memref<10240x16xf32, #tpu.memory_space<vmem_shared>> -> memref<10240x16xf32, #tpu.memory_space<vmem_shared>>
      tpu.wait_indirect_dma semaphore(%arg19 : memref<!tpu.dma_semaphore, #tpu.memory_space<semaphore_mem>>) src(%dma_wait3A_437 : memref<10240x16xf32, #tpu.memory_space<vmem_shared>>) dst(%arg9 : memref<128x16xf32, #tpu.memory_space<vmem>>)
      %add3A_438 = arith.constant 1 : i32
      %add3A_439 = arith.addi %mul3A_413, %add3A_438 : i32
      %dma_start3A_440 = arith.constant 0 : i32
      %dma_start3A_441 = tpu.memref_slice %arg7[%add3A_439, %dma_start3A_440] : memref<162x128xi32, #tpu.memory_space<vmem>> -> memref<1x128xi32, #tpu.memory_space<vmem>>
      %dma_start3A_442 = tpu.memref_squeeze %dma_start3A_441 : memref<1x128xi32, #tpu.memory_space<vmem>> -> memref<128xi32, #tpu.memory_space<vmem>>
      %dma_start3A_443 = arith.constant 0 : i32
      %dma_start3A_444 = arith.constant 0 : i32
      %dma_start3A_445 = tpu.memref_slice %arg36[%dma_start3A_443, %dma_start3A_444] : memref<10240x16xf32, #tpu.memory_space<vmem_shared>> -> memref<10240x16xf32, #tpu.memory_space<vmem_shared>>
      tpu.enqueue_indirect_dma source(%arg9 : memref<128x16xf32, #tpu.memory_space<vmem>>) target(%dma_start3A_445 : memref<10240x16xf32, #tpu.memory_space<vmem_shared>>) offsets(%dma_start3A_442 : memref<128xi32, #tpu.memory_space<vmem>>) semaphore(%arg28 : memref<!tpu.dma_semaphore, #tpu.memory_space<semaphore_mem>>) {add = true}
      %add3A_446 = arith.constant 2 : i32
      %add3A_447 = arith.addi %mul3A_413, %add3A_446 : i32
      %dma_wait3A_448 = arith.constant 0 : i32
      %dma_wait3A_449 = tpu.memref_slice %arg6[%add3A_447, %dma_wait3A_448] : memref<162x128xi32, #tpu.memory_space<vmem>> -> memref<1x128xi32, #tpu.memory_space<vmem>>
      %dma_wait3A_450 = tpu.memref_squeeze %dma_wait3A_449 : memref<1x128xi32, #tpu.memory_space<vmem>> -> memref<128xi32, #tpu.memory_space<vmem>>
      %dma_wait3A_451 = arith.constant 0 : i32
      %dma_wait3A_452 = arith.constant 0 : i32
      %dma_wait3A_453 = tpu.memref_slice %arg37[%dma_wait3A_451, %dma_wait3A_452] : memref<10240x16xf32, #tpu.memory_space<vmem_shared>> -> memref<10240x16xf32, #tpu.memory_space<vmem_shared>>
      tpu.wait_indirect_dma semaphore(%arg20 : memref<!tpu.dma_semaphore, #tpu.memory_space<semaphore_mem>>) src(%dma_wait3A_453 : memref<10240x16xf32, #tpu.memory_space<vmem_shared>>) dst(%arg10 : memref<128x16xf32, #tpu.memory_space<vmem>>)
      %add3A_454 = arith.constant 2 : i32
      %add3A_455 = arith.addi %mul3A_413, %add3A_454 : i32
      %dma_start3A_456 = arith.constant 0 : i32
      %dma_start3A_457 = tpu.memref_slice %arg7[%add3A_455, %dma_start3A_456] : memref<162x128xi32, #tpu.memory_space<vmem>> -> memref<1x128xi32, #tpu.memory_space<vmem>>
      %dma_start3A_458 = tpu.memref_squeeze %dma_start3A_457 : memref<1x128xi32, #tpu.memory_space<vmem>> -> memref<128xi32, #tpu.memory_space<vmem>>
      %dma_start3A_459 = arith.constant 0 : i32
      %dma_start3A_460 = arith.constant 0 : i32
      %dma_start3A_461 = tpu.memref_slice %arg36[%dma_start3A_459, %dma_start3A_460] : memref<10240x16xf32, #tpu.memory_space<vmem_shared>> -> memref<10240x16xf32, #tpu.memory_space<vmem_shared>>
      tpu.enqueue_indirect_dma source(%arg10 : memref<128x16xf32, #tpu.memory_space<vmem>>) target(%dma_start3A_461 : memref<10240x16xf32, #tpu.memory_space<vmem_shared>>) offsets(%dma_start3A_458 : memref<128xi32, #tpu.memory_space<vmem>>) semaphore(%arg29 : memref<!tpu.dma_semaphore, #tpu.memory_space<semaphore_mem>>) {add = true}
      %add3A_462 = arith.constant 3 : i32
      %add3A_463 = arith.addi %mul3A_413, %add3A_462 : i32
      %dma_wait3A_464 = arith.constant 0 : i32
      %dma_wait3A_465 = tpu.memref_slice %arg6[%add3A_463, %dma_wait3A_464] : memref<162x128xi32, #tpu.memory_space<vmem>> -> memref<1x128xi32, #tpu.memory_space<vmem>>
      %dma_wait3A_466 = tpu.memref_squeeze %dma_wait3A_465 : memref<1x128xi32, #tpu.memory_space<vmem>> -> memref<128xi32, #tpu.memory_space<vmem>>
      %dma_wait3A_467 = arith.constant 0 : i32
      %dma_wait3A_468 = arith.constant 0 : i32
      %dma_wait3A_469 = tpu.memref_slice %arg37[%dma_wait3A_467, %dma_wait3A_468] : memref<10240x16xf32, #tpu.memory_space<vmem_shared>> -> memref<10240x16xf32, #tpu.memory_space<vmem_shared>>
      tpu.wait_indirect_dma semaphore(%arg21 : memref<!tpu.dma_semaphore, #tpu.memory_space<semaphore_mem>>) src(%dma_wait3A_469 : memref<10240x16xf32, #tpu.memory_space<vmem_shared>>) dst(%arg11 : memref<128x16xf32, #tpu.memory_space<vmem>>)
      %add3A_470 = arith.constant 3 : i32
      %add3A_471 = arith.addi %mul3A_413, %add3A_470 : i32
      %dma_start3A_472 = arith.constant 0 : i32
      %dma_start3A_473 = tpu.memref_slice %arg7[%add3A_471, %dma_start3A_472] : memref<162x128xi32, #tpu.memory_space<vmem>> -> memref<1x128xi32, #tpu.memory_space<vmem>>
      %dma_start3A_474 = tpu.memref_squeeze %dma_start3A_473 : memref<1x128xi32, #tpu.memory_space<vmem>> -> memref<128xi32, #tpu.memory_space<vmem>>
      %dma_start3A_475 = arith.constant 0 : i32
      %dma_start3A_476 = arith.constant 0 : i32
      %dma_start3A_477 = tpu.memref_slice %arg36[%dma_start3A_475, %dma_start3A_476] : memref<10240x16xf32, #tpu.memory_space<vmem_shared>> -> memref<10240x16xf32, #tpu.memory_space<vmem_shared>>
      tpu.enqueue_indirect_dma source(%arg11 : memref<128x16xf32, #tpu.memory_space<vmem>>) target(%dma_start3A_477 : memref<10240x16xf32, #tpu.memory_space<vmem_shared>>) offsets(%dma_start3A_474 : memref<128xi32, #tpu.memory_space<vmem>>) semaphore(%arg30 : memref<!tpu.dma_semaphore, #tpu.memory_space<semaphore_mem>>) {add = true}
      %add3A_478 = arith.constant 4 : i32
      %add3A_479 = arith.addi %mul3A_413, %add3A_478 : i32
      %dma_wait3A_480 = arith.constant 0 : i32
      %dma_wait3A_481 = tpu.memref_slice %arg6[%add3A_479, %dma_wait3A_480] : memref<162x128xi32, #tpu.memory_space<vmem>> -> memref<1x128xi32, #tpu.memory_space<vmem>>
      %dma_wait3A_482 = tpu.memref_squeeze %dma_wait3A_481 : memref<1x128xi32, #tpu.memory_space<vmem>> -> memref<128xi32, #tpu.memory_space<vmem>>
      %dma_wait3A_483 = arith.constant 0 : i32
      %dma_wait3A_484 = arith.constant 0 : i32
      %dma_wait3A_485 = tpu.memref_slice %arg37[%dma_wait3A_483, %dma_wait3A_484] : memref<10240x16xf32, #tpu.memory_space<vmem_shared>> -> memref<10240x16xf32, #tpu.memory_space<vmem_shared>>
      tpu.wait_indirect_dma semaphore(%arg22 : memref<!tpu.dma_semaphore, #tpu.memory_space<semaphore_mem>>) src(%dma_wait3A_485 : memref<10240x16xf32, #tpu.memory_space<vmem_shared>>) dst(%arg12 : memref<128x16xf32, #tpu.memory_space<vmem>>)
      %add3A_486 = arith.constant 4 : i32
      %add3A_487 = arith.addi %mul3A_413, %add3A_486 : i32
      %dma_start3A_488 = arith.constant 0 : i32
      %dma_start3A_489 = tpu.memref_slice %arg7[%add3A_487, %dma_start3A_488] : memref<162x128xi32, #tpu.memory_space<vmem>> -> memref<1x128xi32, #tpu.memory_space<vmem>>
      %dma_start3A_490 = tpu.memref_squeeze %dma_start3A_489 : memref<1x128xi32, #tpu.memory_space<vmem>> -> memref<128xi32, #tpu.memory_space<vmem>>
      %dma_start3A_491 = arith.constant 0 : i32
      %dma_start3A_492 = arith.constant 0 : i32
      %dma_start3A_493 = tpu.memref_slice %arg36[%dma_start3A_491, %dma_start3A_492] : memref<10240x16xf32, #tpu.memory_space<vmem_shared>> -> memref<10240x16xf32, #tpu.memory_space<vmem_shared>>
      tpu.enqueue_indirect_dma source(%arg12 : memref<128x16xf32, #tpu.memory_space<vmem>>) target(%dma_start3A_493 : memref<10240x16xf32, #tpu.memory_space<vmem_shared>>) offsets(%dma_start3A_490 : memref<128xi32, #tpu.memory_space<vmem>>) semaphore(%arg31 : memref<!tpu.dma_semaphore, #tpu.memory_space<semaphore_mem>>) {add = true}
      %add3A_494 = arith.constant 5 : i32
      %add3A_495 = arith.addi %mul3A_413, %add3A_494 : i32
      %dma_wait3A_496 = arith.constant 0 : i32
      %dma_wait3A_497 = tpu.memref_slice %arg6[%add3A_495, %dma_wait3A_496] : memref<162x128xi32, #tpu.memory_space<vmem>> -> memref<1x128xi32, #tpu.memory_space<vmem>>
      %dma_wait3A_498 = tpu.memref_squeeze %dma_wait3A_497 : memref<1x128xi32, #tpu.memory_space<vmem>> -> memref<128xi32, #tpu.memory_space<vmem>>
      %dma_wait3A_499 = arith.constant 0 : i32
      %dma_wait3A_500 = arith.constant 0 : i32
      %dma_wait3A_501 = tpu.memref_slice %arg37[%dma_wait3A_499, %dma_wait3A_500] : memref<10240x16xf32, #tpu.memory_space<vmem_shared>> -> memref<10240x16xf32, #tpu.memory_space<vmem_shared>>
      tpu.wait_indirect_dma semaphore(%arg23 : memref<!tpu.dma_semaphore, #tpu.memory_space<semaphore_mem>>) src(%dma_wait3A_501 : memref<10240x16xf32, #tpu.memory_space<vmem_shared>>) dst(%arg13 : memref<128x16xf32, #tpu.memory_space<vmem>>)
      %add3A_502 = arith.constant 5 : i32
      %add3A_503 = arith.addi %mul3A_413, %add3A_502 : i32
      %dma_start3A_504 = arith.constant 0 : i32
      %dma_start3A_505 = tpu.memref_slice %arg7[%add3A_503, %dma_start3A_504] : memref<162x128xi32, #tpu.memory_space<vmem>> -> memref<1x128xi32, #tpu.memory_space<vmem>>
      %dma_start3A_506 = tpu.memref_squeeze %dma_start3A_505 : memref<1x128xi32, #tpu.memory_space<vmem>> -> memref<128xi32, #tpu.memory_space<vmem>>
      %dma_start3A_507 = arith.constant 0 : i32
      %dma_start3A_508 = arith.constant 0 : i32
      %dma_start3A_509 = tpu.memref_slice %arg36[%dma_start3A_507, %dma_start3A_508] : memref<10240x16xf32, #tpu.memory_space<vmem_shared>> -> memref<10240x16xf32, #tpu.memory_space<vmem_shared>>
      tpu.enqueue_indirect_dma source(%arg13 : memref<128x16xf32, #tpu.memory_space<vmem>>) target(%dma_start3A_509 : memref<10240x16xf32, #tpu.memory_space<vmem_shared>>) offsets(%dma_start3A_506 : memref<128xi32, #tpu.memory_space<vmem>>) semaphore(%arg32 : memref<!tpu.dma_semaphore, #tpu.memory_space<semaphore_mem>>) {add = true}
      %add3A_510 = arith.constant 6 : i32
      %add3A_511 = arith.addi %mul3A_413, %add3A_510 : i32
      %dma_wait3A_512 = arith.constant 0 : i32
      %dma_wait3A_513 = tpu.memref_slice %arg6[%add3A_511, %dma_wait3A_512] : memref<162x128xi32, #tpu.memory_space<vmem>> -> memref<1x128xi32, #tpu.memory_space<vmem>>
      %dma_wait3A_514 = tpu.memref_squeeze %dma_wait3A_513 : memref<1x128xi32, #tpu.memory_space<vmem>> -> memref<128xi32, #tpu.memory_space<vmem>>
      %dma_wait3A_515 = arith.constant 0 : i32
      %dma_wait3A_516 = arith.constant 0 : i32
      %dma_wait3A_517 = tpu.memref_slice %arg37[%dma_wait3A_515, %dma_wait3A_516] : memref<10240x16xf32, #tpu.memory_space<vmem_shared>> -> memref<10240x16xf32, #tpu.memory_space<vmem_shared>>
      tpu.wait_indirect_dma semaphore(%arg24 : memref<!tpu.dma_semaphore, #tpu.memory_space<semaphore_mem>>) src(%dma_wait3A_517 : memref<10240x16xf32, #tpu.memory_space<vmem_shared>>) dst(%arg14 : memref<128x16xf32, #tpu.memory_space<vmem>>)
      %add3A_518 = arith.constant 6 : i32
      %add3A_519 = arith.addi %mul3A_413, %add3A_518 : i32
      %dma_start3A_520 = arith.constant 0 : i32
      %dma_start3A_521 = tpu.memref_slice %arg7[%add3A_519, %dma_start3A_520] : memref<162x128xi32, #tpu.memory_space<vmem>> -> memref<1x128xi32, #tpu.memory_space<vmem>>
      %dma_start3A_522 = tpu.memref_squeeze %dma_start3A_521 : memref<1x128xi32, #tpu.memory_space<vmem>> -> memref<128xi32, #tpu.memory_space<vmem>>
      %dma_start3A_523 = arith.constant 0 : i32
      %dma_start3A_524 = arith.constant 0 : i32
      %dma_start3A_525 = tpu.memref_slice %arg36[%dma_start3A_523, %dma_start3A_524] : memref<10240x16xf32, #tpu.memory_space<vmem_shared>> -> memref<10240x16xf32, #tpu.memory_space<vmem_shared>>
      tpu.enqueue_indirect_dma source(%arg14 : memref<128x16xf32, #tpu.memory_space<vmem>>) target(%dma_start3A_525 : memref<10240x16xf32, #tpu.memory_space<vmem_shared>>) offsets(%dma_start3A_522 : memref<128xi32, #tpu.memory_space<vmem>>) semaphore(%arg33 : memref<!tpu.dma_semaphore, #tpu.memory_space<semaphore_mem>>) {add = true}
      %add3A_526 = arith.constant 7 : i32
      %add3A_527 = arith.addi %mul3A_413, %add3A_526 : i32
      %dma_wait3A_528 = arith.constant 0 : i32
      %dma_wait3A_529 = tpu.memref_slice %arg6[%add3A_527, %dma_wait3A_528] : memref<162x128xi32, #tpu.memory_space<vmem>> -> memref<1x128xi32, #tpu.memory_space<vmem>>
      %dma_wait3A_530 = tpu.memref_squeeze %dma_wait3A_529 : memref<1x128xi32, #tpu.memory_space<vmem>> -> memref<128xi32, #tpu.memory_space<vmem>>
      %dma_wait3A_531 = arith.constant 0 : i32
      %dma_wait3A_532 = arith.constant 0 : i32
      %dma_wait3A_533 = tpu.memref_slice %arg37[%dma_wait3A_531, %dma_wait3A_532] : memref<10240x16xf32, #tpu.memory_space<vmem_shared>> -> memref<10240x16xf32, #tpu.memory_space<vmem_shared>>
      tpu.wait_indirect_dma semaphore(%arg25 : memref<!tpu.dma_semaphore, #tpu.memory_space<semaphore_mem>>) src(%dma_wait3A_533 : memref<10240x16xf32, #tpu.memory_space<vmem_shared>>) dst(%arg15 : memref<128x16xf32, #tpu.memory_space<vmem>>)
      %add3A_534 = arith.constant 7 : i32
      %add3A_535 = arith.addi %mul3A_413, %add3A_534 : i32
      %dma_start3A_536 = arith.constant 0 : i32
      %dma_start3A_537 = tpu.memref_slice %arg7[%add3A_535, %dma_start3A_536] : memref<162x128xi32, #tpu.memory_space<vmem>> -> memref<1x128xi32, #tpu.memory_space<vmem>>
      %dma_start3A_538 = tpu.memref_squeeze %dma_start3A_537 : memref<1x128xi32, #tpu.memory_space<vmem>> -> memref<128xi32, #tpu.memory_space<vmem>>
      %dma_start3A_539 = arith.constant 0 : i32
      %dma_start3A_540 = arith.constant 0 : i32
      %dma_start3A_541 = tpu.memref_slice %arg36[%dma_start3A_539, %dma_start3A_540] : memref<10240x16xf32, #tpu.memory_space<vmem_shared>> -> memref<10240x16xf32, #tpu.memory_space<vmem_shared>>
      tpu.enqueue_indirect_dma source(%arg15 : memref<128x16xf32, #tpu.memory_space<vmem>>) target(%dma_start3A_541 : memref<10240x16xf32, #tpu.memory_space<vmem_shared>>) offsets(%dma_start3A_538 : memref<128xi32, #tpu.memory_space<vmem>>) semaphore(%arg34 : memref<!tpu.dma_semaphore, #tpu.memory_space<semaphore_mem>>) {add = true}
      %add3A_542 = arith.constant 8 : i32
      %add3A_543 = arith.addi %mul3A_413, %add3A_542 : i32
      %dma_wait3A_544 = arith.constant 0 : i32
      %dma_wait3A_545 = tpu.memref_slice %arg6[%add3A_543, %dma_wait3A_544] : memref<162x128xi32, #tpu.memory_space<vmem>> -> memref<1x128xi32, #tpu.memory_space<vmem>>
      %dma_wait3A_546 = tpu.memref_squeeze %dma_wait3A_545 : memref<1x128xi32, #tpu.memory_space<vmem>> -> memref<128xi32, #tpu.memory_space<vmem>>
      %dma_wait3A_547 = arith.constant 0 : i32
      %dma_wait3A_548 = arith.constant 0 : i32
      %dma_wait3A_549 = tpu.memref_slice %arg37[%dma_wait3A_547, %dma_wait3A_548] : memref<10240x16xf32, #tpu.memory_space<vmem_shared>> -> memref<10240x16xf32, #tpu.memory_space<vmem_shared>>
      tpu.wait_indirect_dma semaphore(%arg26 : memref<!tpu.dma_semaphore, #tpu.memory_space<semaphore_mem>>) src(%dma_wait3A_549 : memref<10240x16xf32, #tpu.memory_space<vmem_shared>>) dst(%arg16 : memref<128x16xf32, #tpu.memory_space<vmem>>)
      %add3A_550 = arith.constant 8 : i32
      %add3A_551 = arith.addi %mul3A_413, %add3A_550 : i32
      %dma_start3A_552 = arith.constant 0 : i32
      %dma_start3A_553 = tpu.memref_slice %arg7[%add3A_551, %dma_start3A_552] : memref<162x128xi32, #tpu.memory_space<vmem>> -> memref<1x128xi32, #tpu.memory_space<vmem>>
      %dma_start3A_554 = tpu.memref_squeeze %dma_start3A_553 : memref<1x128xi32, #tpu.memory_space<vmem>> -> memref<128xi32, #tpu.memory_space<vmem>>
      %dma_start3A_555 = arith.constant 0 : i32
      %dma_start3A_556 = arith.constant 0 : i32
      %dma_start3A_557 = tpu.memref_slice %arg36[%dma_start3A_555, %dma_start3A_556] : memref<10240x16xf32, #tpu.memory_space<vmem_shared>> -> memref<10240x16xf32, #tpu.memory_space<vmem_shared>>
      tpu.enqueue_indirect_dma source(%arg16 : memref<128x16xf32, #tpu.memory_space<vmem>>) target(%dma_start3A_557 : memref<10240x16xf32, #tpu.memory_space<vmem_shared>>) offsets(%dma_start3A_554 : memref<128xi32, #tpu.memory_space<vmem>>) semaphore(%arg35 : memref<!tpu.dma_semaphore, #tpu.memory_space<semaphore_mem>>) {add = true}
      %add3A_558 = arith.constant 0 : i32
      %add3A_559 = arith.addi %mul3A_413, %add3A_558 : i32
      %dma_wait3A_560 = arith.constant 0 : i32
      %dma_wait3A_561 = tpu.memref_slice %arg7[%add3A_559, %dma_wait3A_560] : memref<162x128xi32, #tpu.memory_space<vmem>> -> memref<1x128xi32, #tpu.memory_space<vmem>>
      %dma_wait3A_562 = tpu.memref_squeeze %dma_wait3A_561 : memref<1x128xi32, #tpu.memory_space<vmem>> -> memref<128xi32, #tpu.memory_space<vmem>>
      %dma_wait3A_563 = arith.constant 0 : i32
      %dma_wait3A_564 = arith.constant 0 : i32
      %dma_wait3A_565 = tpu.memref_slice %arg36[%dma_wait3A_563, %dma_wait3A_564] : memref<10240x16xf32, #tpu.memory_space<vmem_shared>> -> memref<10240x16xf32, #tpu.memory_space<vmem_shared>>
      tpu.wait_indirect_dma semaphore(%arg27 : memref<!tpu.dma_semaphore, #tpu.memory_space<semaphore_mem>>) src(%arg8 : memref<128x16xf32, #tpu.memory_space<vmem>>) dst(%dma_wait3A_565 : memref<10240x16xf32, #tpu.memory_space<vmem_shared>>)
      %add3A_566 = arith.constant 9 : i32
      %add3A_567 = arith.addi %mul3A_413, %add3A_566 : i32
      %add3A_568 = arith.constant 0 : i32
      %add3A_569 = arith.addi %add3A_567, %add3A_568 : i32
      %dma_start3A_570 = arith.constant 0 : i32
      %dma_start3A_571 = tpu.memref_slice %arg6[%add3A_569, %dma_start3A_570] : memref<162x128xi32, #tpu.memory_space<vmem>> -> memref<1x128xi32, #tpu.memory_space<vmem>>
      %dma_start3A_572 = tpu.memref_squeeze %dma_start3A_571 : memref<1x128xi32, #tpu.memory_space<vmem>> -> memref<128xi32, #tpu.memory_space<vmem>>
      %dma_start3A_573 = arith.constant 0 : i32
      %dma_start3A_574 = arith.constant 0 : i32
      %dma_start3A_575 = tpu.memref_slice %arg37[%dma_start3A_573, %dma_start3A_574] : memref<10240x16xf32, #tpu.memory_space<vmem_shared>> -> memref<10240x16xf32, #tpu.memory_space<vmem_shared>>
      tpu.enqueue_indirect_dma source(%dma_start3A_575 : memref<10240x16xf32, #tpu.memory_space<vmem_shared>>) target(%arg8 : memref<128x16xf32, #tpu.memory_space<vmem>>) offsets(%dma_start3A_572 : memref<128xi32, #tpu.memory_space<vmem>>) semaphore(%arg18 : memref<!tpu.dma_semaphore, #tpu.memory_space<semaphore_mem>>)
      %add3A_576 = arith.constant 1 : i32
      %add3A_577 = arith.addi %mul3A_413, %add3A_576 : i32
      %dma_wait3A_578 = arith.constant 0 : i32
      %dma_wait3A_579 = tpu.memref_slice %arg7[%add3A_577, %dma_wait3A_578] : memref<162x128xi32, #tpu.memory_space<vmem>> -> memref<1x128xi32, #tpu.memory_space<vmem>>
      %dma_wait3A_580 = tpu.memref_squeeze %dma_wait3A_579 : memref<1x128xi32, #tpu.memory_space<vmem>> -> memref<128xi32, #tpu.memory_space<vmem>>
      %dma_wait3A_581 = arith.constant 0 : i32
      %dma_wait3A_582 = arith.constant 0 : i32
      %dma_wait3A_583 = tpu.memref_slice %arg36[%dma_wait3A_581, %dma_wait3A_582] : memref<10240x16xf32, #tpu.memory_space<vmem_shared>> -> memref<10240x16xf32, #tpu.memory_space<vmem_shared>>
      tpu.wait_indirect_dma semaphore(%arg28 : memref<!tpu.dma_semaphore, #tpu.memory_space<semaphore_mem>>) src(%arg9 : memref<128x16xf32, #tpu.memory_space<vmem>>) dst(%dma_wait3A_583 : memref<10240x16xf32, #tpu.memory_space<vmem_shared>>)
      %add3A_584 = arith.constant 9 : i32
      %add3A_585 = arith.addi %mul3A_413, %add3A_584 : i32
      %add3A_586 = arith.constant 1 : i32
      %add3A_587 = arith.addi %add3A_585, %add3A_586 : i32
      %dma_start3A_588 = arith.constant 0 : i32
      %dma_start3A_589 = tpu.memref_slice %arg6[%add3A_587, %dma_start3A_588] : memref<162x128xi32, #tpu.memory_space<vmem>> -> memref<1x128xi32, #tpu.memory_space<vmem>>
      %dma_start3A_590 = tpu.memref_squeeze %dma_start3A_589 : memref<1x128xi32, #tpu.memory_space<vmem>> -> memref<128xi32, #tpu.memory_space<vmem>>
      %dma_start3A_591 = arith.constant 0 : i32
      %dma_start3A_592 = arith.constant 0 : i32
      %dma_start3A_593 = tpu.memref_slice %arg37[%dma_start3A_591, %dma_start3A_592] : memref<10240x16xf32, #tpu.memory_space<vmem_shared>> -> memref<10240x16xf32, #tpu.memory_space<vmem_shared>>
      tpu.enqueue_indirect_dma source(%dma_start3A_593 : memref<10240x16xf32, #tpu.memory_space<vmem_shared>>) target(%arg9 : memref<128x16xf32, #tpu.memory_space<vmem>>) offsets(%dma_start3A_590 : memref<128xi32, #tpu.memory_space<vmem>>) semaphore(%arg19 : memref<!tpu.dma_semaphore, #tpu.memory_space<semaphore_mem>>)
      %add3A_594 = arith.constant 2 : i32
      %add3A_595 = arith.addi %mul3A_413, %add3A_594 : i32
      %dma_wait3A_596 = arith.constant 0 : i32
      %dma_wait3A_597 = tpu.memref_slice %arg7[%add3A_595, %dma_wait3A_596] : memref<162x128xi32, #tpu.memory_space<vmem>> -> memref<1x128xi32, #tpu.memory_space<vmem>>
      %dma_wait3A_598 = tpu.memref_squeeze %dma_wait3A_597 : memref<1x128xi32, #tpu.memory_space<vmem>> -> memref<128xi32, #tpu.memory_space<vmem>>
      %dma_wait3A_599 = arith.constant 0 : i32
      %dma_wait3A_600 = arith.constant 0 : i32
      %dma_wait3A_601 = tpu.memref_slice %arg36[%dma_wait3A_599, %dma_wait3A_600] : memref<10240x16xf32, #tpu.memory_space<vmem_shared>> -> memref<10240x16xf32, #tpu.memory_space<vmem_shared>>
      tpu.wait_indirect_dma semaphore(%arg29 : memref<!tpu.dma_semaphore, #tpu.memory_space<semaphore_mem>>) src(%arg10 : memref<128x16xf32, #tpu.memory_space<vmem>>) dst(%dma_wait3A_601 : memref<10240x16xf32, #tpu.memory_space<vmem_shared>>)
      %add3A_602 = arith.constant 9 : i32
      %add3A_603 = arith.addi %mul3A_413, %add3A_602 : i32
      %add3A_604 = arith.constant 2 : i32
      %add3A_605 = arith.addi %add3A_603, %add3A_604 : i32
      %dma_start3A_606 = arith.constant 0 : i32
      %dma_start3A_607 = tpu.memref_slice %arg6[%add3A_605, %dma_start3A_606] : memref<162x128xi32, #tpu.memory_space<vmem>> -> memref<1x128xi32, #tpu.memory_space<vmem>>
      %dma_start3A_608 = tpu.memref_squeeze %dma_start3A_607 : memref<1x128xi32, #tpu.memory_space<vmem>> -> memref<128xi32, #tpu.memory_space<vmem>>
      %dma_start3A_609 = arith.constant 0 : i32
      %dma_start3A_610 = arith.constant 0 : i32
      %dma_start3A_611 = tpu.memref_slice %arg37[%dma_start3A_609, %dma_start3A_610] : memref<10240x16xf32, #tpu.memory_space<vmem_shared>> -> memref<10240x16xf32, #tpu.memory_space<vmem_shared>>
      tpu.enqueue_indirect_dma source(%dma_start3A_611 : memref<10240x16xf32, #tpu.memory_space<vmem_shared>>) target(%arg10 : memref<128x16xf32, #tpu.memory_space<vmem>>) offsets(%dma_start3A_608 : memref<128xi32, #tpu.memory_space<vmem>>) semaphore(%arg20 : memref<!tpu.dma_semaphore, #tpu.memory_space<semaphore_mem>>)
      %add3A_612 = arith.constant 3 : i32
      %add3A_613 = arith.addi %mul3A_413, %add3A_612 : i32
      %dma_wait3A_614 = arith.constant 0 : i32
      %dma_wait3A_615 = tpu.memref_slice %arg7[%add3A_613, %dma_wait3A_614] : memref<162x128xi32, #tpu.memory_space<vmem>> -> memref<1x128xi32, #tpu.memory_space<vmem>>
      %dma_wait3A_616 = tpu.memref_squeeze %dma_wait3A_615 : memref<1x128xi32, #tpu.memory_space<vmem>> -> memref<128xi32, #tpu.memory_space<vmem>>
      %dma_wait3A_617 = arith.constant 0 : i32
      %dma_wait3A_618 = arith.constant 0 : i32
      %dma_wait3A_619 = tpu.memref_slice %arg36[%dma_wait3A_617, %dma_wait3A_618] : memref<10240x16xf32, #tpu.memory_space<vmem_shared>> -> memref<10240x16xf32, #tpu.memory_space<vmem_shared>>
      tpu.wait_indirect_dma semaphore(%arg30 : memref<!tpu.dma_semaphore, #tpu.memory_space<semaphore_mem>>) src(%arg11 : memref<128x16xf32, #tpu.memory_space<vmem>>) dst(%dma_wait3A_619 : memref<10240x16xf32, #tpu.memory_space<vmem_shared>>)
      %add3A_620 = arith.constant 9 : i32
      %add3A_621 = arith.addi %mul3A_413, %add3A_620 : i32
      %add3A_622 = arith.constant 3 : i32
      %add3A_623 = arith.addi %add3A_621, %add3A_622 : i32
      %dma_start3A_624 = arith.constant 0 : i32
      %dma_start3A_625 = tpu.memref_slice %arg6[%add3A_623, %dma_start3A_624] : memref<162x128xi32, #tpu.memory_space<vmem>> -> memref<1x128xi32, #tpu.memory_space<vmem>>
      %dma_start3A_626 = tpu.memref_squeeze %dma_start3A_625 : memref<1x128xi32, #tpu.memory_space<vmem>> -> memref<128xi32, #tpu.memory_space<vmem>>
      %dma_start3A_627 = arith.constant 0 : i32
      %dma_start3A_628 = arith.constant 0 : i32
      %dma_start3A_629 = tpu.memref_slice %arg37[%dma_start3A_627, %dma_start3A_628] : memref<10240x16xf32, #tpu.memory_space<vmem_shared>> -> memref<10240x16xf32, #tpu.memory_space<vmem_shared>>
      tpu.enqueue_indirect_dma source(%dma_start3A_629 : memref<10240x16xf32, #tpu.memory_space<vmem_shared>>) target(%arg11 : memref<128x16xf32, #tpu.memory_space<vmem>>) offsets(%dma_start3A_626 : memref<128xi32, #tpu.memory_space<vmem>>) semaphore(%arg21 : memref<!tpu.dma_semaphore, #tpu.memory_space<semaphore_mem>>)
      %add3A_630 = arith.constant 4 : i32
      %add3A_631 = arith.addi %mul3A_413, %add3A_630 : i32
      %dma_wait3A_632 = arith.constant 0 : i32
      %dma_wait3A_633 = tpu.memref_slice %arg7[%add3A_631, %dma_wait3A_632] : memref<162x128xi32, #tpu.memory_space<vmem>> -> memref<1x128xi32, #tpu.memory_space<vmem>>
      %dma_wait3A_634 = tpu.memref_squeeze %dma_wait3A_633 : memref<1x128xi32, #tpu.memory_space<vmem>> -> memref<128xi32, #tpu.memory_space<vmem>>
      %dma_wait3A_635 = arith.constant 0 : i32
      %dma_wait3A_636 = arith.constant 0 : i32
      %dma_wait3A_637 = tpu.memref_slice %arg36[%dma_wait3A_635, %dma_wait3A_636] : memref<10240x16xf32, #tpu.memory_space<vmem_shared>> -> memref<10240x16xf32, #tpu.memory_space<vmem_shared>>
      tpu.wait_indirect_dma semaphore(%arg31 : memref<!tpu.dma_semaphore, #tpu.memory_space<semaphore_mem>>) src(%arg12 : memref<128x16xf32, #tpu.memory_space<vmem>>) dst(%dma_wait3A_637 : memref<10240x16xf32, #tpu.memory_space<vmem_shared>>)
      %add3A_638 = arith.constant 9 : i32
      %add3A_639 = arith.addi %mul3A_413, %add3A_638 : i32
      %add3A_640 = arith.constant 4 : i32
      %add3A_641 = arith.addi %add3A_639, %add3A_640 : i32
      %dma_start3A_642 = arith.constant 0 : i32
      %dma_start3A_643 = tpu.memref_slice %arg6[%add3A_641, %dma_start3A_642] : memref<162x128xi32, #tpu.memory_space<vmem>> -> memref<1x128xi32, #tpu.memory_space<vmem>>
      %dma_start3A_644 = tpu.memref_squeeze %dma_start3A_643 : memref<1x128xi32, #tpu.memory_space<vmem>> -> memref<128xi32, #tpu.memory_space<vmem>>
      %dma_start3A_645 = arith.constant 0 : i32
      %dma_start3A_646 = arith.constant 0 : i32
      %dma_start3A_647 = tpu.memref_slice %arg37[%dma_start3A_645, %dma_start3A_646] : memref<10240x16xf32, #tpu.memory_space<vmem_shared>> -> memref<10240x16xf32, #tpu.memory_space<vmem_shared>>
      tpu.enqueue_indirect_dma source(%dma_start3A_647 : memref<10240x16xf32, #tpu.memory_space<vmem_shared>>) target(%arg12 : memref<128x16xf32, #tpu.memory_space<vmem>>) offsets(%dma_start3A_644 : memref<128xi32, #tpu.memory_space<vmem>>) semaphore(%arg22 : memref<!tpu.dma_semaphore, #tpu.memory_space<semaphore_mem>>)
      %add3A_648 = arith.constant 5 : i32
      %add3A_649 = arith.addi %mul3A_413, %add3A_648 : i32
      %dma_wait3A_650 = arith.constant 0 : i32
      %dma_wait3A_651 = tpu.memref_slice %arg7[%add3A_649, %dma_wait3A_650] : memref<162x128xi32, #tpu.memory_space<vmem>> -> memref<1x128xi32, #tpu.memory_space<vmem>>
      %dma_wait3A_652 = tpu.memref_squeeze %dma_wait3A_651 : memref<1x128xi32, #tpu.memory_space<vmem>> -> memref<128xi32, #tpu.memory_space<vmem>>
      %dma_wait3A_653 = arith.constant 0 : i32
      %dma_wait3A_654 = arith.constant 0 : i32
      %dma_wait3A_655 = tpu.memref_slice %arg36[%dma_wait3A_653, %dma_wait3A_654] : memref<10240x16xf32, #tpu.memory_space<vmem_shared>> -> memref<10240x16xf32, #tpu.memory_space<vmem_shared>>
      tpu.wait_indirect_dma semaphore(%arg32 : memref<!tpu.dma_semaphore, #tpu.memory_space<semaphore_mem>>) src(%arg13 : memref<128x16xf32, #tpu.memory_space<vmem>>) dst(%dma_wait3A_655 : memref<10240x16xf32, #tpu.memory_space<vmem_shared>>)
      %add3A_656 = arith.constant 9 : i32
      %add3A_657 = arith.addi %mul3A_413, %add3A_656 : i32
      %add3A_658 = arith.constant 5 : i32
      %add3A_659 = arith.addi %add3A_657, %add3A_658 : i32
      %dma_start3A_660 = arith.constant 0 : i32
      %dma_start3A_661 = tpu.memref_slice %arg6[%add3A_659, %dma_start3A_660] : memref<162x128xi32, #tpu.memory_space<vmem>> -> memref<1x128xi32, #tpu.memory_space<vmem>>
      %dma_start3A_662 = tpu.memref_squeeze %dma_start3A_661 : memref<1x128xi32, #tpu.memory_space<vmem>> -> memref<128xi32, #tpu.memory_space<vmem>>
      %dma_start3A_663 = arith.constant 0 : i32
      %dma_start3A_664 = arith.constant 0 : i32
      %dma_start3A_665 = tpu.memref_slice %arg37[%dma_start3A_663, %dma_start3A_664] : memref<10240x16xf32, #tpu.memory_space<vmem_shared>> -> memref<10240x16xf32, #tpu.memory_space<vmem_shared>>
      tpu.enqueue_indirect_dma source(%dma_start3A_665 : memref<10240x16xf32, #tpu.memory_space<vmem_shared>>) target(%arg13 : memref<128x16xf32, #tpu.memory_space<vmem>>) offsets(%dma_start3A_662 : memref<128xi32, #tpu.memory_space<vmem>>) semaphore(%arg23 : memref<!tpu.dma_semaphore, #tpu.memory_space<semaphore_mem>>)
      %add3A_666 = arith.constant 6 : i32
      %add3A_667 = arith.addi %mul3A_413, %add3A_666 : i32
      %dma_wait3A_668 = arith.constant 0 : i32
      %dma_wait3A_669 = tpu.memref_slice %arg7[%add3A_667, %dma_wait3A_668] : memref<162x128xi32, #tpu.memory_space<vmem>> -> memref<1x128xi32, #tpu.memory_space<vmem>>
      %dma_wait3A_670 = tpu.memref_squeeze %dma_wait3A_669 : memref<1x128xi32, #tpu.memory_space<vmem>> -> memref<128xi32, #tpu.memory_space<vmem>>
      %dma_wait3A_671 = arith.constant 0 : i32
      %dma_wait3A_672 = arith.constant 0 : i32
      %dma_wait3A_673 = tpu.memref_slice %arg36[%dma_wait3A_671, %dma_wait3A_672] : memref<10240x16xf32, #tpu.memory_space<vmem_shared>> -> memref<10240x16xf32, #tpu.memory_space<vmem_shared>>
      tpu.wait_indirect_dma semaphore(%arg33 : memref<!tpu.dma_semaphore, #tpu.memory_space<semaphore_mem>>) src(%arg14 : memref<128x16xf32, #tpu.memory_space<vmem>>) dst(%dma_wait3A_673 : memref<10240x16xf32, #tpu.memory_space<vmem_shared>>)
      %add3A_674 = arith.constant 9 : i32
      %add3A_675 = arith.addi %mul3A_413, %add3A_674 : i32
      %add3A_676 = arith.constant 6 : i32
      %add3A_677 = arith.addi %add3A_675, %add3A_676 : i32
      %dma_start3A_678 = arith.constant 0 : i32
      %dma_start3A_679 = tpu.memref_slice %arg6[%add3A_677, %dma_start3A_678] : memref<162x128xi32, #tpu.memory_space<vmem>> -> memref<1x128xi32, #tpu.memory_space<vmem>>
      %dma_start3A_680 = tpu.memref_squeeze %dma_start3A_679 : memref<1x128xi32, #tpu.memory_space<vmem>> -> memref<128xi32, #tpu.memory_space<vmem>>
      %dma_start3A_681 = arith.constant 0 : i32
      %dma_start3A_682 = arith.constant 0 : i32
      %dma_start3A_683 = tpu.memref_slice %arg37[%dma_start3A_681, %dma_start3A_682] : memref<10240x16xf32, #tpu.memory_space<vmem_shared>> -> memref<10240x16xf32, #tpu.memory_space<vmem_shared>>
      tpu.enqueue_indirect_dma source(%dma_start3A_683 : memref<10240x16xf32, #tpu.memory_space<vmem_shared>>) target(%arg14 : memref<128x16xf32, #tpu.memory_space<vmem>>) offsets(%dma_start3A_680 : memref<128xi32, #tpu.memory_space<vmem>>) semaphore(%arg24 : memref<!tpu.dma_semaphore, #tpu.memory_space<semaphore_mem>>)
      %add3A_684 = arith.constant 7 : i32
      %add3A_685 = arith.addi %mul3A_413, %add3A_684 : i32
      %dma_wait3A_686 = arith.constant 0 : i32
      %dma_wait3A_687 = tpu.memref_slice %arg7[%add3A_685, %dma_wait3A_686] : memref<162x128xi32, #tpu.memory_space<vmem>> -> memref<1x128xi32, #tpu.memory_space<vmem>>
      %dma_wait3A_688 = tpu.memref_squeeze %dma_wait3A_687 : memref<1x128xi32, #tpu.memory_space<vmem>> -> memref<128xi32, #tpu.memory_space<vmem>>
      %dma_wait3A_689 = arith.constant 0 : i32
      %dma_wait3A_690 = arith.constant 0 : i32
      %dma_wait3A_691 = tpu.memref_slice %arg36[%dma_wait3A_689, %dma_wait3A_690] : memref<10240x16xf32, #tpu.memory_space<vmem_shared>> -> memref<10240x16xf32, #tpu.memory_space<vmem_shared>>
      tpu.wait_indirect_dma semaphore(%arg34 : memref<!tpu.dma_semaphore, #tpu.memory_space<semaphore_mem>>) src(%arg15 : memref<128x16xf32, #tpu.memory_space<vmem>>) dst(%dma_wait3A_691 : memref<10240x16xf32, #tpu.memory_space<vmem_shared>>)
      %add3A_692 = arith.constant 9 : i32
      %add3A_693 = arith.addi %mul3A_413, %add3A_692 : i32
      %add3A_694 = arith.constant 7 : i32
      %add3A_695 = arith.addi %add3A_693, %add3A_694 : i32
      %dma_start3A_696 = arith.constant 0 : i32
      %dma_start3A_697 = tpu.memref_slice %arg6[%add3A_695, %dma_start3A_696] : memref<162x128xi32, #tpu.memory_space<vmem>> -> memref<1x128xi32, #tpu.memory_space<vmem>>
      %dma_start3A_698 = tpu.memref_squeeze %dma_start3A_697 : memref<1x128xi32, #tpu.memory_space<vmem>> -> memref<128xi32, #tpu.memory_space<vmem>>
      %dma_start3A_699 = arith.constant 0 : i32
      %dma_start3A_700 = arith.constant 0 : i32
      %dma_start3A_701 = tpu.memref_slice %arg37[%dma_start3A_699, %dma_start3A_700] : memref<10240x16xf32, #tpu.memory_space<vmem_shared>> -> memref<10240x16xf32, #tpu.memory_space<vmem_shared>>
      tpu.enqueue_indirect_dma source(%dma_start3A_701 : memref<10240x16xf32, #tpu.memory_space<vmem_shared>>) target(%arg15 : memref<128x16xf32, #tpu.memory_space<vmem>>) offsets(%dma_start3A_698 : memref<128xi32, #tpu.memory_space<vmem>>) semaphore(%arg25 : memref<!tpu.dma_semaphore, #tpu.memory_space<semaphore_mem>>)
      %add3A_702 = arith.constant 8 : i32
      %add3A_703 = arith.addi %mul3A_413, %add3A_702 : i32
      %dma_wait3A_704 = arith.constant 0 : i32
      %dma_wait3A_705 = tpu.memref_slice %arg7[%add3A_703, %dma_wait3A_704] : memref<162x128xi32, #tpu.memory_space<vmem>> -> memref<1x128xi32, #tpu.memory_space<vmem>>
      %dma_wait3A_706 = tpu.memref_squeeze %dma_wait3A_705 : memref<1x128xi32, #tpu.memory_space<vmem>> -> memref<128xi32, #tpu.memory_space<vmem>>
      %dma_wait3A_707 = arith.constant 0 : i32
      %dma_wait3A_708 = arith.constant 0 : i32
      %dma_wait3A_709 = tpu.memref_slice %arg36[%dma_wait3A_707, %dma_wait3A_708] : memref<10240x16xf32, #tpu.memory_space<vmem_shared>> -> memref<10240x16xf32, #tpu.memory_space<vmem_shared>>
      tpu.wait_indirect_dma semaphore(%arg35 : memref<!tpu.dma_semaphore, #tpu.memory_space<semaphore_mem>>) src(%arg16 : memref<128x16xf32, #tpu.memory_space<vmem>>) dst(%dma_wait3A_709 : memref<10240x16xf32, #tpu.memory_space<vmem_shared>>)
      %add3A_710 = arith.constant 9 : i32
      %add3A_711 = arith.addi %mul3A_413, %add3A_710 : i32
      %add3A_712 = arith.constant 8 : i32
      %add3A_713 = arith.addi %add3A_711, %add3A_712 : i32
      %dma_start3A_714 = arith.constant 0 : i32
      %dma_start3A_715 = tpu.memref_slice %arg6[%add3A_713, %dma_start3A_714] : memref<162x128xi32, #tpu.memory_space<vmem>> -> memref<1x128xi32, #tpu.memory_space<vmem>>
      %dma_start3A_716 = tpu.memref_squeeze %dma_start3A_715 : memref<1x128xi32, #tpu.memory_space<vmem>> -> memref<128xi32, #tpu.memory_space<vmem>>
      %dma_start3A_717 = arith.constant 0 : i32
      %dma_start3A_718 = arith.constant 0 : i32
      %dma_start3A_719 = tpu.memref_slice %arg37[%dma_start3A_717, %dma_start3A_718] : memref<10240x16xf32, #tpu.memory_space<vmem_shared>> -> memref<10240x16xf32, #tpu.memory_space<vmem_shared>>
      tpu.enqueue_indirect_dma source(%dma_start3A_719 : memref<10240x16xf32, #tpu.memory_space<vmem_shared>>) target(%arg16 : memref<128x16xf32, #tpu.memory_space<vmem>>) offsets(%dma_start3A_716 : memref<128xi32, #tpu.memory_space<vmem>>) semaphore(%arg26 : memref<!tpu.dma_semaphore, #tpu.memory_space<semaphore_mem>>)
    }
    %scan3A_212 = arith.constant 17 : i32
    %dma_wait3A_213 = arith.constant 153 : i32
    %dma_wait3A_214 = arith.constant 0 : i32
    %dma_wait3A_215 = tpu.memref_slice %arg6[%dma_wait3A_213, %dma_wait3A_214] : memref<162x128xi32, #tpu.memory_space<vmem>> -> memref<1x128xi32, #tpu.memory_space<vmem>>
    %dma_wait3A_216 = tpu.memref_squeeze %dma_wait3A_215 : memref<1x128xi32, #tpu.memory_space<vmem>> -> memref<128xi32, #tpu.memory_space<vmem>>
    %dma_wait3A_217 = arith.constant 0 : i32
    %dma_wait3A_218 = arith.constant 0 : i32
    %dma_wait3A_219 = tpu.memref_slice %arg37[%dma_wait3A_217, %dma_wait3A_218] : memref<10240x16xf32, #tpu.memory_space<vmem_shared>> -> memref<10240x16xf32, #tpu.memory_space<vmem_shared>>
    tpu.wait_indirect_dma semaphore(%arg18 : memref<!tpu.dma_semaphore, #tpu.memory_space<semaphore_mem>>) src(%dma_wait3A_219 : memref<10240x16xf32, #tpu.memory_space<vmem_shared>>) dst(%arg8 : memref<128x16xf32, #tpu.memory_space<vmem>>)
    %dma_start3A_220 = arith.constant 153 : i32
    %dma_start3A_221 = arith.constant 0 : i32
    %dma_start3A_222 = tpu.memref_slice %arg7[%dma_start3A_220, %dma_start3A_221] : memref<162x128xi32, #tpu.memory_space<vmem>> -> memref<1x128xi32, #tpu.memory_space<vmem>>
    %dma_start3A_223 = tpu.memref_squeeze %dma_start3A_222 : memref<1x128xi32, #tpu.memory_space<vmem>> -> memref<128xi32, #tpu.memory_space<vmem>>
    %dma_start3A_224 = arith.constant 0 : i32
    %dma_start3A_225 = arith.constant 0 : i32
    %dma_start3A_226 = tpu.memref_slice %arg36[%dma_start3A_224, %dma_start3A_225] : memref<10240x16xf32, #tpu.memory_space<vmem_shared>> -> memref<10240x16xf32, #tpu.memory_space<vmem_shared>>
    tpu.enqueue_indirect_dma source(%arg8 : memref<128x16xf32, #tpu.memory_space<vmem>>) target(%dma_start3A_226 : memref<10240x16xf32, #tpu.memory_space<vmem_shared>>) offsets(%dma_start3A_223 : memref<128xi32, #tpu.memory_space<vmem>>) semaphore(%arg27 : memref<!tpu.dma_semaphore, #tpu.memory_space<semaphore_mem>>) {add = true}
    %dma_wait3A_227 = arith.constant 154 : i32
    %dma_wait3A_228 = arith.constant 0 : i32
    %dma_wait3A_229 = tpu.memref_slice %arg6[%dma_wait3A_227, %dma_wait3A_228] : memref<162x128xi32, #tpu.memory_space<vmem>> -> memref<1x128xi32, #tpu.memory_space<vmem>>
    %dma_wait3A_230 = tpu.memref_squeeze %dma_wait3A_229 : memref<1x128xi32, #tpu.memory_space<vmem>> -> memref<128xi32, #tpu.memory_space<vmem>>
    %dma_wait3A_231 = arith.constant 0 : i32
    %dma_wait3A_232 = arith.constant 0 : i32
    %dma_wait3A_233 = tpu.memref_slice %arg37[%dma_wait3A_231, %dma_wait3A_232] : memref<10240x16xf32, #tpu.memory_space<vmem_shared>> -> memref<10240x16xf32, #tpu.memory_space<vmem_shared>>
    tpu.wait_indirect_dma semaphore(%arg19 : memref<!tpu.dma_semaphore, #tpu.memory_space<semaphore_mem>>) src(%dma_wait3A_233 : memref<10240x16xf32, #tpu.memory_space<vmem_shared>>) dst(%arg9 : memref<128x16xf32, #tpu.memory_space<vmem>>)
    %dma_start3A_234 = arith.constant 154 : i32
    %dma_start3A_235 = arith.constant 0 : i32
    %dma_start3A_236 = tpu.memref_slice %arg7[%dma_start3A_234, %dma_start3A_235] : memref<162x128xi32, #tpu.memory_space<vmem>> -> memref<1x128xi32, #tpu.memory_space<vmem>>
    %dma_start3A_237 = tpu.memref_squeeze %dma_start3A_236 : memref<1x128xi32, #tpu.memory_space<vmem>> -> memref<128xi32, #tpu.memory_space<vmem>>
    %dma_start3A_238 = arith.constant 0 : i32
    %dma_start3A_239 = arith.constant 0 : i32
    %dma_start3A_240 = tpu.memref_slice %arg36[%dma_start3A_238, %dma_start3A_239] : memref<10240x16xf32, #tpu.memory_space<vmem_shared>> -> memref<10240x16xf32, #tpu.memory_space<vmem_shared>>
    tpu.enqueue_indirect_dma source(%arg9 : memref<128x16xf32, #tpu.memory_space<vmem>>) target(%dma_start3A_240 : memref<10240x16xf32, #tpu.memory_space<vmem_shared>>) offsets(%dma_start3A_237 : memref<128xi32, #tpu.memory_space<vmem>>) semaphore(%arg28 : memref<!tpu.dma_semaphore, #tpu.memory_space<semaphore_mem>>) {add = true}
    %dma_wait3A_241 = arith.constant 155 : i32
    %dma_wait3A_242 = arith.constant 0 : i32
    %dma_wait3A_243 = tpu.memref_slice %arg6[%dma_wait3A_241, %dma_wait3A_242] : memref<162x128xi32, #tpu.memory_space<vmem>> -> memref<1x128xi32, #tpu.memory_space<vmem>>
    %dma_wait3A_244 = tpu.memref_squeeze %dma_wait3A_243 : memref<1x128xi32, #tpu.memory_space<vmem>> -> memref<128xi32, #tpu.memory_space<vmem>>
    %dma_wait3A_245 = arith.constant 0 : i32
    %dma_wait3A_246 = arith.constant 0 : i32
    %dma_wait3A_247 = tpu.memref_slice %arg37[%dma_wait3A_245, %dma_wait3A_246] : memref<10240x16xf32, #tpu.memory_space<vmem_shared>> -> memref<10240x16xf32, #tpu.memory_space<vmem_shared>>
    tpu.wait_indirect_dma semaphore(%arg20 : memref<!tpu.dma_semaphore, #tpu.memory_space<semaphore_mem>>) src(%dma_wait3A_247 : memref<10240x16xf32, #tpu.memory_space<vmem_shared>>) dst(%arg10 : memref<128x16xf32, #tpu.memory_space<vmem>>)
    %dma_start3A_248 = arith.constant 155 : i32
    %dma_start3A_249 = arith.constant 0 : i32
    %dma_start3A_250 = tpu.memref_slice %arg7[%dma_start3A_248, %dma_start3A_249] : memref<162x128xi32, #tpu.memory_space<vmem>> -> memref<1x128xi32, #tpu.memory_space<vmem>>
    %dma_start3A_251 = tpu.memref_squeeze %dma_start3A_250 : memref<1x128xi32, #tpu.memory_space<vmem>> -> memref<128xi32, #tpu.memory_space<vmem>>
    %dma_start3A_252 = arith.constant 0 : i32
    %dma_start3A_253 = arith.constant 0 : i32
    %dma_start3A_254 = tpu.memref_slice %arg36[%dma_start3A_252, %dma_start3A_253] : memref<10240x16xf32, #tpu.memory_space<vmem_shared>> -> memref<10240x16xf32, #tpu.memory_space<vmem_shared>>
    tpu.enqueue_indirect_dma source(%arg10 : memref<128x16xf32, #tpu.memory_space<vmem>>) target(%dma_start3A_254 : memref<10240x16xf32, #tpu.memory_space<vmem_shared>>) offsets(%dma_start3A_251 : memref<128xi32, #tpu.memory_space<vmem>>) semaphore(%arg29 : memref<!tpu.dma_semaphore, #tpu.memory_space<semaphore_mem>>) {add = true}
    %dma_wait3A_255 = arith.constant 156 : i32
    %dma_wait3A_256 = arith.constant 0 : i32
    %dma_wait3A_257 = tpu.memref_slice %arg6[%dma_wait3A_255, %dma_wait3A_256] : memref<162x128xi32, #tpu.memory_space<vmem>> -> memref<1x128xi32, #tpu.memory_space<vmem>>
    %dma_wait3A_258 = tpu.memref_squeeze %dma_wait3A_257 : memref<1x128xi32, #tpu.memory_space<vmem>> -> memref<128xi32, #tpu.memory_space<vmem>>
    %dma_wait3A_259 = arith.constant 0 : i32
    %dma_wait3A_260 = arith.constant 0 : i32
    %dma_wait3A_261 = tpu.memref_slice %arg37[%dma_wait3A_259, %dma_wait3A_260] : memref<10240x16xf32, #tpu.memory_space<vmem_shared>> -> memref<10240x16xf32, #tpu.memory_space<vmem_shared>>
    tpu.wait_indirect_dma semaphore(%arg21 : memref<!tpu.dma_semaphore, #tpu.memory_space<semaphore_mem>>) src(%dma_wait3A_261 : memref<10240x16xf32, #tpu.memory_space<vmem_shared>>) dst(%arg11 : memref<128x16xf32, #tpu.memory_space<vmem>>)
    %dma_start3A_262 = arith.constant 156 : i32
    %dma_start3A_263 = arith.constant 0 : i32
    %dma_start3A_264 = tpu.memref_slice %arg7[%dma_start3A_262, %dma_start3A_263] : memref<162x128xi32, #tpu.memory_space<vmem>> -> memref<1x128xi32, #tpu.memory_space<vmem>>
    %dma_start3A_265 = tpu.memref_squeeze %dma_start3A_264 : memref<1x128xi32, #tpu.memory_space<vmem>> -> memref<128xi32, #tpu.memory_space<vmem>>
    %dma_start3A_266 = arith.constant 0 : i32
    %dma_start3A_267 = arith.constant 0 : i32
    %dma_start3A_268 = tpu.memref_slice %arg36[%dma_start3A_266, %dma_start3A_267] : memref<10240x16xf32, #tpu.memory_space<vmem_shared>> -> memref<10240x16xf32, #tpu.memory_space<vmem_shared>>
    tpu.enqueue_indirect_dma source(%arg11 : memref<128x16xf32, #tpu.memory_space<vmem>>) target(%dma_start3A_268 : memref<10240x16xf32, #tpu.memory_space<vmem_shared>>) offsets(%dma_start3A_265 : memref<128xi32, #tpu.memory_space<vmem>>) semaphore(%arg30 : memref<!tpu.dma_semaphore, #tpu.memory_space<semaphore_mem>>) {add = true}
    %dma_wait3A_269 = arith.constant 157 : i32
    %dma_wait3A_270 = arith.constant 0 : i32
    %dma_wait3A_271 = tpu.memref_slice %arg6[%dma_wait3A_269, %dma_wait3A_270] : memref<162x128xi32, #tpu.memory_space<vmem>> -> memref<1x128xi32, #tpu.memory_space<vmem>>
    %dma_wait3A_272 = tpu.memref_squeeze %dma_wait3A_271 : memref<1x128xi32, #tpu.memory_space<vmem>> -> memref<128xi32, #tpu.memory_space<vmem>>
    %dma_wait3A_273 = arith.constant 0 : i32
    %dma_wait3A_274 = arith.constant 0 : i32
    %dma_wait3A_275 = tpu.memref_slice %arg37[%dma_wait3A_273, %dma_wait3A_274] : memref<10240x16xf32, #tpu.memory_space<vmem_shared>> -> memref<10240x16xf32, #tpu.memory_space<vmem_shared>>
    tpu.wait_indirect_dma semaphore(%arg22 : memref<!tpu.dma_semaphore, #tpu.memory_space<semaphore_mem>>) src(%dma_wait3A_275 : memref<10240x16xf32, #tpu.memory_space<vmem_shared>>) dst(%arg12 : memref<128x16xf32, #tpu.memory_space<vmem>>)
    %dma_start3A_276 = arith.constant 157 : i32
    %dma_start3A_277 = arith.constant 0 : i32
    %dma_start3A_278 = tpu.memref_slice %arg7[%dma_start3A_276, %dma_start3A_277] : memref<162x128xi32, #tpu.memory_space<vmem>> -> memref<1x128xi32, #tpu.memory_space<vmem>>
    %dma_start3A_279 = tpu.memref_squeeze %dma_start3A_278 : memref<1x128xi32, #tpu.memory_space<vmem>> -> memref<128xi32, #tpu.memory_space<vmem>>
    %dma_start3A_280 = arith.constant 0 : i32
    %dma_start3A_281 = arith.constant 0 : i32
    %dma_start3A_282 = tpu.memref_slice %arg36[%dma_start3A_280, %dma_start3A_281] : memref<10240x16xf32, #tpu.memory_space<vmem_shared>> -> memref<10240x16xf32, #tpu.memory_space<vmem_shared>>
    tpu.enqueue_indirect_dma source(%arg12 : memref<128x16xf32, #tpu.memory_space<vmem>>) target(%dma_start3A_282 : memref<10240x16xf32, #tpu.memory_space<vmem_shared>>) offsets(%dma_start3A_279 : memref<128xi32, #tpu.memory_space<vmem>>) semaphore(%arg31 : memref<!tpu.dma_semaphore, #tpu.memory_space<semaphore_mem>>) {add = true}
    %dma_wait3A_283 = arith.constant 158 : i32
    %dma_wait3A_284 = arith.constant 0 : i32
    %dma_wait3A_285 = tpu.memref_slice %arg6[%dma_wait3A_283, %dma_wait3A_284] : memref<162x128xi32, #tpu.memory_space<vmem>> -> memref<1x128xi32, #tpu.memory_space<vmem>>
    %dma_wait3A_286 = tpu.memref_squeeze %dma_wait3A_285 : memref<1x128xi32, #tpu.memory_space<vmem>> -> memref<128xi32, #tpu.memory_space<vmem>>
    %dma_wait3A_287 = arith.constant 0 : i32
    %dma_wait3A_288 = arith.constant 0 : i32
    %dma_wait3A_289 = tpu.memref_slice %arg37[%dma_wait3A_287, %dma_wait3A_288] : memref<10240x16xf32, #tpu.memory_space<vmem_shared>> -> memref<10240x16xf32, #tpu.memory_space<vmem_shared>>
    tpu.wait_indirect_dma semaphore(%arg23 : memref<!tpu.dma_semaphore, #tpu.memory_space<semaphore_mem>>) src(%dma_wait3A_289 : memref<10240x16xf32, #tpu.memory_space<vmem_shared>>) dst(%arg13 : memref<128x16xf32, #tpu.memory_space<vmem>>)
    %dma_start3A_290 = arith.constant 158 : i32
    %dma_start3A_291 = arith.constant 0 : i32
    %dma_start3A_292 = tpu.memref_slice %arg7[%dma_start3A_290, %dma_start3A_291] : memref<162x128xi32, #tpu.memory_space<vmem>> -> memref<1x128xi32, #tpu.memory_space<vmem>>
    %dma_start3A_293 = tpu.memref_squeeze %dma_start3A_292 : memref<1x128xi32, #tpu.memory_space<vmem>> -> memref<128xi32, #tpu.memory_space<vmem>>
    %dma_start3A_294 = arith.constant 0 : i32
    %dma_start3A_295 = arith.constant 0 : i32
    %dma_start3A_296 = tpu.memref_slice %arg36[%dma_start3A_294, %dma_start3A_295] : memref<10240x16xf32, #tpu.memory_space<vmem_shared>> -> memref<10240x16xf32, #tpu.memory_space<vmem_shared>>
    tpu.enqueue_indirect_dma source(%arg13 : memref<128x16xf32, #tpu.memory_space<vmem>>) target(%dma_start3A_296 : memref<10240x16xf32, #tpu.memory_space<vmem_shared>>) offsets(%dma_start3A_293 : memref<128xi32, #tpu.memory_space<vmem>>) semaphore(%arg32 : memref<!tpu.dma_semaphore, #tpu.memory_space<semaphore_mem>>) {add = true}
    %dma_wait3A_297 = arith.constant 159 : i32
    %dma_wait3A_298 = arith.constant 0 : i32
    %dma_wait3A_299 = tpu.memref_slice %arg6[%dma_wait3A_297, %dma_wait3A_298] : memref<162x128xi32, #tpu.memory_space<vmem>> -> memref<1x128xi32, #tpu.memory_space<vmem>>
    %dma_wait3A_300 = tpu.memref_squeeze %dma_wait3A_299 : memref<1x128xi32, #tpu.memory_space<vmem>> -> memref<128xi32, #tpu.memory_space<vmem>>
    %dma_wait3A_301 = arith.constant 0 : i32
    %dma_wait3A_302 = arith.constant 0 : i32
    %dma_wait3A_303 = tpu.memref_slice %arg37[%dma_wait3A_301, %dma_wait3A_302] : memref<10240x16xf32, #tpu.memory_space<vmem_shared>> -> memref<10240x16xf32, #tpu.memory_space<vmem_shared>>
    tpu.wait_indirect_dma semaphore(%arg24 : memref<!tpu.dma_semaphore, #tpu.memory_space<semaphore_mem>>) src(%dma_wait3A_303 : memref<10240x16xf32, #tpu.memory_space<vmem_shared>>) dst(%arg14 : memref<128x16xf32, #tpu.memory_space<vmem>>)
    %dma_start3A_304 = arith.constant 159 : i32
    %dma_start3A_305 = arith.constant 0 : i32
    %dma_start3A_306 = tpu.memref_slice %arg7[%dma_start3A_304, %dma_start3A_305] : memref<162x128xi32, #tpu.memory_space<vmem>> -> memref<1x128xi32, #tpu.memory_space<vmem>>
    %dma_start3A_307 = tpu.memref_squeeze %dma_start3A_306 : memref<1x128xi32, #tpu.memory_space<vmem>> -> memref<128xi32, #tpu.memory_space<vmem>>
    %dma_start3A_308 = arith.constant 0 : i32
    %dma_start3A_309 = arith.constant 0 : i32
    %dma_start3A_310 = tpu.memref_slice %arg36[%dma_start3A_308, %dma_start3A_309] : memref<10240x16xf32, #tpu.memory_space<vmem_shared>> -> memref<10240x16xf32, #tpu.memory_space<vmem_shared>>
    tpu.enqueue_indirect_dma source(%arg14 : memref<128x16xf32, #tpu.memory_space<vmem>>) target(%dma_start3A_310 : memref<10240x16xf32, #tpu.memory_space<vmem_shared>>) offsets(%dma_start3A_307 : memref<128xi32, #tpu.memory_space<vmem>>) semaphore(%arg33 : memref<!tpu.dma_semaphore, #tpu.memory_space<semaphore_mem>>) {add = true}
    %dma_wait3A_311 = arith.constant 160 : i32
    %dma_wait3A_312 = arith.constant 0 : i32
    %dma_wait3A_313 = tpu.memref_slice %arg6[%dma_wait3A_311, %dma_wait3A_312] : memref<162x128xi32, #tpu.memory_space<vmem>> -> memref<1x128xi32, #tpu.memory_space<vmem>>
    %dma_wait3A_314 = tpu.memref_squeeze %dma_wait3A_313 : memref<1x128xi32, #tpu.memory_space<vmem>> -> memref<128xi32, #tpu.memory_space<vmem>>
    %dma_wait3A_315 = arith.constant 0 : i32
    %dma_wait3A_316 = arith.constant 0 : i32
    %dma_wait3A_317 = tpu.memref_slice %arg37[%dma_wait3A_315, %dma_wait3A_316] : memref<10240x16xf32, #tpu.memory_space<vmem_shared>> -> memref<10240x16xf32, #tpu.memory_space<vmem_shared>>
    tpu.wait_indirect_dma semaphore(%arg25 : memref<!tpu.dma_semaphore, #tpu.memory_space<semaphore_mem>>) src(%dma_wait3A_317 : memref<10240x16xf32, #tpu.memory_space<vmem_shared>>) dst(%arg15 : memref<128x16xf32, #tpu.memory_space<vmem>>)
    %dma_start3A_318 = arith.constant 160 : i32
    %dma_start3A_319 = arith.constant 0 : i32
    %dma_start3A_320 = tpu.memref_slice %arg7[%dma_start3A_318, %dma_start3A_319] : memref<162x128xi32, #tpu.memory_space<vmem>> -> memref<1x128xi32, #tpu.memory_space<vmem>>
    %dma_start3A_321 = tpu.memref_squeeze %dma_start3A_320 : memref<1x128xi32, #tpu.memory_space<vmem>> -> memref<128xi32, #tpu.memory_space<vmem>>
    %dma_start3A_322 = arith.constant 0 : i32
    %dma_start3A_323 = arith.constant 0 : i32
    %dma_start3A_324 = tpu.memref_slice %arg36[%dma_start3A_322, %dma_start3A_323] : memref<10240x16xf32, #tpu.memory_space<vmem_shared>> -> memref<10240x16xf32, #tpu.memory_space<vmem_shared>>
    tpu.enqueue_indirect_dma source(%arg15 : memref<128x16xf32, #tpu.memory_space<vmem>>) target(%dma_start3A_324 : memref<10240x16xf32, #tpu.memory_space<vmem_shared>>) offsets(%dma_start3A_321 : memref<128xi32, #tpu.memory_space<vmem>>) semaphore(%arg34 : memref<!tpu.dma_semaphore, #tpu.memory_space<semaphore_mem>>) {add = true}
    %dma_wait3A_325 = arith.constant 161 : i32
    %dma_wait3A_326 = arith.constant 0 : i32
    %dma_wait3A_327 = tpu.memref_slice %arg6[%dma_wait3A_325, %dma_wait3A_326] : memref<162x128xi32, #tpu.memory_space<vmem>> -> memref<1x128xi32, #tpu.memory_space<vmem>>
    %dma_wait3A_328 = tpu.memref_squeeze %dma_wait3A_327 : memref<1x128xi32, #tpu.memory_space<vmem>> -> memref<128xi32, #tpu.memory_space<vmem>>
    %dma_wait3A_329 = arith.constant 0 : i32
    %dma_wait3A_330 = arith.constant 0 : i32
    %dma_wait3A_331 = tpu.memref_slice %arg37[%dma_wait3A_329, %dma_wait3A_330] : memref<10240x16xf32, #tpu.memory_space<vmem_shared>> -> memref<10240x16xf32, #tpu.memory_space<vmem_shared>>
    tpu.wait_indirect_dma semaphore(%arg26 : memref<!tpu.dma_semaphore, #tpu.memory_space<semaphore_mem>>) src(%dma_wait3A_331 : memref<10240x16xf32, #tpu.memory_space<vmem_shared>>) dst(%arg16 : memref<128x16xf32, #tpu.memory_space<vmem>>)
    %dma_start3A_332 = arith.constant 161 : i32
    %dma_start3A_333 = arith.constant 0 : i32
    %dma_start3A_334 = tpu.memref_slice %arg7[%dma_start3A_332, %dma_start3A_333] : memref<162x128xi32, #tpu.memory_space<vmem>> -> memref<1x128xi32, #tpu.memory_space<vmem>>
    %dma_start3A_335 = tpu.memref_squeeze %dma_start3A_334 : memref<1x128xi32, #tpu.memory_space<vmem>> -> memref<128xi32, #tpu.memory_space<vmem>>
    %dma_start3A_336 = arith.constant 0 : i32
    %dma_start3A_337 = arith.constant 0 : i32
    %dma_start3A_338 = tpu.memref_slice %arg36[%dma_start3A_336, %dma_start3A_337] : memref<10240x16xf32, #tpu.memory_space<vmem_shared>> -> memref<10240x16xf32, #tpu.memory_space<vmem_shared>>
    tpu.enqueue_indirect_dma source(%arg16 : memref<128x16xf32, #tpu.memory_space<vmem>>) target(%dma_start3A_338 : memref<10240x16xf32, #tpu.memory_space<vmem_shared>>) offsets(%dma_start3A_335 : memref<128xi32, #tpu.memory_space<vmem>>) semaphore(%arg35 : memref<!tpu.dma_semaphore, #tpu.memory_space<semaphore_mem>>) {add = true}
    %dma_wait3A_339 = arith.constant 153 : i32
    %dma_wait3A_340 = arith.constant 0 : i32
    %dma_wait3A_341 = tpu.memref_slice %arg7[%dma_wait3A_339, %dma_wait3A_340] : memref<162x128xi32, #tpu.memory_space<vmem>> -> memref<1x128xi32, #tpu.memory_space<vmem>>
    %dma_wait3A_342 = tpu.memref_squeeze %dma_wait3A_341 : memref<1x128xi32, #tpu.memory_space<vmem>> -> memref<128xi32, #tpu.memory_space<vmem>>
    %dma_wait3A_343 = arith.constant 0 : i32
    %dma_wait3A_344 = arith.constant 0 : i32
    %dma_wait3A_345 = tpu.memref_slice %arg36[%dma_wait3A_343, %dma_wait3A_344] : memref<10240x16xf32, #tpu.memory_space<vmem_shared>> -> memref<10240x16xf32, #tpu.memory_space<vmem_shared>>
    tpu.wait_indirect_dma semaphore(%arg27 : memref<!tpu.dma_semaphore, #tpu.memory_space<semaphore_mem>>) src(%arg8 : memref<128x16xf32, #tpu.memory_space<vmem>>) dst(%dma_wait3A_345 : memref<10240x16xf32, #tpu.memory_space<vmem_shared>>)
    %dma_wait3A_346 = arith.constant 154 : i32
    %dma_wait3A_347 = arith.constant 0 : i32
    %dma_wait3A_348 = tpu.memref_slice %arg7[%dma_wait3A_346, %dma_wait3A_347] : memref<162x128xi32, #tpu.memory_space<vmem>> -> memref<1x128xi32, #tpu.memory_space<vmem>>
    %dma_wait3A_349 = tpu.memref_squeeze %dma_wait3A_348 : memref<1x128xi32, #tpu.memory_space<vmem>> -> memref<128xi32, #tpu.memory_space<vmem>>
    %dma_wait3A_350 = arith.constant 0 : i32
    %dma_wait3A_351 = arith.constant 0 : i32
    %dma_wait3A_352 = tpu.memref_slice %arg36[%dma_wait3A_350, %dma_wait3A_351] : memref<10240x16xf32, #tpu.memory_space<vmem_shared>> -> memref<10240x16xf32, #tpu.memory_space<vmem_shared>>
    tpu.wait_indirect_dma semaphore(%arg28 : memref<!tpu.dma_semaphore, #tpu.memory_space<semaphore_mem>>) src(%arg9 : memref<128x16xf32, #tpu.memory_space<vmem>>) dst(%dma_wait3A_352 : memref<10240x16xf32, #tpu.memory_space<vmem_shared>>)
    %dma_wait3A_353 = arith.constant 155 : i32
    %dma_wait3A_354 = arith.constant 0 : i32
    %dma_wait3A_355 = tpu.memref_slice %arg7[%dma_wait3A_353, %dma_wait3A_354] : memref<162x128xi32, #tpu.memory_space<vmem>> -> memref<1x128xi32, #tpu.memory_space<vmem>>
    %dma_wait3A_356 = tpu.memref_squeeze %dma_wait3A_355 : memref<1x128xi32, #tpu.memory_space<vmem>> -> memref<128xi32, #tpu.memory_space<vmem>>
    %dma_wait3A_357 = arith.constant 0 : i32
    %dma_wait3A_358 = arith.constant 0 : i32
    %dma_wait3A_359 = tpu.memref_slice %arg36[%dma_wait3A_357, %dma_wait3A_358] : memref<10240x16xf32, #tpu.memory_space<vmem_shared>> -> memref<10240x16xf32, #tpu.memory_space<vmem_shared>>
    tpu.wait_indirect_dma semaphore(%arg29 : memref<!tpu.dma_semaphore, #tpu.memory_space<semaphore_mem>>) src(%arg10 : memref<128x16xf32, #tpu.memory_space<vmem>>) dst(%dma_wait3A_359 : memref<10240x16xf32, #tpu.memory_space<vmem_shared>>)
    %dma_wait3A_360 = arith.constant 156 : i32
    %dma_wait3A_361 = arith.constant 0 : i32
    %dma_wait3A_362 = tpu.memref_slice %arg7[%dma_wait3A_360, %dma_wait3A_361] : memref<162x128xi32, #tpu.memory_space<vmem>> -> memref<1x128xi32, #tpu.memory_space<vmem>>
    %dma_wait3A_363 = tpu.memref_squeeze %dma_wait3A_362 : memref<1x128xi32, #tpu.memory_space<vmem>> -> memref<128xi32, #tpu.memory_space<vmem>>
    %dma_wait3A_364 = arith.constant 0 : i32
    %dma_wait3A_365 = arith.constant 0 : i32
    %dma_wait3A_366 = tpu.memref_slice %arg36[%dma_wait3A_364, %dma_wait3A_365] : memref<10240x16xf32, #tpu.memory_space<vmem_shared>> -> memref<10240x16xf32, #tpu.memory_space<vmem_shared>>
    tpu.wait_indirect_dma semaphore(%arg30 : memref<!tpu.dma_semaphore, #tpu.memory_space<semaphore_mem>>) src(%arg11 : memref<128x16xf32, #tpu.memory_space<vmem>>) dst(%dma_wait3A_366 : memref<10240x16xf32, #tpu.memory_space<vmem_shared>>)
    %dma_wait3A_367 = arith.constant 157 : i32
    %dma_wait3A_368 = arith.constant 0 : i32
    %dma_wait3A_369 = tpu.memref_slice %arg7[%dma_wait3A_367, %dma_wait3A_368] : memref<162x128xi32, #tpu.memory_space<vmem>> -> memref<1x128xi32, #tpu.memory_space<vmem>>
    %dma_wait3A_370 = tpu.memref_squeeze %dma_wait3A_369 : memref<1x128xi32, #tpu.memory_space<vmem>> -> memref<128xi32, #tpu.memory_space<vmem>>
    %dma_wait3A_371 = arith.constant 0 : i32
    %dma_wait3A_372 = arith.constant 0 : i32
    %dma_wait3A_373 = tpu.memref_slice %arg36[%dma_wait3A_371, %dma_wait3A_372] : memref<10240x16xf32, #tpu.memory_space<vmem_shared>> -> memref<10240x16xf32, #tpu.memory_space<vmem_shared>>
    tpu.wait_indirect_dma semaphore(%arg31 : memref<!tpu.dma_semaphore, #tpu.memory_space<semaphore_mem>>) src(%arg12 : memref<128x16xf32, #tpu.memory_space<vmem>>) dst(%dma_wait3A_373 : memref<10240x16xf32, #tpu.memory_space<vmem_shared>>)
    %dma_wait3A_374 = arith.constant 158 : i32
    %dma_wait3A_375 = arith.constant 0 : i32
    %dma_wait3A_376 = tpu.memref_slice %arg7[%dma_wait3A_374, %dma_wait3A_375] : memref<162x128xi32, #tpu.memory_space<vmem>> -> memref<1x128xi32, #tpu.memory_space<vmem>>
    %dma_wait3A_377 = tpu.memref_squeeze %dma_wait3A_376 : memref<1x128xi32, #tpu.memory_space<vmem>> -> memref<128xi32, #tpu.memory_space<vmem>>
    %dma_wait3A_378 = arith.constant 0 : i32
    %dma_wait3A_379 = arith.constant 0 : i32
    %dma_wait3A_380 = tpu.memref_slice %arg36[%dma_wait3A_378, %dma_wait3A_379] : memref<10240x16xf32, #tpu.memory_space<vmem_shared>> -> memref<10240x16xf32, #tpu.memory_space<vmem_shared>>
    tpu.wait_indirect_dma semaphore(%arg32 : memref<!tpu.dma_semaphore, #tpu.memory_space<semaphore_mem>>) src(%arg13 : memref<128x16xf32, #tpu.memory_space<vmem>>) dst(%dma_wait3A_380 : memref<10240x16xf32, #tpu.memory_space<vmem_shared>>)
    %dma_wait3A_381 = arith.constant 159 : i32
    %dma_wait3A_382 = arith.constant 0 : i32
    %dma_wait3A_383 = tpu.memref_slice %arg7[%dma_wait3A_381, %dma_wait3A_382] : memref<162x128xi32, #tpu.memory_space<vmem>> -> memref<1x128xi32, #tpu.memory_space<vmem>>
    %dma_wait3A_384 = tpu.memref_squeeze %dma_wait3A_383 : memref<1x128xi32, #tpu.memory_space<vmem>> -> memref<128xi32, #tpu.memory_space<vmem>>
    %dma_wait3A_385 = arith.constant 0 : i32
    %dma_wait3A_386 = arith.constant 0 : i32
    %dma_wait3A_387 = tpu.memref_slice %arg36[%dma_wait3A_385, %dma_wait3A_386] : memref<10240x16xf32, #tpu.memory_space<vmem_shared>> -> memref<10240x16xf32, #tpu.memory_space<vmem_shared>>
    tpu.wait_indirect_dma semaphore(%arg33 : memref<!tpu.dma_semaphore, #tpu.memory_space<semaphore_mem>>) src(%arg14 : memref<128x16xf32, #tpu.memory_space<vmem>>) dst(%dma_wait3A_387 : memref<10240x16xf32, #tpu.memory_space<vmem_shared>>)
    %dma_wait3A_388 = arith.constant 160 : i32
    %dma_wait3A_389 = arith.constant 0 : i32
    %dma_wait3A_390 = tpu.memref_slice %arg7[%dma_wait3A_388, %dma_wait3A_389] : memref<162x128xi32, #tpu.memory_space<vmem>> -> memref<1x128xi32, #tpu.memory_space<vmem>>
    %dma_wait3A_391 = tpu.memref_squeeze %dma_wait3A_390 : memref<1x128xi32, #tpu.memory_space<vmem>> -> memref<128xi32, #tpu.memory_space<vmem>>
    %dma_wait3A_392 = arith.constant 0 : i32
    %dma_wait3A_393 = arith.constant 0 : i32
    %dma_wait3A_394 = tpu.memref_slice %arg36[%dma_wait3A_392, %dma_wait3A_393] : memref<10240x16xf32, #tpu.memory_space<vmem_shared>> -> memref<10240x16xf32, #tpu.memory_space<vmem_shared>>
    tpu.wait_indirect_dma semaphore(%arg34 : memref<!tpu.dma_semaphore, #tpu.memory_space<semaphore_mem>>) src(%arg15 : memref<128x16xf32, #tpu.memory_space<vmem>>) dst(%dma_wait3A_394 : memref<10240x16xf32, #tpu.memory_space<vmem_shared>>)
    %dma_wait3A_395 = arith.constant 161 : i32
    %dma_wait3A_396 = arith.constant 0 : i32
    %dma_wait3A_397 = tpu.memref_slice %arg7[%dma_wait3A_395, %dma_wait3A_396] : memref<162x128xi32, #tpu.memory_space<vmem>> -> memref<1x128xi32, #tpu.memory_space<vmem>>
    %dma_wait3A_398 = tpu.memref_squeeze %dma_wait3A_397 : memref<1x128xi32, #tpu.memory_space<vmem>> -> memref<128xi32, #tpu.memory_space<vmem>>
    %dma_wait3A_399 = arith.constant 0 : i32
    %dma_wait3A_400 = arith.constant 0 : i32
    %dma_wait3A_401 = tpu.memref_slice %arg36[%dma_wait3A_399, %dma_wait3A_400] : memref<10240x16xf32, #tpu.memory_space<vmem_shared>> -> memref<10240x16xf32, #tpu.memory_space<vmem_shared>>
    tpu.wait_indirect_dma semaphore(%arg35 : memref<!tpu.dma_semaphore, #tpu.memory_space<semaphore_mem>>) src(%arg16 : memref<128x16xf32, #tpu.memory_space<vmem>>) dst(%dma_wait3A_401 : memref<10240x16xf32, #tpu.memory_space<vmem_shared>>)
    %barrier3A_402 = arith.constant 0 : index
    tpu.barrier barrier_id(%barrier3A_402)
    %mul3A_403 = arith.constant 640 : i32
    %mul3A_404 = arith.muli %arg1, %mul3A_403 : i32
    %mul3A_405 = arith.constant 640 : i32
    %mul3A_406 = arith.muli %arg1, %mul3A_405 : i32
    "tpu.region"() ({
      %run_scoped3A = tpu.sem_alloc : memref<!tpu.dma_semaphore, #tpu.memory_space<semaphore_mem>>
      %dma_start3A_407 = arith.constant 0 : i32
      %dma_start3A_408 = tpu.memref_slice %arg5[%arg0, %mul3A_406, %dma_start3A_407] : memref<2x10240x16xf32, #tpu.memory_space<hbm>> -> memref<1x640x16xf32, #tpu.memory_space<hbm>>
      %dma_start3A_409 = tpu.memref_squeeze %dma_start3A_408 : memref<1x640x16xf32, #tpu.memory_space<hbm>> -> memref<640x16xf32, #tpu.memory_space<hbm>>
      %dma_start3A_410 = arith.constant 0 : i32
      %dma_start3A_411 = tpu.memref_slice %arg36[%mul3A_404, %dma_start3A_410] : memref<10240x16xf32, #tpu.memory_space<vmem_shared>> -> memref<640x16xf32, #tpu.memory_space<vmem_shared>>
      tpu.enqueue_dma source(%dma_start3A_411 : memref<640x16xf32, #tpu.memory_space<vmem_shared>>) target(%dma_start3A_409 : memref<640x16xf32, #tpu.memory_space<hbm>>) target_semaphore(%run_scoped3A : memref<!tpu.dma_semaphore, #tpu.memory_space<semaphore_mem>>)
      %dma_wait3A_412 = arith.constant 0 : i32
      %dma_wait3A_413 = tpu.memref_slice %arg5[%arg0, %mul3A_406, %dma_wait3A_412] : memref<2x10240x16xf32, #tpu.memory_space<hbm>> -> memref<1x640x16xf32, #tpu.memory_space<hbm>>
      %dma_wait3A_414 = tpu.memref_squeeze %dma_wait3A_413 : memref<1x640x16xf32, #tpu.memory_space<hbm>> -> memref<640x16xf32, #tpu.memory_space<hbm>>
      %dma_wait3A_415 = arith.constant 0 : i32
      %dma_wait3A_416 = tpu.memref_slice %arg36[%mul3A_404, %dma_wait3A_415] : memref<10240x16xf32, #tpu.memory_space<vmem_shared>> -> memref<640x16xf32, #tpu.memory_space<vmem_shared>>
      tpu.wait_dma2 semaphore(%run_scoped3A : memref<!tpu.dma_semaphore, #tpu.memory_space<semaphore_mem>>) src(%dma_wait3A_416 : memref<640x16xf32, #tpu.memory_space<vmem_shared>>) dst(%dma_wait3A_414 : memref<640x16xf32, #tpu.memory_space<hbm>>)
      tpu.yield
    }) : () -> ()
    return
  }
}

module attributes {stable_mosaic.version = 14 : i64} {
  func.func @body(%arg0: i32, %arg1: memref<2048x128xf32, #tpu.memory_space<vmem>>, %arg2: memref<2x2048xf32, #tpu.memory_space<vmem>>, %arg3: memref<128x64xf32, #tpu.memory_space<vmem>>, %arg4: memref<2x2048x32xf32, #tpu.memory_space<vmem>>, %arg5: memref<1x1x2048xf32, #tpu.memory_space<vmem>>) attributes {dimension_semantics = [#tpu.dimension_semantics<arbitrary>], iteration_bounds = array<i64: 5>, scalar_prefetch = 0 : i64, scratch_operands = 0 : i64, tpu.core_type = #tpu.core_type<tc>, window_params = [{transform_indices = @transform_0, window_bounds = array<i64: 2048, 128>}, {transform_indices = @transform_1, window_bounds = array<i64: 2, 2048>}, {pipeline_mode = #tpu.pipeline_mode<synchronous>, transform_indices = @transform_2, window_bounds = array<i64: 128, 64>}, {transform_indices = @transform_3, window_bounds = array<i64: 2, 2048, 32>}, {transform_indices = @transform_4, window_bounds = array<i64: 1, 1, 2048>}]} {
    %get3A = arith.constant 0 : index
    %get3A_0 = arith.constant 0 : index
    %get3A_1 = vector.load %arg2[%get3A, %get3A_0] : memref<2x2048xf32, #tpu.memory_space<vmem>>, vector<1x2048xf32>
    %get3A_2 = vector.shape_cast %get3A_1 : vector<1x2048xf32> to vector<2048xf32>
    %get3A_3 = arith.constant 1 : index
    %get3A_4 = arith.constant 0 : index
    %get3A_5 = vector.load %arg2[%get3A_3, %get3A_4] : memref<2x2048xf32, #tpu.memory_space<vmem>>, vector<1x2048xf32>
    %get3A_6 = vector.shape_cast %get3A_5 : vector<1x2048xf32> to vector<2048xf32>
    %add3A = arith.addf %get3A_2, %get3A_6 : vector<2048xf32>
    %rsqrt3A = math.rsqrt %add3A : vector<2048xf32>
    %get3A_7 = arith.constant 0 : index
    %get3A_8 = arith.constant 0 : index
    %get3A_9 = vector.load %arg1[%get3A_7, %get3A_8] : memref<2048x128xf32, #tpu.memory_space<vmem>>, vector<2048x128xf32>
    %get3A_10 = arith.constant 0 : index
    %get3A_11 = arith.constant 0 : index
    %get3A_12 = vector.load %arg3[%get3A_10, %get3A_11] : memref<128x64xf32, #tpu.memory_space<vmem>>, vector<128x64xf32>
    %dot_general3A = arith.constant dense<0.000000e+00> : vector<2048x64xf32>
    %dot_general3A_13 = tpu.matmul %get3A_9, %get3A_12, %dot_general3A {dimension_numbers = #tpu.dot_dimension_numbers<[1], [0], [0], [1], [0, 0, 1, 1], [], []>, transpose_lhs_hint = false} : vector<2048x128xf32>, vector<128x64xf32>, vector<2048x64xf32> -> vector<2048x64xf32>
    %broadcast_in_dim3A = vector.shape_cast %rsqrt3A : vector<2048xf32> to vector<2048x1xf32>
    %mul3A = vector.broadcast %broadcast_in_dim3A : vector<2048x1xf32> to vector<2048x64xf32>
    %mul3A_14 = arith.mulf %dot_general3A_13, %mul3A : vector<2048x64xf32>
    %slice3A = vector.extract_strided_slice %mul3A_14 {offsets = [0, 0], sizes = [2048, 32], strides = [1, 1]} : vector<2048x64xf32> to vector<2048x32xf32>
    %swap3A = arith.constant 0 : index
    %swap3A_15 = arith.constant 0 : index
    %swap3A_16 = arith.constant 0 : index
    %swap3A_17 = vector.load %arg4[%swap3A, %swap3A_15, %swap3A_16] : memref<2x2048x32xf32, #tpu.memory_space<vmem>>, vector<1x2048x32xf32>
    %swap3A_18 = vector.shape_cast %swap3A_17 : vector<1x2048x32xf32> to vector<2048x32xf32>
    %swap3A_19 = vector.shape_cast %slice3A : vector<2048x32xf32> to vector<1x2048x32xf32>
    tpu.vector_store %arg4[%swap3A, %swap3A_15, %swap3A_16], %swap3A_19 {strides = array<i32>} : memref<2x2048x32xf32, #tpu.memory_space<vmem>>, vector<1x2048x32xf32>,
    %slice3A_20 = vector.extract_strided_slice %mul3A_14 {offsets = [0, 32], sizes = [2048, 32], strides = [1, 1]} : vector<2048x64xf32> to vector<2048x32xf32>
    %swap3A_21 = arith.constant 1 : index
    %swap3A_22 = arith.constant 0 : index
    %swap3A_23 = arith.constant 0 : index
    %swap3A_24 = vector.load %arg4[%swap3A_21, %swap3A_22, %swap3A_23] : memref<2x2048x32xf32, #tpu.memory_space<vmem>>, vector<1x2048x32xf32>
    %swap3A_25 = vector.shape_cast %swap3A_24 : vector<1x2048x32xf32> to vector<2048x32xf32>
    %swap3A_26 = vector.shape_cast %slice3A_20 : vector<2048x32xf32> to vector<1x2048x32xf32>
    tpu.vector_store %arg4[%swap3A_21, %swap3A_22, %swap3A_23], %swap3A_26 {strides = array<i32>} : memref<2x2048x32xf32, #tpu.memory_space<vmem>>, vector<1x2048x32xf32>,
    %swap3A_27 = arith.constant 0 : index
    %swap3A_28 = arith.constant 0 : index
    %swap3A_29 = arith.constant 0 : index
    %swap3A_30 = vector.load %arg5[%swap3A_27, %swap3A_28, %swap3A_29] : memref<1x1x2048xf32, #tpu.memory_space<vmem>>, vector<1x1x2048xf32>
    %swap3A_31 = vector.shape_cast %swap3A_30 : vector<1x1x2048xf32> to vector<2048xf32>
    %swap3A_32 = vector.shape_cast %rsqrt3A : vector<2048xf32> to vector<1x1x2048xf32>
    tpu.vector_store %arg5[%swap3A_27, %swap3A_28, %swap3A_29], %swap3A_32 {strides = array<i32>} : memref<1x1x2048xf32, #tpu.memory_space<vmem>>, vector<1x1x2048xf32>,
    return
  }
  func.func @transform_0(%arg0: i32) -> (i32, i32) {
    %c0_i32 = arith.constant 0 : i32
    %c0_i32_0 = arith.constant 0 : i32
    return %arg0, %c0_i32 : i32, i32
  }
  func.func @transform_1(%arg0: i32) -> (i32, i32) {
    %c0_i32 = arith.constant 0 : i32
    %c0_i32_0 = arith.constant 0 : i32
    return %c0_i32, %arg0 : i32, i32
  }
  func.func @transform_2(%arg0: i32) -> (i32, i32) {
    %c0_i32 = arith.constant 0 : i32
    %c0_i32_0 = arith.constant 0 : i32
    %c0_i32_1 = arith.constant 0 : i32
    return %c0_i32, %c0_i32_0 : i32, i32
  }
  func.func @transform_3(%arg0: i32) -> (i32, i32, i32) {
    %c0_i32 = arith.constant 0 : i32
    %c0_i32_0 = arith.constant 0 : i32
    %c0_i32_1 = arith.constant 0 : i32
    return %c0_i32, %arg0, %c0_i32_0 : i32, i32, i32
  }
  func.func @transform_4(%arg0: i32) -> (i32, i32, i32) {
    %c0_i32 = arith.constant 0 : i32
    %c0_i32_0 = arith.constant 0 : i32
    %c0_i32_1 = arith.constant 0 : i32
    return %arg0, %c0_i32, %c0_i32_0 : i32, i32, i32
  }
}

module attributes {stable_mosaic.version = 14 : i64} {
  func.func @body(%arg0: i32, %arg1: memref<2x2048x32xf32, #tpu.memory_space<vmem>>, %arg2: memref<1x1x2048xf32, #tpu.memory_space<vmem>>, %arg3: memref<64xf32, #tpu.memory_space<vmem>>, %arg4: memref<64x32xf32, #tpu.memory_space<vmem>>, %arg5: memref<2x2048x16xf32, #tpu.memory_space<vmem>>) attributes {dimension_semantics = [#tpu.dimension_semantics<arbitrary>], iteration_bounds = array<i64: 5>, scalar_prefetch = 0 : i64, scratch_operands = 0 : i64, tpu.core_type = #tpu.core_type<tc>, window_params = [{transform_indices = @transform_0, window_bounds = array<i64: 2, 2048, 32>}, {transform_indices = @transform_1, window_bounds = array<i64: 1, 1, 2048>}, {pipeline_mode = #tpu.pipeline_mode<synchronous>, transform_indices = @transform_2, window_bounds = array<i64: 64>}, {pipeline_mode = #tpu.pipeline_mode<synchronous>, transform_indices = @transform_3, window_bounds = array<i64: 64, 32>}, {transform_indices = @transform_4, window_bounds = array<i64: 2, 2048, 16>}]} {
    %get3A = arith.constant 0 : index
    %get3A_0 = arith.constant 0 : index
    %get3A_1 = arith.constant 0 : index
    %get3A_2 = vector.load %arg2[%get3A, %get3A_0, %get3A_1] : memref<1x1x2048xf32, #tpu.memory_space<vmem>>, vector<1x1x2048xf32>
    %get3A_3 = vector.shape_cast %get3A_2 : vector<1x1x2048xf32> to vector<2048xf32>
    %get3A_4 = arith.constant 0 : index
    %get3A_5 = vector.load %arg3[%get3A_4] : memref<64xf32, #tpu.memory_space<vmem>>, vector<64xf32>
    %get3A_6 = arith.constant 0 : index
    %get3A_7 = arith.constant 0 : index
    %get3A_8 = vector.load %arg4[%get3A_6, %get3A_7] : memref<64x32xf32, #tpu.memory_space<vmem>>, vector<64x32xf32>
    %get3A_9 = arith.constant 0 : index
    %get3A_10 = arith.constant 0 : index
    %get3A_11 = arith.constant 0 : index
    %get3A_12 = vector.load %arg1[%get3A_9, %get3A_10, %get3A_11] : memref<2x2048x32xf32, #tpu.memory_space<vmem>>, vector<1x2048x32xf32>
    %get3A_13 = vector.shape_cast %get3A_12 : vector<1x2048x32xf32> to vector<2048x32xf32>
    %broadcast_in_dim3A = vector.shape_cast %get3A_3 : vector<2048xf32> to vector<2048x1xf32>
    %mul3A = vector.broadcast %broadcast_in_dim3A : vector<2048x1xf32> to vector<2048x32xf32>
    %mul3A_14 = arith.mulf %get3A_13, %mul3A : vector<2048x32xf32>
    %slice3A = vector.extract_strided_slice %get3A_5 {offsets = [0], sizes = [32], strides = [1]} : vector<64xf32> to vector<32xf32>
    %broadcast_in_dim3A_15 = vector.shape_cast %slice3A : vector<32xf32> to vector<1x32xf32>
    %add3A = vector.broadcast %broadcast_in_dim3A_15 : vector<1x32xf32> to vector<2048x32xf32>
    %add3A_16 = arith.addf %mul3A_14, %add3A : vector<2048x32xf32>
    %max3A = arith.constant 0.000000e+00 : f32
    %max3A_17 = vector.broadcast %max3A : f32 to vector<2048x32xf32>
    %max3A_18 = arith.maximumf %add3A_16, %max3A_17 : vector<2048x32xf32>
    %get3A_19 = arith.constant 1 : index
    %get3A_20 = arith.constant 0 : index
    %get3A_21 = arith.constant 0 : index
    %get3A_22 = vector.load %arg1[%get3A_19, %get3A_20, %get3A_21] : memref<2x2048x32xf32, #tpu.memory_space<vmem>>, vector<1x2048x32xf32>
    %get3A_23 = vector.shape_cast %get3A_22 : vector<1x2048x32xf32> to vector<2048x32xf32>
    %broadcast_in_dim3A_24 = vector.shape_cast %get3A_3 : vector<2048xf32> to vector<2048x1xf32>
    %mul3A_25 = vector.broadcast %broadcast_in_dim3A_24 : vector<2048x1xf32> to vector<2048x32xf32>
    %mul3A_26 = arith.mulf %get3A_23, %mul3A_25 : vector<2048x32xf32>
    %slice3A_27 = vector.extract_strided_slice %get3A_5 {offsets = [32], sizes = [32], strides = [1]} : vector<64xf32> to vector<32xf32>
    %broadcast_in_dim3A_28 = vector.shape_cast %slice3A_27 : vector<32xf32> to vector<1x32xf32>
    %add3A_29 = vector.broadcast %broadcast_in_dim3A_28 : vector<1x32xf32> to vector<2048x32xf32>
    %add3A_30 = arith.addf %mul3A_26, %add3A_29 : vector<2048x32xf32>
    %max3A_31 = arith.constant 0.000000e+00 : f32
    %max3A_32 = vector.broadcast %max3A_31 : f32 to vector<2048x32xf32>
    %max3A_33 = arith.maximumf %add3A_30, %max3A_32 : vector<2048x32xf32>
    %slice3A_34 = vector.extract_strided_slice %get3A_8 {offsets = [0, 0], sizes = [32, 32], strides = [1, 1]} : vector<64x32xf32> to vector<32x32xf32>
    %dot_general3A = arith.constant dense<0.000000e+00> : vector<2048x32xf32>
    %dot_general3A_35 = tpu.matmul %max3A_18, %slice3A_34, %dot_general3A {dimension_numbers = #tpu.dot_dimension_numbers<[1], [0], [0], [1], [0, 0, 1, 1], [], []>, transpose_lhs_hint = false} : vector<2048x32xf32>, vector<32x32xf32>, vector<2048x32xf32> -> vector<2048x32xf32>
    %slice3A_36 = vector.extract_strided_slice %get3A_8 {offsets = [32, 0], sizes = [32, 32], strides = [1, 1]} : vector<64x32xf32> to vector<32x32xf32>
    %dot_general3A_37 = arith.constant dense<0.000000e+00> : vector<2048x32xf32>
    %dot_general3A_38 = tpu.matmul %max3A_33, %slice3A_36, %dot_general3A_37 {dimension_numbers = #tpu.dot_dimension_numbers<[1], [0], [0], [1], [0, 0, 1, 1], [], []>, transpose_lhs_hint = false} : vector<2048x32xf32>, vector<32x32xf32>, vector<2048x32xf32> -> vector<2048x32xf32>
    %add3A_39 = arith.addf %dot_general3A_35, %dot_general3A_38 : vector<2048x32xf32>
    %broadcast_in_dim3A_40 = vector.shape_cast %get3A_3 : vector<2048xf32> to vector<2048x1xf32>
    %mul3A_41 = vector.broadcast %broadcast_in_dim3A_40 : vector<2048x1xf32> to vector<2048x32xf32>
    %mul3A_42 = arith.mulf %add3A_39, %mul3A_41 : vector<2048x32xf32>
    %slice3A_43 = vector.extract_strided_slice %mul3A_42 {offsets = [0, 0], sizes = [2048, 16], strides = [1, 1]} : vector<2048x32xf32> to vector<2048x16xf32>
    %swap3A = arith.constant 0 : index
    %swap3A_44 = arith.constant 0 : index
    %swap3A_45 = arith.constant 0 : index
    %swap3A_46 = vector.load %arg5[%swap3A, %swap3A_44, %swap3A_45] : memref<2x2048x16xf32, #tpu.memory_space<vmem>>, vector<1x2048x16xf32>
    %swap3A_47 = vector.shape_cast %swap3A_46 : vector<1x2048x16xf32> to vector<2048x16xf32>
    %swap3A_48 = vector.shape_cast %slice3A_43 : vector<2048x16xf32> to vector<1x2048x16xf32>
    tpu.vector_store %arg5[%swap3A, %swap3A_44, %swap3A_45], %swap3A_48 {strides = array<i32>} : memref<2x2048x16xf32, #tpu.memory_space<vmem>>, vector<1x2048x16xf32>,
    %slice3A_49 = vector.extract_strided_slice %mul3A_42 {offsets = [0, 16], sizes = [2048, 16], strides = [1, 1]} : vector<2048x32xf32> to vector<2048x16xf32>
    %swap3A_50 = arith.constant 1 : index
    %swap3A_51 = arith.constant 0 : index
    %swap3A_52 = arith.constant 0 : index
    %swap3A_53 = vector.load %arg5[%swap3A_50, %swap3A_51, %swap3A_52] : memref<2x2048x16xf32, #tpu.memory_space<vmem>>, vector<1x2048x16xf32>
    %swap3A_54 = vector.shape_cast %swap3A_53 : vector<1x2048x16xf32> to vector<2048x16xf32>
    %swap3A_55 = vector.shape_cast %slice3A_49 : vector<2048x16xf32> to vector<1x2048x16xf32>
    tpu.vector_store %arg5[%swap3A_50, %swap3A_51, %swap3A_52], %swap3A_55 {strides = array<i32>} : memref<2x2048x16xf32, #tpu.memory_space<vmem>>, vector<1x2048x16xf32>,
    return
  }
  func.func @transform_0(%arg0: i32) -> (i32, i32, i32) {
    %c0_i32 = arith.constant 0 : i32
    %c0_i32_0 = arith.constant 0 : i32
    %c0_i32_1 = arith.constant 0 : i32
    return %c0_i32, %arg0, %c0_i32_0 : i32, i32, i32
  }
  func.func @transform_1(%arg0: i32) -> (i32, i32, i32) {
    %c0_i32 = arith.constant 0 : i32
    %c0_i32_0 = arith.constant 0 : i32
    %c0_i32_1 = arith.constant 0 : i32
    return %arg0, %c0_i32, %c0_i32_0 : i32, i32, i32
  }
  func.func @transform_2(%arg0: i32) -> i32 {
    %c0_i32 = arith.constant 0 : i32
    %c0_i32_0 = arith.constant 0 : i32
    return %c0_i32 : i32
  }
  func.func @transform_3(%arg0: i32) -> (i32, i32) {
    %c0_i32 = arith.constant 0 : i32
    %c0_i32_0 = arith.constant 0 : i32
    %c0_i32_1 = arith.constant 0 : i32
    return %c0_i32, %c0_i32_0 : i32, i32
  }
  func.func @transform_4(%arg0: i32) -> (i32, i32, i32) {
    %c0_i32 = arith.constant 0 : i32
    %c0_i32_0 = arith.constant 0 : i32
    %c0_i32_1 = arith.constant 0 : i32
    return %c0_i32, %arg0, %c0_i32_0 : i32, i32, i32
  }
}

module attributes {stable_mosaic.version = 14 : i64} {
  func.func @body(%arg0: i32, %arg1: memref<2x2048x16xf32, #tpu.memory_space<vmem>>, %arg2: memref<1x1x2048xf32, #tpu.memory_space<vmem>>, %arg3: memref<32xf32, #tpu.memory_space<vmem>>, %arg4: memref<2048x32xf32, #tpu.memory_space<vmem>>) attributes {dimension_semantics = [#tpu.dimension_semantics<arbitrary>], iteration_bounds = array<i64: 5>, scalar_prefetch = 0 : i64, scratch_operands = 0 : i64, tpu.core_type = #tpu.core_type<tc>, window_params = [{transform_indices = @transform_0, window_bounds = array<i64: 2, 2048, 16>}, {transform_indices = @transform_1, window_bounds = array<i64: 1, 1, 2048>}, {pipeline_mode = #tpu.pipeline_mode<synchronous>, transform_indices = @transform_2, window_bounds = array<i64: 32>}, {transform_indices = @transform_3, window_bounds = array<i64: 2048, 32>}]} {
    %get3A = arith.constant 0 : index
    %get3A_0 = arith.constant 0 : index
    %get3A_1 = arith.constant 0 : index
    %get3A_2 = vector.load %arg2[%get3A, %get3A_0, %get3A_1] : memref<1x1x2048xf32, #tpu.memory_space<vmem>>, vector<1x1x2048xf32>
    %get3A_3 = vector.shape_cast %get3A_2 : vector<1x1x2048xf32> to vector<2048xf32>
    %get3A_4 = arith.constant 0 : index
    %get3A_5 = arith.constant 0 : index
    %get3A_6 = arith.constant 0 : index
    %get3A_7 = vector.load %arg1[%get3A_4, %get3A_5, %get3A_6] : memref<2x2048x16xf32, #tpu.memory_space<vmem>>, vector<1x2048x16xf32>
    %get3A_8 = vector.shape_cast %get3A_7 : vector<1x2048x16xf32> to vector<2048x16xf32>
    %get3A_9 = arith.constant 1 : index
    %get3A_10 = arith.constant 0 : index
    %get3A_11 = arith.constant 0 : index
    %get3A_12 = vector.load %arg1[%get3A_9, %get3A_10, %get3A_11] : memref<2x2048x16xf32, #tpu.memory_space<vmem>>, vector<1x2048x16xf32>
    %get3A_13 = vector.shape_cast %get3A_12 : vector<1x2048x16xf32> to vector<2048x16xf32>
    %concatenate3A = tpu.concatenate %get3A_8, %get3A_13 in 1 : vector<2048x16xf32>, vector<2048x16xf32> -> vector<2048x32xf32>
    %broadcast_in_dim3A = vector.shape_cast %get3A_3 : vector<2048xf32> to vector<2048x1xf32>
    %mul3A = vector.broadcast %broadcast_in_dim3A : vector<2048x1xf32> to vector<2048x32xf32>
    %mul3A_14 = arith.mulf %concatenate3A, %mul3A : vector<2048x32xf32>
    %get3A_15 = arith.constant 0 : index
    %get3A_16 = vector.load %arg3[%get3A_15] : memref<32xf32, #tpu.memory_space<vmem>>, vector<32xf32>
    %broadcast_in_dim3A_17 = vector.shape_cast %get3A_16 : vector<32xf32> to vector<1x32xf32>
    %add3A = vector.broadcast %broadcast_in_dim3A_17 : vector<1x32xf32> to vector<2048x32xf32>
    %add3A_18 = arith.addf %mul3A_14, %add3A : vector<2048x32xf32>
    %max3A = arith.constant 0.000000e+00 : f32
    %max3A_19 = vector.broadcast %max3A : f32 to vector<2048x32xf32>
    %max3A_20 = arith.maximumf %add3A_18, %max3A_19 : vector<2048x32xf32>
    %swap3A = arith.constant 0 : index
    %swap3A_21 = arith.constant 0 : index
    %swap3A_22 = vector.load %arg4[%swap3A, %swap3A_21] : memref<2048x32xf32, #tpu.memory_space<vmem>>, vector<2048x32xf32>
    tpu.vector_store %arg4[%swap3A, %swap3A_21], %max3A_20 {strides = array<i32>} : memref<2048x32xf32, #tpu.memory_space<vmem>>, vector<2048x32xf32>,
    return
  }
  func.func @transform_0(%arg0: i32) -> (i32, i32, i32) {
    %c0_i32 = arith.constant 0 : i32
    %c0_i32_0 = arith.constant 0 : i32
    %c0_i32_1 = arith.constant 0 : i32
    return %c0_i32, %arg0, %c0_i32_0 : i32, i32, i32
  }
  func.func @transform_1(%arg0: i32) -> (i32, i32, i32) {
    %c0_i32 = arith.constant 0 : i32
    %c0_i32_0 = arith.constant 0 : i32
    %c0_i32_1 = arith.constant 0 : i32
    return %arg0, %c0_i32, %c0_i32_0 : i32, i32, i32
  }
  func.func @transform_2(%arg0: i32) -> i32 {
    %c0_i32 = arith.constant 0 : i32
    %c0_i32_0 = arith.constant 0 : i32
    return %c0_i32 : i32
  }
  func.func @transform_3(%arg0: i32) -> (i32, i32) {
    %c0_i32 = arith.constant 0 : i32
    %c0_i32_0 = arith.constant 0 : i32
    return %arg0, %c0_i32 : i32, i32
  }
}

</mosaic_0001>

<sc_bundles>
// kernel: kernel.11.cloned.1.call-start
scs
__scs_entry_jumppad:
0x0: {  	(pc) =	sbr.rel $0x88, $3  }
0x1: {  	(tag) =	ssettag $0x0;
	lr =	simm.s32 $0x1  }
0x2: {  	[smem:$0x3F9B] =	sst lr;
	_ =	strace $0xD0000000  }
0x3: {  	_ = 	snop  }
0x4: {  	_ = 	snop  }
0x5: {  	_ = 	snop  }
0x6: {  	_ = 	snop  }
0x7: {  	_ = 	snop  }
__scs_overlays_trampoline_lowered:
0x8: {  	[smem:$0x3FAA] =	sst s0  }
0x9: {  	[smem:$0x3FAB] =	sst s1  }
0xa: {  	[smem:$0x3FAC] =	sst s2  }
0xb: {  	[smem:$0x3FAD] =	sst s3  }
0xc: {  	[smem:$0x3FAE] =	sst s4  }
0xd: {  	[smem:$0x3FAF] =	sst s5  }
0xe: {  	[smem:$0x3FB0] =	sst s6  }
0xf: {  	[smem:$0x3FB1] =	sst s7  }
0x10: {  	[smem:$0x3FB2] =	sst s8  }
0x11: {  	[smem:$0x3FB3] =	sst s9;
	s0 =	simm.s32 @!p0 $0x0  }
0x12: {  	s1 =	sld [smem:$0x3F99];
	s0 =	simm.s32 @p0 $0x1  }
0x13: {  	[smem:$0x3FB4] =	sst s0;
	s0 =	simm.s32 @!p1 $0x0  }
0x14: {  	s2 =	sld [smem:$0x3F98];
	s0 =	simm.s32 @p1 $0x1  }
0x15: {  	[smem:$0x3FB5] =	sst s0;
	s0 =	simm.s32 @!p2 $0x0  }
0x16: {  	s3 =	sld [smem:$0x3FDB];
	s0 =	simm.s32 @p2 $0x1  }
0x17: {  	s4 =	simm.s32 $0x1BF5;
	[smem:$0x3FB7] =	sst s0  }
0x18: {  	s0 =	sld [smem:$0x3F9A];
	_ =	swait.ge [sflag:s4], $0x0  }
0x19: {  	s7 =	sld [smem:$0x3F9B]  }
0x1a: {  	s8 =	sadd.s32 $0xFFFFE003, lr  }
0x1b: {  	s9 =	sadd.s32 $0xFFFFFEF7, lr;
	s5 =	simm.s32 $0xFFFFFFFF;
	p2 =	slt.u32 s8, $0xFFFFF086  }
0x1c: {  	p1 =	slt.u32 s9, $0xF7A;
	s5 =	simm.s32 @!p2 $0x0  }
0x1d: {  	s5 =	simm.s32 @p1 $0x1;
	p0 =	seq.s32 s7, s2  }
0x1e: {  	s7 =	smul.u32 @!p0 $0xF7A, s2;
	p2 =	seq.s32 @!p0 s5, $0x0  }
0x1f: {  	s9 =	smul.u32 $0xF7A, s1;
	s8 =	simm.s32 @!p0 $0x1BF5;
	p2 =	por !p2, p0  }
0x20: {  	[sflag:s8] =	ssyncset.s32 @!p0 $0xFFFFF086;
	s6 =	sadd.s32 @!p0 s3, s7;
	s7 =	simm.s32 @!p0 $0x108  }
0x21: {  	s3 =	sadd.s32 s3, s9;
	s6 =	sadd.s32 @!p0 $0x88, s6;
	s7 =	simm.s32 @p2 $0x1082  }
0x22: {  	[simem:s7], [sflag:s8] =	dma.local @!p0 [hbm:s6], $0xF7A  }
0x23: {  	s9 =	sor.u32 $0xD0000000, s2;
	s6 =	simm.s32 $0x108;
	_ =	swait.ge @!p0 [sflag:s8], $0x0  }
0x24: {  	s3 =	sadd.s32 $0x88, s3;
	s6 =	simm.s32 @!p1 $0x1082;
	[sflag:s4] =	ssyncset.s32 $0xFFFFF086  }
0x25: {  	[simem:s6], [sflag:s4] =	dma.local [hbm:s3], $0xF7A  }
0x26: {  	[smem:$0x3F9B] =	sst s1;
	(tag) =	ssettag s2;
	_ =	strace s9  }
0x27: {  	s1 =	sld [smem:$0x3FAB]  }
0x28: {  	s2 =	sld [smem:$0x3FAC]  }
0x29: {  	s4 =	sld [smem:$0x3FAE]  }
0x2a: {  	p0 =	seq.s32 s5, $0x0;
	s5 =	sld [smem:$0x3FAF]  }
0x2b: {  	s6 =	sld [smem:$0x3FB0]  }
0x2c: {  	s7 =	sld [smem:$0x3FB1]  }
0x2d: {  	s3 =	simm.s32 $0x108;
	s8 =	sld [smem:$0x3FB2]  }
0x2e: {  	s3 =	simm.s32 @!p0 $0x1082;
	s9 =	sld [smem:$0x3FB3]  }
0x2f: {  	lr =	sadd.s32 s0, s3;
	s0 =	sld [smem:$0x3FAA]  }
0x30: {  	s3 =	sld [smem:$0x3FAD]  }
0x31: {  	[smem:$0x3FB6] =	sst s10  }
0x32: {  	s10 =	sld [smem:$0x3FB4];
	_ =	sdelay $0x3  }
0x33: {  	p0 =	seq.s32 s10, $0x1;
	s10 =	sld [smem:$0x3FB6];
	_ =	sdelay $0x3  }
0x34: {  	[smem:$0x3FB6] =	sst s10  }
0x35: {  	s10 =	sld [smem:$0x3FB5];
	_ =	sdelay $0x3  }
0x36: {  	p1 =	seq.s32 s10, $0x1;
	s10 =	sld [smem:$0x3FB6];
	_ =	sdelay $0x3  }
0x37: {  	[smem:$0x3FB6] =	sst s10  }
0x38: {  	s10 =	sld [smem:$0x3FB7]  }
0x39: {  	_ = 	snop;
	(pc) =	sbr.ind lr, $3  }
0x3a: {  	_ = 	snop  }
0x3b: {  	_ = 	snop  }
0x3c: {  	p2 =	seq.s32 s10, $0x1;
	s10 =	sld [smem:$0x3FB6]  }
0x3d: {  	_ =	shalt  }
0x3e: {  	_ =	shalt  }
0x3f: {  	_ =	shalt  }
0x40: {  	_ =	shalt  }
0x41: {  	_ =	shalt  }
0x42: {  	_ =	shalt  }
0x43: {  	_ =	shalt  }
0x44: {  	_ =	shalt  }
0x45: {  	_ =	shalt  }
0x46: {  	_ =	shalt  }
0x47: {  	_ =	shalt  }
0x48: {  	_ =	shalt  }
0x49: {  	_ =	shalt  }
0x4a: {  	_ =	shalt  }
0x4b: {  	_ =	shalt  }
0x4c: {  	_ =	shalt  }
0x4d: {  	_ =	shalt  }
0x4e: {  	_ =	shalt  }
0x4f: {  	_ =	shalt  }
0x50: {  	_ =	shalt  }
0x51: {  	_ =	shalt  }
0x52: {  	_ =	shalt  }
0x53: {  	_ =	shalt  }
0x54: {  	_ =	shalt  }
0x55: {  	_ =	shalt  }
0x56: {  	_ =	shalt  }
0x57: {  	_ =	shalt  }
0x58: {  	_ =	shalt  }
0x59: {  	_ =	shalt  }
0x5a: {  	_ =	shalt  }
0x5b: {  	_ =	shalt  }
0x5c: {  	_ =	shalt  }
0x5d: {  	_ =	shalt  }
0x5e: {  	_ =	shalt  }
0x5f: {  	_ =	shalt  }
0x60: {  	_ =	shalt  }
0x61: {  	_ =	shalt  }
0x62: {  	_ =	shalt  }
0x63: {  	_ =	shalt  }
0x64: {  	_ =	shalt  }
0x65: {  	_ =	shalt  }
0x66: {  	_ =	shalt  }
0x67: {  	_ =	shalt  }
0x68: {  	_ =	shalt  }
0x69: {  	_ =	shalt  }
0x6a: {  	_ =	shalt  }
0x6b: {  	_ =	shalt  }
0x6c: {  	_ =	shalt  }
0x6d: {  	_ =	shalt  }
0x6e: {  	_ =	shalt  }
0x6f: {  	_ =	shalt  }
0x70: {  	_ =	shalt  }
0x71: {  	_ =	shalt  }
0x72: {  	_ =	shalt  }
0x73: {  	_ =	shalt  }
0x74: {  	_ =	shalt  }
0x75: {  	_ =	shalt  }
0x76: {  	_ =	shalt  }
0x77: {  	_ =	shalt  }
0x78: {  	_ =	shalt  }
0x79: {  	_ =	shalt  }
0x7a: {  	_ =	shalt  }
0x7b: {  	_ =	shalt  }
0x7c: {  	_ =	shalt  }
0x7d: {  	_ =	shalt  }
0x7e: {  	_ =	shalt  }
0x7f: {  	_ =	shalt  }
0x80: {  	_ =	shalt  }
0x81: {  	_ =	shalt  }
0x82: {  	_ =	shalt  }
0x83: {  	_ =	shalt  }
0x84: {  	_ =	shalt  }
0x85: {  	_ =	shalt  }
0x86: {  	_ =	shalt  }
0x87: {  	_ =	shalt  }
.Lfunc_end0:
.L_simem_size_0:
called_computation.1_lowered:
.L_overlay_start_0:
0x88: {  	s2 =	sld [smem:$0x3FD9]  }
0x89: {  	s3 =	sld [smem:$0x3FFE];
	_ =	sdelay $0x1  }
0x8a: {  	s1 =	srdreg.scid  }
0x8b: {  	s0 =	sand.u32 $0x1, s1  }
0x8c: {  	s16 =	sshll.u32 s0, $0xA;
	s2 =	sadd.s32 s3, s2  }
0x8d: {  	s2 =	sadd.s32 s2, s16  }
0x8e: {  	[smem:$0x3FC2] =	sst s2  }
0x8f: {  	_ = 	snop  }
0x90: {  	(tm) =	ssettm $0x1  }
0x91: {  	s17 =	sld [smem:$0x3FFB];
	_ =	sdelay $0x3  }
0x92: {  	_ =	strace s17  }
0x93: {  	s2 =	sld [smem:$0x3FFC];
	_ =	sdelay $0x3  }
0x94: {  	_ =	strace s2  }
0x95: {  	s2 =	sld [smem:$0x3FFD];
	_ =	sdelay $0x3  }
0x96: {  	_ =	strace s2  }
0x97: {  	_ =	strace $0x8FFFFFFF  }
0x98: {  	s18 =	sld [smem:$0x3FDB];
	_ =	sdelay $0x1  }
0x99: {  	s19 =	simm.s32 $_scs_section_size  }
0x9a: {  	s4 =	simm.s32 $_size__tile_overlayer_lowered;
	s5 =	simm.s32 $_tile_overlayer_lowered  }
0x9b: {  	s22 =	simm.s32 $0x1BFF;
	s21 =	sshll.u32 s5, $0x1;
	s2 =	sadd.s32 s19, s18  }
0x9c: {  	s6 =	simm.s32 $0x0;
	s20 =	sshll.u32 s4, $0x1;
	s4 =	sadd.s32 s21, s2  }
0x9d: {  	[timem:s6], [sflag:s22] =	dma.local [hbm:s4], s20  }
0x9e: {  	_ =	swait.ge [sflag:s22], s20  }
0x9f: {  	s3 =	ssub.s32 $0x0, s20;
	[sflag:s22] =	ssyncset.done $0x0  }
0xa0: {  	[sflag:s22] =	ssyncadd.s32 s3;
	_ =	sdelay $0x1  }
0xa1: {  	s23 =	simm.s32 $0x1B8B  }
0xa2: {  	_ =	swait.ge [sflag:s23], $0x1  }
0xa3: {  	[sflag:s23] =	ssyncset.done $0x0  }
0xa4: {  	s25 =	simm.s32 $0x1B8E;
	s24 =	sld [smem:$0x3FFE];
	[sflag:s23] =	ssyncadd.s32 $0xFFFFFFFF  }
0xa5: {  	s26 =	simm.s32 $execute0_lowered;
	[smem:$0x3FD2] =	sst s25  }
0xa6: {  	s4 =	sshll.u32 s26, $0x1;
	_ =	strace $0x80000049;
	[dreg:$0x1] =	wrdreg $0xFFFFFFFF  }
0xa7: {  	s28 =	simm.s32 $_size_execute0_lowered;
	s2 =	sadd.s32 s2, s4;
	[dreg:$0x0] =	wrdreg $0x0  }
0xa8: {  	s4 =	sshll.u32 s28, $0x1;
	[dreg:$0x2] =	wrdreg s2  }
0xa9: {  	[dreg:$0x3] =	wrdreg s4  }
0xaa: {  	[dreg:$0x4] =	wrdreg $0xC0  }
0xab: {  	_ =	task [dreg:s6], $0x5FFFF  }
0xac: {  	[dreg:$0x1] =	wrdreg $0xFFFFFFFF  }
0xad: {  	[dreg:$0x0] =	wrdreg $0x60  }
0xae: {  	[dreg:$0x2] =	wrdreg s24  }
0xaf: {  	[dreg:$0x3] =	wrdreg $0x192000  }
0xb0: {  	[dreg:$0x4] =	wrdreg $0x142000  }
0xb1: {  	[dreg:$0x5] =	wrdreg $0x9  }
0xb2: {  	_ =	task.clear_ibuf [dreg:s6], $0x6FFFF;
	_ =	strace $0x90000049  }
0xb3: {  	s29 =	simm.s32 $0x9;
	_ =	strace $0x8000004B  }
0xb4: {  	_ =	swait.ge [sflag:s29], $0x1  }
0xb5: {  	[sflag:s29] =	ssyncadd.s32 $0xFFFFFFFF  }
0xb6: {  	_ =	strace $0x9000004B  }
0xb7: {  	_ =	sfence  }
0xb8: {  	s30 =	sld [smem:$0x0];
	_ =	sdelay $0x2  }
0xb9: {  	s31 =	sshll.u32 s1, $0xD;
	s1 =	sshrl.u32 s1, $0x2  }
0xba: {  	s3 =	sand.u32 $0x4000, s31;
	s1 =	sadd.s32 s1, s30  }
0xbb: {  	s0 =	sor.u32 s3, s0;
	s1 =	sshll.u32 s1, $0x11  }
0xbc: {  	s0 =	sor.u32 s1, s0  }
0xbd: {  	s0 =	sadd.s32 $0x8F2B, s0  }
0xbe: {  	[sflag:s0] =	ssyncadd.remote.s32 $0x1  }
0xbf: {  	_ =	sfence.sel $0xFFFF  }
0xc0: {  	[dreg:$0x0] =	wrdreg $0xFFFFFFFF;
	(pc) =	sbr.abs _section_cstart, $3  }
0xc1: {  	[dreg:$0x1] =	wrdreg $0xFFFFFFFF  }
0xc2: {  	_ =	task.clear_ibuf [dreg:s6], $0x2FFFF;
	_ =	strace $0x9FFFFFFF  }
0xc3: {  	(tm) =	ssettm $0x7FFFFFFF  }
tec
execute0_lowered:
.L_overlay_start_1:
0x0: {  	(tag) =	ssettag $0x1  }
0x1: {  	s0 =	rddreg [dreg:$0x0]  }
0x2: {  	s1 =	rddreg [dreg:$0x1]  }
0x3: {  	s2 =	rddreg [dreg:$0x2];
	s3 =	srdreg.scid;
	s5 =	simm.s32 $0x0  }
0x4: {  	s6 =	stileid.u32;
	s28 =	simm.s32 $0x13;
	s31 =	simm.s32 $0x11  }
0x5: {  	s30 =	simm.s32 $0x7;
	s29 =	simm.s32 $0xC;
	s25 =	smul.u32 $0x5000, s6  }
0x6: {  	s3 =	sand.u32 $0x1, s3;
	[smem:$0x7FF] =	sst s5;
	s6 =	smul.u32 $0xA20, s6  }
0x7: {  	s7 =	sadd.s32 $0x16600, s0;
	s5 =	simm.s32 $0x1;
	s4 =	smul.u32 $0x50000, s3  }
0x8: {  	_ =	strace $0x8000004A;
	s3 =	ssub.s32 $0x2, s3;
	s6 =	sadd.s32 s6, s0  }
0x9: {  	s9 =	sshrl.u32 s3, $0x1;
	s26 =	sadd.s32 $0x1000, s25;
	s13 =	sadd.s32 $0x2000, s25  }
0xa: {  	s14 =	sadd.s32 s25, s1;
	s16 =	sadd.s32 $0x3000, s25;
	s11 =	sadd.s32 $0x4000, s25  }
0xb: {  	s21 =	sadd.s32 s25, s2;
	s8 =	sadd.s32 s25, s4;
	s3 =	ssub.s32 s3, s9  }
0xc: {  	s10 =	sadd.s32 $0xC400, s6;
	s6 =	sadd.s32 $0x1600, s6;
	[dreg:$0x8] =	wrdreg s14  }
0xd: {  	s12 =	sadd.s32 s4, s26;
	s15 =	sadd.s32 s4, s13;
	[dreg:$0x10] =	wrdreg s21  }
0xe: {  	s17 =	sadd.s32 s4, s16;
	s4 =	sadd.s32 s4, s11;
	[dreg:$0x4] =	wrdreg s10  }
0xf: {  	s18 =	sadd.s32 s13, s1;
	s19 =	sadd.s32 s16, s1;
	[dreg:$0x5] =	wrdreg s6  }
0x10: {  	s20 =	sadd.s32 s11, s1;
	s22 =	sadd.s32 s26, s2;
	[dreg:$0xc] =	wrdreg s18  }
0x11: {  	s23 =	sadd.s32 s13, s2;
	s24 =	sadd.s32 s16, s2;
	[dreg:$0xe] =	wrdreg s19  }
0x12: {  	s25 =	sadd.s32 s11, s2;
	s21 =	simm.s32 $0xD;
	[dreg:$0xf] =	wrdreg s20  }
0x13: {  	s9 =	simm.s32 $0x10;
	s13 =	simm.s32 $0x5;
	[dreg:$0x11] =	wrdreg s22  }
0x14: {  	s14 =	simm.s32 $0x6;
	s16 =	simm.s32 $0x8;
	[dreg:$0x12] =	wrdreg s23  }
0x15: {  	s8 =	sshrl.u32 s8, $0x3;
	s6 =	sshrl.u32 s12, $0x3;
	[dreg:$0x13] =	wrdreg s24  }
0x16: {  	s12 =	sadd.s32 s26, s1;
	s4 =	sshrl.u32 s4, $0x3;
	[dreg:$0x14] =	wrdreg s25  }
0x17: {  	s26 =	smax.u32 s3, $0x1;
	s22 =	simm.s32 $0xE;
	[dreg:$0xa] =	wrdreg s12  }
0x18: {  	s0 =	sadd.s32 s8, s0;
	s8 =	sadd.s32 s7, s8;
	[dreg:$0x16] =	wrdreg s26  }
0x19: {  	s18 =	simm.s32 $0x9;
	s6 =	sadd.s32 s7, s6;
	[dreg:$0x6] =	wrdreg s8  }
0x1a: {  	s19 =	simm.s32 $0xA;
	s4 =	sadd.s32 s7, s4;
	[dreg:$0x7] =	wrdreg s6  }
0x1b: {  	s6 =	sshrl.u32 s15, $0x3;
	[dreg:$0xd] =	wrdreg s4;
	s0 =	sadd.s32 $0x2A600, s0  }
0x1c: {  	s20 =	simm.s32 $0xB;
	s6 =	sadd.s32 s7, s6;
	[dreg:$0x15] =	wrdreg s0  }
0x1d: {  	s4 =	simm.s32 $0x12;
	[dreg:$0x9] =	wrdreg s6;
	s6 =	sshrl.u32 s17, $0x3  }
0x1e: {  	s0 =	simm.s32 $0x80;
	s17 =	simm.s32 $0xF;
	s6 =	sadd.s32 s7, s6  }
0x1f: {  	v0 =	vimm.f32 $0.0e+00;
	s7 =	simm.s32 $0x0;
	[dreg:$0xb] =	wrdreg s6;
	s6 =	simm.s32 $0x2  }
.LBB2_1:
0x20: {  	[dreg:$0x17] =	wrdreg s7  }
0x21: {  	s8 =	simm.s32 $0x0;
	s26 =	rddreg [dreg:$0x4]  }
0x22: {  	[tilespmem:s8], [sflag:$0x13] =	stream.linear.gather [hbm4b:s26+s8], $0x5100, $0x38;
	[tilespmem:$0x1E200] =	vst v63  }
0x23: {  	_ =	swait.ge [sflag:s28], $0x5100  }
0x24: {  	[sflag:s28] =	ssyncset.done $0x0  }
0x25: {  	s24 =	simm.s32 $0x5100;
	s23 =	rddreg [dreg:$0x5];
	[sflag:s28] =	ssyncadd.s32 $0xFFFFAF00  }
0x26: {  	[tilespmem:s24], [sflag:$0x13] =	stream.linear.gather [hbm4b:s23+s8], $0x5100, $0x38;
	[tilespmem:$0x1E200] =	vst v63  }
0x27: {  	_ =	swait.ge [sflag:s28], $0x5100  }
0x28: {  	[sflag:s28] =	ssyncset.done $0x0  }
0x29: {  	s7 =	simm.s32 $0xA200;
	s24 =	rddreg [dreg:$0x6];
	[sflag:s28] =	ssyncadd.s32 $0xFFFFAF00  }
0x2a: {  	[tilespmem:s7], [sflag:$0x1] =	stream.linear.gather [hbm4b:s24+s8], $0x1000, $0x38;
	[tilespmem:$0x1E200] =	vst v63  }
0x2b: {  	s3 =	simm.s32 $0xB200;
	s25 =	rddreg [dreg:$0x7]  }
0x2c: {  	[tilespmem:s3], [sflag:$0x2] =	stream.linear.gather [hbm4b:s25+s8], $0x1000, $0x38;
	[tilespmem:$0x1E200] =	vst v63  }
0x2d: {  	_ =	swait.ge [sflag:s5], $0x1000  }
0x2e: {  	[sflag:s5] =	ssyncset.done $0x0  }
0x2f: {  	s10 =	rddreg [dreg:$0x8];
	[sflag:s5] =	ssyncadd.s32 $0xFFFFF000  }
0x30: {  	[spmem:s10] =	stream.linear.scatter [tilespmem:s7], [sflag:$0x13], $0x1000, $0x38;
	[tilespmem:$0x1E200] =	vst v63  }
0x31: {  	_ =	swait.ge [sflag:s28], $0x1000  }
0x32: {  	[sflag:s28] =	ssyncset.done $0x0  }
0x33: {  	s11 =	rddreg [dreg:$0x9];
	[sflag:s28] =	ssyncadd.s32 $0xFFFFF000  }
0x34: {  	[tilespmem:s7], [sflag:$0x1] =	stream.linear.gather [hbm4b:s11+s8], $0x1000, $0x38;
	[tilespmem:$0x1E200] =	vst v63  }
0x35: {  	_ =	swait.ge [sflag:s6], $0x1000  }
0x36: {  	[sflag:s6] =	ssyncset.done $0x0  }
0x37: {  	s12 =	rddreg [dreg:$0xa];
	[sflag:s6] =	ssyncadd.s32 $0xFFFFF000  }
0x38: {  	[spmem:s12] =	stream.linear.scatter [tilespmem:s3], [sflag:$0x13], $0x1000, $0x38;
	[tilespmem:$0x1E200] =	vst v63  }
0x39: {  	_ =	swait.ge [sflag:s28], $0x1000  }
0x3a: {  	[sflag:s28] =	ssyncset.done $0x0  }
0x3b: {  	s15 =	rddreg [dreg:$0xb];
	[sflag:s28] =	ssyncadd.s32 $0xFFFFF000  }
0x3c: {  	[tilespmem:s3], [sflag:$0x2] =	stream.linear.gather [hbm4b:s15+s8], $0x1000, $0x38;
	[tilespmem:$0x1E200] =	vst v63  }
0x3d: {  	_ =	swait.ge [sflag:s5], $0x1000  }
0x3e: {  	[sflag:s5] =	ssyncset.done $0x0  }
0x3f: {  	s23 =	rddreg [dreg:$0xc];
	[sflag:s5] =	ssyncadd.s32 $0xFFFFF000  }
0x40: {  	[spmem:s23] =	stream.linear.scatter [tilespmem:s7], [sflag:$0x13], $0x1000, $0x38;
	[tilespmem:$0x1E200] =	vst v63  }
0x41: {  	_ =	swait.ge [sflag:s28], $0x1000  }
0x42: {  	[sflag:s28] =	ssyncset.done $0x0  }
0x43: {  	s24 =	rddreg [dreg:$0xd];
	[sflag:s28] =	ssyncadd.s32 $0xFFFFF000  }
0x44: {  	[tilespmem:s7], [sflag:$0x1] =	stream.linear.gather [hbm4b:s24+s8], $0x1000, $0x38;
	[tilespmem:$0x1E200] =	vst v63  }
0x45: {  	_ =	swait.ge [sflag:s6], $0x1000  }
0x46: {  	[sflag:s6] =	ssyncset.done $0x0  }
0x47: {  	s25 =	rddreg [dreg:$0xe];
	[sflag:s6] =	ssyncadd.s32 $0xFFFFF000  }
0x48: {  	[spmem:s25] =	stream.linear.scatter [tilespmem:s3], [sflag:$0x13], $0x1000, $0x38;
	[tilespmem:$0x1E200] =	vst v63  }
0x49: {  	_ =	swait.ge [sflag:s28], $0x1000  }
0x4a: {  	[sflag:s28] =	ssyncset.done $0x0  }
0x4b: {  	[sflag:s28] =	ssyncadd.s32 $0xFFFFF000  }
0x4c: {  	_ =	swait.ge [sflag:s5], $0x1000  }
0x4d: {  	[sflag:s5] =	ssyncset.done $0x0  }
0x4e: {  	s26 =	rddreg [dreg:$0xf];
	[sflag:s5] =	ssyncadd.s32 $0xFFFFF000  }
0x4f: {  	[spmem:s26] =	stream.linear.scatter [tilespmem:s7], [sflag:$0x13], $0x1000, $0x38;
	[tilespmem:$0x1E200] =	vst v63  }
0x50: {  	_ =	swait.ge [sflag:s28], $0x1000  }
0x51: {  	[sflag:s28] =	ssyncset.done $0x0  }
0x52: {  	s24 =	simm.s32 $0x80;
	s26 =	simm.s32 $0x0;
	[sflag:s28] =	ssyncadd.s32 $0xFFFFF000  }
.LBB2_2:
0x53: {  	p0 =	sne.s32 s24, $0x3F80;
	[tilespmem:s26+$0x13200] =	vst v0;
	s28 =	smov.u32 s24;
	s24 =	sadd.s32 $0x80, s24  }
.Ltmp0:
0x54: {  	[tilespmem:s26+$0x13210] =	vst v0;
	(pc) =	sbr.rel @p0 .LBB2_2-.Ltmp0, $2  }
0x55: {  	_ =	sdelay $0x2  }
0x56: {  	s26 =	sshra.s32 s28, $0x2  }
0x57: {  	[tilespmem:s26+$0x13200] =	vst v0  }
0x58: {  	[tilespmem:s26+$0x13210] =	vst v0;
	s24 =	rddreg [dreg:$0x10];
	s3 =	simm.s32 $0x13200;
	s12 =	simm.s32 $0x13  }
0x59: {  	[spmem:s24] =	stream.linear.scatter [tilespmem:s3], [sflag:$0x13], $0x1000, $0x38;
	[tilespmem:$0x1E200] =	vst v63  }
0x5a: {  	_ =	swait.ge [sflag:s12], $0x1000  }
0x5b: {  	[sflag:s12] =	ssyncset.done $0x0  }
0x5c: {  	s15 =	rddreg [dreg:$0x11];
	[sflag:s12] =	ssyncadd.s32 $0xFFFFF000  }
0x5d: {  	[spmem:s15] =	stream.linear.scatter [tilespmem:s3], [sflag:$0x13], $0x1000, $0x38;
	[tilespmem:$0x1E200] =	vst v63  }
0x5e: {  	_ =	swait.ge [sflag:s12], $0x1000  }
0x5f: {  	[sflag:s12] =	ssyncset.done $0x0  }
0x60: {  	s23 =	rddreg [dreg:$0x12];
	[sflag:s12] =	ssyncadd.s32 $0xFFFFF000  }
0x61: {  	[spmem:s23] =	stream.linear.scatter [tilespmem:s3], [sflag:$0x13], $0x1000, $0x38;
	[tilespmem:$0x1E200] =	vst v63  }
0x62: {  	_ =	swait.ge [sflag:s12], $0x1000  }
0x63: {  	[sflag:s12] =	ssyncset.done $0x0  }
0x64: {  	s25 =	rddreg [dreg:$0x13];
	[sflag:s12] =	ssyncadd.s32 $0xFFFFF000  }
0x65: {  	[spmem:s25] =	stream.linear.scatter [tilespmem:s3], [sflag:$0x13], $0x1000, $0x38;
	[tilespmem:$0x1E200] =	vst v63  }
0x66: {  	_ =	swait.ge [sflag:s12], $0x1000  }
0x67: {  	[sflag:s12] =	ssyncset.done $0x0  }
0x68: {  	s5 =	rddreg [dreg:$0x14];
	[sflag:s12] =	ssyncadd.s32 $0xFFFFF000  }
0x69: {  	[spmem:s5] =	stream.linear.scatter [tilespmem:s3], [sflag:$0x13], $0x1000, $0x38;
	[tilespmem:$0x1E200] =	vst v63  }
0x6a: {  	_ =	swait.ge [sflag:s12], $0x1000  }
0x6b: {  	[sflag:s12] =	ssyncset.done $0x0  }
0x6c: {  	[sflag:s12] =	ssyncadd.s32 $0xFFFFF000  }
0x6d: {  	s6 =	simm.s32 $0x0;
	s5 =	simm.s32 $0xA200;
	[bflag:$0x0] =	sbarrier.arrive $0xFFFF  }
0x6e: {  	[tilespmem:s5], [sflag:$0x1] =	stream.indirect.gather [spmem:s1], $0x20, s6, s0, $0xb8;
	[tilespmem:$0x1E200] =	vst v63  }
0x6f: {  	s11 =	simm.s32 $0xB200  }
0x70: {  	[tilespmem:s11], [sflag:$0x2] =	stream.indirect.gather [spmem:s1], $0x20, s0, s0, $0xb8;
	[tilespmem:$0x1E200] =	vst v63  }
0x71: {  	s7 =	simm.s32 $0x100;
	s3 =	simm.s32 $0xC200  }
0x72: {  	[tilespmem:s3], [sflag:$0x3] =	stream.indirect.gather [spmem:s1], $0x20, s7, s0, $0xb8;
	[tilespmem:$0x1E200] =	vst v63  }
0x73: {  	s8 =	simm.s32 $0x180;
	s6 =	simm.s32 $0xD200  }
0x74: {  	[tilespmem:s6], [sflag:$0x4] =	stream.indirect.gather [spmem:s1], $0x20, s8, s0, $0xb8;
	[tilespmem:$0x1E200] =	vst v63  }
0x75: {  	s10 =	simm.s32 $0x200;
	s7 =	simm.s32 $0xE200  }
0x76: {  	[tilespmem:s7], [sflag:$0x5] =	stream.indirect.gather [spmem:s1], $0x20, s10, s0, $0xb8;
	[tilespmem:$0x1E200] =	vst v63  }
0x77: {  	s12 =	simm.s32 $0x280;
	s8 =	simm.s32 $0xF200  }
0x78: {  	[tilespmem:s8], [sflag:$0x6] =	stream.indirect.gather [spmem:s1], $0x20, s12, s0, $0xb8;
	[tilespmem:$0x1E200] =	vst v63  }
0x79: {  	s15 =	simm.s32 $0x300;
	s23 =	simm.s32 $0x10200  }
0x7a: {  	[tilespmem:s23], [sflag:$0x7] =	stream.indirect.gather [spmem:s1], $0x20, s15, s0, $0xb8;
	[tilespmem:$0x1E200] =	vst v63  }
0x7b: {  	s26 =	simm.s32 $0x11200;
	s25 =	simm.s32 $0x380  }
0x7c: {  	[tilespmem:s26], [sflag:$0x8] =	stream.indirect.gather [spmem:s1], $0x20, s25, s0, $0xb8;
	[tilespmem:$0x1E200] =	vst v63  }
0x7d: {  	s28 =	simm.s32 $0x1;
	s10 =	simm.s32 $0x400;
	s15 =	simm.s32 $0x12200  }
0x7e: {  	[tilespmem:s15], [sflag:$0x9] =	stream.indirect.gather [spmem:s1], $0x20, s10, s0, $0xb8;
	[tilespmem:$0x1E200] =	vst v63  }
0x7f: {  	_ =	swait.ge [sflag:s28], $0x1000  }
0x80: {  	[sflag:s28] =	ssyncset.done $0x0  }
0x81: {  	s12 =	simm.s32 $0x5100;
	s10 =	simm.s32 $0x2;
	[sflag:s28] =	ssyncadd.s32 $0xFFFFF000  }
0x82: {  	[spmem:s2] =	stream.indirect.scatter.add.f32 [tilespmem:s5], [sflag:$0xA], $0x20, s12, s0, $0xb8;
	[tilespmem:$0x1E200] =	vst v63  }
0x83: {  	_ =	swait.ge [sflag:s10], $0x1000  }
0x84: {  	[sflag:s10] =	ssyncset.done $0x0  }
0x85: {  	s25 =	simm.s32 $0x5180;
	s12 =	simm.s32 $0x3;
	[sflag:s10] =	ssyncadd.s32 $0xFFFFF000  }
0x86: {  	[spmem:s2] =	stream.indirect.scatter.add.f32 [tilespmem:s11], [sflag:$0xB], $0x20, s25, s0, $0xb8;
	[tilespmem:$0x1E200] =	vst v63  }
0x87: {  	_ =	swait.ge [sflag:s12], $0x1000  }
0x88: {  	[sflag:s12] =	ssyncset.done $0x0  }
0x89: {  	s24 =	simm.s32 $0x4;
	[sflag:s12] =	ssyncadd.s32 $0xFFFFF000;
	s12 =	simm.s32 $0x5200  }
0x8a: {  	[spmem:s2] =	stream.indirect.scatter.add.f32 [tilespmem:s3], [sflag:$0xC], $0x20, s12, s0, $0xb8;
	[tilespmem:$0x1E200] =	vst v63  }
0x8b: {  	_ =	swait.ge [sflag:s24], $0x1000  }
0x8c: {  	[sflag:s24] =	ssyncset.done $0x0  }
0x8d: {  	s25 =	simm.s32 $0x5280;
	[sflag:s24] =	ssyncadd.s32 $0xFFFFF000  }
0x8e: {  	[spmem:s2] =	stream.indirect.scatter.add.f32 [tilespmem:s6], [sflag:$0xD], $0x20, s25, s0, $0xb8;
	[tilespmem:$0x1E200] =	vst v63  }
0x8f: {  	_ =	swait.ge [sflag:s13], $0x1000  }
0x90: {  	[sflag:s13] =	ssyncset.done $0x0  }
0x91: {  	s12 =	simm.s32 $0x5300;
	[sflag:s13] =	ssyncadd.s32 $0xFFFFF000  }
0x92: {  	[spmem:s2] =	stream.indirect.scatter.add.f32 [tilespmem:s7], [sflag:$0xE], $0x20, s12, s0, $0xb8;
	[tilespmem:$0x1E200] =	vst v63  }
0x93: {  	_ =	swait.ge [sflag:s14], $0x1000  }
0x94: {  	[sflag:s14] =	ssyncset.done $0x0  }
0x95: {  	s25 =	simm.s32 $0x5380;
	[sflag:s14] =	ssyncadd.s32 $0xFFFFF000  }
0x96: {  	[spmem:s2] =	stream.indirect.scatter.add.f32 [tilespmem:s8], [sflag:$0xF], $0x20, s25, s0, $0xb8;
	[tilespmem:$0x1E200] =	vst v63  }
0x97: {  	_ =	swait.ge [sflag:s30], $0x1000  }
0x98: {  	[sflag:s30] =	ssyncset.done $0x0  }
0x99: {  	s12 =	simm.s32 $0x5400;
	[sflag:s30] =	ssyncadd.s32 $0xFFFFF000  }
0x9a: {  	[spmem:s2] =	stream.indirect.scatter.add.f32 [tilespmem:s23], [sflag:$0x10], $0x20, s12, s0, $0xb8;
	[tilespmem:$0x1E200] =	vst v63  }
0x9b: {  	_ =	swait.ge [sflag:s16], $0x1000  }
0x9c: {  	[sflag:s16] =	ssyncset.done $0x0  }
0x9d: {  	s25 =	simm.s32 $0x5480;
	[sflag:s16] =	ssyncadd.s32 $0xFFFFF000  }
0x9e: {  	[spmem:s2] =	stream.indirect.scatter.add.f32 [tilespmem:s26], [sflag:$0x11], $0x20, s25, s0, $0xb8;
	[tilespmem:$0x1E200] =	vst v63  }
0x9f: {  	_ =	swait.ge [sflag:s18], $0x1000  }
0xa0: {  	[sflag:s18] =	ssyncset.done $0x0  }
0xa1: {  	s12 =	simm.s32 $0x5500;
	[sflag:s18] =	ssyncadd.s32 $0xFFFFF000  }
0xa2: {  	[spmem:s2] =	stream.indirect.scatter.add.f32 [tilespmem:s15], [sflag:$0x12], $0x20, s12, s0, $0xb8;
	[tilespmem:$0x1E200] =	vst v63  }
0xa3: {  	_ =	swait.ge [sflag:s19], $0x1000  }
0xa4: {  	[sflag:s19] =	ssyncset.done $0x0  }
0xa5: {  	s25 =	simm.s32 $0x480;
	[sflag:s19] =	ssyncadd.s32 $0xFFFFF000  }
0xa6: {  	[tilespmem:s5], [sflag:$0x1] =	stream.indirect.gather [spmem:s1], $0x20, s25, s0, $0xb8;
	[tilespmem:$0x1E200] =	vst v63  }
0xa7: {  	_ =	swait.ge [sflag:s20], $0x1000  }
0xa8: {  	[sflag:s20] =	ssyncset.done $0x0  }
0xa9: {  	s5 =	simm.s32 $0x500;
	[sflag:s20] =	ssyncadd.s32 $0xFFFFF000  }
0xaa: {  	[tilespmem:s11], [sflag:$0x2] =	stream.indirect.gather [spmem:s1], $0x20, s5, s0, $0xb8;
	[tilespmem:$0x1E200] =	vst v63  }
0xab: {  	_ =	swait.ge [sflag:s29], $0x1000  }
0xac: {  	[sflag:s29] =	ssyncset.done $0x0  }
0xad: {  	s12 =	simm.s32 $0x580;
	[sflag:s29] =	ssyncadd.s32 $0xFFFFF000  }
0xae: {  	[tilespmem:s3], [sflag:$0x3] =	stream.indirect.gather [spmem:s1], $0x20, s12, s0, $0xb8;
	[tilespmem:$0x1E200] =	vst v63  }
0xaf: {  	_ =	swait.ge [sflag:s21], $0x1000  }
0xb0: {  	[sflag:s21] =	ssyncset.done $0x0  }
0xb1: {  	s15 =	simm.s32 $0x600;
	[sflag:s21] =	ssyncadd.s32 $0xFFFFF000  }
0xb2: {  	[tilespmem:s6], [sflag:$0x4] =	stream.indirect.gather [spmem:s1], $0x20, s15, s0, $0xb8;
	[tilespmem:$0x1E200] =	vst v63  }
0xb3: {  	_ =	swait.ge [sflag:s22], $0x1000  }
0xb4: {  	[sflag:s22] =	ssyncset.done $0x0  }
0xb5: {  	s21 =	simm.s32 $0x680;
	[sflag:s22] =	ssyncadd.s32 $0xFFFFF000  }
0xb6: {  	[tilespmem:s7], [sflag:$0x5] =	stream.indirect.gather [spmem:s1], $0x20, s21, s0, $0xb8;
	[tilespmem:$0x1E200] =	vst v63  }
0xb7: {  	_ =	swait.ge [sflag:s17], $0x1000  }
0xb8: {  	[sflag:s17] =	ssyncset.done $0x0  }
0xb9: {  	s22 =	simm.s32 $0x700;
	[sflag:s17] =	ssyncadd.s32 $0xFFFFF000  }
0xba: {  	[tilespmem:s8], [sflag:$0x6] =	stream.indirect.gather [spmem:s1], $0x20, s22, s0, $0xb8;
	[tilespmem:$0x1E200] =	vst v63  }
0xbb: {  	_ =	swait.ge [sflag:s9], $0x1000  }
0xbc: {  	[sflag:s9] =	ssyncset.done $0x0  }
0xbd: {  	s25 =	simm.s32 $0x780;
	[sflag:s9] =	ssyncadd.s32 $0xFFFFF000  }
0xbe: {  	[tilespmem:s23], [sflag:$0x7] =	stream.indirect.gather [spmem:s1], $0x20, s25, s0, $0xb8;
	[tilespmem:$0x1E200] =	vst v63  }
0xbf: {  	_ =	swait.ge [sflag:s31], $0x1000  }
0xc0: {  	[sflag:s31] =	ssyncset.done $0x0  }
0xc1: {  	s24 =	simm.s32 $0x1200;
	[sflag:s31] =	ssyncadd.s32 $0xFFFFF000;
	s31 =	simm.s32 $0x800  }
0xc2: {  	[tilespmem:s26], [sflag:$0x8] =	stream.indirect.gather [spmem:s1], $0x20, s31, s0, $0xb8;
	[tilespmem:$0x1E200] =	vst v63  }
0xc3: {  	s17 =	simm.s32 $0xF;
	s22 =	simm.s32 $0xD;
	_ =	swait.ge [sflag:s4], $0x1000  }
0xc4: {  	s8 =	simm.s32 $0x12;
	s9 =	simm.s32 $0x10;
	[sflag:s4] =	ssyncset.done $0x0  }
0xc5: {  	s23 =	simm.s32 $0xE;
	s26 =	simm.s32 $0x880;
	[sflag:s4] =	ssyncadd.s32 $0xFFFFF000  }
.LBB2_4:
0xc6: {  	s15 =	simm.s32 $0x12200  }
0xc7: {  	[tilespmem:s15], [sflag:$0x9] =	stream.indirect.gather [spmem:s1], $0x20, s26, s0, $0xb8;
	[tilespmem:$0x1E200] =	vst v63  }
0xc8: {  	s26 =	smov.u32 s24  }
0xc9: {  	p0 =	sne.s32 s24, $0x12000;
	s24 =	sadd.s32 $0x1200, s24;
	_ =	swait.ge [sflag:s28], $0x1000  }
0xca: {  	s26 =	sshra.s32 s26, $0x2;
	[sflag:s28] =	ssyncset.done $0x0  }
0xcb: {  	s25 =	simm.s32 $0xA200;
	[sflag:s28] =	ssyncadd.s32 $0xFFFFF000;
	s28 =	sadd.s32 $0x5100, s26  }
0xcc: {  	[spmem:s2] =	stream.indirect.scatter.add.f32 [tilespmem:s25], [sflag:$0xA], $0x20, s28, s0, $0xb8;
	[tilespmem:$0x1E200] =	vst v63  }
0xcd: {  	_ =	swait.ge [sflag:s10], $0x1000  }
0xce: {  	s11 =	simm.s32 $0xB200;
	[sflag:s10] =	ssyncset.done $0x0  }
0xcf: {  	s3 =	simm.s32 $0x3;
	s28 =	sadd.s32 $0x5180, s26;
	[sflag:s10] =	ssyncadd.s32 $0xFFFFF000  }
0xd0: {  	[spmem:s2] =	stream.indirect.scatter.add.f32 [tilespmem:s11], [sflag:$0xB], $0x20, s28, s0, $0xb8;
	[tilespmem:$0x1E200] =	vst v63  }
0xd1: {  	_ =	swait.ge [sflag:s3], $0x1000  }
0xd2: {  	s4 =	simm.s32 $0x4;
	[sflag:s3] =	ssyncset.done $0x0  }
0xd3: {  	s28 =	sadd.s32 $0x5200, s26;
	[sflag:s3] =	ssyncadd.s32 $0xFFFFF000;
	s3 =	simm.s32 $0xC200  }
0xd4: {  	[spmem:s2] =	stream.indirect.scatter.add.f32 [tilespmem:s3], [sflag:$0xC], $0x20, s28, s0, $0xb8;
	[tilespmem:$0x1E200] =	vst v63  }
0xd5: {  	_ =	swait.ge [sflag:s4], $0x1000  }
0xd6: {  	[sflag:s4] =	ssyncset.done $0x0  }
0xd7: {  	s6 =	simm.s32 $0xD200;
	s28 =	sadd.s32 $0x5280, s26;
	[sflag:s4] =	ssyncadd.s32 $0xFFFFF000  }
0xd8: {  	[spmem:s2] =	stream.indirect.scatter.add.f32 [tilespmem:s6], [sflag:$0xD], $0x20, s28, s0, $0xb8;
	[tilespmem:$0x1E200] =	vst v63  }
0xd9: {  	_ =	swait.ge [sflag:s13], $0x1000  }
0xda: {  	[sflag:s13] =	ssyncset.done $0x0  }
0xdb: {  	s7 =	simm.s32 $0xE200;
	s28 =	sadd.s32 $0x5300, s26;
	[sflag:s13] =	ssyncadd.s32 $0xFFFFF000  }
0xdc: {  	[spmem:s2] =	stream.indirect.scatter.add.f32 [tilespmem:s7], [sflag:$0xE], $0x20, s28, s0, $0xb8;
	[tilespmem:$0x1E200] =	vst v63  }
0xdd: {  	_ =	swait.ge [sflag:s14], $0x1000  }
0xde: {  	[sflag:s14] =	ssyncset.done $0x0  }
0xdf: {  	s4 =	simm.s32 $0xF200;
	s28 =	sadd.s32 $0x5380, s26;
	[sflag:s14] =	ssyncadd.s32 $0xFFFFF000  }
0xe0: {  	[spmem:s2] =	stream.indirect.scatter.add.f32 [tilespmem:s4], [sflag:$0xF], $0x20, s28, s0, $0xb8;
	[tilespmem:$0x1E200] =	vst v63  }
0xe1: {  	_ =	swait.ge [sflag:s30], $0x1000  }
0xe2: {  	[sflag:s30] =	ssyncset.done $0x0  }
0xe3: {  	s31 =	simm.s32 $0x10200;
	s28 =	sadd.s32 $0x5400, s26;
	[sflag:s30] =	ssyncadd.s32 $0xFFFFF000  }
0xe4: {  	[spmem:s2] =	stream.indirect.scatter.add.f32 [tilespmem:s31], [sflag:$0x10], $0x20, s28, s0, $0xb8;
	[tilespmem:$0x1E200] =	vst v63  }
0xe5: {  	_ =	swait.ge [sflag:s16], $0x1000  }
0xe6: {  	[sflag:s16] =	ssyncset.done $0x0  }
0xe7: {  	s21 =	simm.s32 $0x11200;
	s28 =	sadd.s32 $0x5480, s26;
	[sflag:s16] =	ssyncadd.s32 $0xFFFFF000  }
0xe8: {  	[spmem:s2] =	stream.indirect.scatter.add.f32 [tilespmem:s21], [sflag:$0x11], $0x20, s28, s0, $0xb8;
	[tilespmem:$0x1E200] =	vst v63  }
0xe9: {  	_ =	swait.ge [sflag:s18], $0x1000  }
0xea: {  	[sflag:s18] =	ssyncset.done $0x0  }
0xeb: {  	s28 =	sadd.s32 $0x5500, s26;
	[sflag:s18] =	ssyncadd.s32 $0xFFFFF000  }
0xec: {  	[spmem:s2] =	stream.indirect.scatter.add.f32 [tilespmem:s15], [sflag:$0x12], $0x20, s28, s0, $0xb8;
	[tilespmem:$0x1E200] =	vst v63  }
0xed: {  	_ =	swait.ge [sflag:s19], $0x1000  }
0xee: {  	[sflag:s19] =	ssyncset.done $0x0  }
0xef: {  	s5 =	simm.s32 $0xA200;
	s28 =	sadd.s32 $0x480, s26;
	[sflag:s19] =	ssyncadd.s32 $0xFFFFF000  }
0xf0: {  	[tilespmem:s25], [sflag:$0x1] =	stream.indirect.gather [spmem:s1], $0x20, s28, s0, $0xb8;
	[tilespmem:$0x1E200] =	vst v63  }
0xf1: {  	_ =	swait.ge [sflag:s20], $0x1000  }
0xf2: {  	[sflag:s20] =	ssyncset.done $0x0  }
0xf3: {  	s12 =	simm.s32 $0xB200;
	s28 =	sadd.s32 $0x500, s26;
	[sflag:s20] =	ssyncadd.s32 $0xFFFFF000  }
0xf4: {  	[tilespmem:s11], [sflag:$0x2] =	stream.indirect.gather [spmem:s1], $0x20, s28, s0, $0xb8;
	[tilespmem:$0x1E200] =	vst v63  }
0xf5: {  	_ =	swait.ge [sflag:s29], $0x1000  }
0xf6: {  	[sflag:s29] =	ssyncset.done $0x0  }
0xf7: {  	s28 =	sadd.s32 $0x580, s26;
	s11 =	simm.s32 $0xC200;
	[sflag:s29] =	ssyncadd.s32 $0xFFFFF000  }
0xf8: {  	[tilespmem:s3], [sflag:$0x3] =	stream.indirect.gather [spmem:s1], $0x20, s28, s0, $0xb8;
	[tilespmem:$0x1E200] =	vst v63  }
0xf9: {  	_ =	swait.ge [sflag:s22], $0x1000  }
0xfa: {  	[sflag:s22] =	ssyncset.done $0x0  }
0xfb: {  	s25 =	simm.s32 $0xD200;
	s28 =	sadd.s32 $0x600, s26;
	[sflag:s22] =	ssyncadd.s32 $0xFFFFF000  }
0xfc: {  	[tilespmem:s6], [sflag:$0x4] =	stream.indirect.gather [spmem:s1], $0x20, s28, s0, $0xb8;
	[tilespmem:$0x1E200] =	vst v63  }
0xfd: {  	_ =	swait.ge [sflag:s23], $0x1000  }
0xfe: {  	[sflag:s23] =	ssyncset.done $0x0  }
0xff: {  	s28 =	sadd.s32 $0x680, s26;
	s6 =	simm.s32 $0xE200;
	[sflag:s23] =	ssyncadd.s32 $0xFFFFF000  }
0x100: {  	[tilespmem:s7], [sflag:$0x5] =	stream.indirect.gather [spmem:s1], $0x20, s28, s0, $0xb8;
	[tilespmem:$0x1E200] =	vst v63  }
0x101: {  	_ =	swait.ge [sflag:s17], $0x1000  }
0x102: {  	[sflag:s17] =	ssyncset.done $0x0  }
0x103: {  	s28 =	sadd.s32 $0x700, s26;
	s7 =	simm.s32 $0xF200;
	[sflag:s17] =	ssyncadd.s32 $0xFFFFF000  }
0x104: {  	[tilespmem:s4], [sflag:$0x6] =	stream.indirect.gather [spmem:s1], $0x20, s28, s0, $0xb8;
	[tilespmem:$0x1E200] =	vst v63  }
0x105: {  	_ =	swait.ge [sflag:s9], $0x1000  }
0x106: {  	[sflag:s9] =	ssyncset.done $0x0  }
0x107: {  	s28 =	sadd.s32 $0x780, s26;
	[sflag:s9] =	ssyncadd.s32 $0xFFFFF000  }
0x108: {  	[tilespmem:s31], [sflag:$0x7] =	stream.indirect.gather [spmem:s1], $0x20, s28, s0, $0xb8;
	[tilespmem:$0x1E200] =	vst v63  }
0x109: {  	s4 =	simm.s32 $0x10200;
	s31 =	simm.s32 $0x11  }
0x10a: {  	_ =	swait.ge [sflag:s31], $0x1000  }
0x10b: {  	[sflag:s31] =	ssyncset.done $0x0  }
0x10c: {  	s28 =	sadd.s32 $0x800, s26;
	[sflag:s31] =	ssyncadd.s32 $0xFFFFF000  }
0x10d: {  	[tilespmem:s21], [sflag:$0x8] =	stream.indirect.gather [spmem:s1], $0x20, s28, s0, $0xb8;
	[tilespmem:$0x1E200] =	vst v63  }
.Ltmp1:
0x10e: {  	_ = 	snop;
	(pc) =	sbr.rel @p0 .LBB2_4-.Ltmp1, $4  }
0x10f: {  	s15 =	simm.s32 $0x11200;
	s28 =	simm.s32 $0x1  }
0x110: {  	_ =	swait.ge [sflag:s8], $0x1000  }
0x111: {  	[sflag:s8] =	ssyncset.done $0x0  }
0x112: {  	s26 =	sadd.s32 $0x880, s26;
	[sflag:s8] =	ssyncadd.s32 $0xFFFFF000  }
0x113: {  	s21 =	simm.s32 $0x12200  }
0x114: {  	[tilespmem:s21], [sflag:$0x9] =	stream.indirect.gather [spmem:s1], $0x20, s26, s0, $0xb8;
	[tilespmem:$0x1E200] =	vst v63  }
0x115: {  	_ =	swait.ge [sflag:s28], $0x1000  }
0x116: {  	[sflag:s28] =	ssyncset.done $0x0  }
0x117: {  	s24 =	simm.s32 $0x9D80;
	[sflag:s28] =	ssyncadd.s32 $0xFFFFF000  }
0x118: {  	[spmem:s2] =	stream.indirect.scatter.add.f32 [tilespmem:s5], [sflag:$0xA], $0x20, s24, s0, $0xb8;
	[tilespmem:$0x1E200] =	vst v63  }
0x119: {  	_ =	swait.ge [sflag:s10], $0x1000  }
0x11a: {  	[sflag:s10] =	ssyncset.done $0x0  }
0x11b: {  	s3 =	simm.s32 $0x3;
	s5 =	simm.s32 $0x9E00;
	[sflag:s10] =	ssyncadd.s32 $0xFFFFF000  }
0x11c: {  	[spmem:s2] =	stream.indirect.scatter.add.f32 [tilespmem:s12], [sflag:$0xB], $0x20, s5, s0, $0xb8;
	[tilespmem:$0x1E200] =	vst v63  }
0x11d: {  	_ =	swait.ge [sflag:s3], $0x1000  }
0x11e: {  	[sflag:s3] =	ssyncset.done $0x0  }
0x11f: {  	s24 =	simm.s32 $0x4;
	s12 =	simm.s32 $0x9E80;
	[sflag:s3] =	ssyncadd.s32 $0xFFFFF000  }
0x120: {  	[spmem:s2] =	stream.indirect.scatter.add.f32 [tilespmem:s11], [sflag:$0xC], $0x20, s12, s0, $0xb8;
	[tilespmem:$0x1E200] =	vst v63  }
0x121: {  	_ =	swait.ge [sflag:s24], $0x1000  }
0x122: {  	[sflag:s24] =	ssyncset.done $0x0  }
0x123: {  	s26 =	simm.s32 $0x9F00;
	[sflag:s24] =	ssyncadd.s32 $0xFFFFF000  }
0x124: {  	[spmem:s2] =	stream.indirect.scatter.add.f32 [tilespmem:s25], [sflag:$0xD], $0x20, s26, s0, $0xb8;
	[tilespmem:$0x1E200] =	vst v63  }
0x125: {  	_ =	swait.ge [sflag:s13], $0x1000  }
0x126: {  	[sflag:s13] =	ssyncset.done $0x0  }
0x127: {  	s3 =	simm.s32 $0x9F80;
	[sflag:s13] =	ssyncadd.s32 $0xFFFFF000  }
0x128: {  	[spmem:s2] =	stream.indirect.scatter.add.f32 [tilespmem:s6], [sflag:$0xE], $0x20, s3, s0, $0xb8;
	[tilespmem:$0x1E200] =	vst v63  }
0x129: {  	_ =	swait.ge [sflag:s14], $0x1000  }
0x12a: {  	[sflag:s14] =	ssyncset.done $0x0  }
0x12b: {  	s10 =	simm.s32 $0xA000;
	[sflag:s14] =	ssyncadd.s32 $0xFFFFF000  }
0x12c: {  	[spmem:s2] =	stream.indirect.scatter.add.f32 [tilespmem:s7], [sflag:$0xF], $0x20, s10, s0, $0xb8;
	[tilespmem:$0x1E200] =	vst v63  }
0x12d: {  	_ =	swait.ge [sflag:s30], $0x1000  }
0x12e: {  	[sflag:s30] =	ssyncset.done $0x0  }
0x12f: {  	s11 =	simm.s32 $0xA080;
	[sflag:s30] =	ssyncadd.s32 $0xFFFFF000  }
0x130: {  	[spmem:s2] =	stream.indirect.scatter.add.f32 [tilespmem:s4], [sflag:$0x10], $0x20, s11, s0, $0xb8;
	[tilespmem:$0x1E200] =	vst v63  }
0x131: {  	_ =	swait.ge [sflag:s16], $0x1000  }
0x132: {  	[sflag:s16] =	ssyncset.done $0x0  }
0x133: {  	s12 =	simm.s32 $0xA100;
	[sflag:s16] =	ssyncadd.s32 $0xFFFFF000  }
0x134: {  	[spmem:s2] =	stream.indirect.scatter.add.f32 [tilespmem:s15], [sflag:$0x11], $0x20, s12, s0, $0xb8;
	[tilespmem:$0x1E200] =	vst v63  }
0x135: {  	_ =	swait.ge [sflag:s18], $0x1000  }
0x136: {  	[sflag:s18] =	ssyncset.done $0x0  }
0x137: {  	s15 =	simm.s32 $0xA180;
	[sflag:s18] =	ssyncadd.s32 $0xFFFFF000  }
0x138: {  	[spmem:s2] =	stream.indirect.scatter.add.f32 [tilespmem:s21], [sflag:$0x12], $0x20, s15, s0, $0xb8;
	[tilespmem:$0x1E200] =	vst v63  }
0x139: {  	_ =	swait.ge [sflag:s19], $0x1000  }
0x13a: {  	[sflag:s19] =	ssyncset.done $0x0  }
0x13b: {  	[sflag:s19] =	ssyncadd.s32 $0xFFFFF000  }
0x13c: {  	_ =	swait.ge [sflag:s20], $0x1000  }
0x13d: {  	[sflag:s20] =	ssyncset.done $0x0  }
0x13e: {  	[sflag:s20] =	ssyncadd.s32 $0xFFFFF000  }
0x13f: {  	_ =	swait.ge [sflag:s29], $0x1000  }
0x140: {  	[sflag:s29] =	ssyncset.done $0x0  }
0x141: {  	[sflag:s29] =	ssyncadd.s32 $0xFFFFF000  }
0x142: {  	_ =	swait.ge [sflag:s22], $0x1000  }
0x143: {  	[sflag:s22] =	ssyncset.done $0x0  }
0x144: {  	[sflag:s22] =	ssyncadd.s32 $0xFFFFF000  }
0x145: {  	_ =	swait.ge [sflag:s23], $0x1000  }
0x146: {  	[sflag:s23] =	ssyncset.done $0x0  }
0x147: {  	[sflag:s23] =	ssyncadd.s32 $0xFFFFF000  }
0x148: {  	_ =	swait.ge [sflag:s17], $0x1000  }
0x149: {  	[sflag:s17] =	ssyncset.done $0x0  }
0x14a: {  	[sflag:s17] =	ssyncadd.s32 $0xFFFFF000  }
0x14b: {  	_ =	swait.ge [sflag:s9], $0x1000  }
0x14c: {  	[sflag:s9] =	ssyncset.done $0x0  }
0x14d: {  	[sflag:s9] =	ssyncadd.s32 $0xFFFFF000  }
0x14e: {  	_ =	swait.ge [sflag:s31], $0x1000  }
0x14f: {  	[sflag:s31] =	ssyncset.done $0x0  }
0x150: {  	[sflag:s31] =	ssyncadd.s32 $0xFFFFF000  }
0x151: {  	_ =	swait.ge [sflag:s8], $0x1000  }
0x152: {  	[sflag:s8] =	ssyncset.done $0x0  }
0x153: {  	[sflag:s8] =	ssyncadd.s32 $0xFFFFF000  }
0x154: {  	s22 =	stileid.u32;
	[bflag:$0x0] =	sbarrier.arrive $0xFFFF  }
0x155: {  	s24 =	sshll.u32 s22, $0x6;
	s23 =	rddreg [dreg:$0x10]  }
0x156: {  	s24 =	sor.u32 $0x1C13, s24;
	s28 =	rddreg [dreg:$0x15];
	s26 =	sshrl.u32 s23, $0x3  }
0x157: {  	[hbm:s28], [sflag:s24] =	dma.local [spmem:s26], $0xA00  }
0x158: {  	s28 =	simm.s32 $0x13  }
0x159: {  	_ =	swait.ge [sflag:s28], $0xA00  }
0x15a: {  	s25 =	rddreg [dreg:$0x17]  }
0x15b: {  	s26 =	rddreg [dreg:$0x16];
	s7 =	sadd.s32 $0x1, s25  }
0x15c: {  	p0 =	sne.s32 s7, s26  }
.Ltmp2:
0x15d: {  	_ = 	snop;
	(pc) =	sbr.rel @p0 .LBB2_1-.Ltmp2, $4  }
0x15e: {  	_ = 	snop  }
0x15f: {  	s5 =	simm.s32 $0x1;
	s6 =	simm.s32 $0x2;
	s4 =	simm.s32 $0x12  }
0x160: {  	s21 =	simm.s32 $0xD;
	s22 =	simm.s32 $0xE;
	[sflag:s28] =	ssyncset.done $0x0  }
0x161: {  	s17 =	simm.s32 $0xF;
	s9 =	simm.s32 $0x10;
	[sflag:s28] =	ssyncadd.s32 $0xFFFFF600  }
0x162: {  	_ =	sfence.sel $0x180000  }
0x163: {  	[bflag:$0x0] =	sbarrier.arrive $0xFFFF  }
0x164: {  	_ =	strace $0x9000004A  }
0x165: {  	s0 =	stileid.u32;
	[bflag:$0x2] =	sbarrier.arrive $0xFFFF  }
0x166: {  	p0 =	sne.s32 s0, $0x0;
	s0 =	rddreg [dreg:$0x3]  }
0x167: {  	s0 =	sadd.s32 @!p0 $0x100000, s0  }
0x168: {  	[sflag:s0] =	ssyncadd.tile.s32 @!p0 $0x1;
	_ =	shalt  }
.Lfunc_end2:
_tile_overlayer_lowered:
.L_overlay_start_2:
0x169: {  	(tag) =	ssettag $0x2  }
0x16a: {  	s0 =	rddreg [dreg:$0x0];
	s2 =	stileid.u32  }
0x16b: {  	s1 =	rddreg [dreg:$0x1];
	p0 =	sne.s32 s2, $0x0  }
0x16c: {  	s3 =	rddreg [dreg:$0x2];
	[bflag:$0x3] =	sbarrier.arrive $0xFFFF;
	s2 =	simm.s32 @!p0 $0x1C13  }
0x16d: {  	[timem:s3], [sflag:s2] =	dma.local @!p0 [hbm:s0], s1  }
0x16e: {  	s0 =	simm.s32 @!p0 $0x13  }
0x16f: {  	_ =	swait.ge @!p0 [sflag:s0], s1  }
0x170: {  	s1 =	ssub.s32 @!p0 $0x0, s1;
	[sflag:s0] =	ssyncset.done @!p0 $0x0  }
0x171: {  	[sflag:s0] =	ssyncadd.s32 @!p0 s1  }
0x172: {  	[bflag:$0x3] =	sbarrier.arrive $0xFFFF  }
0x173: {  	_ =	shalt  }

// kernel: kernel.14.cloned.1.call-start
scs
__scs_entry_jumppad:
0x0: {  	(pc) =	sbr.rel $0x88, $3  }
0x1: {  	(tag) =	ssettag $0x0;
	lr =	simm.s32 $0x1  }
0x2: {  	[smem:$0x3F9B] =	sst lr;
	_ =	strace $0xD0000000  }
0x3: {  	_ = 	snop  }
0x4: {  	_ = 	snop  }
0x5: {  	_ = 	snop  }
0x6: {  	_ = 	snop  }
0x7: {  	_ = 	snop  }
__scs_overlays_trampoline_lowered:
0x8: {  	[smem:$0x3FAA] =	sst s0  }
0x9: {  	[smem:$0x3FAB] =	sst s1  }
0xa: {  	[smem:$0x3FAC] =	sst s2  }
0xb: {  	[smem:$0x3FAD] =	sst s3  }
0xc: {  	[smem:$0x3FAE] =	sst s4  }
0xd: {  	[smem:$0x3FAF] =	sst s5  }
0xe: {  	[smem:$0x3FB0] =	sst s6  }
0xf: {  	[smem:$0x3FB1] =	sst s7  }
0x10: {  	[smem:$0x3FB2] =	sst s8  }
0x11: {  	[smem:$0x3FB3] =	sst s9;
	s0 =	simm.s32 @!p0 $0x0  }
0x12: {  	s1 =	sld [smem:$0x3F99];
	s0 =	simm.s32 @p0 $0x1  }
0x13: {  	[smem:$0x3FB4] =	sst s0;
	s0 =	simm.s32 @!p1 $0x0  }
0x14: {  	s2 =	sld [smem:$0x3F98];
	s0 =	simm.s32 @p1 $0x1  }
0x15: {  	[smem:$0x3FB5] =	sst s0;
	s0 =	simm.s32 @!p2 $0x0  }
0x16: {  	s3 =	sld [smem:$0x3FDB];
	s0 =	simm.s32 @p2 $0x1  }
0x17: {  	s4 =	simm.s32 $0x1BF5;
	[smem:$0x3FB7] =	sst s0  }
0x18: {  	s0 =	sld [smem:$0x3F9A];
	_ =	swait.ge [sflag:s4], $0x0  }
0x19: {  	s7 =	sld [smem:$0x3F9B]  }
0x1a: {  	s8 =	sadd.s32 $0xFFFFE003, lr  }
0x1b: {  	s9 =	sadd.s32 $0xFFFFFEF7, lr;
	s5 =	simm.s32 $0xFFFFFFFF;
	p2 =	slt.u32 s8, $0xFFFFF086  }
0x1c: {  	p1 =	slt.u32 s9, $0xF7A;
	s5 =	simm.s32 @!p2 $0x0  }
0x1d: {  	s5 =	simm.s32 @p1 $0x1;
	p0 =	seq.s32 s7, s2  }
0x1e: {  	s7 =	smul.u32 @!p0 $0xF7A, s2;
	p2 =	seq.s32 @!p0 s5, $0x0  }
0x1f: {  	s9 =	smul.u32 $0xF7A, s1;
	s8 =	simm.s32 @!p0 $0x1BF5;
	p2 =	por !p2, p0  }
0x20: {  	[sflag:s8] =	ssyncset.s32 @!p0 $0xFFFFF086;
	s6 =	sadd.s32 @!p0 s3, s7;
	s7 =	simm.s32 @!p0 $0x108  }
0x21: {  	s3 =	sadd.s32 s3, s9;
	s6 =	sadd.s32 @!p0 $0x88, s6;
	s7 =	simm.s32 @p2 $0x1082  }
0x22: {  	[simem:s7], [sflag:s8] =	dma.local @!p0 [hbm:s6], $0xF7A  }
0x23: {  	s9 =	sor.u32 $0xD0000000, s2;
	s6 =	simm.s32 $0x108;
	_ =	swait.ge @!p0 [sflag:s8], $0x0  }
0x24: {  	s3 =	sadd.s32 $0x88, s3;
	s6 =	simm.s32 @!p1 $0x1082;
	[sflag:s4] =	ssyncset.s32 $0xFFFFF086  }
0x25: {  	[simem:s6], [sflag:s4] =	dma.local [hbm:s3], $0xF7A  }
0x26: {  	[smem:$0x3F9B] =	sst s1;
	(tag) =	ssettag s2;
	_ =	strace s9  }
0x27: {  	s1 =	sld [smem:$0x3FAB]  }
0x28: {  	s2 =	sld [smem:$0x3FAC]  }
0x29: {  	s4 =	sld [smem:$0x3FAE]  }
0x2a: {  	p0 =	seq.s32 s5, $0x0;
	s5 =	sld [smem:$0x3FAF]  }
0x2b: {  	s6 =	sld [smem:$0x3FB0]  }
0x2c: {  	s7 =	sld [smem:$0x3FB1]  }
0x2d: {  	s3 =	simm.s32 $0x108;
	s8 =	sld [smem:$0x3FB2]  }
0x2e: {  	s3 =	simm.s32 @!p0 $0x1082;
	s9 =	sld [smem:$0x3FB3]  }
0x2f: {  	lr =	sadd.s32 s0, s3;
	s0 =	sld [smem:$0x3FAA]  }
0x30: {  	s3 =	sld [smem:$0x3FAD]  }
0x31: {  	[smem:$0x3FB6] =	sst s10  }
0x32: {  	s10 =	sld [smem:$0x3FB4];
	_ =	sdelay $0x3  }
0x33: {  	p0 =	seq.s32 s10, $0x1;
	s10 =	sld [smem:$0x3FB6];
	_ =	sdelay $0x3  }
0x34: {  	[smem:$0x3FB6] =	sst s10  }
0x35: {  	s10 =	sld [smem:$0x3FB5];
	_ =	sdelay $0x3  }
0x36: {  	p1 =	seq.s32 s10, $0x1;
	s10 =	sld [smem:$0x3FB6];
	_ =	sdelay $0x3  }
0x37: {  	[smem:$0x3FB6] =	sst s10  }
0x38: {  	s10 =	sld [smem:$0x3FB7]  }
0x39: {  	_ = 	snop;
	(pc) =	sbr.ind lr, $3  }
0x3a: {  	_ = 	snop  }
0x3b: {  	_ = 	snop  }
0x3c: {  	p2 =	seq.s32 s10, $0x1;
	s10 =	sld [smem:$0x3FB6]  }
0x3d: {  	_ =	shalt  }
0x3e: {  	_ =	shalt  }
0x3f: {  	_ =	shalt  }
0x40: {  	_ =	shalt  }
0x41: {  	_ =	shalt  }
0x42: {  	_ =	shalt  }
0x43: {  	_ =	shalt  }
0x44: {  	_ =	shalt  }
0x45: {  	_ =	shalt  }
0x46: {  	_ =	shalt  }
0x47: {  	_ =	shalt  }
0x48: {  	_ =	shalt  }
0x49: {  	_ =	shalt  }
0x4a: {  	_ =	shalt  }
0x4b: {  	_ =	shalt  }
0x4c: {  	_ =	shalt  }
0x4d: {  	_ =	shalt  }
0x4e: {  	_ =	shalt  }
0x4f: {  	_ =	shalt  }
0x50: {  	_ =	shalt  }
0x51: {  	_ =	shalt  }
0x52: {  	_ =	shalt  }
0x53: {  	_ =	shalt  }
0x54: {  	_ =	shalt  }
0x55: {  	_ =	shalt  }
0x56: {  	_ =	shalt  }
0x57: {  	_ =	shalt  }
0x58: {  	_ =	shalt  }
0x59: {  	_ =	shalt  }
0x5a: {  	_ =	shalt  }
0x5b: {  	_ =	shalt  }
0x5c: {  	_ =	shalt  }
0x5d: {  	_ =	shalt  }
0x5e: {  	_ =	shalt  }
0x5f: {  	_ =	shalt  }
0x60: {  	_ =	shalt  }
0x61: {  	_ =	shalt  }
0x62: {  	_ =	shalt  }
0x63: {  	_ =	shalt  }
0x64: {  	_ =	shalt  }
0x65: {  	_ =	shalt  }
0x66: {  	_ =	shalt  }
0x67: {  	_ =	shalt  }
0x68: {  	_ =	shalt  }
0x69: {  	_ =	shalt  }
0x6a: {  	_ =	shalt  }
0x6b: {  	_ =	shalt  }
0x6c: {  	_ =	shalt  }
0x6d: {  	_ =	shalt  }
0x6e: {  	_ =	shalt  }
0x6f: {  	_ =	shalt  }
0x70: {  	_ =	shalt  }
0x71: {  	_ =	shalt  }
0x72: {  	_ =	shalt  }
0x73: {  	_ =	shalt  }
0x74: {  	_ =	shalt  }
0x75: {  	_ =	shalt  }
0x76: {  	_ =	shalt  }
0x77: {  	_ =	shalt  }
0x78: {  	_ =	shalt  }
0x79: {  	_ =	shalt  }
0x7a: {  	_ =	shalt  }
0x7b: {  	_ =	shalt  }
0x7c: {  	_ =	shalt  }
0x7d: {  	_ =	shalt  }
0x7e: {  	_ =	shalt  }
0x7f: {  	_ =	shalt  }
0x80: {  	_ =	shalt  }
0x81: {  	_ =	shalt  }
0x82: {  	_ =	shalt  }
0x83: {  	_ =	shalt  }
0x84: {  	_ =	shalt  }
0x85: {  	_ =	shalt  }
0x86: {  	_ =	shalt  }
0x87: {  	_ =	shalt  }
.Lfunc_end0:
.L_simem_size_0:
called_computation.2_lowered:
.L_overlay_start_0:
0x88: {  	s2 =	sld [smem:$0x3FD9]  }
0x89: {  	s3 =	sld [smem:$0x3FFE];
	_ =	sdelay $0x1  }
0x8a: {  	s1 =	srdreg.scid  }
0x8b: {  	s0 =	sand.u32 $0x1, s1  }
0x8c: {  	s16 =	sshll.u32 s0, $0xA;
	s2 =	sadd.s32 s3, s2  }
0x8d: {  	s2 =	sadd.s32 s2, s16  }
0x8e: {  	[smem:$0x3FC2] =	sst s2  }
0x8f: {  	_ = 	snop  }
0x90: {  	(tm) =	ssettm $0x1  }
0x91: {  	s17 =	sld [smem:$0x3FFB];
	_ =	sdelay $0x3  }
0x92: {  	_ =	strace s17  }
0x93: {  	s2 =	sld [smem:$0x3FFC];
	_ =	sdelay $0x3  }
0x94: {  	_ =	strace s2  }
0x95: {  	s2 =	sld [smem:$0x3FFD];
	_ =	sdelay $0x3  }
0x96: {  	_ =	strace s2  }
0x97: {  	_ =	strace $0x8FFFFFFF  }
0x98: {  	s18 =	sld [smem:$0x3FDB];
	_ =	sdelay $0x1  }
0x99: {  	s19 =	simm.s32 $_scs_section_size  }
0x9a: {  	s4 =	simm.s32 $_size__tile_overlayer_lowered;
	s5 =	simm.s32 $_tile_overlayer_lowered  }
0x9b: {  	s22 =	simm.s32 $0x1BFF;
	s21 =	sshll.u32 s5, $0x1;
	s2 =	sadd.s32 s19, s18  }
0x9c: {  	s6 =	simm.s32 $0x0;
	s20 =	sshll.u32 s4, $0x1;
	s4 =	sadd.s32 s21, s2  }
0x9d: {  	[timem:s6], [sflag:s22] =	dma.local [hbm:s4], s20  }
0x9e: {  	_ =	swait.ge [sflag:s22], s20  }
0x9f: {  	s3 =	ssub.s32 $0x0, s20;
	[sflag:s22] =	ssyncset.done $0x0  }
0xa0: {  	[sflag:s22] =	ssyncadd.s32 s3;
	_ =	sdelay $0x1  }
0xa1: {  	s23 =	simm.s32 $0x1B8B  }
0xa2: {  	_ =	swait.ge [sflag:s23], $0x1  }
0xa3: {  	[sflag:s23] =	ssyncset.done $0x0  }
0xa4: {  	s25 =	simm.s32 $0x1B8E;
	s24 =	sld [smem:$0x3FFE];
	[sflag:s23] =	ssyncadd.s32 $0xFFFFFFFF  }
0xa5: {  	s26 =	simm.s32 $execute0_lowered;
	[smem:$0x3FD2] =	sst s25  }
0xa6: {  	s4 =	sshll.u32 s26, $0x1;
	_ =	strace $0x8000004C;
	[dreg:$0x1] =	wrdreg $0xFFFFFFFF  }
0xa7: {  	s28 =	simm.s32 $_size_execute0_lowered;
	s2 =	sadd.s32 s2, s4;
	[dreg:$0x0] =	wrdreg $0x0  }
0xa8: {  	s4 =	sshll.u32 s28, $0x1;
	[dreg:$0x2] =	wrdreg s2  }
0xa9: {  	[dreg:$0x3] =	wrdreg s4  }
0xaa: {  	[dreg:$0x4] =	wrdreg $0xC0  }
0xab: {  	_ =	task [dreg:s6], $0x5FFFF  }
0xac: {  	[dreg:$0x1] =	wrdreg $0xFFFFFFFF  }
0xad: {  	[dreg:$0x0] =	wrdreg $0x60  }
0xae: {  	[dreg:$0x2] =	wrdreg s24  }
0xaf: {  	[dreg:$0x3] =	wrdreg $0x11A000  }
0xb0: {  	[dreg:$0x4] =	wrdreg $0xF2000  }
0xb1: {  	[dreg:$0x5] =	wrdreg $0x9  }
0xb2: {  	_ =	task.clear_ibuf [dreg:s6], $0x6FFFF;
	_ =	strace $0x9000004C  }
0xb3: {  	s29 =	simm.s32 $0x9;
	_ =	strace $0x8000004E  }
0xb4: {  	_ =	swait.ge [sflag:s29], $0x1  }
0xb5: {  	[sflag:s29] =	ssyncadd.s32 $0xFFFFFFFF  }
0xb6: {  	_ =	strace $0x9000004E  }
0xb7: {  	_ =	sfence  }
0xb8: {  	s30 =	sld [smem:$0x0];
	_ =	sdelay $0x2  }
0xb9: {  	s31 =	sshll.u32 s1, $0xD;
	s1 =	sshrl.u32 s1, $0x2  }
0xba: {  	s3 =	sand.u32 $0x4000, s31;
	s1 =	sadd.s32 s1, s30  }
0xbb: {  	s0 =	sor.u32 s3, s0;
	s1 =	sshll.u32 s1, $0x11  }
0xbc: {  	s0 =	sor.u32 s1, s0  }
0xbd: {  	s0 =	sadd.s32 $0x8F2B, s0  }
0xbe: {  	[sflag:s0] =	ssyncadd.remote.s32 $0x1  }
0xbf: {  	_ =	sfence.sel $0xFFFF  }
0xc0: {  	[dreg:$0x0] =	wrdreg $0xFFFFFFFF;
	(pc) =	sbr.abs _section_cstart, $3  }
0xc1: {  	[dreg:$0x1] =	wrdreg $0xFFFFFFFF  }
0xc2: {  	_ =	task.clear_ibuf [dreg:s6], $0x2FFFF;
	_ =	strace $0x9FFFFFFF  }
0xc3: {  	(tm) =	ssettm $0x7FFFFFFF  }
tec
execute0_lowered:
.L_overlay_start_1:
0x0: {  	(tag) =	ssettag $0x1  }
0x1: {  	s0 =	rddreg [dreg:$0x0]  }
0x2: {  	s1 =	rddreg [dreg:$0x1]  }
0x3: {  	s2 =	rddreg [dreg:$0x2];
	s3 =	srdreg.scid;
	s5 =	simm.s32 $0x0  }
0x4: {  	s6 =	stileid.u32;
	s28 =	simm.s32 $0x13;
	s30 =	simm.s32 $0x5  }
0x5: {  	s29 =	simm.s32 $0xA;
	s3 =	sand.u32 $0x1, s3;
	s31 =	smul.u32 $0x2800, s6  }
0x6: {  	[smem:$0x7FF] =	sst s5;
	s6 =	smul.u32 $0xA20, s6;
	s7 =	sadd.s32 $0x16600, s0  }
0x7: {  	s5 =	simm.s32 $0x1;
	s4 =	smul.u32 $0x28000, s3;
	s3 =	ssub.s32 $0x2, s3  }
0x8: {  	_ =	strace $0x8000004D;
	s6 =	sadd.s32 s6, s0;
	s9 =	sshrl.u32 s3, $0x1  }
0x9: {  	s13 =	sadd.s32 $0x800, s31;
	s15 =	sadd.s32 $0x1000, s31;
	s16 =	sadd.s32 s31, s1  }
0xa: {  	s18 =	sadd.s32 $0x1800, s31;
	s11 =	sadd.s32 $0x2000, s31;
	s8 =	sadd.s32 s31, s4  }
0xb: {  	s3 =	ssub.s32 s3, s9;
	s10 =	sadd.s32 $0xC400, s6;
	s6 =	sadd.s32 $0x1600, s6  }
0xc: {  	s14 =	sadd.s32 s4, s13;
	[dreg:$0x8] =	wrdreg s16;
	s17 =	sadd.s32 s4, s15  }
0xd: {  	s19 =	sadd.s32 s4, s18;
	s4 =	sadd.s32 s4, s11;
	[dreg:$0x4] =	wrdreg s10  }
0xe: {  	s12 =	sadd.s32 s13, s1;
	s20 =	sadd.s32 s15, s1;
	[dreg:$0x5] =	wrdreg s6  }
0xf: {  	s21 =	sadd.s32 s18, s1;
	s22 =	sadd.s32 s11, s1;
	[dreg:$0xa] =	wrdreg s12  }
0x10: {  	s23 =	sadd.s32 s13, s2;
	s24 =	sadd.s32 s15, s2;
	[dreg:$0xc] =	wrdreg s20  }
0x11: {  	s25 =	sadd.s32 s18, s2;
	s26 =	sadd.s32 s11, s2;
	[dreg:$0xe] =	wrdreg s21  }
0x12: {  	s9 =	simm.s32 $0xE;
	s15 =	simm.s32 $0x7;
	[dreg:$0xf] =	wrdreg s22  }
0x13: {  	s16 =	simm.s32 $0x8;
	s18 =	simm.s32 $0x9;
	[dreg:$0x11] =	wrdreg s23  }
0x14: {  	s8 =	sshrl.u32 s8, $0x3;
	s6 =	sshrl.u32 s14, $0x3;
	[dreg:$0x12] =	wrdreg s24  }
0x15: {  	s4 =	sshrl.u32 s4, $0x3;
	s12 =	sadd.s32 s31, s2;
	[dreg:$0x13] =	wrdreg s25  }
0x16: {  	[dreg:$0x14] =	wrdreg s26;
	s31 =	smax.u32 s3, $0x1;
	s20 =	simm.s32 $0xC  }
0x17: {  	s21 =	simm.s32 $0xD;
	s23 =	simm.s32 $0x11;
	[dreg:$0x16] =	wrdreg s31  }
0x18: {  	s0 =	sadd.s32 s8, s0;
	s8 =	sadd.s32 s7, s8;
	[dreg:$0x10] =	wrdreg s12  }
0x19: {  	s14 =	simm.s32 $0x6;
	s6 =	sadd.s32 s7, s6;
	[dreg:$0x6] =	wrdreg s8  }
0x1a: {  	s4 =	sadd.s32 s7, s4;
	[dreg:$0x7] =	wrdreg s6;
	s6 =	sshrl.u32 s17, $0x3  }
0x1b: {  	[dreg:$0xd] =	wrdreg s4;
	s0 =	sadd.s32 $0x20600, s0;
	s17 =	simm.s32 $0xF  }
0x1c: {  	s4 =	simm.s32 $0x10;
	s6 =	sadd.s32 s7, s6;
	[dreg:$0x15] =	wrdreg s0  }
0x1d: {  	s8 =	simm.s32 $0x12;
	[dreg:$0x9] =	wrdreg s6;
	s6 =	sshrl.u32 s19, $0x3  }
0x1e: {  	s0 =	simm.s32 $0x80;
	s19 =	simm.s32 $0xB;
	s6 =	sadd.s32 s7, s6  }
0x1f: {  	v0 =	vimm.f32 $0.0e+00;
	s7 =	simm.s32 $0x0;
	[dreg:$0xb] =	wrdreg s6;
	s6 =	simm.s32 $0x2  }
.LBB2_1:
0x20: {  	[dreg:$0x17] =	wrdreg s7  }
0x21: {  	s10 =	simm.s32 $0x0;
	s26 =	rddreg [dreg:$0x4]  }
0x22: {  	[tilespmem:s10], [sflag:$0x13] =	stream.linear.gather [hbm4b:s26+s10], $0x5100, $0x38;
	[tilespmem:$0x14200] =	vst v63  }
0x23: {  	_ =	swait.ge [sflag:s28], $0x5100  }
0x24: {  	[sflag:s28] =	ssyncset.done $0x0  }
0x25: {  	s24 =	simm.s32 $0x5100;
	s22 =	rddreg [dreg:$0x5];
	[sflag:s28] =	ssyncadd.s32 $0xFFFFAF00  }
0x26: {  	[tilespmem:s24], [sflag:$0x13] =	stream.linear.gather [hbm4b:s22+s10], $0x5100, $0x38;
	[tilespmem:$0x14200] =	vst v63  }
0x27: {  	_ =	swait.ge [sflag:s28], $0x5100  }
0x28: {  	[sflag:s28] =	ssyncset.done $0x0  }
0x29: {  	s7 =	simm.s32 $0xA200;
	s24 =	rddreg [dreg:$0x6];
	[sflag:s28] =	ssyncadd.s32 $0xFFFFAF00  }
0x2a: {  	[tilespmem:s7], [sflag:$0x1] =	stream.linear.gather [hbm4b:s24+s10], $0x800, $0x38;
	[tilespmem:$0x14200] =	vst v63  }
0x2b: {  	s3 =	simm.s32 $0xAA00;
	s25 =	rddreg [dreg:$0x7]  }
0x2c: {  	[tilespmem:s3], [sflag:$0x2] =	stream.linear.gather [hbm4b:s25+s10], $0x800, $0x38;
	[tilespmem:$0x14200] =	vst v63  }
0x2d: {  	_ =	swait.ge [sflag:s5], $0x800  }
0x2e: {  	[sflag:s5] =	ssyncset.done $0x0  }
0x2f: {  	s31 =	rddreg [dreg:$0x8];
	[sflag:s5] =	ssyncadd.s32 $0xFFFFF800  }
0x30: {  	[spmem:s31] =	stream.linear.scatter [tilespmem:s7], [sflag:$0x13], $0x800, $0x38;
	[tilespmem:$0x14200] =	vst v63  }
0x31: {  	_ =	swait.ge [sflag:s28], $0x800  }
0x32: {  	[sflag:s28] =	ssyncset.done $0x0  }
0x33: {  	s11 =	rddreg [dreg:$0x9];
	[sflag:s28] =	ssyncadd.s32 $0xFFFFF800  }
0x34: {  	[tilespmem:s7], [sflag:$0x1] =	stream.linear.gather [hbm4b:s11+s10], $0x800, $0x38;
	[tilespmem:$0x14200] =	vst v63  }
0x35: {  	_ =	swait.ge [sflag:s6], $0x800  }
0x36: {  	[sflag:s6] =	ssyncset.done $0x0  }
0x37: {  	s13 =	rddreg [dreg:$0xa];
	[sflag:s6] =	ssyncadd.s32 $0xFFFFF800  }
0x38: {  	[spmem:s13] =	stream.linear.scatter [tilespmem:s3], [sflag:$0x13], $0x800, $0x38;
	[tilespmem:$0x14200] =	vst v63  }
0x39: {  	_ =	swait.ge [sflag:s28], $0x800  }
0x3a: {  	[sflag:s28] =	ssyncset.done $0x0  }
0x3b: {  	s22 =	rddreg [dreg:$0xb];
	[sflag:s28] =	ssyncadd.s32 $0xFFFFF800  }
0x3c: {  	[tilespmem:s3], [sflag:$0x2] =	stream.linear.gather [hbm4b:s22+s10], $0x800, $0x38;
	[tilespmem:$0x14200] =	vst v63  }
0x3d: {  	_ =	swait.ge [sflag:s5], $0x800  }
0x3e: {  	[sflag:s5] =	ssyncset.done $0x0  }
0x3f: {  	s24 =	rddreg [dreg:$0xc];
	[sflag:s5] =	ssyncadd.s32 $0xFFFFF800  }
0x40: {  	[spmem:s24] =	stream.linear.scatter [tilespmem:s7], [sflag:$0x13], $0x800, $0x38;
	[tilespmem:$0x14200] =	vst v63  }
0x41: {  	_ =	swait.ge [sflag:s28], $0x800  }
0x42: {  	[sflag:s28] =	ssyncset.done $0x0  }
0x43: {  	s25 =	rddreg [dreg:$0xd];
	[sflag:s28] =	ssyncadd.s32 $0xFFFFF800  }
0x44: {  	[tilespmem:s7], [sflag:$0x1] =	stream.linear.gather [hbm4b:s25+s10], $0x800, $0x38;
	[tilespmem:$0x14200] =	vst v63  }
0x45: {  	_ =	swait.ge [sflag:s6], $0x800  }
0x46: {  	[sflag:s6] =	ssyncset.done $0x0  }
0x47: {  	s26 =	rddreg [dreg:$0xe];
	[sflag:s6] =	ssyncadd.s32 $0xFFFFF800  }
0x48: {  	[spmem:s26] =	stream.linear.scatter [tilespmem:s3], [sflag:$0x13], $0x800, $0x38;
	[tilespmem:$0x14200] =	vst v63  }
0x49: {  	_ =	swait.ge [sflag:s28], $0x800  }
0x4a: {  	[sflag:s28] =	ssyncset.done $0x0  }
0x4b: {  	[sflag:s28] =	ssyncadd.s32 $0xFFFFF800  }
0x4c: {  	_ =	swait.ge [sflag:s5], $0x800  }
0x4d: {  	[sflag:s5] =	ssyncset.done $0x0  }
0x4e: {  	s31 =	rddreg [dreg:$0xf];
	[sflag:s5] =	ssyncadd.s32 $0xFFFFF800  }
0x4f: {  	[spmem:s31] =	stream.linear.scatter [tilespmem:s7], [sflag:$0x13], $0x800, $0x38;
	[tilespmem:$0x14200] =	vst v63  }
0x50: {  	_ =	swait.ge [sflag:s28], $0x800  }
0x51: {  	[sflag:s28] =	ssyncset.done $0x0  }
0x52: {  	s24 =	simm.s32 $0x40;
	s26 =	simm.s32 $0x0;
	[sflag:s28] =	ssyncadd.s32 $0xFFFFF800  }
.LBB2_2:
0x53: {  	p0 =	sne.s32 s24, $0x1FC0;
	[tilespmem:s26+$0xEA00] =	vst v0;
	s26 =	smov.u32 s24;
	s24 =	sadd.s32 $0x40, s24  }
.Ltmp0:
0x54: {  	(pc) =	sbr.rel @p0 .LBB2_2-.Ltmp0, $2  }
0x55: {  	_ =	sdelay $0x2  }
0x56: {  	s26 =	sshra.s32 s26, $0x2  }
0x57: {  	[tilespmem:s26+$0xEA00] =	vst v0;
	s3 =	simm.s32 $0xEA00  }
0x58: {  	[spmem:s12] =	stream.linear.scatter [tilespmem:s3], [sflag:$0x13], $0x800, $0x38;
	[tilespmem:$0x14200] =	vst v63  }
0x59: {  	_ =	swait.ge [sflag:s28], $0x800  }
0x5a: {  	[sflag:s28] =	ssyncset.done $0x0  }
0x5b: {  	s24 =	rddreg [dreg:$0x11];
	[sflag:s28] =	ssyncadd.s32 $0xFFFFF800  }
0x5c: {  	[spmem:s24] =	stream.linear.scatter [tilespmem:s3], [sflag:$0x13], $0x800, $0x38;
	[tilespmem:$0x14200] =	vst v63  }
0x5d: {  	_ =	swait.ge [sflag:s28], $0x800  }
0x5e: {  	[sflag:s28] =	ssyncset.done $0x0  }
0x5f: {  	s10 =	rddreg [dreg:$0x12];
	[sflag:s28] =	ssyncadd.s32 $0xFFFFF800  }
0x60: {  	[spmem:s10] =	stream.linear.scatter [tilespmem:s3], [sflag:$0x13], $0x800, $0x38;
	[tilespmem:$0x14200] =	vst v63  }
0x61: {  	_ =	swait.ge [sflag:s28], $0x800  }
0x62: {  	[sflag:s28] =	ssyncset.done $0x0  }
0x63: {  	s11 =	rddreg [dreg:$0x13];
	[sflag:s28] =	ssyncadd.s32 $0xFFFFF800  }
0x64: {  	[spmem:s11] =	stream.linear.scatter [tilespmem:s3], [sflag:$0x13], $0x800, $0x38;
	[tilespmem:$0x14200] =	vst v63  }
0x65: {  	_ =	swait.ge [sflag:s28], $0x800  }
0x66: {  	[sflag:s28] =	ssyncset.done $0x0  }
0x67: {  	s12 =	rddreg [dreg:$0x14];
	[sflag:s28] =	ssyncadd.s32 $0xFFFFF800  }
0x68: {  	[spmem:s12] =	stream.linear.scatter [tilespmem:s3], [sflag:$0x13], $0x800, $0x38;
	[tilespmem:$0x14200] =	vst v63  }
0x69: {  	_ =	swait.ge [sflag:s28], $0x800  }
0x6a: {  	[sflag:s28] =	ssyncset.done $0x0  }
0x6b: {  	[sflag:s28] =	ssyncadd.s32 $0xFFFFF800  }
0x6c: {  	s13 =	simm.s32 $0x0;
	s5 =	simm.s32 $0xA200;
	[bflag:$0x0] =	sbarrier.arrive $0xFFFF  }
0x6d: {  	[tilespmem:s5], [sflag:$0x1] =	stream.indirect.gather [spmem:s1], $0x10, s13, s0, $0xb8;
	[tilespmem:$0x14200] =	vst v63  }
0x6e: {  	s11 =	simm.s32 $0xAA00  }
0x6f: {  	[tilespmem:s11], [sflag:$0x2] =	stream.indirect.gather [spmem:s1], $0x10, s0, s0, $0xb8;
	[tilespmem:$0x14200] =	vst v63  }
0x70: {  	s22 =	simm.s32 $0x100;
	s3 =	simm.s32 $0xB200  }
0x71: {  	[tilespmem:s3], [sflag:$0x3] =	stream.indirect.gather [spmem:s1], $0x10, s22, s0, $0xb8;
	[tilespmem:$0x14200] =	vst v63  }
0x72: {  	s25 =	simm.s32 $0x180;
	s6 =	simm.s32 $0xBA00  }
0x73: {  	[tilespmem:s6], [sflag:$0x4] =	stream.indirect.gather [spmem:s1], $0x10, s25, s0, $0xb8;
	[tilespmem:$0x14200] =	vst v63  }
0x74: {  	s26 =	simm.s32 $0x200;
	s7 =	simm.s32 $0xC200  }
0x75: {  	[tilespmem:s7], [sflag:$0x5] =	stream.indirect.gather [spmem:s1], $0x10, s26, s0, $0xb8;
	[tilespmem:$0x14200] =	vst v63  }
0x76: {  	s31 =	simm.s32 $0xCA00;
	s10 =	simm.s32 $0x280  }
0x77: {  	[tilespmem:s31], [sflag:$0x6] =	stream.indirect.gather [spmem:s1], $0x10, s10, s0, $0xb8;
	[tilespmem:$0x14200] =	vst v63  }
0x78: {  	s12 =	simm.s32 $0x300;
	s22 =	simm.s32 $0xD200  }
0x79: {  	[tilespmem:s22], [sflag:$0x7] =	stream.indirect.gather [spmem:s1], $0x10, s12, s0, $0xb8;
	[tilespmem:$0x14200] =	vst v63  }
0x7a: {  	s13 =	simm.s32 $0x380;
	s26 =	simm.s32 $0xDA00  }
0x7b: {  	[tilespmem:s26], [sflag:$0x8] =	stream.indirect.gather [spmem:s1], $0x10, s13, s0, $0xb8;
	[tilespmem:$0x14200] =	vst v63  }
0x7c: {  	s28 =	simm.s32 $0x1;
	s25 =	simm.s32 $0x400;
	s13 =	simm.s32 $0xE200  }
0x7d: {  	[tilespmem:s13], [sflag:$0x9] =	stream.indirect.gather [spmem:s1], $0x10, s25, s0, $0xb8;
	[tilespmem:$0x14200] =	vst v63  }
0x7e: {  	_ =	swait.ge [sflag:s28], $0x800  }
0x7f: {  	[sflag:s28] =	ssyncset.done $0x0  }
0x80: {  	s10 =	simm.s32 $0x5100;
	[sflag:s28] =	ssyncadd.s32 $0xFFFFF800  }
0x81: {  	[spmem:s2] =	stream.indirect.scatter.add.f32 [tilespmem:s5], [sflag:$0xA], $0x10, s10, s0, $0xb8;
	[tilespmem:$0x14200] =	vst v63  }
0x82: {  	s10 =	simm.s32 $0x2  }
0x83: {  	_ =	swait.ge [sflag:s10], $0x800  }
0x84: {  	[sflag:s10] =	ssyncset.done $0x0  }
0x85: {  	s12 =	simm.s32 $0x5180;
	s25 =	simm.s32 $0x3;
	[sflag:s10] =	ssyncadd.s32 $0xFFFFF800  }
0x86: {  	[spmem:s2] =	stream.indirect.scatter.add.f32 [tilespmem:s11], [sflag:$0xB], $0x10, s12, s0, $0xb8;
	[tilespmem:$0x14200] =	vst v63  }
0x87: {  	_ =	swait.ge [sflag:s25], $0x800  }
0x88: {  	[sflag:s25] =	ssyncset.done $0x0  }
0x89: {  	s24 =	simm.s32 $0x4;
	s12 =	simm.s32 $0x5200;
	[sflag:s25] =	ssyncadd.s32 $0xFFFFF800  }
0x8a: {  	[spmem:s2] =	stream.indirect.scatter.add.f32 [tilespmem:s3], [sflag:$0xC], $0x10, s12, s0, $0xb8;
	[tilespmem:$0x14200] =	vst v63  }
0x8b: {  	_ =	swait.ge [sflag:s24], $0x800  }
0x8c: {  	[sflag:s24] =	ssyncset.done $0x0  }
0x8d: {  	s25 =	simm.s32 $0x5280;
	[sflag:s24] =	ssyncadd.s32 $0xFFFFF800  }
0x8e: {  	[spmem:s2] =	stream.indirect.scatter.add.f32 [tilespmem:s6], [sflag:$0xD], $0x10, s25, s0, $0xb8;
	[tilespmem:$0x14200] =	vst v63  }
0x8f: {  	_ =	swait.ge [sflag:s30], $0x800  }
0x90: {  	[sflag:s30] =	ssyncset.done $0x0  }
0x91: {  	s12 =	simm.s32 $0x5300;
	[sflag:s30] =	ssyncadd.s32 $0xFFFFF800  }
0x92: {  	[spmem:s2] =	stream.indirect.scatter.add.f32 [tilespmem:s7], [sflag:$0xE], $0x10, s12, s0, $0xb8;
	[tilespmem:$0x14200] =	vst v63  }
0x93: {  	_ =	swait.ge [sflag:s14], $0x800  }
0x94: {  	[sflag:s14] =	ssyncset.done $0x0  }
0x95: {  	s25 =	simm.s32 $0x5380;
	[sflag:s14] =	ssyncadd.s32 $0xFFFFF800  }
0x96: {  	[spmem:s2] =	stream.indirect.scatter.add.f32 [tilespmem:s31], [sflag:$0xF], $0x10, s25, s0, $0xb8;
	[tilespmem:$0x14200] =	vst v63  }
0x97: {  	_ =	swait.ge [sflag:s15], $0x800  }
0x98: {  	[sflag:s15] =	ssyncset.done $0x0  }
0x99: {  	s12 =	simm.s32 $0x5400;
	[sflag:s15] =	ssyncadd.s32 $0xFFFFF800  }
0x9a: {  	[spmem:s2] =	stream.indirect.scatter.add.f32 [tilespmem:s22], [sflag:$0x10], $0x10, s12, s0, $0xb8;
	[tilespmem:$0x14200] =	vst v63  }
0x9b: {  	_ =	swait.ge [sflag:s16], $0x800  }
0x9c: {  	[sflag:s16] =	ssyncset.done $0x0  }
0x9d: {  	s25 =	simm.s32 $0x5480;
	[sflag:s16] =	ssyncadd.s32 $0xFFFFF800  }
0x9e: {  	[spmem:s2] =	stream.indirect.scatter.add.f32 [tilespmem:s26], [sflag:$0x11], $0x10, s25, s0, $0xb8;
	[tilespmem:$0x14200] =	vst v63  }
0x9f: {  	_ =	swait.ge [sflag:s18], $0x800  }
0xa0: {  	[sflag:s18] =	ssyncset.done $0x0  }
0xa1: {  	s12 =	simm.s32 $0x5500;
	[sflag:s18] =	ssyncadd.s32 $0xFFFFF800  }
0xa2: {  	[spmem:s2] =	stream.indirect.scatter.add.f32 [tilespmem:s13], [sflag:$0x12], $0x10, s12, s0, $0xb8;
	[tilespmem:$0x14200] =	vst v63  }
0xa3: {  	_ =	swait.ge [sflag:s29], $0x800  }
0xa4: {  	[sflag:s29] =	ssyncset.done $0x0  }
0xa5: {  	s25 =	simm.s32 $0x480;
	[sflag:s29] =	ssyncadd.s32 $0xFFFFF800  }
0xa6: {  	[tilespmem:s5], [sflag:$0x1] =	stream.indirect.gather [spmem:s1], $0x10, s25, s0, $0xb8;
	[tilespmem:$0x14200] =	vst v63  }
0xa7: {  	_ =	swait.ge [sflag:s19], $0x800  }
0xa8: {  	[sflag:s19] =	ssyncset.done $0x0  }
0xa9: {  	s5 =	simm.s32 $0x500;
	[sflag:s19] =	ssyncadd.s32 $0xFFFFF800  }
0xaa: {  	[tilespmem:s11], [sflag:$0x2] =	stream.indirect.gather [spmem:s1], $0x10, s5, s0, $0xb8;
	[tilespmem:$0x14200] =	vst v63  }
0xab: {  	_ =	swait.ge [sflag:s20], $0x800  }
0xac: {  	[sflag:s20] =	ssyncset.done $0x0  }
0xad: {  	s12 =	simm.s32 $0x580;
	[sflag:s20] =	ssyncadd.s32 $0xFFFFF800  }
0xae: {  	[tilespmem:s3], [sflag:$0x3] =	stream.indirect.gather [spmem:s1], $0x10, s12, s0, $0xb8;
	[tilespmem:$0x14200] =	vst v63  }
0xaf: {  	_ =	swait.ge [sflag:s21], $0x800  }
0xb0: {  	[sflag:s21] =	ssyncset.done $0x0  }
0xb1: {  	s13 =	simm.s32 $0x600;
	[sflag:s21] =	ssyncadd.s32 $0xFFFFF800  }
0xb2: {  	[tilespmem:s6], [sflag:$0x4] =	stream.indirect.gather [spmem:s1], $0x10, s13, s0, $0xb8;
	[tilespmem:$0x14200] =	vst v63  }
0xb3: {  	_ =	swait.ge [sflag:s9], $0x800  }
0xb4: {  	[sflag:s9] =	ssyncset.done $0x0  }
0xb5: {  	s19 =	simm.s32 $0x680;
	[sflag:s9] =	ssyncadd.s32 $0xFFFFF800  }
0xb6: {  	[tilespmem:s7], [sflag:$0x5] =	stream.indirect.gather [spmem:s1], $0x10, s19, s0, $0xb8;
	[tilespmem:$0x14200] =	vst v63  }
0xb7: {  	_ =	swait.ge [sflag:s17], $0x800  }
0xb8: {  	[sflag:s17] =	ssyncset.done $0x0  }
0xb9: {  	s20 =	simm.s32 $0x700;
	[sflag:s17] =	ssyncadd.s32 $0xFFFFF800  }
0xba: {  	[tilespmem:s31], [sflag:$0x6] =	stream.indirect.gather [spmem:s1], $0x10, s20, s0, $0xb8;
	[tilespmem:$0x14200] =	vst v63  }
0xbb: {  	_ =	swait.ge [sflag:s4], $0x800  }
0xbc: {  	[sflag:s4] =	ssyncset.done $0x0  }
0xbd: {  	s21 =	simm.s32 $0x780;
	[sflag:s4] =	ssyncadd.s32 $0xFFFFF800  }
0xbe: {  	[tilespmem:s22], [sflag:$0x7] =	stream.indirect.gather [spmem:s1], $0x10, s21, s0, $0xb8;
	[tilespmem:$0x14200] =	vst v63  }
0xbf: {  	_ =	swait.ge [sflag:s23], $0x800  }
0xc0: {  	s24 =	simm.s32 $0x1200;
	s25 =	simm.s32 $0x800;
	[sflag:s23] =	ssyncset.done $0x0  }
0xc1: {  	s9 =	simm.s32 $0xE;
	s20 =	simm.s32 $0xB;
	[sflag:s23] =	ssyncadd.s32 $0xFFFFF800  }
0xc2: {  	[tilespmem:s26], [sflag:$0x8] =	stream.indirect.gather [spmem:s1], $0x10, s25, s0, $0xb8;
	[tilespmem:$0x14200] =	vst v63  }
0xc3: {  	s31 =	simm.s32 $0xF;
	s4 =	simm.s32 $0x10;
	_ =	swait.ge [sflag:s8], $0x800  }
0xc4: {  	s22 =	simm.s32 $0xD;
	s21 =	simm.s32 $0xC;
	[sflag:s8] =	ssyncset.done $0x0  }
0xc5: {  	s26 =	simm.s32 $0x880;
	[sflag:s8] =	ssyncadd.s32 $0xFFFFF800;
	s8 =	simm.s32 $0x12  }
.LBB2_4:
0xc6: {  	s13 =	simm.s32 $0xE200  }
0xc7: {  	[tilespmem:s13], [sflag:$0x9] =	stream.indirect.gather [spmem:s1], $0x10, s26, s0, $0xb8;
	[tilespmem:$0x14200] =	vst v63  }
0xc8: {  	s26 =	smov.u32 s24  }
0xc9: {  	p0 =	sne.s32 s24, $0x12000;
	s24 =	sadd.s32 $0x1200, s24;
	_ =	swait.ge [sflag:s28], $0x800  }
0xca: {  	s26 =	sshra.s32 s26, $0x2;
	[sflag:s28] =	ssyncset.done $0x0  }
0xcb: {  	s25 =	simm.s32 $0xA200;
	[sflag:s28] =	ssyncadd.s32 $0xFFFFF800;
	s28 =	sadd.s32 $0x5100, s26  }
0xcc: {  	[spmem:s2] =	stream.indirect.scatter.add.f32 [tilespmem:s25], [sflag:$0xA], $0x10, s28, s0, $0xb8;
	[tilespmem:$0x14200] =	vst v63  }
0xcd: {  	_ =	swait.ge [sflag:s10], $0x800  }
0xce: {  	s11 =	simm.s32 $0xAA00;
	[sflag:s10] =	ssyncset.done $0x0  }
0xcf: {  	s3 =	simm.s32 $0x3;
	s28 =	sadd.s32 $0x5180, s26;
	[sflag:s10] =	ssyncadd.s32 $0xFFFFF800  }
0xd0: {  	[spmem:s2] =	stream.indirect.scatter.add.f32 [tilespmem:s11], [sflag:$0xB], $0x10, s28, s0, $0xb8;
	[tilespmem:$0x14200] =	vst v63  }
0xd1: {  	_ =	swait.ge [sflag:s3], $0x800  }
0xd2: {  	s5 =	simm.s32 $0x4;
	[sflag:s3] =	ssyncset.done $0x0  }
0xd3: {  	s28 =	sadd.s32 $0x5200, s26;
	[sflag:s3] =	ssyncadd.s32 $0xFFFFF800;
	s3 =	simm.s32 $0xB200  }
0xd4: {  	[spmem:s2] =	stream.indirect.scatter.add.f32 [tilespmem:s3], [sflag:$0xC], $0x10, s28, s0, $0xb8;
	[tilespmem:$0x14200] =	vst v63  }
0xd5: {  	_ =	swait.ge [sflag:s5], $0x800  }
0xd6: {  	[sflag:s5] =	ssyncset.done $0x0  }
0xd7: {  	s6 =	simm.s32 $0xBA00;
	s28 =	sadd.s32 $0x5280, s26;
	[sflag:s5] =	ssyncadd.s32 $0xFFFFF800  }
0xd8: {  	[spmem:s2] =	stream.indirect.scatter.add.f32 [tilespmem:s6], [sflag:$0xD], $0x10, s28, s0, $0xb8;
	[tilespmem:$0x14200] =	vst v63  }
0xd9: {  	_ =	swait.ge [sflag:s30], $0x800  }
0xda: {  	[sflag:s30] =	ssyncset.done $0x0  }
0xdb: {  	s7 =	simm.s32 $0xC200;
	s28 =	sadd.s32 $0x5300, s26;
	[sflag:s30] =	ssyncadd.s32 $0xFFFFF800  }
0xdc: {  	[spmem:s2] =	stream.indirect.scatter.add.f32 [tilespmem:s7], [sflag:$0xE], $0x10, s28, s0, $0xb8;
	[tilespmem:$0x14200] =	vst v63  }
0xdd: {  	_ =	swait.ge [sflag:s14], $0x800  }
0xde: {  	[sflag:s14] =	ssyncset.done $0x0  }
0xdf: {  	s17 =	simm.s32 $0xCA00;
	s28 =	sadd.s32 $0x5380, s26;
	[sflag:s14] =	ssyncadd.s32 $0xFFFFF800  }
0xe0: {  	[spmem:s2] =	stream.indirect.scatter.add.f32 [tilespmem:s17], [sflag:$0xF], $0x10, s28, s0, $0xb8;
	[tilespmem:$0x14200] =	vst v63  }
0xe1: {  	_ =	swait.ge [sflag:s15], $0x800  }
0xe2: {  	[sflag:s15] =	ssyncset.done $0x0  }
0xe3: {  	s23 =	simm.s32 $0xD200;
	s28 =	sadd.s32 $0x5400, s26;
	[sflag:s15] =	ssyncadd.s32 $0xFFFFF800  }
0xe4: {  	[spmem:s2] =	stream.indirect.scatter.add.f32 [tilespmem:s23], [sflag:$0x10], $0x10, s28, s0, $0xb8;
	[tilespmem:$0x14200] =	vst v63  }
0xe5: {  	_ =	swait.ge [sflag:s16], $0x800  }
0xe6: {  	[sflag:s16] =	ssyncset.done $0x0  }
0xe7: {  	s19 =	simm.s32 $0xDA00;
	s28 =	sadd.s32 $0x5480, s26;
	[sflag:s16] =	ssyncadd.s32 $0xFFFFF800  }
0xe8: {  	[spmem:s2] =	stream.indirect.scatter.add.f32 [tilespmem:s19], [sflag:$0x11], $0x10, s28, s0, $0xb8;
	[tilespmem:$0x14200] =	vst v63  }
0xe9: {  	_ =	swait.ge [sflag:s18], $0x800  }
0xea: {  	[sflag:s18] =	ssyncset.done $0x0  }
0xeb: {  	s28 =	sadd.s32 $0x5500, s26;
	[sflag:s18] =	ssyncadd.s32 $0xFFFFF800  }
0xec: {  	[spmem:s2] =	stream.indirect.scatter.add.f32 [tilespmem:s13], [sflag:$0x12], $0x10, s28, s0, $0xb8;
	[tilespmem:$0x14200] =	vst v63  }
0xed: {  	_ =	swait.ge [sflag:s29], $0x800  }
0xee: {  	[sflag:s29] =	ssyncset.done $0x0  }
0xef: {  	s5 =	simm.s32 $0xA200;
	s28 =	sadd.s32 $0x480, s26;
	[sflag:s29] =	ssyncadd.s32 $0xFFFFF800  }
0xf0: {  	[tilespmem:s25], [sflag:$0x1] =	stream.indirect.gather [spmem:s1], $0x10, s28, s0, $0xb8;
	[tilespmem:$0x14200] =	vst v63  }
0xf1: {  	_ =	swait.ge [sflag:s20], $0x800  }
0xf2: {  	[sflag:s20] =	ssyncset.done $0x0  }
0xf3: {  	s12 =	simm.s32 $0xAA00;
	s28 =	sadd.s32 $0x500, s26;
	[sflag:s20] =	ssyncadd.s32 $0xFFFFF800  }
0xf4: {  	[tilespmem:s11], [sflag:$0x2] =	stream.indirect.gather [spmem:s1], $0x10, s28, s0, $0xb8;
	[tilespmem:$0x14200] =	vst v63  }
0xf5: {  	_ =	swait.ge [sflag:s21], $0x800  }
0xf6: {  	[sflag:s21] =	ssyncset.done $0x0  }
0xf7: {  	s28 =	sadd.s32 $0x580, s26;
	s11 =	simm.s32 $0xB200;
	[sflag:s21] =	ssyncadd.s32 $0xFFFFF800  }
0xf8: {  	[tilespmem:s3], [sflag:$0x3] =	stream.indirect.gather [spmem:s1], $0x10, s28, s0, $0xb8;
	[tilespmem:$0x14200] =	vst v63  }
0xf9: {  	_ =	swait.ge [sflag:s22], $0x800  }
0xfa: {  	[sflag:s22] =	ssyncset.done $0x0  }
0xfb: {  	s25 =	simm.s32 $0xBA00;
	s28 =	sadd.s32 $0x600, s26;
	[sflag:s22] =	ssyncadd.s32 $0xFFFFF800  }
0xfc: {  	[tilespmem:s6], [sflag:$0x4] =	stream.indirect.gather [spmem:s1], $0x10, s28, s0, $0xb8;
	[tilespmem:$0x14200] =	vst v63  }
0xfd: {  	_ =	swait.ge [sflag:s9], $0x800  }
0xfe: {  	[sflag:s9] =	ssyncset.done $0x0  }
0xff: {  	s28 =	sadd.s32 $0x680, s26;
	s6 =	simm.s32 $0xC200;
	[sflag:s9] =	ssyncadd.s32 $0xFFFFF800  }
0x100: {  	[tilespmem:s7], [sflag:$0x5] =	stream.indirect.gather [spmem:s1], $0x10, s28, s0, $0xb8;
	[tilespmem:$0x14200] =	vst v63  }
0x101: {  	_ =	swait.ge [sflag:s31], $0x800  }
0x102: {  	[sflag:s31] =	ssyncset.done $0x0  }
0x103: {  	s28 =	sadd.s32 $0x700, s26;
	s7 =	simm.s32 $0xCA00;
	[sflag:s31] =	ssyncadd.s32 $0xFFFFF800  }
0x104: {  	[tilespmem:s17], [sflag:$0x6] =	stream.indirect.gather [spmem:s1], $0x10, s28, s0, $0xb8;
	[tilespmem:$0x14200] =	vst v63  }
0x105: {  	_ =	swait.ge [sflag:s4], $0x800  }
0x106: {  	[sflag:s4] =	ssyncset.done $0x0  }
0x107: {  	s28 =	sadd.s32 $0x780, s26;
	[sflag:s4] =	ssyncadd.s32 $0xFFFFF800  }
0x108: {  	[tilespmem:s23], [sflag:$0x7] =	stream.indirect.gather [spmem:s1], $0x10, s28, s0, $0xb8;
	[tilespmem:$0x14200] =	vst v63  }
0x109: {  	s17 =	simm.s32 $0xD200;
	s23 =	simm.s32 $0x11  }
0x10a: {  	_ =	swait.ge [sflag:s23], $0x800  }
0x10b: {  	[sflag:s23] =	ssyncset.done $0x0  }
0x10c: {  	s28 =	sadd.s32 $0x800, s26;
	[sflag:s23] =	ssyncadd.s32 $0xFFFFF800  }
0x10d: {  	[tilespmem:s19], [sflag:$0x8] =	stream.indirect.gather [spmem:s1], $0x10, s28, s0, $0xb8;
	[tilespmem:$0x14200] =	vst v63  }
.Ltmp1:
0x10e: {  	_ = 	snop;
	(pc) =	sbr.rel @p0 .LBB2_4-.Ltmp1, $4  }
0x10f: {  	s13 =	simm.s32 $0xDA00;
	s28 =	simm.s32 $0x1  }
0x110: {  	_ =	swait.ge [sflag:s8], $0x800  }
0x111: {  	[sflag:s8] =	ssyncset.done $0x0  }
0x112: {  	s26 =	sadd.s32 $0x880, s26;
	[sflag:s8] =	ssyncadd.s32 $0xFFFFF800  }
0x113: {  	s19 =	simm.s32 $0xE200  }
0x114: {  	[tilespmem:s19], [sflag:$0x9] =	stream.indirect.gather [spmem:s1], $0x10, s26, s0, $0xb8;
	[tilespmem:$0x14200] =	vst v63  }
0x115: {  	_ =	swait.ge [sflag:s28], $0x800  }
0x116: {  	[sflag:s28] =	ssyncset.done $0x0  }
0x117: {  	s24 =	simm.s32 $0x9D80;
	[sflag:s28] =	ssyncadd.s32 $0xFFFFF800  }
0x118: {  	[spmem:s2] =	stream.indirect.scatter.add.f32 [tilespmem:s5], [sflag:$0xA], $0x10, s24, s0, $0xb8;
	[tilespmem:$0x14200] =	vst v63  }
0x119: {  	_ =	swait.ge [sflag:s10], $0x800  }
0x11a: {  	[sflag:s10] =	ssyncset.done $0x0  }
0x11b: {  	s3 =	simm.s32 $0x3;
	s5 =	simm.s32 $0x9E00;
	[sflag:s10] =	ssyncadd.s32 $0xFFFFF800  }
0x11c: {  	[spmem:s2] =	stream.indirect.scatter.add.f32 [tilespmem:s12], [sflag:$0xB], $0x10, s5, s0, $0xb8;
	[tilespmem:$0x14200] =	vst v63  }
0x11d: {  	_ =	swait.ge [sflag:s3], $0x800  }
0x11e: {  	[sflag:s3] =	ssyncset.done $0x0  }
0x11f: {  	s24 =	simm.s32 $0x4;
	s12 =	simm.s32 $0x9E80;
	[sflag:s3] =	ssyncadd.s32 $0xFFFFF800  }
0x120: {  	[spmem:s2] =	stream.indirect.scatter.add.f32 [tilespmem:s11], [sflag:$0xC], $0x10, s12, s0, $0xb8;
	[tilespmem:$0x14200] =	vst v63  }
0x121: {  	_ =	swait.ge [sflag:s24], $0x800  }
0x122: {  	[sflag:s24] =	ssyncset.done $0x0  }
0x123: {  	s26 =	simm.s32 $0x9F00;
	[sflag:s24] =	ssyncadd.s32 $0xFFFFF800  }
0x124: {  	[spmem:s2] =	stream.indirect.scatter.add.f32 [tilespmem:s25], [sflag:$0xD], $0x10, s26, s0, $0xb8;
	[tilespmem:$0x14200] =	vst v63  }
0x125: {  	_ =	swait.ge [sflag:s30], $0x800  }
0x126: {  	[sflag:s30] =	ssyncset.done $0x0  }
0x127: {  	s3 =	simm.s32 $0x9F80;
	[sflag:s30] =	ssyncadd.s32 $0xFFFFF800  }
0x128: {  	[spmem:s2] =	stream.indirect.scatter.add.f32 [tilespmem:s6], [sflag:$0xE], $0x10, s3, s0, $0xb8;
	[tilespmem:$0x14200] =	vst v63  }
0x129: {  	_ =	swait.ge [sflag:s14], $0x800  }
0x12a: {  	[sflag:s14] =	ssyncset.done $0x0  }
0x12b: {  	s10 =	simm.s32 $0xA000;
	[sflag:s14] =	ssyncadd.s32 $0xFFFFF800  }
0x12c: {  	[spmem:s2] =	stream.indirect.scatter.add.f32 [tilespmem:s7], [sflag:$0xF], $0x10, s10, s0, $0xb8;
	[tilespmem:$0x14200] =	vst v63  }
0x12d: {  	_ =	swait.ge [sflag:s15], $0x800  }
0x12e: {  	[sflag:s15] =	ssyncset.done $0x0  }
0x12f: {  	s11 =	simm.s32 $0xA080;
	[sflag:s15] =	ssyncadd.s32 $0xFFFFF800  }
0x130: {  	[spmem:s2] =	stream.indirect.scatter.add.f32 [tilespmem:s17], [sflag:$0x10], $0x10, s11, s0, $0xb8;
	[tilespmem:$0x14200] =	vst v63  }
0x131: {  	_ =	swait.ge [sflag:s16], $0x800  }
0x132: {  	[sflag:s16] =	ssyncset.done $0x0  }
0x133: {  	s12 =	simm.s32 $0xA100;
	[sflag:s16] =	ssyncadd.s32 $0xFFFFF800  }
0x134: {  	[spmem:s2] =	stream.indirect.scatter.add.f32 [tilespmem:s13], [sflag:$0x11], $0x10, s12, s0, $0xb8;
	[tilespmem:$0x14200] =	vst v63  }
0x135: {  	_ =	swait.ge [sflag:s18], $0x800  }
0x136: {  	[sflag:s18] =	ssyncset.done $0x0  }
0x137: {  	s17 =	simm.s32 $0xA180;
	[sflag:s18] =	ssyncadd.s32 $0xFFFFF800  }
0x138: {  	[spmem:s2] =	stream.indirect.scatter.add.f32 [tilespmem:s19], [sflag:$0x12], $0x10, s17, s0, $0xb8;
	[tilespmem:$0x14200] =	vst v63  }
0x139: {  	_ =	swait.ge [sflag:s29], $0x800  }
0x13a: {  	[sflag:s29] =	ssyncset.done $0x0  }
0x13b: {  	[sflag:s29] =	ssyncadd.s32 $0xFFFFF800  }
0x13c: {  	_ =	swait.ge [sflag:s20], $0x800  }
0x13d: {  	[sflag:s20] =	ssyncset.done $0x0  }
0x13e: {  	[sflag:s20] =	ssyncadd.s32 $0xFFFFF800  }
0x13f: {  	_ =	swait.ge [sflag:s21], $0x800  }
0x140: {  	[sflag:s21] =	ssyncset.done $0x0  }
0x141: {  	[sflag:s21] =	ssyncadd.s32 $0xFFFFF800  }
0x142: {  	_ =	swait.ge [sflag:s22], $0x800  }
0x143: {  	[sflag:s22] =	ssyncset.done $0x0  }
0x144: {  	[sflag:s22] =	ssyncadd.s32 $0xFFFFF800  }
0x145: {  	_ =	swait.ge [sflag:s9], $0x800  }
0x146: {  	[sflag:s9] =	ssyncset.done $0x0  }
0x147: {  	[sflag:s9] =	ssyncadd.s32 $0xFFFFF800  }
0x148: {  	_ =	swait.ge [sflag:s31], $0x800  }
0x149: {  	[sflag:s31] =	ssyncset.done $0x0  }
0x14a: {  	[sflag:s31] =	ssyncadd.s32 $0xFFFFF800  }
0x14b: {  	_ =	swait.ge [sflag:s4], $0x800  }
0x14c: {  	[sflag:s4] =	ssyncset.done $0x0  }
0x14d: {  	[sflag:s4] =	ssyncadd.s32 $0xFFFFF800  }
0x14e: {  	_ =	swait.ge [sflag:s23], $0x800  }
0x14f: {  	[sflag:s23] =	ssyncset.done $0x0  }
0x150: {  	[sflag:s23] =	ssyncadd.s32 $0xFFFFF800  }
0x151: {  	_ =	swait.ge [sflag:s8], $0x800  }
0x152: {  	[sflag:s8] =	ssyncset.done $0x0  }
0x153: {  	[sflag:s8] =	ssyncadd.s32 $0xFFFFF800  }
0x154: {  	s22 =	stileid.u32;
	[bflag:$0x0] =	sbarrier.arrive $0xFFFF  }
0x155: {  	s24 =	sshll.u32 s22, $0x6;
	s12 =	rddreg [dreg:$0x10]  }
0x156: {  	s24 =	sor.u32 $0x1C13, s24;
	s28 =	rddreg [dreg:$0x15];
	s25 =	sshrl.u32 s12, $0x3  }
0x157: {  	[hbm:s28], [sflag:s24] =	dma.local [spmem:s25], $0x500  }
0x158: {  	s28 =	simm.s32 $0x13  }
0x159: {  	_ =	swait.ge [sflag:s28], $0x500  }
0x15a: {  	s26 =	rddreg [dreg:$0x17]  }
0x15b: {  	s31 =	rddreg [dreg:$0x16];
	s7 =	sadd.s32 $0x1, s26  }
0x15c: {  	p0 =	sne.s32 s7, s31  }
.Ltmp2:
0x15d: {  	_ = 	snop;
	(pc) =	sbr.rel @p0 .LBB2_1-.Ltmp2, $4  }
0x15e: {  	s5 =	simm.s32 $0x1;
	s6 =	simm.s32 $0x2  }
0x15f: {  	s19 =	simm.s32 $0xB;
	s17 =	simm.s32 $0xF;
	s20 =	simm.s32 $0xC  }
0x160: {  	s21 =	simm.s32 $0xD;
	s9 =	simm.s32 $0xE;
	[sflag:s28] =	ssyncset.done $0x0  }
0x161: {  	s4 =	simm.s32 $0x10;
	s8 =	simm.s32 $0x12;
	[sflag:s28] =	ssyncadd.s32 $0xFFFFFB00  }
0x162: {  	_ =	sfence.sel $0x180000  }
0x163: {  	[bflag:$0x0] =	sbarrier.arrive $0xFFFF  }
0x164: {  	_ =	strace $0x9000004D  }
0x165: {  	s0 =	stileid.u32;
	[bflag:$0x2] =	sbarrier.arrive $0xFFFF  }
0x166: {  	p0 =	sne.s32 s0, $0x0;
	s0 =	rddreg [dreg:$0x3]  }
0x167: {  	s0 =	sadd.s32 @!p0 $0x100000, s0  }
0x168: {  	[sflag:s0] =	ssyncadd.tile.s32 @!p0 $0x1;
	_ =	shalt  }
.Lfunc_end2:
_tile_overlayer_lowered:
.L_overlay_start_2:
0x169: {  	(tag) =	ssettag $0x2  }
0x16a: {  	s0 =	rddreg [dreg:$0x0];
	s2 =	stileid.u32  }
0x16b: {  	s1 =	rddreg [dreg:$0x1];
	p0 =	sne.s32 s2, $0x0  }
0x16c: {  	s3 =	rddreg [dreg:$0x2];
	[bflag:$0x3] =	sbarrier.arrive $0xFFFF;
	s2 =	simm.s32 @!p0 $0x1C13  }
0x16d: {  	[timem:s3], [sflag:s2] =	dma.local @!p0 [hbm:s0], s1  }
0x16e: {  	s0 =	simm.s32 @!p0 $0x13  }
0x16f: {  	_ =	swait.ge @!p0 [sflag:s0], s1  }
0x170: {  	s1 =	ssub.s32 @!p0 $0x0, s1;
	[sflag:s0] =	ssyncset.done @!p0 $0x0  }
0x171: {  	[sflag:s0] =	ssyncadd.s32 @!p0 s1  }
0x172: {  	[bflag:$0x3] =	sbarrier.arrive $0xFFFF  }
0x173: {  	_ =	shalt  }

// kernel: kernel.8.cloned.1.call-start
scs
__scs_entry_jumppad:
0x0: {  	(pc) =	sbr.rel $0x88, $3  }
0x1: {  	(tag) =	ssettag $0x0;
	lr =	simm.s32 $0x1  }
0x2: {  	[smem:$0x3F9B] =	sst lr;
	_ =	strace $0xD0000000  }
0x3: {  	_ = 	snop  }
0x4: {  	_ = 	snop  }
0x5: {  	_ = 	snop  }
0x6: {  	_ = 	snop  }
0x7: {  	_ = 	snop  }
__scs_overlays_trampoline_lowered:
0x8: {  	[smem:$0x3FAA] =	sst s0  }
0x9: {  	[smem:$0x3FAB] =	sst s1  }
0xa: {  	[smem:$0x3FAC] =	sst s2  }
0xb: {  	[smem:$0x3FAD] =	sst s3  }
0xc: {  	[smem:$0x3FAE] =	sst s4  }
0xd: {  	[smem:$0x3FAF] =	sst s5  }
0xe: {  	[smem:$0x3FB0] =	sst s6  }
0xf: {  	[smem:$0x3FB1] =	sst s7  }
0x10: {  	[smem:$0x3FB2] =	sst s8  }
0x11: {  	[smem:$0x3FB3] =	sst s9;
	s0 =	simm.s32 @!p0 $0x0  }
0x12: {  	s1 =	sld [smem:$0x3F99];
	s0 =	simm.s32 @p0 $0x1  }
0x13: {  	[smem:$0x3FB4] =	sst s0;
	s0 =	simm.s32 @!p1 $0x0  }
0x14: {  	s2 =	sld [smem:$0x3F98];
	s0 =	simm.s32 @p1 $0x1  }
0x15: {  	[smem:$0x3FB5] =	sst s0;
	s0 =	simm.s32 @!p2 $0x0  }
0x16: {  	s3 =	sld [smem:$0x3FDB];
	s0 =	simm.s32 @p2 $0x1  }
0x17: {  	s4 =	simm.s32 $0x1BF5;
	[smem:$0x3FB7] =	sst s0  }
0x18: {  	s0 =	sld [smem:$0x3F9A];
	_ =	swait.ge [sflag:s4], $0x0  }
0x19: {  	s7 =	sld [smem:$0x3F9B]  }
0x1a: {  	s8 =	sadd.s32 $0xFFFFE003, lr  }
0x1b: {  	s9 =	sadd.s32 $0xFFFFFEF7, lr;
	s5 =	simm.s32 $0xFFFFFFFF;
	p2 =	slt.u32 s8, $0xFFFFF086  }
0x1c: {  	p1 =	slt.u32 s9, $0xF7A;
	s5 =	simm.s32 @!p2 $0x0  }
0x1d: {  	s5 =	simm.s32 @p1 $0x1;
	p0 =	seq.s32 s7, s2  }
0x1e: {  	s7 =	smul.u32 @!p0 $0xF7A, s2;
	p2 =	seq.s32 @!p0 s5, $0x0  }
0x1f: {  	s9 =	smul.u32 $0xF7A, s1;
	s8 =	simm.s32 @!p0 $0x1BF5;
	p2 =	por !p2, p0  }
0x20: {  	[sflag:s8] =	ssyncset.s32 @!p0 $0xFFFFF086;
	s6 =	sadd.s32 @!p0 s3, s7;
	s7 =	simm.s32 @!p0 $0x108  }
0x21: {  	s3 =	sadd.s32 s3, s9;
	s6 =	sadd.s32 @!p0 $0x88, s6;
	s7 =	simm.s32 @p2 $0x1082  }
0x22: {  	[simem:s7], [sflag:s8] =	dma.local @!p0 [hbm:s6], $0xF7A  }
0x23: {  	s9 =	sor.u32 $0xD0000000, s2;
	s6 =	simm.s32 $0x108;
	_ =	swait.ge @!p0 [sflag:s8], $0x0  }
0x24: {  	s3 =	sadd.s32 $0x88, s3;
	s6 =	simm.s32 @!p1 $0x1082;
	[sflag:s4] =	ssyncset.s32 $0xFFFFF086  }
0x25: {  	[simem:s6], [sflag:s4] =	dma.local [hbm:s3], $0xF7A  }
0x26: {  	[smem:$0x3F9B] =	sst s1;
	(tag) =	ssettag s2;
	_ =	strace s9  }
0x27: {  	s1 =	sld [smem:$0x3FAB]  }
0x28: {  	s2 =	sld [smem:$0x3FAC]  }
0x29: {  	s4 =	sld [smem:$0x3FAE]  }
0x2a: {  	p0 =	seq.s32 s5, $0x0;
	s5 =	sld [smem:$0x3FAF]  }
0x2b: {  	s6 =	sld [smem:$0x3FB0]  }
0x2c: {  	s7 =	sld [smem:$0x3FB1]  }
0x2d: {  	s3 =	simm.s32 $0x108;
	s8 =	sld [smem:$0x3FB2]  }
0x2e: {  	s3 =	simm.s32 @!p0 $0x1082;
	s9 =	sld [smem:$0x3FB3]  }
0x2f: {  	lr =	sadd.s32 s0, s3;
	s0 =	sld [smem:$0x3FAA]  }
0x30: {  	s3 =	sld [smem:$0x3FAD]  }
0x31: {  	[smem:$0x3FB6] =	sst s10  }
0x32: {  	s10 =	sld [smem:$0x3FB4];
	_ =	sdelay $0x3  }
0x33: {  	p0 =	seq.s32 s10, $0x1;
	s10 =	sld [smem:$0x3FB6];
	_ =	sdelay $0x3  }
0x34: {  	[smem:$0x3FB6] =	sst s10  }
0x35: {  	s10 =	sld [smem:$0x3FB5];
	_ =	sdelay $0x3  }
0x36: {  	p1 =	seq.s32 s10, $0x1;
	s10 =	sld [smem:$0x3FB6];
	_ =	sdelay $0x3  }
0x37: {  	[smem:$0x3FB6] =	sst s10  }
0x38: {  	s10 =	sld [smem:$0x3FB7]  }
0x39: {  	_ = 	snop;
	(pc) =	sbr.ind lr, $3  }
0x3a: {  	_ = 	snop  }
0x3b: {  	_ = 	snop  }
0x3c: {  	p2 =	seq.s32 s10, $0x1;
	s10 =	sld [smem:$0x3FB6]  }
0x3d: {  	_ =	shalt  }
0x3e: {  	_ =	shalt  }
0x3f: {  	_ =	shalt  }
0x40: {  	_ =	shalt  }
0x41: {  	_ =	shalt  }
0x42: {  	_ =	shalt  }
0x43: {  	_ =	shalt  }
0x44: {  	_ =	shalt  }
0x45: {  	_ =	shalt  }
0x46: {  	_ =	shalt  }
0x47: {  	_ =	shalt  }
0x48: {  	_ =	shalt  }
0x49: {  	_ =	shalt  }
0x4a: {  	_ =	shalt  }
0x4b: {  	_ =	shalt  }
0x4c: {  	_ =	shalt  }
0x4d: {  	_ =	shalt  }
0x4e: {  	_ =	shalt  }
0x4f: {  	_ =	shalt  }
0x50: {  	_ =	shalt  }
0x51: {  	_ =	shalt  }
0x52: {  	_ =	shalt  }
0x53: {  	_ =	shalt  }
0x54: {  	_ =	shalt  }
0x55: {  	_ =	shalt  }
0x56: {  	_ =	shalt  }
0x57: {  	_ =	shalt  }
0x58: {  	_ =	shalt  }
0x59: {  	_ =	shalt  }
0x5a: {  	_ =	shalt  }
0x5b: {  	_ =	shalt  }
0x5c: {  	_ =	shalt  }
0x5d: {  	_ =	shalt  }
0x5e: {  	_ =	shalt  }
0x5f: {  	_ =	shalt  }
0x60: {  	_ =	shalt  }
0x61: {  	_ =	shalt  }
0x62: {  	_ =	shalt  }
0x63: {  	_ =	shalt  }
0x64: {  	_ =	shalt  }
0x65: {  	_ =	shalt  }
0x66: {  	_ =	shalt  }
0x67: {  	_ =	shalt  }
0x68: {  	_ =	shalt  }
0x69: {  	_ =	shalt  }
0x6a: {  	_ =	shalt  }
0x6b: {  	_ =	shalt  }
0x6c: {  	_ =	shalt  }
0x6d: {  	_ =	shalt  }
0x6e: {  	_ =	shalt  }
0x6f: {  	_ =	shalt  }
0x70: {  	_ =	shalt  }
0x71: {  	_ =	shalt  }
0x72: {  	_ =	shalt  }
0x73: {  	_ =	shalt  }
0x74: {  	_ =	shalt  }
0x75: {  	_ =	shalt  }
0x76: {  	_ =	shalt  }
0x77: {  	_ =	shalt  }
0x78: {  	_ =	shalt  }
0x79: {  	_ =	shalt  }
0x7a: {  	_ =	shalt  }
0x7b: {  	_ =	shalt  }
0x7c: {  	_ =	shalt  }
0x7d: {  	_ =	shalt  }
0x7e: {  	_ =	shalt  }
0x7f: {  	_ =	shalt  }
0x80: {  	_ =	shalt  }
0x81: {  	_ =	shalt  }
0x82: {  	_ =	shalt  }
0x83: {  	_ =	shalt  }
0x84: {  	_ =	shalt  }
0x85: {  	_ =	shalt  }
0x86: {  	_ =	shalt  }
0x87: {  	_ =	shalt  }
.Lfunc_end0:
.L_simem_size_0:
called_computation_lowered:
.L_overlay_start_0:
0x88: {  	s2 =	sld [smem:$0x3FD9]  }
0x89: {  	s3 =	sld [smem:$0x3FFE];
	_ =	sdelay $0x1  }
0x8a: {  	s1 =	srdreg.scid  }
0x8b: {  	s0 =	sand.u32 $0x1, s1  }
0x8c: {  	s17 =	sshll.u32 s0, $0xA;
	s2 =	sadd.s32 s3, s2  }
0x8d: {  	s2 =	sadd.s32 s2, s17  }
0x8e: {  	[smem:$0x3FC2] =	sst s2  }
0x8f: {  	_ = 	snop  }
0x90: {  	s2 =	sld [smem:$0x3FD0];
	(tm) =	ssettm $0x1  }
0x91: {  	s18 =	sld [smem:$0x3FFB];
	_ =	sdelay $0x3  }
0x92: {  	_ =	strace s18  }
0x93: {  	s3 =	sld [smem:$0x3FFC];
	_ =	sdelay $0x3  }
0x94: {  	_ =	strace s3  }
0x95: {  	s3 =	sld [smem:$0x3FFD];
	_ =	sdelay $0x3  }
0x96: {  	_ =	strace s3  }
0x97: {  	_ =	strace $0x8FFFFFFF  }
0x98: {  	s19 =	sld [smem:$0x3FDB];
	_ =	sdelay $0x1  }
0x99: {  	s4 =	simm.s32 $_scs_section_size  }
0x9a: {  	s5 =	simm.s32 $_size__tile_overlayer_lowered;
	s6 =	simm.s32 $_tile_overlayer_lowered  }
0x9b: {  	s22 =	simm.s32 $0x1BFF;
	s21 =	sshll.u32 s6, $0x1;
	s3 =	sadd.s32 s4, s19  }
0x9c: {  	s7 =	simm.s32 $0x0;
	s20 =	sshll.u32 s5, $0x1;
	s5 =	sadd.s32 s21, s3  }
0x9d: {  	[timem:s7], [sflag:s22] =	dma.local [hbm:s5], s20  }
0x9e: {  	_ =	swait.ge [sflag:s22], s20  }
0x9f: {  	s4 =	ssub.s32 $0x0, s20;
	[sflag:s22] =	ssyncset.done $0x0  }
0xa0: {  	[sflag:s22] =	ssyncadd.s32 s4;
	_ =	sdelay $0x1  }
0xa1: {  	s23 =	simm.s32 $0x1B8B  }
0xa2: {  	_ =	swait.ge [sflag:s23], $0x1  }
0xa3: {  	[sflag:s23] =	ssyncset.done $0x0  }
0xa4: {  	s25 =	simm.s32 $0x1B8E;
	s24 =	sld [smem:$0x3FFE];
	[sflag:s23] =	ssyncadd.s32 $0xFFFFFFFF  }
0xa5: {  	s26 =	simm.s32 $execute0_lowered;
	[smem:$0x3FD2] =	sst s25  }
0xa6: {  	s5 =	sshll.u32 s26, $0x1;
	_ =	strace $0x80000046;
	[dreg:$0x1] =	wrdreg $0xFFFFFFFF  }
0xa7: {  	s28 =	simm.s32 $_size_execute0_lowered;
	s3 =	sadd.s32 s3, s5;
	[dreg:$0x0] =	wrdreg $0x0  }
0xa8: {  	s5 =	sshll.u32 s28, $0x1;
	[dreg:$0x2] =	wrdreg s3  }
0xa9: {  	[dreg:$0x3] =	wrdreg s5  }
0xaa: {  	[dreg:$0x4] =	wrdreg $0xC0  }
0xab: {  	_ =	task [dreg:s7], $0x5FFFF  }
0xac: {  	[dreg:$0x1] =	wrdreg $0xFFFFFFFF  }
0xad: {  	[dreg:$0x0] =	wrdreg $0x60  }
0xae: {  	[dreg:$0x2] =	wrdreg s24  }
0xaf: {  	[dreg:$0x3] =	wrdreg s2  }
0xb0: {  	[dreg:$0x4] =	wrdreg $0x29000  }
0xb1: {  	[dreg:$0x5] =	wrdreg $0x9  }
0xb2: {  	_ =	task.clear_ibuf [dreg:s7], $0x6FFFF;
	_ =	strace $0x90000046  }
0xb3: {  	s29 =	simm.s32 $0x9;
	_ =	strace $0x80000048  }
0xb4: {  	_ =	swait.ge [sflag:s29], $0x1  }
0xb5: {  	[sflag:s29] =	ssyncadd.s32 $0xFFFFFFFF  }
0xb6: {  	_ =	strace $0x90000048  }
0xb7: {  	_ =	sfence  }
0xb8: {  	s30 =	sld [smem:$0x0];
	_ =	sdelay $0x2  }
0xb9: {  	s31 =	sshll.u32 s1, $0xD;
	s1 =	sshrl.u32 s1, $0x2  }
0xba: {  	s3 =	sand.u32 $0x4000, s31;
	s1 =	sadd.s32 s1, s30  }
0xbb: {  	s0 =	sor.u32 s3, s0;
	s1 =	sshll.u32 s1, $0x11  }
0xbc: {  	s0 =	sor.u32 s1, s0  }
0xbd: {  	s0 =	sadd.s32 $0x8F2B, s0  }
0xbe: {  	[sflag:s0] =	ssyncadd.remote.s32 $0x1  }
0xbf: {  	_ =	sfence.sel $0xFFFF  }
0xc0: {  	[dreg:$0x0] =	wrdreg $0xFFFFFFFF;
	(pc) =	sbr.abs _section_cstart, $3  }
0xc1: {  	[dreg:$0x1] =	wrdreg $0xFFFFFFFF  }
0xc2: {  	_ =	task.clear_ibuf [dreg:s7], $0x2FFFF;
	_ =	strace $0x9FFFFFFF  }
0xc3: {  	(tm) =	ssettm $0x7FFFFFFF  }
tec
execute0_lowered:
.L_overlay_start_1:
0x0: {  	(tag) =	ssettag $0x1  }
0x1: {  	s6 =	rddreg [dreg:$0x0]  }
0x2: {  	s2 =	rddreg [dreg:$0x1]  }
0x3: {  	s3 =	rddreg [dreg:$0x2]  }
0x4: {  	s0 =	rddreg [dreg:$0x3]  }
0x5: {  	s4 =	srdreg.scid;
	s1 =	stileid.u32;
	s12 =	simm.s32 $0x2880  }
0x6: {  	s13 =	simm.s32 $0x80;
	s14 =	simm.s32 $0x0;
	s5 =	sand.u32 $0x1, s4  }
0x7: {  	s7 =	sshll.u32 s1, $0x1;
	s8 =	smul.u32 $0x280, s1;
	s4 =	simm.s32 $0x0  }
0x8: {  	s31 =	sshll.u32 s1, $0x6;
	s7 =	sor.u32 s5, s7;
	s9 =	smul.u32 $0x2800, s5  }
0x9: {  	[smem:$0x7FF] =	sst s4;
	s10 =	ssub.s32 $0x2, s5;
	s5 =	sadd.s32 $0xB800, s6  }
0xa: {  	s7 =	smul.u32 $0x510, s7;
	_ =	strace $0x80000047;
	s9 =	sadd.s32 s8, s9  }
0xb: {  	s30 =	sshrl.u32 s10, $0x1;
	s11 =	sadd.s32 s8, s3;
	s9 =	sshrl.u32 s9, $0x3  }
0xc: {  	s10 =	ssub.s32 s10, s30;
	s7 =	sadd.s32 s7, s6;
	s9 =	sadd.s32 s9, s6  }
0xd: {  	s6 =	sor.u32 $0x1C01, s31;
	s7 =	sadd.s32 $0x1600, s7;
	s8 =	sadd.s32 $0xBA00, s9  }
0xe: {  	s9 =	smax.u32 s10, $0x1;
	s10 =	sshrl.u32 s11, $0x3;
	s11 =	simm.s32 $0x1  }
.LBB2_1:
0xf: {  	[spmem:s10], [sflag:s6] =	dma.local [hbm:s2], $0x50  }
0x10: {  	_ =	swait.ge [sflag:s11], $0x50  }
0x11: {  	[sflag:s11] =	ssyncset.done $0x0  }
0x12: {  	[sflag:s11] =	ssyncadd.s32 $0xFFFFFFB0  }
0x13: {  	[tilespmem:s12], [sflag:$0x1] =	stream.linear.gather [hbm4b:s5+s4], $0x80, $0x38;
	[tilespmem:$0x2B80] =	vst v63  }
0x14: {  	_ =	swait.ge [sflag:s11], $0x80  }
0x15: {  	[sflag:s11] =	ssyncset.done $0x0  }
0x16: {  	[sflag:s11] =	ssyncadd.s32 $0xFFFFFF80  }
0x17: {  	[tilespmem:s4], [sflag:$0x1] =	stream.linear.gather [hbm4b:s7+s4], $0x2880, $0x38;
	[tilespmem:$0x2B80] =	vst v63  }
0x18: {  	_ =	swait.ge [sflag:s11], $0x2880  }
0x19: {  	[sflag:s11] =	ssyncset.done $0x0  }
0x1a: {  	[sflag:s11] =	ssyncadd.s32 $0xFFFFD780  }
0x1b: {  	s15 =	simm.s32 $0x0;
	[bflag:$0x0] =	sbarrier.arrive $0xFFFF  }
0x1c: {  	[spmem:s3] =	stream.indirect.scatter.add.f32 [tilespmem:s12], [sflag:$0x1], $0x1, s15, s13, $0xb8;
	[tilespmem:$0x2B80] =	vst v63  }
0x1d: {  	_ =	swait.ge [sflag:s11], $0x80  }
0x1e: {  	s15 =	simm.s32 $0x200;
	[sflag:s11] =	ssyncset.done $0x0  }
.LBB2_2:
0x1f: {  	s16 =	sshra.s32 s15, $0x2;
	[sflag:s11] =	ssyncadd.s32 $0xFFFFFF80;
	p0 =	sne.s32 s15, $0xA000  }
0x20: {  	[spmem:s3] =	stream.indirect.scatter.add.f32 [tilespmem:s12], [sflag:$0x1], $0x1, s16, s13, $0xb8;
	[tilespmem:$0x2B80] =	vst v63  }
.Ltmp0:
0x21: {  	_ = 	snop;
	(pc) =	sbr.rel @p0 .LBB2_2-.Ltmp0, $4  }
0x22: {  	_ = 	snop  }
0x23: {  	s15 =	sadd.s32 $0x200, s15  }
0x24: {  	_ =	swait.ge [sflag:s11], $0x80  }
0x25: {  	[sflag:s11] =	ssyncset.done $0x0  }
0x26: {  	s14 =	sadd.s32 $0x1, s14  }
0x27: {  	[sflag:s11] =	ssyncadd.s32 $0xFFFFFF80;
	p0 =	sne.s32 s14, s9  }
.Ltmp1:
0x28: {  	[bflag:$0x0] =	sbarrier.arrive $0xFFFF;
	(pc) =	sbr.rel @p0 .LBB2_1-.Ltmp1, $4  }
0x29: {  	[hbm:s8], [sflag:s6] =	dma.local [spmem:s10], $0x50  }
0x2a: {  	_ =	swait.ge [sflag:s11], $0x50  }
0x2b: {  	[sflag:s11] =	ssyncset.done $0x0  }
0x2c: {  	[sflag:s11] =	ssyncadd.s32 $0xFFFFFFB0  }
0x2d: {  	_ =	sfence.sel $0x180000  }
0x2e: {  	[bflag:$0x0] =	sbarrier.arrive $0xFFFF  }
0x2f: {  	p0 =	sne.s32 s1, $0x0;
	_ =	strace $0x90000047  }
0x30: {  	s0 =	sadd.s32 @!p0 $0x100000, s0;
	[bflag:$0x2] =	sbarrier.arrive $0xFFFF  }
0x31: {  	[sflag:s0] =	ssyncadd.tile.s32 @!p0 $0x1;
	_ =	shalt  }
.Lfunc_end2:
_tile_overlayer_lowered:
.L_overlay_start_2:
0x32: {  	(tag) =	ssettag $0x2  }
0x33: {  	s0 =	rddreg [dreg:$0x0];
	s2 =	stileid.u32  }
0x34: {  	s1 =	rddreg [dreg:$0x1];
	p0 =	sne.s32 s2, $0x0  }
0x35: {  	s3 =	rddreg [dreg:$0x2];
	[bflag:$0x3] =	sbarrier.arrive $0xFFFF;
	s2 =	simm.s32 @!p0 $0x1C01  }
0x36: {  	[timem:s3], [sflag:s2] =	dma.local @!p0 [hbm:s0], s1  }
0x37: {  	s0 =	simm.s32 @!p0 $0x1  }
0x38: {  	_ =	swait.ge @!p0 [sflag:s0], s1  }
0x39: {  	s1 =	ssub.s32 @!p0 $0x0, s1;
	[sflag:s0] =	ssyncset.done @!p0 $0x0  }
0x3a: {  	[sflag:s0] =	ssyncadd.s32 @!p0 s1  }
0x3b: {  	[bflag:$0x3] =	sbarrier.arrive $0xFFFF  }
0x3c: {  	_ =	shalt  }

</sc_bundles>
